<compile_context>
chip_gen: v7x
topology: tpu7x:2x2x1
jax: 0.10.2.dev20260603
libtpu: 0.0.44.dev20260713+nightly
codegen_flags: <defaults>
</compile_context>

<pallas_src>
import functools
import jax
import jax.numpy as jnp
from jax import lax
from jax.experimental import pallas as pl
from jax.experimental.pallas import tpu as pltpu
from jax.experimental.pallas import tpu_sc as plsc

_B, _S, _D, _U = 64, 8192, 128, 16
_NB = 3
_CH = 336
_NFULL = (_S - _U) // _CH
_TAIL = (_S - _U) - _NFULL * _CH
_ROWS = [_CH] * _NFULL + ([_TAIL] if _TAIL else [])


def _sc_body(cache_hbm, update_hbm, out_hbm, buf, in_sems, out_sems):
    c = lax.axis_index("c")
    s = lax.axis_index("s")
    wid = c * 16 + s

    jobs = []
    for b_i in range(2):
        for k, r in enumerate(_ROWS):
            jobs.append((b_i, 0, k * _CH, r))
        jobs.append((b_i, 1, 0, _U))
    J = len(jobs)

    def src_of(j):
        b_i, kind, off, r = jobs[j]
        b = wid * 2 + b_i
        if kind == 0:
            return cache_hbm.at[b, pl.ds(_U + off, r), :]
        return update_hbm.at[b, :, :]

    def dst_of(j):
        b_i, kind, off, r = jobs[j]
        b = wid * 2 + b_i
        if kind == 0:
            return out_hbm.at[b, pl.ds(off, r), :]
        return out_hbm.at[b, pl.ds(_S - _U, _U), :]

    def bufslice(j):
        r = jobs[j][3]
        return buf.at[s, j % _NB, pl.ds(0, r), :]

    def start_in(j):
        pltpu.make_async_copy(src_of(j), bufslice(j), in_sems.at[j % _NB]).start()

    def wait_in(j):
        pltpu.make_async_copy(src_of(j), bufslice(j), in_sems.at[j % _NB]).wait()

    def start_out(j):
        pltpu.make_async_copy(bufslice(j), dst_of(j), out_sems.at[j % _NB]).start()

    def wait_out(j):
        pltpu.make_async_copy(bufslice(j), dst_of(j), out_sems.at[j % _NB]).wait()

    for j in range(_NB - 1):
        start_in(j)
    for j in range(J):
        if j + _NB - 1 < J:
            if j >= 1:
                wait_out(j - 1)
            start_in(j + _NB - 1)
        wait_in(j)
        start_out(j)
    for j in range(max(0, J - _NB), J):
        wait_out(j)


def kernel(cache, update):
    mesh = plsc.VectorSubcoreMesh(core_axis_name="c", subcore_axis_name="s")
    k = functools.partial(
        pl.kernel,
        mesh=mesh,
        out_type=jax.ShapeDtypeStruct((_B, _S, _D), jnp.float32),
        scratch_types=[
            pltpu.VMEM_SHARED((16, _NB, _CH, _D), jnp.float32),
            pltpu.SemaphoreType.DMA((_NB,)),
            pltpu.SemaphoreType.DMA((_NB,)),
        ],
    )(_sc_body)
    return k(cache, update)

# --- scband reference (transcript-rebuilt; emitter-appended) ---
"""Pipeline reference for scband-static-kvcache-53644141527293 (READ-ONLY COPY).

The authoritative reference and input builder live on the scoring server;
editing this copy changes nothing except your own understanding.
"""

import jax, jax.numpy as jnp
import numpy as np


def setup_inputs(seed: int = 0) -> dict:
    key = jax.random.key(seed)
    k1, k2 = jax.random.split(key)
    cache = jax.random.normal(k1, (64, 8192, 128), dtype=jnp.float32)
    update = jax.random.normal(k2, (64, 16, 128), dtype=jnp.float32)
    return {"cache": cache, "update": update}


def reference(cache, update):
    # Faithful port of StaticKVCache.apply_update with transpose=False:
    #   updated = torch.roll(cache, -update_len, -2)
    #   updated[:, -update_len:, :] = update
    update_len = update.shape[-2]
    updated = jnp.roll(cache, -update_len, axis=-2)
    updated = updated.at[:, -update_len:, :].set(update)
    return updated

if __name__ == "__main__":
    import jax
    _d = setup_inputs()
    print(jax.jit(kernel)(*tuple(_d.values())))

</pallas_src>

<mosaic_0001>
#map = affine_map<(d0, d1) -> (0, 0, 0)>
module attributes {stable_mosaic.version = 14 : i64} {
  func.func @_sc_body(%arg0: i32, %arg1: i32, %arg2: memref<64x8192x128xf32, #tpu.memory_space<hbm>>, %arg3: memref<64x16x128xf32, #tpu.memory_space<hbm>>, %arg4: memref<64x8192x128xf32, #tpu.memory_space<hbm>>, %arg5: memref<16x3x336x128xf32, #tpu.memory_space<vmem_shared>>, %arg6: memref<3x!tpu.dma_semaphore, #tpu.memory_space<semaphore_mem>>, %arg7: memref<3x!tpu.dma_semaphore, #tpu.memory_space<semaphore_mem>>) attributes {dimension_semantics = [#tpu.dimension_semantics<core_parallel>, #tpu.dimension_semantics<subcore_parallel>], iteration_bounds = array<i64: 2, 16>, scalar_prefetch = 0 : i64, scratch_operands = 3 : i64, tpu.core_type = #tpu.core_type<sc_vector_subcore>, window_params = [{transform_indices = #map}, {transform_indices = #map}, {transform_indices = #map}]} {
    %mul3A = arith.constant 16 : i32
    %mul3A_0 = arith.muli %arg0, %mul3A : i32
    %add3A = arith.addi %mul3A_0, %arg1 : i32
    %mul3A_1 = arith.constant 2 : i32
    %mul3A_2 = arith.muli %add3A, %mul3A_1 : i32
    %add3A_3 = arith.constant 0 : i32
    %add3A_4 = arith.addi %mul3A_2, %add3A_3 : i32
    %dma_start3A = arith.constant 0 : i32
    %dma_start3A_5 = arith.constant 0 : i32
    %dma_start3A_6 = tpu.memref_slice %arg6[%dma_start3A_5] : memref<3x!tpu.dma_semaphore, #tpu.memory_space<semaphore_mem>> -> memref<1x!tpu.dma_semaphore, #tpu.memory_space<semaphore_mem>>
    %dma_start3A_7 = tpu.memref_squeeze %dma_start3A_6 : memref<1x!tpu.dma_semaphore, #tpu.memory_space<semaphore_mem>> -> memref<!tpu.dma_semaphore, #tpu.memory_space<semaphore_mem>>
    %dma_start3A_8 = arith.constant 0 : i32
    %dma_start3A_9 = arith.constant 0 : i32
    %dma_start3A_10 = tpu.memref_slice %arg5[%arg1, %dma_start3A, %dma_start3A_8, %dma_start3A_9] : memref<16x3x336x128xf32, #tpu.memory_space<vmem_shared>> -> memref<1x1x336x128xf32, #tpu.memory_space<vmem_shared>>
    %dma_start3A_11 = tpu.memref_squeeze %dma_start3A_10 : memref<1x1x336x128xf32, #tpu.memory_space<vmem_shared>> -> memref<336x128xf32, #tpu.memory_space<vmem_shared>>
    %dma_start3A_12 = arith.constant 16 : i32
    %dma_start3A_13 = arith.constant 0 : i32
    %dma_start3A_14 = tpu.memref_slice %arg2[%add3A_4, %dma_start3A_12, %dma_start3A_13] : memref<64x8192x128xf32, #tpu.memory_space<hbm>> -> memref<1x336x128xf32, #tpu.memory_space<hbm>>
    %dma_start3A_15 = tpu.memref_squeeze %dma_start3A_14 : memref<1x336x128xf32, #tpu.memory_space<hbm>> -> memref<336x128xf32, #tpu.memory_space<hbm>>
    tpu.enqueue_dma source(%dma_start3A_15 : memref<336x128xf32, #tpu.memory_space<hbm>>) target(%dma_start3A_11 : memref<336x128xf32, #tpu.memory_space<vmem_shared>>) target_semaphore(%dma_start3A_7 : memref<!tpu.dma_semaphore, #tpu.memory_space<semaphore_mem>>)
    %mul3A_16 = arith.constant 2 : i32
    %mul3A_17 = arith.muli %add3A, %mul3A_16 : i32
    %add3A_18 = arith.constant 0 : i32
    %add3A_19 = arith.addi %mul3A_17, %add3A_18 : i32
    %dma_start3A_20 = arith.constant 1 : i32
    %dma_start3A_21 = arith.constant 1 : i32
    %dma_start3A_22 = tpu.memref_slice %arg6[%dma_start3A_21] : memref<3x!tpu.dma_semaphore, #tpu.memory_space<semaphore_mem>> -> memref<1x!tpu.dma_semaphore, #tpu.memory_space<semaphore_mem>>
    %dma_start3A_23 = tpu.memref_squeeze %dma_start3A_22 : memref<1x!tpu.dma_semaphore, #tpu.memory_space<semaphore_mem>> -> memref<!tpu.dma_semaphore, #tpu.memory_space<semaphore_mem>>
    %dma_start3A_24 = arith.constant 0 : i32
    %dma_start3A_25 = arith.constant 0 : i32
    %dma_start3A_26 = tpu.memref_slice %arg5[%arg1, %dma_start3A_20, %dma_start3A_24, %dma_start3A_25] : memref<16x3x336x128xf32, #tpu.memory_space<vmem_shared>> -> memref<1x1x336x128xf32, #tpu.memory_space<vmem_shared>>
    %dma_start3A_27 = tpu.memref_squeeze %dma_start3A_26 : memref<1x1x336x128xf32, #tpu.memory_space<vmem_shared>> -> memref<336x128xf32, #tpu.memory_space<vmem_shared>>
    %dma_start3A_28 = arith.constant 352 : i32
    %dma_start3A_29 = arith.constant 0 : i32
    %dma_start3A_30 = tpu.memref_slice %arg2[%add3A_19, %dma_start3A_28, %dma_start3A_29] : memref<64x8192x128xf32, #tpu.memory_space<hbm>> -> memref<1x336x128xf32, #tpu.memory_space<hbm>>
    %dma_start3A_31 = tpu.memref_squeeze %dma_start3A_30 : memref<1x336x128xf32, #tpu.memory_space<hbm>> -> memref<336x128xf32, #tpu.memory_space<hbm>>
    tpu.enqueue_dma source(%dma_start3A_31 : memref<336x128xf32, #tpu.memory_space<hbm>>) target(%dma_start3A_27 : memref<336x128xf32, #tpu.memory_space<vmem_shared>>) target_semaphore(%dma_start3A_23 : memref<!tpu.dma_semaphore, #tpu.memory_space<semaphore_mem>>)
    %mul3A_32 = arith.constant 2 : i32
    %mul3A_33 = arith.muli %add3A, %mul3A_32 : i32
    %add3A_34 = arith.constant 0 : i32
    %add3A_35 = arith.addi %mul3A_33, %add3A_34 : i32
    %dma_start3A_36 = arith.constant 2 : i32
    %dma_start3A_37 = arith.constant 2 : i32
    %dma_start3A_38 = tpu.memref_slice %arg6[%dma_start3A_37] : memref<3x!tpu.dma_semaphore, #tpu.memory_space<semaphore_mem>> -> memref<1x!tpu.dma_semaphore, #tpu.memory_space<semaphore_mem>>
    %dma_start3A_39 = tpu.memref_squeeze %dma_start3A_38 : memref<1x!tpu.dma_semaphore, #tpu.memory_space<semaphore_mem>> -> memref<!tpu.dma_semaphore, #tpu.memory_space<semaphore_mem>>
    %dma_start3A_40 = arith.constant 0 : i32
    %dma_start3A_41 = arith.constant 0 : i32
    %dma_start3A_42 = tpu.memref_slice %arg5[%arg1, %dma_start3A_36, %dma_start3A_40, %dma_start3A_41] : memref<16x3x336x128xf32, #tpu.memory_space<vmem_shared>> -> memref<1x1x336x128xf32, #tpu.memory_space<vmem_shared>>
    %dma_start3A_43 = tpu.memref_squeeze %dma_start3A_42 : memref<1x1x336x128xf32, #tpu.memory_space<vmem_shared>> -> memref<336x128xf32, #tpu.memory_space<vmem_shared>>
    %dma_start3A_44 = arith.constant 688 : i32
    %dma_start3A_45 = arith.constant 0 : i32
    %dma_start3A_46 = tpu.memref_slice %arg2[%add3A_35, %dma_start3A_44, %dma_start3A_45] : memref<64x8192x128xf32, #tpu.memory_space<hbm>> -> memref<1x336x128xf32, #tpu.memory_space<hbm>>
    %dma_start3A_47 = tpu.memref_squeeze %dma_start3A_46 : memref<1x336x128xf32, #tpu.memory_space<hbm>> -> memref<336x128xf32, #tpu.memory_space<hbm>>
    tpu.enqueue_dma source(%dma_start3A_47 : memref<336x128xf32, #tpu.memory_space<hbm>>) target(%dma_start3A_43 : memref<336x128xf32, #tpu.memory_space<vmem_shared>>) target_semaphore(%dma_start3A_39 : memref<!tpu.dma_semaphore, #tpu.memory_space<semaphore_mem>>)
    %mul3A_48 = arith.constant 2 : i32
    %mul3A_49 = arith.muli %add3A, %mul3A_48 : i32
    %add3A_50 = arith.constant 0 : i32
    %add3A_51 = arith.addi %mul3A_49, %add3A_50 : i32
    %dma_wait3A = arith.constant 0 : i32
    %dma_wait3A_52 = arith.constant 0 : i32
    %dma_wait3A_53 = tpu.memref_slice %arg6[%dma_wait3A_52] : memref<3x!tpu.dma_semaphore, #tpu.memory_space<semaphore_mem>> -> memref<1x!tpu.dma_semaphore, #tpu.memory_space<semaphore_mem>>
    %dma_wait3A_54 = tpu.memref_squeeze %dma_wait3A_53 : memref<1x!tpu.dma_semaphore, #tpu.memory_space<semaphore_mem>> -> memref<!tpu.dma_semaphore, #tpu.memory_space<semaphore_mem>>
    %dma_wait3A_55 = arith.constant 0 : i32
    %dma_wait3A_56 = arith.constant 0 : i32
    %dma_wait3A_57 = tpu.memref_slice %arg5[%arg1, %dma_wait3A, %dma_wait3A_55, %dma_wait3A_56] : memref<16x3x336x128xf32, #tpu.memory_space<vmem_shared>> -> memref<1x1x336x128xf32, #tpu.memory_space<vmem_shared>>
    %dma_wait3A_58 = tpu.memref_squeeze %dma_wait3A_57 : memref<1x1x336x128xf32, #tpu.memory_space<vmem_shared>> -> memref<336x128xf32, #tpu.memory_space<vmem_shared>>
    %dma_wait3A_59 = arith.constant 16 : i32
    %dma_wait3A_60 = arith.constant 0 : i32
    %dma_wait3A_61 = tpu.memref_slice %arg2[%add3A_51, %dma_wait3A_59, %dma_wait3A_60] : memref<64x8192x128xf32, #tpu.memory_space<hbm>> -> memref<1x336x128xf32, #tpu.memory_space<hbm>>
    %dma_wait3A_62 = tpu.memref_squeeze %dma_wait3A_61 : memref<1x336x128xf32, #tpu.memory_space<hbm>> -> memref<336x128xf32, #tpu.memory_space<hbm>>
    tpu.wait_dma2 semaphore(%dma_wait3A_54 : memref<!tpu.dma_semaphore, #tpu.memory_space<semaphore_mem>>) src(%dma_wait3A_62 : memref<336x128xf32, #tpu.memory_space<hbm>>) dst(%dma_wait3A_58 : memref<336x128xf32, #tpu.memory_space<vmem_shared>>)
    %mul3A_63 = arith.constant 2 : i32
    %mul3A_64 = arith.muli %add3A, %mul3A_63 : i32
    %add3A_65 = arith.constant 0 : i32
    %add3A_66 = arith.addi %mul3A_64, %add3A_65 : i32
    %dma_start3A_67 = arith.constant 0 : i32
    %dma_start3A_68 = arith.constant 0 : i32
    %dma_start3A_69 = tpu.memref_slice %arg7[%dma_start3A_68] : memref<3x!tpu.dma_semaphore, #tpu.memory_space<semaphore_mem>> -> memref<1x!tpu.dma_semaphore, #tpu.memory_space<semaphore_mem>>
    %dma_start3A_70 = tpu.memref_squeeze %dma_start3A_69 : memref<1x!tpu.dma_semaphore, #tpu.memory_space<semaphore_mem>> -> memref<!tpu.dma_semaphore, #tpu.memory_space<semaphore_mem>>
    %dma_start3A_71 = arith.constant 0 : i32
    %dma_start3A_72 = arith.constant 0 : i32
    %dma_start3A_73 = tpu.memref_slice %arg4[%add3A_66, %dma_start3A_71, %dma_start3A_72] : memref<64x8192x128xf32, #tpu.memory_space<hbm>> -> memref<1x336x128xf32, #tpu.memory_space<hbm>>
    %dma_start3A_74 = tpu.memref_squeeze %dma_start3A_73 : memref<1x336x128xf32, #tpu.memory_space<hbm>> -> memref<336x128xf32, #tpu.memory_space<hbm>>
    %dma_start3A_75 = arith.constant 0 : i32
    %dma_start3A_76 = arith.constant 0 : i32
    %dma_start3A_77 = tpu.memref_slice %arg5[%arg1, %dma_start3A_67, %dma_start3A_75, %dma_start3A_76] : memref<16x3x336x128xf32, #tpu.memory_space<vmem_shared>> -> memref<1x1x336x128xf32, #tpu.memory_space<vmem_shared>>
    %dma_start3A_78 = tpu.memref_squeeze %dma_start3A_77 : memref<1x1x336x128xf32, #tpu.memory_space<vmem_shared>> -> memref<336x128xf32, #tpu.memory_space<vmem_shared>>
    tpu.enqueue_dma source(%dma_start3A_78 : memref<336x128xf32, #tpu.memory_space<vmem_shared>>) target(%dma_start3A_74 : memref<336x128xf32, #tpu.memory_space<hbm>>) target_semaphore(%dma_start3A_70 : memref<!tpu.dma_semaphore, #tpu.memory_space<semaphore_mem>>)
    %mul3A_79 = arith.constant 2 : i32
    %mul3A_80 = arith.muli %add3A, %mul3A_79 : i32
    %add3A_81 = arith.constant 0 : i32
    %add3A_82 = arith.addi %mul3A_80, %add3A_81 : i32
    %dma_wait3A_83 = arith.constant 0 : i32
    %dma_wait3A_84 = arith.constant 0 : i32
    %dma_wait3A_85 = tpu.memref_slice %arg7[%dma_wait3A_84] : memref<3x!tpu.dma_semaphore, #tpu.memory_space<semaphore_mem>> -> memref<1x!tpu.dma_semaphore, #tpu.memory_space<semaphore_mem>>
    %dma_wait3A_86 = tpu.memref_squeeze %dma_wait3A_85 : memref<1x!tpu.dma_semaphore, #tpu.memory_space<semaphore_mem>> -> memref<!tpu.dma_semaphore, #tpu.memory_space<semaphore_mem>>
    %dma_wait3A_87 = arith.constant 0 : i32
    %dma_wait3A_88 = arith.constant 0 : i32
    %dma_wait3A_89 = tpu.memref_slice %arg4[%add3A_82, %dma_wait3A_87, %dma_wait3A_88] : memref<64x8192x128xf32, #tpu.memory_space<hbm>> -> memref<1x336x128xf32, #tpu.memory_space<hbm>>
    %dma_wait3A_90 = tpu.memref_squeeze %dma_wait3A_89 : memref<1x336x128xf32, #tpu.memory_space<hbm>> -> memref<336x128xf32, #tpu.memory_space<hbm>>
    %dma_wait3A_91 = arith.constant 0 : i32
    %dma_wait3A_92 = arith.constant 0 : i32
    %dma_wait3A_93 = tpu.memref_slice %arg5[%arg1, %dma_wait3A_83, %dma_wait3A_91, %dma_wait3A_92] : memref<16x3x336x128xf32, #tpu.memory_space<vmem_shared>> -> memref<1x1x336x128xf32, #tpu.memory_space<vmem_shared>>
    %dma_wait3A_94 = tpu.memref_squeeze %dma_wait3A_93 : memref<1x1x336x128xf32, #tpu.memory_space<vmem_shared>> -> memref<336x128xf32, #tpu.memory_space<vmem_shared>>
    tpu.wait_dma2 semaphore(%dma_wait3A_86 : memref<!tpu.dma_semaphore, #tpu.memory_space<semaphore_mem>>) src(%dma_wait3A_94 : memref<336x128xf32, #tpu.memory_space<vmem_shared>>) dst(%dma_wait3A_90 : memref<336x128xf32, #tpu.memory_space<hbm>>)
    %mul3A_95 = arith.constant 2 : i32
    %mul3A_96 = arith.muli %add3A, %mul3A_95 : i32
    %add3A_97 = arith.constant 0 : i32
    %add3A_98 = arith.addi %mul3A_96, %add3A_97 : i32
    %dma_start3A_99 = arith.constant 0 : i32
    %dma_start3A_100 = arith.constant 0 : i32
    %dma_start3A_101 = tpu.memref_slice %arg6[%dma_start3A_100] : memref<3x!tpu.dma_semaphore, #tpu.memory_space<semaphore_mem>> -> memref<1x!tpu.dma_semaphore, #tpu.memory_space<semaphore_mem>>
    %dma_start3A_102 = tpu.memref_squeeze %dma_start3A_101 : memref<1x!tpu.dma_semaphore, #tpu.memory_space<semaphore_mem>> -> memref<!tpu.dma_semaphore, #tpu.memory_space<semaphore_mem>>
    %dma_start3A_103 = arith.constant 0 : i32
    %dma_start3A_104 = arith.constant 0 : i32
    %dma_start3A_105 = tpu.memref_slice %arg5[%arg1, %dma_start3A_99, %dma_start3A_103, %dma_start3A_104] : memref<16x3x336x128xf32, #tpu.memory_space<vmem_shared>> -> memref<1x1x336x128xf32, #tpu.memory_space<vmem_shared>>
    %dma_start3A_106 = tpu.memref_squeeze %dma_start3A_105 : memref<1x1x336x128xf32, #tpu.memory_space<vmem_shared>> -> memref<336x128xf32, #tpu.memory_space<vmem_shared>>
    %dma_start3A_107 = arith.constant 1024 : i32
    %dma_start3A_108 = arith.constant 0 : i32
    %dma_start3A_109 = tpu.memref_slice %arg2[%add3A_98, %dma_start3A_107, %dma_start3A_108] : memref<64x8192x128xf32, #tpu.memory_space<hbm>> -> memref<1x336x128xf32, #tpu.memory_space<hbm>>
    %dma_start3A_110 = tpu.memref_squeeze %dma_start3A_109 : memref<1x336x128xf32, #tpu.memory_space<hbm>> -> memref<336x128xf32, #tpu.memory_space<hbm>>
    tpu.enqueue_dma source(%dma_start3A_110 : memref<336x128xf32, #tpu.memory_space<hbm>>) target(%dma_start3A_106 : memref<336x128xf32, #tpu.memory_space<vmem_shared>>) target_semaphore(%dma_start3A_102 : memref<!tpu.dma_semaphore, #tpu.memory_space<semaphore_mem>>)
    %mul3A_111 = arith.constant 2 : i32
    %mul3A_112 = arith.muli %add3A, %mul3A_111 : i32
    %add3A_113 = arith.constant 0 : i32
    %add3A_114 = arith.addi %mul3A_112, %add3A_113 : i32
    %dma_wait3A_115 = arith.constant 1 : i32
    %dma_wait3A_116 = arith.constant 1 : i32
    %dma_wait3A_117 = tpu.memref_slice %arg6[%dma_wait3A_116] : memref<3x!tpu.dma_semaphore, #tpu.memory_space<semaphore_mem>> -> memref<1x!tpu.dma_semaphore, #tpu.memory_space<semaphore_mem>>
    %dma_wait3A_118 = tpu.memref_squeeze %dma_wait3A_117 : memref<1x!tpu.dma_semaphore, #tpu.memory_space<semaphore_mem>> -> memref<!tpu.dma_semaphore, #tpu.memory_space<semaphore_mem>>
    %dma_wait3A_119 = arith.constant 0 : i32
    %dma_wait3A_120 = arith.constant 0 : i32
    %dma_wait3A_121 = tpu.memref_slice %arg5[%arg1, %dma_wait3A_115, %dma_wait3A_119, %dma_wait3A_120] : memref<16x3x336x128xf32, #tpu.memory_space<vmem_shared>> -> memref<1x1x336x128xf32, #tpu.memory_space<vmem_shared>>
    %dma_wait3A_122 = tpu.memref_squeeze %dma_wait3A_121 : memref<1x1x336x128xf32, #tpu.memory_space<vmem_shared>> -> memref<336x128xf32, #tpu.memory_space<vmem_shared>>
    %dma_wait3A_123 = arith.constant 352 : i32
    %dma_wait3A_124 = arith.constant 0 : i32
    %dma_wait3A_125 = tpu.memref_slice %arg2[%add3A_114, %dma_wait3A_123, %dma_wait3A_124] : memref<64x8192x128xf32, #tpu.memory_space<hbm>> -> memref<1x336x128xf32, #tpu.memory_space<hbm>>
    %dma_wait3A_126 = tpu.memref_squeeze %dma_wait3A_125 : memref<1x336x128xf32, #tpu.memory_space<hbm>> -> memref<336x128xf32, #tpu.memory_space<hbm>>
    tpu.wait_dma2 semaphore(%dma_wait3A_118 : memref<!tpu.dma_semaphore, #tpu.memory_space<semaphore_mem>>) src(%dma_wait3A_126 : memref<336x128xf32, #tpu.memory_space<hbm>>) dst(%dma_wait3A_122 : memref<336x128xf32, #tpu.memory_space<vmem_shared>>)
    %mul3A_127 = arith.constant 2 : i32
    %mul3A_128 = arith.muli %add3A, %mul3A_127 : i32
    %add3A_129 = arith.constant 0 : i32
    %add3A_130 = arith.addi %mul3A_128, %add3A_129 : i32
    %dma_start3A_131 = arith.constant 1 : i32
    %dma_start3A_132 = arith.constant 1 : i32
    %dma_start3A_133 = tpu.memref_slice %arg7[%dma_start3A_132] : memref<3x!tpu.dma_semaphore, #tpu.memory_space<semaphore_mem>> -> memref<1x!tpu.dma_semaphore, #tpu.memory_space<semaphore_mem>>
    %dma_start3A_134 = tpu.memref_squeeze %dma_start3A_133 : memref<1x!tpu.dma_semaphore, #tpu.memory_space<semaphore_mem>> -> memref<!tpu.dma_semaphore, #tpu.memory_space<semaphore_mem>>
    %dma_start3A_135 = arith.constant 336 : i32
    %dma_start3A_136 = arith.constant 0 : i32
    %dma_start3A_137 = tpu.memref_slice %arg4[%add3A_130, %dma_start3A_135, %dma_start3A_136] : memref<64x8192x128xf32, #tpu.memory_space<hbm>> -> memref<1x336x128xf32, #tpu.memory_space<hbm>>
    %dma_start3A_138 = tpu.memref_squeeze %dma_start3A_137 : memref<1x336x128xf32, #tpu.memory_space<hbm>> -> memref<336x128xf32, #tpu.memory_space<hbm>>
    %dma_start3A_139 = arith.constant 0 : i32
    %dma_start3A_140 = arith.constant 0 : i32
    %dma_start3A_141 = tpu.memref_slice %arg5[%arg1, %dma_start3A_131, %dma_start3A_139, %dma_start3A_140] : memref<16x3x336x128xf32, #tpu.memory_space<vmem_shared>> -> memref<1x1x336x128xf32, #tpu.memory_space<vmem_shared>>
    %dma_start3A_142 = tpu.memref_squeeze %dma_start3A_141 : memref<1x1x336x128xf32, #tpu.memory_space<vmem_shared>> -> memref<336x128xf32, #tpu.memory_space<vmem_shared>>
    tpu.enqueue_dma source(%dma_start3A_142 : memref<336x128xf32, #tpu.memory_space<vmem_shared>>) target(%dma_start3A_138 : memref<336x128xf32, #tpu.memory_space<hbm>>) target_semaphore(%dma_start3A_134 : memref<!tpu.dma_semaphore, #tpu.memory_space<semaphore_mem>>)
    %mul3A_143 = arith.constant 2 : i32
    %mul3A_144 = arith.muli %add3A, %mul3A_143 : i32
    %add3A_145 = arith.constant 0 : i32
    %add3A_146 = arith.addi %mul3A_144, %add3A_145 : i32
    %dma_wait3A_147 = arith.constant 1 : i32
    %dma_wait3A_148 = arith.constant 1 : i32
    %dma_wait3A_149 = tpu.memref_slice %arg7[%dma_wait3A_148] : memref<3x!tpu.dma_semaphore, #tpu.memory_space<semaphore_mem>> -> memref<1x!tpu.dma_semaphore, #tpu.memory_space<semaphore_mem>>
    %dma_wait3A_150 = tpu.memref_squeeze %dma_wait3A_149 : memref<1x!tpu.dma_semaphore, #tpu.memory_space<semaphore_mem>> -> memref<!tpu.dma_semaphore, #tpu.memory_space<semaphore_mem>>
    %dma_wait3A_151 = arith.constant 336 : i32
    %dma_wait3A_152 = arith.constant 0 : i32
    %dma_wait3A_153 = tpu.memref_slice %arg4[%add3A_146, %dma_wait3A_151, %dma_wait3A_152] : memref<64x8192x128xf32, #tpu.memory_space<hbm>> -> memref<1x336x128xf32, #tpu.memory_space<hbm>>
    %dma_wait3A_154 = tpu.memref_squeeze %dma_wait3A_153 : memref<1x336x128xf32, #tpu.memory_space<hbm>> -> memref<336x128xf32, #tpu.memory_space<hbm>>
    %dma_wait3A_155 = arith.constant 0 : i32
    %dma_wait3A_156 = arith.constant 0 : i32
    %dma_wait3A_157 = tpu.memref_slice %arg5[%arg1, %dma_wait3A_147, %dma_wait3A_155, %dma_wait3A_156] : memref<16x3x336x128xf32, #tpu.memory_space<vmem_shared>> -> memref<1x1x336x128xf32, #tpu.memory_space<vmem_shared>>
    %dma_wait3A_158 = tpu.memref_squeeze %dma_wait3A_157 : memref<1x1x336x128xf32, #tpu.memory_space<vmem_shared>> -> memref<336x128xf32, #tpu.memory_space<vmem_shared>>
    tpu.wait_dma2 semaphore(%dma_wait3A_150 : memref<!tpu.dma_semaphore, #tpu.memory_space<semaphore_mem>>) src(%dma_wait3A_158 : memref<336x128xf32, #tpu.memory_space<vmem_shared>>) dst(%dma_wait3A_154 : memref<336x128xf32, #tpu.memory_space<hbm>>)
    %mul3A_159 = arith.constant 2 : i32
    %mul3A_160 = arith.muli %add3A, %mul3A_159 : i32
    %add3A_161 = arith.constant 0 : i32
    %add3A_162 = arith.addi %mul3A_160, %add3A_161 : i32
    %dma_start3A_163 = arith.constant 1 : i32
    %dma_start3A_164 = arith.constant 1 : i32
    %dma_start3A_165 = tpu.memref_slice %arg6[%dma_start3A_164] : memref<3x!tpu.dma_semaphore, #tpu.memory_space<semaphore_mem>> -> memref<1x!tpu.dma_semaphore, #tpu.memory_space<semaphore_mem>>
    %dma_start3A_166 = tpu.memref_squeeze %dma_start3A_165 : memref<1x!tpu.dma_semaphore, #tpu.memory_space<semaphore_mem>> -> memref<!tpu.dma_semaphore, #tpu.memory_space<semaphore_mem>>
    %dma_start3A_167 = arith.constant 0 : i32
    %dma_start3A_168 = arith.constant 0 : i32
    %dma_start3A_169 = tpu.memref_slice %arg5[%arg1, %dma_start3A_163, %dma_start3A_167, %dma_start3A_168] : memref<16x3x336x128xf32, #tpu.memory_space<vmem_shared>> -> memref<1x1x336x128xf32, #tpu.memory_space<vmem_shared>>
    %dma_start3A_170 = tpu.memref_squeeze %dma_start3A_169 : memref<1x1x336x128xf32, #tpu.memory_space<vmem_shared>> -> memref<336x128xf32, #tpu.memory_space<vmem_shared>>
    %dma_start3A_171 = arith.constant 1360 : i32
    %dma_start3A_172 = arith.constant 0 : i32
    %dma_start3A_173 = tpu.memref_slice %arg2[%add3A_162, %dma_start3A_171, %dma_start3A_172] : memref<64x8192x128xf32, #tpu.memory_space<hbm>> -> memref<1x336x128xf32, #tpu.memory_space<hbm>>
    %dma_start3A_174 = tpu.memref_squeeze %dma_start3A_173 : memref<1x336x128xf32, #tpu.memory_space<hbm>> -> memref<336x128xf32, #tpu.memory_space<hbm>>
    tpu.enqueue_dma source(%dma_start3A_174 : memref<336x128xf32, #tpu.memory_space<hbm>>) target(%dma_start3A_170 : memref<336x128xf32, #tpu.memory_space<vmem_shared>>) target_semaphore(%dma_start3A_166 : memref<!tpu.dma_semaphore, #tpu.memory_space<semaphore_mem>>)
    %mul3A_175 = arith.constant 2 : i32
    %mul3A_176 = arith.muli %add3A, %mul3A_175 : i32
    %add3A_177 = arith.constant 0 : i32
    %add3A_178 = arith.addi %mul3A_176, %add3A_177 : i32
    %dma_wait3A_179 = arith.constant 2 : i32
    %dma_wait3A_180 = arith.constant 2 : i32
    %dma_wait3A_181 = tpu.memref_slice %arg6[%dma_wait3A_180] : memref<3x!tpu.dma_semaphore, #tpu.memory_space<semaphore_mem>> -> memref<1x!tpu.dma_semaphore, #tpu.memory_space<semaphore_mem>>
    %dma_wait3A_182 = tpu.memref_squeeze %dma_wait3A_181 : memref<1x!tpu.dma_semaphore, #tpu.memory_space<semaphore_mem>> -> memref<!tpu.dma_semaphore, #tpu.memory_space<semaphore_mem>>
    %dma_wait3A_183 = arith.constant 0 : i32
    %dma_wait3A_184 = arith.constant 0 : i32
    %dma_wait3A_185 = tpu.memref_slice %arg5[%arg1, %dma_wait3A_179, %dma_wait3A_183, %dma_wait3A_184] : memref<16x3x336x128xf32, #tpu.memory_space<vmem_shared>> -> memref<1x1x336x128xf32, #tpu.memory_space<vmem_shared>>
    %dma_wait3A_186 = tpu.memref_squeeze %dma_wait3A_185 : memref<1x1x336x128xf32, #tpu.memory_space<vmem_shared>> -> memref<336x128xf32, #tpu.memory_space<vmem_shared>>
    %dma_wait3A_187 = arith.constant 688 : i32
    %dma_wait3A_188 = arith.constant 0 : i32
    %dma_wait3A_189 = tpu.memref_slice %arg2[%add3A_178, %dma_wait3A_187, %dma_wait3A_188] : memref<64x8192x128xf32, #tpu.memory_space<hbm>> -> memref<1x336x128xf32, #tpu.memory_space<hbm>>
    %dma_wait3A_190 = tpu.memref_squeeze %dma_wait3A_189 : memref<1x336x128xf32, #tpu.memory_space<hbm>> -> memref<336x128xf32, #tpu.memory_space<hbm>>
    tpu.wait_dma2 semaphore(%dma_wait3A_182 : memref<!tpu.dma_semaphore, #tpu.memory_space<semaphore_mem>>) src(%dma_wait3A_190 : memref<336x128xf32, #tpu.memory_space<hbm>>) dst(%dma_wait3A_186 : memref<336x128xf32, #tpu.memory_space<vmem_shared>>)
    %mul3A_191 = arith.constant 2 : i32
    %mul3A_192 = arith.muli %add3A, %mul3A_191 : i32
    %add3A_193 = arith.constant 0 : i32
    %add3A_194 = arith.addi %mul3A_192, %add3A_193 : i32
    %dma_start3A_195 = arith.constant 2 : i32
    %dma_start3A_196 = arith.constant 2 : i32
    %dma_start3A_197 = tpu.memref_slice %arg7[%dma_start3A_196] : memref<3x!tpu.dma_semaphore, #tpu.memory_space<semaphore_mem>> -> memref<1x!tpu.dma_semaphore, #tpu.memory_space<semaphore_mem>>
    %dma_start3A_198 = tpu.memref_squeeze %dma_start3A_197 : memref<1x!tpu.dma_semaphore, #tpu.memory_space<semaphore_mem>> -> memref<!tpu.dma_semaphore, #tpu.memory_space<semaphore_mem>>
    %dma_start3A_199 = arith.constant 672 : i32
    %dma_start3A_200 = arith.constant 0 : i32
    %dma_start3A_201 = tpu.memref_slice %arg4[%add3A_194, %dma_start3A_199, %dma_start3A_200] : memref<64x8192x128xf32, #tpu.memory_space<hbm>> -> memref<1x336x128xf32, #tpu.memory_space<hbm>>
    %dma_start3A_202 = tpu.memref_squeeze %dma_start3A_201 : memref<1x336x128xf32, #tpu.memory_space<hbm>> -> memref<336x128xf32, #tpu.memory_space<hbm>>
    %dma_start3A_203 = arith.constant 0 : i32
    %dma_start3A_204 = arith.constant 0 : i32
    %dma_start3A_205 = tpu.memref_slice %arg5[%arg1, %dma_start3A_195, %dma_start3A_203, %dma_start3A_204] : memref<16x3x336x128xf32, #tpu.memory_space<vmem_shared>> -> memref<1x1x336x128xf32, #tpu.memory_space<vmem_shared>>
    %dma_start3A_206 = tpu.memref_squeeze %dma_start3A_205 : memref<1x1x336x128xf32, #tpu.memory_space<vmem_shared>> -> memref<336x128xf32, #tpu.memory_space<vmem_shared>>
    tpu.enqueue_dma source(%dma_start3A_206 : memref<336x128xf32, #tpu.memory_space<vmem_shared>>) target(%dma_start3A_202 : memref<336x128xf32, #tpu.memory_space<hbm>>) target_semaphore(%dma_start3A_198 : memref<!tpu.dma_semaphore, #tpu.memory_space<semaphore_mem>>)
    %mul3A_207 = arith.constant 2 : i32
    %mul3A_208 = arith.muli %add3A, %mul3A_207 : i32
    %add3A_209 = arith.constant 0 : i32
    %add3A_210 = arith.addi %mul3A_208, %add3A_209 : i32
    %dma_wait3A_211 = arith.constant 2 : i32
    %dma_wait3A_212 = arith.constant 2 : i32
    %dma_wait3A_213 = tpu.memref_slice %arg7[%dma_wait3A_212] : memref<3x!tpu.dma_semaphore, #tpu.memory_space<semaphore_mem>> -> memref<1x!tpu.dma_semaphore, #tpu.memory_space<semaphore_mem>>
    %dma_wait3A_214 = tpu.memref_squeeze %dma_wait3A_213 : memref<1x!tpu.dma_semaphore, #tpu.memory_space<semaphore_mem>> -> memref<!tpu.dma_semaphore, #tpu.memory_space<semaphore_mem>>
    %dma_wait3A_215 = arith.constant 672 : i32
    %dma_wait3A_216 = arith.constant 0 : i32
    %dma_wait3A_217 = tpu.memref_slice %arg4[%add3A_210, %dma_wait3A_215, %dma_wait3A_216] : memref<64x8192x128xf32, #tpu.memory_space<hbm>> -> memref<1x336x128xf32, #tpu.memory_space<hbm>>
    %dma_wait3A_218 = tpu.memref_squeeze %dma_wait3A_217 : memref<1x336x128xf32, #tpu.memory_space<hbm>> -> memref<336x128xf32, #tpu.memory_space<hbm>>
    %dma_wait3A_219 = arith.constant 0 : i32
    %dma_wait3A_220 = arith.constant 0 : i32
    %dma_wait3A_221 = tpu.memref_slice %arg5[%arg1, %dma_wait3A_211, %dma_wait3A_219, %dma_wait3A_220] : memref<16x3x336x128xf32, #tpu.memory_space<vmem_shared>> -> memref<1x1x336x128xf32, #tpu.memory_space<vmem_shared>>
    %dma_wait3A_222 = tpu.memref_squeeze %dma_wait3A_221 : memref<1x1x336x128xf32, #tpu.memory_space<vmem_shared>> -> memref<336x128xf32, #tpu.memory_space<vmem_shared>>
    tpu.wait_dma2 semaphore(%dma_wait3A_214 : memref<!tpu.dma_semaphore, #tpu.memory_space<semaphore_mem>>) src(%dma_wait3A_222 : memref<336x128xf32, #tpu.memory_space<vmem_shared>>) dst(%dma_wait3A_218 : memref<336x128xf32, #tpu.memory_space<hbm>>)
    %mul3A_223 = arith.constant 2 : i32
    %mul3A_224 = arith.muli %add3A, %mul3A_223 : i32
    %add3A_225 = arith.constant 0 : i32
    %add3A_226 = arith.addi %mul3A_224, %add3A_225 : i32
    %dma_start3A_227 = arith.constant 2 : i32
    %dma_start3A_228 = arith.constant 2 : i32
    %dma_start3A_229 = tpu.memref_slice %arg6[%dma_start3A_228] : memref<3x!tpu.dma_semaphore, #tpu.memory_space<semaphore_mem>> -> memref<1x!tpu.dma_semaphore, #tpu.memory_space<semaphore_mem>>
    %dma_start3A_230 = tpu.memref_squeeze %dma_start3A_229 : memref<1x!tpu.dma_semaphore, #tpu.memory_space<semaphore_mem>> -> memref<!tpu.dma_semaphore, #tpu.memory_space<semaphore_mem>>
    %dma_start3A_231 = arith.constant 0 : i32
    %dma_start3A_232 = arith.constant 0 : i32
    %dma_start3A_233 = tpu.memref_slice %arg5[%arg1, %dma_start3A_227, %dma_start3A_231, %dma_start3A_232] : memref<16x3x336x128xf32, #tpu.memory_space<vmem_shared>> -> memref<1x1x336x128xf32, #tpu.memory_space<vmem_shared>>
    %dma_start3A_234 = tpu.memref_squeeze %dma_start3A_233 : memref<1x1x336x128xf32, #tpu.memory_space<vmem_shared>> -> memref<336x128xf32, #tpu.memory_space<vmem_shared>>
    %dma_start3A_235 = arith.constant 1696 : i32
    %dma_start3A_236 = arith.constant 0 : i32
    %dma_start3A_237 = tpu.memref_slice %arg2[%add3A_226, %dma_start3A_235, %dma_start3A_236] : memref<64x8192x128xf32, #tpu.memory_space<hbm>> -> memref<1x336x128xf32, #tpu.memory_space<hbm>>
    %dma_start3A_238 = tpu.memref_squeeze %dma_start3A_237 : memref<1x336x128xf32, #tpu.memory_space<hbm>> -> memref<336x128xf32, #tpu.memory_space<hbm>>
    tpu.enqueue_dma source(%dma_start3A_238 : memref<336x128xf32, #tpu.memory_space<hbm>>) target(%dma_start3A_234 : memref<336x128xf32, #tpu.memory_space<vmem_shared>>) target_semaphore(%dma_start3A_230 : memref<!tpu.dma_semaphore, #tpu.memory_space<semaphore_mem>>)
    %mul3A_239 = arith.constant 2 : i32
    %mul3A_240 = arith.muli %add3A, %mul3A_239 : i32
    %add3A_241 = arith.constant 0 : i32
    %add3A_242 = arith.addi %mul3A_240, %add3A_241 : i32
    %dma_wait3A_243 = arith.constant 0 : i32
    %dma_wait3A_244 = arith.constant 0 : i32
    %dma_wait3A_245 = tpu.memref_slice %arg6[%dma_wait3A_244] : memref<3x!tpu.dma_semaphore, #tpu.memory_space<semaphore_mem>> -> memref<1x!tpu.dma_semaphore, #tpu.memory_space<semaphore_mem>>
    %dma_wait3A_246 = tpu.memref_squeeze %dma_wait3A_245 : memref<1x!tpu.dma_semaphore, #tpu.memory_space<semaphore_mem>> -> memref<!tpu.dma_semaphore, #tpu.memory_space<semaphore_mem>>
    %dma_wait3A_247 = arith.constant 0 : i32
    %dma_wait3A_248 = arith.constant 0 : i32
    %dma_wait3A_249 = tpu.memref_slice %arg5[%arg1, %dma_wait3A_243, %dma_wait3A_247, %dma_wait3A_248] : memref<16x3x336x128xf32, #tpu.memory_space<vmem_shared>> -> memref<1x1x336x128xf32, #tpu.memory_space<vmem_shared>>
    %dma_wait3A_250 = tpu.memref_squeeze %dma_wait3A_249 : memref<1x1x336x128xf32, #tpu.memory_space<vmem_shared>> -> memref<336x128xf32, #tpu.memory_space<vmem_shared>>
    %dma_wait3A_251 = arith.constant 1024 : i32
    %dma_wait3A_252 = arith.constant 0 : i32
    %dma_wait3A_253 = tpu.memref_slice %arg2[%add3A_242, %dma_wait3A_251, %dma_wait3A_252] : memref<64x8192x128xf32, #tpu.memory_space<hbm>> -> memref<1x336x128xf32, #tpu.memory_space<hbm>>
    %dma_wait3A_254 = tpu.memref_squeeze %dma_wait3A_253 : memref<1x336x128xf32, #tpu.memory_space<hbm>> -> memref<336x128xf32, #tpu.memory_space<hbm>>
    tpu.wait_dma2 semaphore(%dma_wait3A_246 : memref<!tpu.dma_semaphore, #tpu.memory_space<semaphore_mem>>) src(%dma_wait3A_254 : memref<336x128xf32, #tpu.memory_space<hbm>>) dst(%dma_wait3A_250 : memref<336x128xf32, #tpu.memory_space<vmem_shared>>)
    %mul3A_255 = arith.constant 2 : i32
    %mul3A_256 = arith.muli %add3A, %mul3A_255 : i32
    %add3A_257 = arith.constant 0 : i32
    %add3A_258 = arith.addi %mul3A_256, %add3A_257 : i32
    %dma_start3A_259 = arith.constant 0 : i32
    %dma_start3A_260 = arith.constant 0 : i32
    %dma_start3A_261 = tpu.memref_slice %arg7[%dma_start3A_260] : memref<3x!tpu.dma_semaphore, #tpu.memory_space<semaphore_mem>> -> memref<1x!tpu.dma_semaphore, #tpu.memory_space<semaphore_mem>>
    %dma_start3A_262 = tpu.memref_squeeze %dma_start3A_261 : memref<1x!tpu.dma_semaphore, #tpu.memory_space<semaphore_mem>> -> memref<!tpu.dma_semaphore, #tpu.memory_space<semaphore_mem>>
    %dma_start3A_263 = arith.constant 1008 : i32
    %dma_start3A_264 = arith.constant 0 : i32
    %dma_start3A_265 = tpu.memref_slice %arg4[%add3A_258, %dma_start3A_263, %dma_start3A_264] : memref<64x8192x128xf32, #tpu.memory_space<hbm>> -> memref<1x336x128xf32, #tpu.memory_space<hbm>>
    %dma_start3A_266 = tpu.memref_squeeze %dma_start3A_265 : memref<1x336x128xf32, #tpu.memory_space<hbm>> -> memref<336x128xf32, #tpu.memory_space<hbm>>
    %dma_start3A_267 = arith.constant 0 : i32
    %dma_start3A_268 = arith.constant 0 : i32
    %dma_start3A_269 = tpu.memref_slice %arg5[%arg1, %dma_start3A_259, %dma_start3A_267, %dma_start3A_268] : memref<16x3x336x128xf32, #tpu.memory_space<vmem_shared>> -> memref<1x1x336x128xf32, #tpu.memory_space<vmem_shared>>
    %dma_start3A_270 = tpu.memref_squeeze %dma_start3A_269 : memref<1x1x336x128xf32, #tpu.memory_space<vmem_shared>> -> memref<336x128xf32, #tpu.memory_space<vmem_shared>>
    tpu.enqueue_dma source(%dma_start3A_270 : memref<336x128xf32, #tpu.memory_space<vmem_shared>>) target(%dma_start3A_266 : memref<336x128xf32, #tpu.memory_space<hbm>>) target_semaphore(%dma_start3A_262 : memref<!tpu.dma_semaphore, #tpu.memory_space<semaphore_mem>>)
    %mul3A_271 = arith.constant 2 : i32
    %mul3A_272 = arith.muli %add3A, %mul3A_271 : i32
    %add3A_273 = arith.constant 0 : i32
    %add3A_274 = arith.addi %mul3A_272, %add3A_273 : i32
    %dma_wait3A_275 = arith.constant 0 : i32
    %dma_wait3A_276 = arith.constant 0 : i32
    %dma_wait3A_277 = tpu.memref_slice %arg7[%dma_wait3A_276] : memref<3x!tpu.dma_semaphore, #tpu.memory_space<semaphore_mem>> -> memref<1x!tpu.dma_semaphore, #tpu.memory_space<semaphore_mem>>
    %dma_wait3A_278 = tpu.memref_squeeze %dma_wait3A_277 : memref<1x!tpu.dma_semaphore, #tpu.memory_space<semaphore_mem>> -> memref<!tpu.dma_semaphore, #tpu.memory_space<semaphore_mem>>
    %dma_wait3A_279 = arith.constant 1008 : i32
    %dma_wait3A_280 = arith.constant 0 : i32
    %dma_wait3A_281 = tpu.memref_slice %arg4[%add3A_274, %dma_wait3A_279, %dma_wait3A_280] : memref<64x8192x128xf32, #tpu.memory_space<hbm>> -> memref<1x336x128xf32, #tpu.memory_space<hbm>>
    %dma_wait3A_282 = tpu.memref_squeeze %dma_wait3A_281 : memref<1x336x128xf32, #tpu.memory_space<hbm>> -> memref<336x128xf32, #tpu.memory_space<hbm>>
    %dma_wait3A_283 = arith.constant 0 : i32
    %dma_wait3A_284 = arith.constant 0 : i32
    %dma_wait3A_285 = tpu.memref_slice %arg5[%arg1, %dma_wait3A_275, %dma_wait3A_283, %dma_wait3A_284] : memref<16x3x336x128xf32, #tpu.memory_space<vmem_shared>> -> memref<1x1x336x128xf32, #tpu.memory_space<vmem_shared>>
    %dma_wait3A_286 = tpu.memref_squeeze %dma_wait3A_285 : memref<1x1x336x128xf32, #tpu.memory_space<vmem_shared>> -> memref<336x128xf32, #tpu.memory_space<vmem_shared>>
    tpu.wait_dma2 semaphore(%dma_wait3A_278 : memref<!tpu.dma_semaphore, #tpu.memory_space<semaphore_mem>>) src(%dma_wait3A_286 : memref<336x128xf32, #tpu.memory_space<vmem_shared>>) dst(%dma_wait3A_282 : memref<336x128xf32, #tpu.memory_space<hbm>>)
    %mul3A_287 = arith.constant 2 : i32
    %mul3A_288 = arith.muli %add3A, %mul3A_287 : i32
    %add3A_289 = arith.constant 0 : i32
    %add3A_290 = arith.addi %mul3A_288, %add3A_289 : i32
    %dma_start3A_291 = arith.constant 0 : i32
    %dma_start3A_292 = arith.constant 0 : i32
    %dma_start3A_293 = tpu.memref_slice %arg6[%dma_start3A_292] : memref<3x!tpu.dma_semaphore, #tpu.memory_space<semaphore_mem>> -> memref<1x!tpu.dma_semaphore, #tpu.memory_space<semaphore_mem>>
    %dma_start3A_294 = tpu.memref_squeeze %dma_start3A_293 : memref<1x!tpu.dma_semaphore, #tpu.memory_space<semaphore_mem>> -> memref<!tpu.dma_semaphore, #tpu.memory_space<semaphore_mem>>
    %dma_start3A_295 = arith.constant 0 : i32
    %dma_start3A_296 = arith.constant 0 : i32
    %dma_start3A_297 = tpu.memref_slice %arg5[%arg1, %dma_start3A_291, %dma_start3A_295, %dma_start3A_296] : memref<16x3x336x128xf32, #tpu.memory_space<vmem_shared>> -> memref<1x1x336x128xf32, #tpu.memory_space<vmem_shared>>
    %dma_start3A_298 = tpu.memref_squeeze %dma_start3A_297 : memref<1x1x336x128xf32, #tpu.memory_space<vmem_shared>> -> memref<336x128xf32, #tpu.memory_space<vmem_shared>>
    %dma_start3A_299 = arith.constant 2032 : i32
    %dma_start3A_300 = arith.constant 0 : i32
    %dma_start3A_301 = tpu.memref_slice %arg2[%add3A_290, %dma_start3A_299, %dma_start3A_300] : memref<64x8192x128xf32, #tpu.memory_space<hbm>> -> memref<1x336x128xf32, #tpu.memory_space<hbm>>
    %dma_start3A_302 = tpu.memref_squeeze %dma_start3A_301 : memref<1x336x128xf32, #tpu.memory_space<hbm>> -> memref<336x128xf32, #tpu.memory_space<hbm>>
    tpu.enqueue_dma source(%dma_start3A_302 : memref<336x128xf32, #tpu.memory_space<hbm>>) target(%dma_start3A_298 : memref<336x128xf32, #tpu.memory_space<vmem_shared>>) target_semaphore(%dma_start3A_294 : memref<!tpu.dma_semaphore, #tpu.memory_space<semaphore_mem>>)
    %mul3A_303 = arith.constant 2 : i32
    %mul3A_304 = arith.muli %add3A, %mul3A_303 : i32
    %add3A_305 = arith.constant 0 : i32
    %add3A_306 = arith.addi %mul3A_304, %add3A_305 : i32
    %dma_wait3A_307 = arith.constant 1 : i32
    %dma_wait3A_308 = arith.constant 1 : i32
    %dma_wait3A_309 = tpu.memref_slice %arg6[%dma_wait3A_308] : memref<3x!tpu.dma_semaphore, #tpu.memory_space<semaphore_mem>> -> memref<1x!tpu.dma_semaphore, #tpu.memory_space<semaphore_mem>>
    %dma_wait3A_310 = tpu.memref_squeeze %dma_wait3A_309 : memref<1x!tpu.dma_semaphore, #tpu.memory_space<semaphore_mem>> -> memref<!tpu.dma_semaphore, #tpu.memory_space<semaphore_mem>>
    %dma_wait3A_311 = arith.constant 0 : i32
    %dma_wait3A_312 = arith.constant 0 : i32
    %dma_wait3A_313 = tpu.memref_slice %arg5[%arg1, %dma_wait3A_307, %dma_wait3A_311, %dma_wait3A_312] : memref<16x3x336x128xf32, #tpu.memory_space<vmem_shared>> -> memref<1x1x336x128xf32, #tpu.memory_space<vmem_shared>>
    %dma_wait3A_314 = tpu.memref_squeeze %dma_wait3A_313 : memref<1x1x336x128xf32, #tpu.memory_space<vmem_shared>> -> memref<336x128xf32, #tpu.memory_space<vmem_shared>>
    %dma_wait3A_315 = arith.constant 1360 : i32
    %dma_wait3A_316 = arith.constant 0 : i32
    %dma_wait3A_317 = tpu.memref_slice %arg2[%add3A_306, %dma_wait3A_315, %dma_wait3A_316] : memref<64x8192x128xf32, #tpu.memory_space<hbm>> -> memref<1x336x128xf32, #tpu.memory_space<hbm>>
    %dma_wait3A_318 = tpu.memref_squeeze %dma_wait3A_317 : memref<1x336x128xf32, #tpu.memory_space<hbm>> -> memref<336x128xf32, #tpu.memory_space<hbm>>
    tpu.wait_dma2 semaphore(%dma_wait3A_310 : memref<!tpu.dma_semaphore, #tpu.memory_space<semaphore_mem>>) src(%dma_wait3A_318 : memref<336x128xf32, #tpu.memory_space<hbm>>) dst(%dma_wait3A_314 : memref<336x128xf32, #tpu.memory_space<vmem_shared>>)
    %mul3A_319 = arith.constant 2 : i32
    %mul3A_320 = arith.muli %add3A, %mul3A_319 : i32
    %add3A_321 = arith.constant 0 : i32
    %add3A_322 = arith.addi %mul3A_320, %add3A_321 : i32
    %dma_start3A_323 = arith.constant 1 : i32
    %dma_start3A_324 = arith.constant 1 : i32
    %dma_start3A_325 = tpu.memref_slice %arg7[%dma_start3A_324] : memref<3x!tpu.dma_semaphore, #tpu.memory_space<semaphore_mem>> -> memref<1x!tpu.dma_semaphore, #tpu.memory_space<semaphore_mem>>
    %dma_start3A_326 = tpu.memref_squeeze %dma_start3A_325 : memref<1x!tpu.dma_semaphore, #tpu.memory_space<semaphore_mem>> -> memref<!tpu.dma_semaphore, #tpu.memory_space<semaphore_mem>>
    %dma_start3A_327 = arith.constant 1344 : i32
    %dma_start3A_328 = arith.constant 0 : i32
    %dma_start3A_329 = tpu.memref_slice %arg4[%add3A_322, %dma_start3A_327, %dma_start3A_328] : memref<64x8192x128xf32, #tpu.memory_space<hbm>> -> memref<1x336x128xf32, #tpu.memory_space<hbm>>
    %dma_start3A_330 = tpu.memref_squeeze %dma_start3A_329 : memref<1x336x128xf32, #tpu.memory_space<hbm>> -> memref<336x128xf32, #tpu.memory_space<hbm>>
    %dma_start3A_331 = arith.constant 0 : i32
    %dma_start3A_332 = arith.constant 0 : i32
    %dma_start3A_333 = tpu.memref_slice %arg5[%arg1, %dma_start3A_323, %dma_start3A_331, %dma_start3A_332] : memref<16x3x336x128xf32, #tpu.memory_space<vmem_shared>> -> memref<1x1x336x128xf32, #tpu.memory_space<vmem_shared>>
    %dma_start3A_334 = tpu.memref_squeeze %dma_start3A_333 : memref<1x1x336x128xf32, #tpu.memory_space<vmem_shared>> -> memref<336x128xf32, #tpu.memory_space<vmem_shared>>
    tpu.enqueue_dma source(%dma_start3A_334 : memref<336x128xf32, #tpu.memory_space<vmem_shared>>) target(%dma_start3A_330 : memref<336x128xf32, #tpu.memory_space<hbm>>) target_semaphore(%dma_start3A_326 : memref<!tpu.dma_semaphore, #tpu.memory_space<semaphore_mem>>)
    %mul3A_335 = arith.constant 2 : i32
    %mul3A_336 = arith.muli %add3A, %mul3A_335 : i32
    %add3A_337 = arith.constant 0 : i32
    %add3A_338 = arith.addi %mul3A_336, %add3A_337 : i32
    %dma_wait3A_339 = arith.constant 1 : i32
    %dma_wait3A_340 = arith.constant 1 : i32
    %dma_wait3A_341 = tpu.memref_slice %arg7[%dma_wait3A_340] : memref<3x!tpu.dma_semaphore, #tpu.memory_space<semaphore_mem>> -> memref<1x!tpu.dma_semaphore, #tpu.memory_space<semaphore_mem>>
    %dma_wait3A_342 = tpu.memref_squeeze %dma_wait3A_341 : memref<1x!tpu.dma_semaphore, #tpu.memory_space<semaphore_mem>> -> memref<!tpu.dma_semaphore, #tpu.memory_space<semaphore_mem>>
    %dma_wait3A_343 = arith.constant 1344 : i32
    %dma_wait3A_344 = arith.constant 0 : i32
    %dma_wait3A_345 = tpu.memref_slice %arg4[%add3A_338, %dma_wait3A_343, %dma_wait3A_344] : memref<64x8192x128xf32, #tpu.memory_space<hbm>> -> memref<1x336x128xf32, #tpu.memory_space<hbm>>
    %dma_wait3A_346 = tpu.memref_squeeze %dma_wait3A_345 : memref<1x336x128xf32, #tpu.memory_space<hbm>> -> memref<336x128xf32, #tpu.memory_space<hbm>>
    %dma_wait3A_347 = arith.constant 0 : i32
    %dma_wait3A_348 = arith.constant 0 : i32
    %dma_wait3A_349 = tpu.memref_slice %arg5[%arg1, %dma_wait3A_339, %dma_wait3A_347, %dma_wait3A_348] : memref<16x3x336x128xf32, #tpu.memory_space<vmem_shared>> -> memref<1x1x336x128xf32, #tpu.memory_space<vmem_shared>>
    %dma_wait3A_350 = tpu.memref_squeeze %dma_wait3A_349 : memref<1x1x336x128xf32, #tpu.memory_space<vmem_shared>> -> memref<336x128xf32, #tpu.memory_space<vmem_shared>>
    tpu.wait_dma2 semaphore(%dma_wait3A_342 : memref<!tpu.dma_semaphore, #tpu.memory_space<semaphore_mem>>) src(%dma_wait3A_350 : memref<336x128xf32, #tpu.memory_space<vmem_shared>>) dst(%dma_wait3A_346 : memref<336x128xf32, #tpu.memory_space<hbm>>)
    %mul3A_351 = arith.constant 2 : i32
    %mul3A_352 = arith.muli %add3A, %mul3A_351 : i32
    %add3A_353 = arith.constant 0 : i32
    %add3A_354 = arith.addi %mul3A_352, %add3A_353 : i32
    %dma_start3A_355 = arith.constant 1 : i32
    %dma_start3A_356 = arith.constant 1 : i32
    %dma_start3A_357 = tpu.memref_slice %arg6[%dma_start3A_356] : memref<3x!tpu.dma_semaphore, #tpu.memory_space<semaphore_mem>> -> memref<1x!tpu.dma_semaphore, #tpu.memory_space<semaphore_mem>>
    %dma_start3A_358 = tpu.memref_squeeze %dma_start3A_357 : memref<1x!tpu.dma_semaphore, #tpu.memory_space<semaphore_mem>> -> memref<!tpu.dma_semaphore, #tpu.memory_space<semaphore_mem>>
    %dma_start3A_359 = arith.constant 0 : i32
    %dma_start3A_360 = arith.constant 0 : i32
    %dma_start3A_361 = tpu.memref_slice %arg5[%arg1, %dma_start3A_355, %dma_start3A_359, %dma_start3A_360] : memref<16x3x336x128xf32, #tpu.memory_space<vmem_shared>> -> memref<1x1x336x128xf32, #tpu.memory_space<vmem_shared>>
    %dma_start3A_362 = tpu.memref_squeeze %dma_start3A_361 : memref<1x1x336x128xf32, #tpu.memory_space<vmem_shared>> -> memref<336x128xf32, #tpu.memory_space<vmem_shared>>
    %dma_start3A_363 = arith.constant 2368 : i32
    %dma_start3A_364 = arith.constant 0 : i32
    %dma_start3A_365 = tpu.memref_slice %arg2[%add3A_354, %dma_start3A_363, %dma_start3A_364] : memref<64x8192x128xf32, #tpu.memory_space<hbm>> -> memref<1x336x128xf32, #tpu.memory_space<hbm>>
    %dma_start3A_366 = tpu.memref_squeeze %dma_start3A_365 : memref<1x336x128xf32, #tpu.memory_space<hbm>> -> memref<336x128xf32, #tpu.memory_space<hbm>>
    tpu.enqueue_dma source(%dma_start3A_366 : memref<336x128xf32, #tpu.memory_space<hbm>>) target(%dma_start3A_362 : memref<336x128xf32, #tpu.memory_space<vmem_shared>>) target_semaphore(%dma_start3A_358 : memref<!tpu.dma_semaphore, #tpu.memory_space<semaphore_mem>>)
    %mul3A_367 = arith.constant 2 : i32
    %mul3A_368 = arith.muli %add3A, %mul3A_367 : i32
    %add3A_369 = arith.constant 0 : i32
    %add3A_370 = arith.addi %mul3A_368, %add3A_369 : i32
    %dma_wait3A_371 = arith.constant 2 : i32
    %dma_wait3A_372 = arith.constant 2 : i32
    %dma_wait3A_373 = tpu.memref_slice %arg6[%dma_wait3A_372] : memref<3x!tpu.dma_semaphore, #tpu.memory_space<semaphore_mem>> -> memref<1x!tpu.dma_semaphore, #tpu.memory_space<semaphore_mem>>
    %dma_wait3A_374 = tpu.memref_squeeze %dma_wait3A_373 : memref<1x!tpu.dma_semaphore, #tpu.memory_space<semaphore_mem>> -> memref<!tpu.dma_semaphore, #tpu.memory_space<semaphore_mem>>
    %dma_wait3A_375 = arith.constant 0 : i32
    %dma_wait3A_376 = arith.constant 0 : i32
    %dma_wait3A_377 = tpu.memref_slice %arg5[%arg1, %dma_wait3A_371, %dma_wait3A_375, %dma_wait3A_376] : memref<16x3x336x128xf32, #tpu.memory_space<vmem_shared>> -> memref<1x1x336x128xf32, #tpu.memory_space<vmem_shared>>
    %dma_wait3A_378 = tpu.memref_squeeze %dma_wait3A_377 : memref<1x1x336x128xf32, #tpu.memory_space<vmem_shared>> -> memref<336x128xf32, #tpu.memory_space<vmem_shared>>
    %dma_wait3A_379 = arith.constant 1696 : i32
    %dma_wait3A_380 = arith.constant 0 : i32
    %dma_wait3A_381 = tpu.memref_slice %arg2[%add3A_370, %dma_wait3A_379, %dma_wait3A_380] : memref<64x8192x128xf32, #tpu.memory_space<hbm>> -> memref<1x336x128xf32, #tpu.memory_space<hbm>>
    %dma_wait3A_382 = tpu.memref_squeeze %dma_wait3A_381 : memref<1x336x128xf32, #tpu.memory_space<hbm>> -> memref<336x128xf32, #tpu.memory_space<hbm>>
    tpu.wait_dma2 semaphore(%dma_wait3A_374 : memref<!tpu.dma_semaphore, #tpu.memory_space<semaphore_mem>>) src(%dma_wait3A_382 : memref<336x128xf32, #tpu.memory_space<hbm>>) dst(%dma_wait3A_378 : memref<336x128xf32, #tpu.memory_space<vmem_shared>>)
    %mul3A_383 = arith.constant 2 : i32
    %mul3A_384 = arith.muli %add3A, %mul3A_383 : i32
    %add3A_385 = arith.constant 0 : i32
    %add3A_386 = arith.addi %mul3A_384, %add3A_385 : i32
    %dma_start3A_387 = arith.constant 2 : i32
    %dma_start3A_388 = arith.constant 2 : i32
    %dma_start3A_389 = tpu.memref_slice %arg7[%dma_start3A_388] : memref<3x!tpu.dma_semaphore, #tpu.memory_space<semaphore_mem>> -> memref<1x!tpu.dma_semaphore, #tpu.memory_space<semaphore_mem>>
    %dma_start3A_390 = tpu.memref_squeeze %dma_start3A_389 : memref<1x!tpu.dma_semaphore, #tpu.memory_space<semaphore_mem>> -> memref<!tpu.dma_semaphore, #tpu.memory_space<semaphore_mem>>
    %dma_start3A_391 = arith.constant 1680 : i32
    %dma_start3A_392 = arith.constant 0 : i32
    %dma_start3A_393 = tpu.memref_slice %arg4[%add3A_386, %dma_start3A_391, %dma_start3A_392] : memref<64x8192x128xf32, #tpu.memory_space<hbm>> -> memref<1x336x128xf32, #tpu.memory_space<hbm>>
    %dma_start3A_394 = tpu.memref_squeeze %dma_start3A_393 : memref<1x336x128xf32, #tpu.memory_space<hbm>> -> memref<336x128xf32, #tpu.memory_space<hbm>>
    %dma_start3A_395 = arith.constant 0 : i32
    %dma_start3A_396 = arith.constant 0 : i32
    %dma_start3A_397 = tpu.memref_slice %arg5[%arg1, %dma_start3A_387, %dma_start3A_395, %dma_start3A_396] : memref<16x3x336x128xf32, #tpu.memory_space<vmem_shared>> -> memref<1x1x336x128xf32, #tpu.memory_space<vmem_shared>>
    %dma_start3A_398 = tpu.memref_squeeze %dma_start3A_397 : memref<1x1x336x128xf32, #tpu.memory_space<vmem_shared>> -> memref<336x128xf32, #tpu.memory_space<vmem_shared>>
    tpu.enqueue_dma source(%dma_start3A_398 : memref<336x128xf32, #tpu.memory_space<vmem_shared>>) target(%dma_start3A_394 : memref<336x128xf32, #tpu.memory_space<hbm>>) target_semaphore(%dma_start3A_390 : memref<!tpu.dma_semaphore, #tpu.memory_space<semaphore_mem>>)
    %mul3A_399 = arith.constant 2 : i32
    %mul3A_400 = arith.muli %add3A, %mul3A_399 : i32
    %add3A_401 = arith.constant 0 : i32
    %add3A_402 = arith.addi %mul3A_400, %add3A_401 : i32
    %dma_wait3A_403 = arith.constant 2 : i32
    %dma_wait3A_404 = arith.constant 2 : i32
    %dma_wait3A_405 = tpu.memref_slice %arg7[%dma_wait3A_404] : memref<3x!tpu.dma_semaphore, #tpu.memory_space<semaphore_mem>> -> memref<1x!tpu.dma_semaphore, #tpu.memory_space<semaphore_mem>>
    %dma_wait3A_406 = tpu.memref_squeeze %dma_wait3A_405 : memref<1x!tpu.dma_semaphore, #tpu.memory_space<semaphore_mem>> -> memref<!tpu.dma_semaphore, #tpu.memory_space<semaphore_mem>>
    %dma_wait3A_407 = arith.constant 1680 : i32
    %dma_wait3A_408 = arith.constant 0 : i32
    %dma_wait3A_409 = tpu.memref_slice %arg4[%add3A_402, %dma_wait3A_407, %dma_wait3A_408] : memref<64x8192x128xf32, #tpu.memory_space<hbm>> -> memref<1x336x128xf32, #tpu.memory_space<hbm>>
    %dma_wait3A_410 = tpu.memref_squeeze %dma_wait3A_409 : memref<1x336x128xf32, #tpu.memory_space<hbm>> -> memref<336x128xf32, #tpu.memory_space<hbm>>
    %dma_wait3A_411 = arith.constant 0 : i32
    %dma_wait3A_412 = arith.constant 0 : i32
    %dma_wait3A_413 = tpu.memref_slice %arg5[%arg1, %dma_wait3A_403, %dma_wait3A_411, %dma_wait3A_412] : memref<16x3x336x128xf32, #tpu.memory_space<vmem_shared>> -> memref<1x1x336x128xf32, #tpu.memory_space<vmem_shared>>
    %dma_wait3A_414 = tpu.memref_squeeze %dma_wait3A_413 : memref<1x1x336x128xf32, #tpu.memory_space<vmem_shared>> -> memref<336x128xf32, #tpu.memory_space<vmem_shared>>
    tpu.wait_dma2 semaphore(%dma_wait3A_406 : memref<!tpu.dma_semaphore, #tpu.memory_space<semaphore_mem>>) src(%dma_wait3A_414 : memref<336x128xf32, #tpu.memory_space<vmem_shared>>) dst(%dma_wait3A_410 : memref<336x128xf32, #tpu.memory_space<hbm>>)
    %mul3A_415 = arith.constant 2 : i32
    %mul3A_416 = arith.muli %add3A, %mul3A_415 : i32
    %add3A_417 = arith.constant 0 : i32
    %add3A_418 = arith.addi %mul3A_416, %add3A_417 : i32
    %dma_start3A_419 = arith.constant 2 : i32
    %dma_start3A_420 = arith.constant 2 : i32
    %dma_start3A_421 = tpu.memref_slice %arg6[%dma_start3A_420] : memref<3x!tpu.dma_semaphore, #tpu.memory_space<semaphore_mem>> -> memref<1x!tpu.dma_semaphore, #tpu.memory_space<semaphore_mem>>
    %dma_start3A_422 = tpu.memref_squeeze %dma_start3A_421 : memref<1x!tpu.dma_semaphore, #tpu.memory_space<semaphore_mem>> -> memref<!tpu.dma_semaphore, #tpu.memory_space<semaphore_mem>>
    %dma_start3A_423 = arith.constant 0 : i32
    %dma_start3A_424 = arith.constant 0 : i32
    %dma_start3A_425 = tpu.memref_slice %arg5[%arg1, %dma_start3A_419, %dma_start3A_423, %dma_start3A_424] : memref<16x3x336x128xf32, #tpu.memory_space<vmem_shared>> -> memref<1x1x336x128xf32, #tpu.memory_space<vmem_shared>>
    %dma_start3A_426 = tpu.memref_squeeze %dma_start3A_425 : memref<1x1x336x128xf32, #tpu.memory_space<vmem_shared>> -> memref<336x128xf32, #tpu.memory_space<vmem_shared>>
    %dma_start3A_427 = arith.constant 2704 : i32
    %dma_start3A_428 = arith.constant 0 : i32
    %dma_start3A_429 = tpu.memref_slice %arg2[%add3A_418, %dma_start3A_427, %dma_start3A_428] : memref<64x8192x128xf32, #tpu.memory_space<hbm>> -> memref<1x336x128xf32, #tpu.memory_space<hbm>>
    %dma_start3A_430 = tpu.memref_squeeze %dma_start3A_429 : memref<1x336x128xf32, #tpu.memory_space<hbm>> -> memref<336x128xf32, #tpu.memory_space<hbm>>
    tpu.enqueue_dma source(%dma_start3A_430 : memref<336x128xf32, #tpu.memory_space<hbm>>) target(%dma_start3A_426 : memref<336x128xf32, #tpu.memory_space<vmem_shared>>) target_semaphore(%dma_start3A_422 : memref<!tpu.dma_semaphore, #tpu.memory_space<semaphore_mem>>)
    %mul3A_431 = arith.constant 2 : i32
    %mul3A_432 = arith.muli %add3A, %mul3A_431 : i32
    %add3A_433 = arith.constant 0 : i32
    %add3A_434 = arith.addi %mul3A_432, %add3A_433 : i32
    %dma_wait3A_435 = arith.constant 0 : i32
    %dma_wait3A_436 = arith.constant 0 : i32
    %dma_wait3A_437 = tpu.memref_slice %arg6[%dma_wait3A_436] : memref<3x!tpu.dma_semaphore, #tpu.memory_space<semaphore_mem>> -> memref<1x!tpu.dma_semaphore, #tpu.memory_space<semaphore_mem>>
    %dma_wait3A_438 = tpu.memref_squeeze %dma_wait3A_437 : memref<1x!tpu.dma_semaphore, #tpu.memory_space<semaphore_mem>> -> memref<!tpu.dma_semaphore, #tpu.memory_space<semaphore_mem>>
    %dma_wait3A_439 = arith.constant 0 : i32
    %dma_wait3A_440 = arith.constant 0 : i32
    %dma_wait3A_441 = tpu.memref_slice %arg5[%arg1, %dma_wait3A_435, %dma_wait3A_439, %dma_wait3A_440] : memref<16x3x336x128xf32, #tpu.memory_space<vmem_shared>> -> memref<1x1x336x128xf32, #tpu.memory_space<vmem_shared>>
    %dma_wait3A_442 = tpu.memref_squeeze %dma_wait3A_441 : memref<1x1x336x128xf32, #tpu.memory_space<vmem_shared>> -> memref<336x128xf32, #tpu.memory_space<vmem_shared>>
    %dma_wait3A_443 = arith.constant 2032 : i32
    %dma_wait3A_444 = arith.constant 0 : i32
    %dma_wait3A_445 = tpu.memref_slice %arg2[%add3A_434, %dma_wait3A_443, %dma_wait3A_444] : memref<64x8192x128xf32, #tpu.memory_space<hbm>> -> memref<1x336x128xf32, #tpu.memory_space<hbm>>
    %dma_wait3A_446 = tpu.memref_squeeze %dma_wait3A_445 : memref<1x336x128xf32, #tpu.memory_space<hbm>> -> memref<336x128xf32, #tpu.memory_space<hbm>>
    tpu.wait_dma2 semaphore(%dma_wait3A_438 : memref<!tpu.dma_semaphore, #tpu.memory_space<semaphore_mem>>) src(%dma_wait3A_446 : memref<336x128xf32, #tpu.memory_space<hbm>>) dst(%dma_wait3A_442 : memref<336x128xf32, #tpu.memory_space<vmem_shared>>)
    %mul3A_447 = arith.constant 2 : i32
    %mul3A_448 = arith.muli %add3A, %mul3A_447 : i32
    %add3A_449 = arith.constant 0 : i32
    %add3A_450 = arith.addi %mul3A_448, %add3A_449 : i32
    %dma_start3A_451 = arith.constant 0 : i32
    %dma_start3A_452 = arith.constant 0 : i32
    %dma_start3A_453 = tpu.memref_slice %arg7[%dma_start3A_452] : memref<3x!tpu.dma_semaphore, #tpu.memory_space<semaphore_mem>> -> memref<1x!tpu.dma_semaphore, #tpu.memory_space<semaphore_mem>>
    %dma_start3A_454 = tpu.memref_squeeze %dma_start3A_453 : memref<1x!tpu.dma_semaphore, #tpu.memory_space<semaphore_mem>> -> memref<!tpu.dma_semaphore, #tpu.memory_space<semaphore_mem>>
    %dma_start3A_455 = arith.constant 2016 : i32
    %dma_start3A_456 = arith.constant 0 : i32
    %dma_start3A_457 = tpu.memref_slice %arg4[%add3A_450, %dma_start3A_455, %dma_start3A_456] : memref<64x8192x128xf32, #tpu.memory_space<hbm>> -> memref<1x336x128xf32, #tpu.memory_space<hbm>>
    %dma_start3A_458 = tpu.memref_squeeze %dma_start3A_457 : memref<1x336x128xf32, #tpu.memory_space<hbm>> -> memref<336x128xf32, #tpu.memory_space<hbm>>
    %dma_start3A_459 = arith.constant 0 : i32
    %dma_start3A_460 = arith.constant 0 : i32
    %dma_start3A_461 = tpu.memref_slice %arg5[%arg1, %dma_start3A_451, %dma_start3A_459, %dma_start3A_460] : memref<16x3x336x128xf32, #tpu.memory_space<vmem_shared>> -> memref<1x1x336x128xf32, #tpu.memory_space<vmem_shared>>
    %dma_start3A_462 = tpu.memref_squeeze %dma_start3A_461 : memref<1x1x336x128xf32, #tpu.memory_space<vmem_shared>> -> memref<336x128xf32, #tpu.memory_space<vmem_shared>>
    tpu.enqueue_dma source(%dma_start3A_462 : memref<336x128xf32, #tpu.memory_space<vmem_shared>>) target(%dma_start3A_458 : memref<336x128xf32, #tpu.memory_space<hbm>>) target_semaphore(%dma_start3A_454 : memref<!tpu.dma_semaphore, #tpu.memory_space<semaphore_mem>>)
    %mul3A_463 = arith.constant 2 : i32
    %mul3A_464 = arith.muli %add3A, %mul3A_463 : i32
    %add3A_465 = arith.constant 0 : i32
    %add3A_466 = arith.addi %mul3A_464, %add3A_465 : i32
    %dma_wait3A_467 = arith.constant 0 : i32
    %dma_wait3A_468 = arith.constant 0 : i32
    %dma_wait3A_469 = tpu.memref_slice %arg7[%dma_wait3A_468] : memref<3x!tpu.dma_semaphore, #tpu.memory_space<semaphore_mem>> -> memref<1x!tpu.dma_semaphore, #tpu.memory_space<semaphore_mem>>
    %dma_wait3A_470 = tpu.memref_squeeze %dma_wait3A_469 : memref<1x!tpu.dma_semaphore, #tpu.memory_space<semaphore_mem>> -> memref<!tpu.dma_semaphore, #tpu.memory_space<semaphore_mem>>
    %dma_wait3A_471 = arith.constant 2016 : i32
    %dma_wait3A_472 = arith.constant 0 : i32
    %dma_wait3A_473 = tpu.memref_slice %arg4[%add3A_466, %dma_wait3A_471, %dma_wait3A_472] : memref<64x8192x128xf32, #tpu.memory_space<hbm>> -> memref<1x336x128xf32, #tpu.memory_space<hbm>>
    %dma_wait3A_474 = tpu.memref_squeeze %dma_wait3A_473 : memref<1x336x128xf32, #tpu.memory_space<hbm>> -> memref<336x128xf32, #tpu.memory_space<hbm>>
    %dma_wait3A_475 = arith.constant 0 : i32
    %dma_wait3A_476 = arith.constant 0 : i32
    %dma_wait3A_477 = tpu.memref_slice %arg5[%arg1, %dma_wait3A_467, %dma_wait3A_475, %dma_wait3A_476] : memref<16x3x336x128xf32, #tpu.memory_space<vmem_shared>> -> memref<1x1x336x128xf32, #tpu.memory_space<vmem_shared>>
    %dma_wait3A_478 = tpu.memref_squeeze %dma_wait3A_477 : memref<1x1x336x128xf32, #tpu.memory_space<vmem_shared>> -> memref<336x128xf32, #tpu.memory_space<vmem_shared>>
    tpu.wait_dma2 semaphore(%dma_wait3A_470 : memref<!tpu.dma_semaphore, #tpu.memory_space<semaphore_mem>>) src(%dma_wait3A_478 : memref<336x128xf32, #tpu.memory_space<vmem_shared>>) dst(%dma_wait3A_474 : memref<336x128xf32, #tpu.memory_space<hbm>>)
    %mul3A_479 = arith.constant 2 : i32
    %mul3A_480 = arith.muli %add3A, %mul3A_479 : i32
    %add3A_481 = arith.constant 0 : i32
    %add3A_482 = arith.addi %mul3A_480, %add3A_481 : i32
    %dma_start3A_483 = arith.constant 0 : i32
    %dma_start3A_484 = arith.constant 0 : i32
    %dma_start3A_485 = tpu.memref_slice %arg6[%dma_start3A_484] : memref<3x!tpu.dma_semaphore, #tpu.memory_space<semaphore_mem>> -> memref<1x!tpu.dma_semaphore, #tpu.memory_space<semaphore_mem>>
    %dma_start3A_486 = tpu.memref_squeeze %dma_start3A_485 : memref<1x!tpu.dma_semaphore, #tpu.memory_space<semaphore_mem>> -> memref<!tpu.dma_semaphore, #tpu.memory_space<semaphore_mem>>
    %dma_start3A_487 = arith.constant 0 : i32
    %dma_start3A_488 = arith.constant 0 : i32
    %dma_start3A_489 = tpu.memref_slice %arg5[%arg1, %dma_start3A_483, %dma_start3A_487, %dma_start3A_488] : memref<16x3x336x128xf32, #tpu.memory_space<vmem_shared>> -> memref<1x1x336x128xf32, #tpu.memory_space<vmem_shared>>
    %dma_start3A_490 = tpu.memref_squeeze %dma_start3A_489 : memref<1x1x336x128xf32, #tpu.memory_space<vmem_shared>> -> memref<336x128xf32, #tpu.memory_space<vmem_shared>>
    %dma_start3A_491 = arith.constant 3040 : i32
    %dma_start3A_492 = arith.constant 0 : i32
    %dma_start3A_493 = tpu.memref_slice %arg2[%add3A_482, %dma_start3A_491, %dma_start3A_492] : memref<64x8192x128xf32, #tpu.memory_space<hbm>> -> memref<1x336x128xf32, #tpu.memory_space<hbm>>
    %dma_start3A_494 = tpu.memref_squeeze %dma_start3A_493 : memref<1x336x128xf32, #tpu.memory_space<hbm>> -> memref<336x128xf32, #tpu.memory_space<hbm>>
    tpu.enqueue_dma source(%dma_start3A_494 : memref<336x128xf32, #tpu.memory_space<hbm>>) target(%dma_start3A_490 : memref<336x128xf32, #tpu.memory_space<vmem_shared>>) target_semaphore(%dma_start3A_486 : memref<!tpu.dma_semaphore, #tpu.memory_space<semaphore_mem>>)
    %mul3A_495 = arith.constant 2 : i32
    %mul3A_496 = arith.muli %add3A, %mul3A_495 : i32
    %add3A_497 = arith.constant 0 : i32
    %add3A_498 = arith.addi %mul3A_496, %add3A_497 : i32
    %dma_wait3A_499 = arith.constant 1 : i32
    %dma_wait3A_500 = arith.constant 1 : i32
    %dma_wait3A_501 = tpu.memref_slice %arg6[%dma_wait3A_500] : memref<3x!tpu.dma_semaphore, #tpu.memory_space<semaphore_mem>> -> memref<1x!tpu.dma_semaphore, #tpu.memory_space<semaphore_mem>>
    %dma_wait3A_502 = tpu.memref_squeeze %dma_wait3A_501 : memref<1x!tpu.dma_semaphore, #tpu.memory_space<semaphore_mem>> -> memref<!tpu.dma_semaphore, #tpu.memory_space<semaphore_mem>>
    %dma_wait3A_503 = arith.constant 0 : i32
    %dma_wait3A_504 = arith.constant 0 : i32
    %dma_wait3A_505 = tpu.memref_slice %arg5[%arg1, %dma_wait3A_499, %dma_wait3A_503, %dma_wait3A_504] : memref<16x3x336x128xf32, #tpu.memory_space<vmem_shared>> -> memref<1x1x336x128xf32, #tpu.memory_space<vmem_shared>>
    %dma_wait3A_506 = tpu.memref_squeeze %dma_wait3A_505 : memref<1x1x336x128xf32, #tpu.memory_space<vmem_shared>> -> memref<336x128xf32, #tpu.memory_space<vmem_shared>>
    %dma_wait3A_507 = arith.constant 2368 : i32
    %dma_wait3A_508 = arith.constant 0 : i32
    %dma_wait3A_509 = tpu.memref_slice %arg2[%add3A_498, %dma_wait3A_507, %dma_wait3A_508] : memref<64x8192x128xf32, #tpu.memory_space<hbm>> -> memref<1x336x128xf32, #tpu.memory_space<hbm>>
    %dma_wait3A_510 = tpu.memref_squeeze %dma_wait3A_509 : memref<1x336x128xf32, #tpu.memory_space<hbm>> -> memref<336x128xf32, #tpu.memory_space<hbm>>
    tpu.wait_dma2 semaphore(%dma_wait3A_502 : memref<!tpu.dma_semaphore, #tpu.memory_space<semaphore_mem>>) src(%dma_wait3A_510 : memref<336x128xf32, #tpu.memory_space<hbm>>) dst(%dma_wait3A_506 : memref<336x128xf32, #tpu.memory_space<vmem_shared>>)
    %mul3A_511 = arith.constant 2 : i32
    %mul3A_512 = arith.muli %add3A, %mul3A_511 : i32
    %add3A_513 = arith.constant 0 : i32
    %add3A_514 = arith.addi %mul3A_512, %add3A_513 : i32
    %dma_start3A_515 = arith.constant 1 : i32
    %dma_start3A_516 = arith.constant 1 : i32
    %dma_start3A_517 = tpu.memref_slice %arg7[%dma_start3A_516] : memref<3x!tpu.dma_semaphore, #tpu.memory_space<semaphore_mem>> -> memref<1x!tpu.dma_semaphore, #tpu.memory_space<semaphore_mem>>
    %dma_start3A_518 = tpu.memref_squeeze %dma_start3A_517 : memref<1x!tpu.dma_semaphore, #tpu.memory_space<semaphore_mem>> -> memref<!tpu.dma_semaphore, #tpu.memory_space<semaphore_mem>>
    %dma_start3A_519 = arith.constant 2352 : i32
    %dma_start3A_520 = arith.constant 0 : i32
    %dma_start3A_521 = tpu.memref_slice %arg4[%add3A_514, %dma_start3A_519, %dma_start3A_520] : memref<64x8192x128xf32, #tpu.memory_space<hbm>> -> memref<1x336x128xf32, #tpu.memory_space<hbm>>
    %dma_start3A_522 = tpu.memref_squeeze %dma_start3A_521 : memref<1x336x128xf32, #tpu.memory_space<hbm>> -> memref<336x128xf32, #tpu.memory_space<hbm>>
    %dma_start3A_523 = arith.constant 0 : i32
    %dma_start3A_524 = arith.constant 0 : i32
    %dma_start3A_525 = tpu.memref_slice %arg5[%arg1, %dma_start3A_515, %dma_start3A_523, %dma_start3A_524] : memref<16x3x336x128xf32, #tpu.memory_space<vmem_shared>> -> memref<1x1x336x128xf32, #tpu.memory_space<vmem_shared>>
    %dma_start3A_526 = tpu.memref_squeeze %dma_start3A_525 : memref<1x1x336x128xf32, #tpu.memory_space<vmem_shared>> -> memref<336x128xf32, #tpu.memory_space<vmem_shared>>
    tpu.enqueue_dma source(%dma_start3A_526 : memref<336x128xf32, #tpu.memory_space<vmem_shared>>) target(%dma_start3A_522 : memref<336x128xf32, #tpu.memory_space<hbm>>) target_semaphore(%dma_start3A_518 : memref<!tpu.dma_semaphore, #tpu.memory_space<semaphore_mem>>)
    %mul3A_527 = arith.constant 2 : i32
    %mul3A_528 = arith.muli %add3A, %mul3A_527 : i32
    %add3A_529 = arith.constant 0 : i32
    %add3A_530 = arith.addi %mul3A_528, %add3A_529 : i32
    %dma_wait3A_531 = arith.constant 1 : i32
    %dma_wait3A_532 = arith.constant 1 : i32
    %dma_wait3A_533 = tpu.memref_slice %arg7[%dma_wait3A_532] : memref<3x!tpu.dma_semaphore, #tpu.memory_space<semaphore_mem>> -> memref<1x!tpu.dma_semaphore, #tpu.memory_space<semaphore_mem>>
    %dma_wait3A_534 = tpu.memref_squeeze %dma_wait3A_533 : memref<1x!tpu.dma_semaphore, #tpu.memory_space<semaphore_mem>> -> memref<!tpu.dma_semaphore, #tpu.memory_space<semaphore_mem>>
    %dma_wait3A_535 = arith.constant 2352 : i32
    %dma_wait3A_536 = arith.constant 0 : i32
    %dma_wait3A_537 = tpu.memref_slice %arg4[%add3A_530, %dma_wait3A_535, %dma_wait3A_536] : memref<64x8192x128xf32, #tpu.memory_space<hbm>> -> memref<1x336x128xf32, #tpu.memory_space<hbm>>
    %dma_wait3A_538 = tpu.memref_squeeze %dma_wait3A_537 : memref<1x336x128xf32, #tpu.memory_space<hbm>> -> memref<336x128xf32, #tpu.memory_space<hbm>>
    %dma_wait3A_539 = arith.constant 0 : i32
    %dma_wait3A_540 = arith.constant 0 : i32
    %dma_wait3A_541 = tpu.memref_slice %arg5[%arg1, %dma_wait3A_531, %dma_wait3A_539, %dma_wait3A_540] : memref<16x3x336x128xf32, #tpu.memory_space<vmem_shared>> -> memref<1x1x336x128xf32, #tpu.memory_space<vmem_shared>>
    %dma_wait3A_542 = tpu.memref_squeeze %dma_wait3A_541 : memref<1x1x336x128xf32, #tpu.memory_space<vmem_shared>> -> memref<336x128xf32, #tpu.memory_space<vmem_shared>>
    tpu.wait_dma2 semaphore(%dma_wait3A_534 : memref<!tpu.dma_semaphore, #tpu.memory_space<semaphore_mem>>) src(%dma_wait3A_542 : memref<336x128xf32, #tpu.memory_space<vmem_shared>>) dst(%dma_wait3A_538 : memref<336x128xf32, #tpu.memory_space<hbm>>)
    %mul3A_543 = arith.constant 2 : i32
    %mul3A_544 = arith.muli %add3A, %mul3A_543 : i32
    %add3A_545 = arith.constant 0 : i32
    %add3A_546 = arith.addi %mul3A_544, %add3A_545 : i32
    %dma_start3A_547 = arith.constant 1 : i32
    %dma_start3A_548 = arith.constant 1 : i32
    %dma_start3A_549 = tpu.memref_slice %arg6[%dma_start3A_548] : memref<3x!tpu.dma_semaphore, #tpu.memory_space<semaphore_mem>> -> memref<1x!tpu.dma_semaphore, #tpu.memory_space<semaphore_mem>>
    %dma_start3A_550 = tpu.memref_squeeze %dma_start3A_549 : memref<1x!tpu.dma_semaphore, #tpu.memory_space<semaphore_mem>> -> memref<!tpu.dma_semaphore, #tpu.memory_space<semaphore_mem>>
    %dma_start3A_551 = arith.constant 0 : i32
    %dma_start3A_552 = arith.constant 0 : i32
    %dma_start3A_553 = tpu.memref_slice %arg5[%arg1, %dma_start3A_547, %dma_start3A_551, %dma_start3A_552] : memref<16x3x336x128xf32, #tpu.memory_space<vmem_shared>> -> memref<1x1x336x128xf32, #tpu.memory_space<vmem_shared>>
    %dma_start3A_554 = tpu.memref_squeeze %dma_start3A_553 : memref<1x1x336x128xf32, #tpu.memory_space<vmem_shared>> -> memref<336x128xf32, #tpu.memory_space<vmem_shared>>
    %dma_start3A_555 = arith.constant 3376 : i32
    %dma_start3A_556 = arith.constant 0 : i32
    %dma_start3A_557 = tpu.memref_slice %arg2[%add3A_546, %dma_start3A_555, %dma_start3A_556] : memref<64x8192x128xf32, #tpu.memory_space<hbm>> -> memref<1x336x128xf32, #tpu.memory_space<hbm>>
    %dma_start3A_558 = tpu.memref_squeeze %dma_start3A_557 : memref<1x336x128xf32, #tpu.memory_space<hbm>> -> memref<336x128xf32, #tpu.memory_space<hbm>>
    tpu.enqueue_dma source(%dma_start3A_558 : memref<336x128xf32, #tpu.memory_space<hbm>>) target(%dma_start3A_554 : memref<336x128xf32, #tpu.memory_space<vmem_shared>>) target_semaphore(%dma_start3A_550 : memref<!tpu.dma_semaphore, #tpu.memory_space<semaphore_mem>>)
    %mul3A_559 = arith.constant 2 : i32
    %mul3A_560 = arith.muli %add3A, %mul3A_559 : i32
    %add3A_561 = arith.constant 0 : i32
    %add3A_562 = arith.addi %mul3A_560, %add3A_561 : i32
    %dma_wait3A_563 = arith.constant 2 : i32
    %dma_wait3A_564 = arith.constant 2 : i32
    %dma_wait3A_565 = tpu.memref_slice %arg6[%dma_wait3A_564] : memref<3x!tpu.dma_semaphore, #tpu.memory_space<semaphore_mem>> -> memref<1x!tpu.dma_semaphore, #tpu.memory_space<semaphore_mem>>
    %dma_wait3A_566 = tpu.memref_squeeze %dma_wait3A_565 : memref<1x!tpu.dma_semaphore, #tpu.memory_space<semaphore_mem>> -> memref<!tpu.dma_semaphore, #tpu.memory_space<semaphore_mem>>
    %dma_wait3A_567 = arith.constant 0 : i32
    %dma_wait3A_568 = arith.constant 0 : i32
    %dma_wait3A_569 = tpu.memref_slice %arg5[%arg1, %dma_wait3A_563, %dma_wait3A_567, %dma_wait3A_568] : memref<16x3x336x128xf32, #tpu.memory_space<vmem_shared>> -> memref<1x1x336x128xf32, #tpu.memory_space<vmem_shared>>
    %dma_wait3A_570 = tpu.memref_squeeze %dma_wait3A_569 : memref<1x1x336x128xf32, #tpu.memory_space<vmem_shared>> -> memref<336x128xf32, #tpu.memory_space<vmem_shared>>
    %dma_wait3A_571 = arith.constant 2704 : i32
    %dma_wait3A_572 = arith.constant 0 : i32
    %dma_wait3A_573 = tpu.memref_slice %arg2[%add3A_562, %dma_wait3A_571, %dma_wait3A_572] : memref<64x8192x128xf32, #tpu.memory_space<hbm>> -> memref<1x336x128xf32, #tpu.memory_space<hbm>>
    %dma_wait3A_574 = tpu.memref_squeeze %dma_wait3A_573 : memref<1x336x128xf32, #tpu.memory_space<hbm>> -> memref<336x128xf32, #tpu.memory_space<hbm>>
    tpu.wait_dma2 semaphore(%dma_wait3A_566 : memref<!tpu.dma_semaphore, #tpu.memory_space<semaphore_mem>>) src(%dma_wait3A_574 : memref<336x128xf32, #tpu.memory_space<hbm>>) dst(%dma_wait3A_570 : memref<336x128xf32, #tpu.memory_space<vmem_shared>>)
    %mul3A_575 = arith.constant 2 : i32
    %mul3A_576 = arith.muli %add3A, %mul3A_575 : i32
    %add3A_577 = arith.constant 0 : i32
    %add3A_578 = arith.addi %mul3A_576, %add3A_577 : i32
    %dma_start3A_579 = arith.constant 2 : i32
    %dma_start3A_580 = arith.constant 2 : i32
    %dma_start3A_581 = tpu.memref_slice %arg7[%dma_start3A_580] : memref<3x!tpu.dma_semaphore, #tpu.memory_space<semaphore_mem>> -> memref<1x!tpu.dma_semaphore, #tpu.memory_space<semaphore_mem>>
    %dma_start3A_582 = tpu.memref_squeeze %dma_start3A_581 : memref<1x!tpu.dma_semaphore, #tpu.memory_space<semaphore_mem>> -> memref<!tpu.dma_semaphore, #tpu.memory_space<semaphore_mem>>
    %dma_start3A_583 = arith.constant 2688 : i32
    %dma_start3A_584 = arith.constant 0 : i32
    %dma_start3A_585 = tpu.memref_slice %arg4[%add3A_578, %dma_start3A_583, %dma_start3A_584] : memref<64x8192x128xf32, #tpu.memory_space<hbm>> -> memref<1x336x128xf32, #tpu.memory_space<hbm>>
    %dma_start3A_586 = tpu.memref_squeeze %dma_start3A_585 : memref<1x336x128xf32, #tpu.memory_space<hbm>> -> memref<336x128xf32, #tpu.memory_space<hbm>>
    %dma_start3A_587 = arith.constant 0 : i32
    %dma_start3A_588 = arith.constant 0 : i32
    %dma_start3A_589 = tpu.memref_slice %arg5[%arg1, %dma_start3A_579, %dma_start3A_587, %dma_start3A_588] : memref<16x3x336x128xf32, #tpu.memory_space<vmem_shared>> -> memref<1x1x336x128xf32, #tpu.memory_space<vmem_shared>>
    %dma_start3A_590 = tpu.memref_squeeze %dma_start3A_589 : memref<1x1x336x128xf32, #tpu.memory_space<vmem_shared>> -> memref<336x128xf32, #tpu.memory_space<vmem_shared>>
    tpu.enqueue_dma source(%dma_start3A_590 : memref<336x128xf32, #tpu.memory_space<vmem_shared>>) target(%dma_start3A_586 : memref<336x128xf32, #tpu.memory_space<hbm>>) target_semaphore(%dma_start3A_582 : memref<!tpu.dma_semaphore, #tpu.memory_space<semaphore_mem>>)
    %mul3A_591 = arith.constant 2 : i32
    %mul3A_592 = arith.muli %add3A, %mul3A_591 : i32
    %add3A_593 = arith.constant 0 : i32
    %add3A_594 = arith.addi %mul3A_592, %add3A_593 : i32
    %dma_wait3A_595 = arith.constant 2 : i32
    %dma_wait3A_596 = arith.constant 2 : i32
    %dma_wait3A_597 = tpu.memref_slice %arg7[%dma_wait3A_596] : memref<3x!tpu.dma_semaphore, #tpu.memory_space<semaphore_mem>> -> memref<1x!tpu.dma_semaphore, #tpu.memory_space<semaphore_mem>>
    %dma_wait3A_598 = tpu.memref_squeeze %dma_wait3A_597 : memref<1x!tpu.dma_semaphore, #tpu.memory_space<semaphore_mem>> -> memref<!tpu.dma_semaphore, #tpu.memory_space<semaphore_mem>>
    %dma_wait3A_599 = arith.constant 2688 : i32
    %dma_wait3A_600 = arith.constant 0 : i32
    %dma_wait3A_601 = tpu.memref_slice %arg4[%add3A_594, %dma_wait3A_599, %dma_wait3A_600] : memref<64x8192x128xf32, #tpu.memory_space<hbm>> -> memref<1x336x128xf32, #tpu.memory_space<hbm>>
    %dma_wait3A_602 = tpu.memref_squeeze %dma_wait3A_601 : memref<1x336x128xf32, #tpu.memory_space<hbm>> -> memref<336x128xf32, #tpu.memory_space<hbm>>
    %dma_wait3A_603 = arith.constant 0 : i32
    %dma_wait3A_604 = arith.constant 0 : i32
    %dma_wait3A_605 = tpu.memref_slice %arg5[%arg1, %dma_wait3A_595, %dma_wait3A_603, %dma_wait3A_604] : memref<16x3x336x128xf32, #tpu.memory_space<vmem_shared>> -> memref<1x1x336x128xf32, #tpu.memory_space<vmem_shared>>
    %dma_wait3A_606 = tpu.memref_squeeze %dma_wait3A_605 : memref<1x1x336x128xf32, #tpu.memory_space<vmem_shared>> -> memref<336x128xf32, #tpu.memory_space<vmem_shared>>
    tpu.wait_dma2 semaphore(%dma_wait3A_598 : memref<!tpu.dma_semaphore, #tpu.memory_space<semaphore_mem>>) src(%dma_wait3A_606 : memref<336x128xf32, #tpu.memory_space<vmem_shared>>) dst(%dma_wait3A_602 : memref<336x128xf32, #tpu.memory_space<hbm>>)
    %mul3A_607 = arith.constant 2 : i32
    %mul3A_608 = arith.muli %add3A, %mul3A_607 : i32
    %add3A_609 = arith.constant 0 : i32
    %add3A_610 = arith.addi %mul3A_608, %add3A_609 : i32
    %dma_start3A_611 = arith.constant 2 : i32
    %dma_start3A_612 = arith.constant 2 : i32
    %dma_start3A_613 = tpu.memref_slice %arg6[%dma_start3A_612] : memref<3x!tpu.dma_semaphore, #tpu.memory_space<semaphore_mem>> -> memref<1x!tpu.dma_semaphore, #tpu.memory_space<semaphore_mem>>
    %dma_start3A_614 = tpu.memref_squeeze %dma_start3A_613 : memref<1x!tpu.dma_semaphore, #tpu.memory_space<semaphore_mem>> -> memref<!tpu.dma_semaphore, #tpu.memory_space<semaphore_mem>>
    %dma_start3A_615 = arith.constant 0 : i32
    %dma_start3A_616 = arith.constant 0 : i32
    %dma_start3A_617 = tpu.memref_slice %arg5[%arg1, %dma_start3A_611, %dma_start3A_615, %dma_start3A_616] : memref<16x3x336x128xf32, #tpu.memory_space<vmem_shared>> -> memref<1x1x336x128xf32, #tpu.memory_space<vmem_shared>>
    %dma_start3A_618 = tpu.memref_squeeze %dma_start3A_617 : memref<1x1x336x128xf32, #tpu.memory_space<vmem_shared>> -> memref<336x128xf32, #tpu.memory_space<vmem_shared>>
    %dma_start3A_619 = arith.constant 3712 : i32
    %dma_start3A_620 = arith.constant 0 : i32
    %dma_start3A_621 = tpu.memref_slice %arg2[%add3A_610, %dma_start3A_619, %dma_start3A_620] : memref<64x8192x128xf32, #tpu.memory_space<hbm>> -> memref<1x336x128xf32, #tpu.memory_space<hbm>>
    %dma_start3A_622 = tpu.memref_squeeze %dma_start3A_621 : memref<1x336x128xf32, #tpu.memory_space<hbm>> -> memref<336x128xf32, #tpu.memory_space<hbm>>
    tpu.enqueue_dma source(%dma_start3A_622 : memref<336x128xf32, #tpu.memory_space<hbm>>) target(%dma_start3A_618 : memref<336x128xf32, #tpu.memory_space<vmem_shared>>) target_semaphore(%dma_start3A_614 : memref<!tpu.dma_semaphore, #tpu.memory_space<semaphore_mem>>)
    %mul3A_623 = arith.constant 2 : i32
    %mul3A_624 = arith.muli %add3A, %mul3A_623 : i32
    %add3A_625 = arith.constant 0 : i32
    %add3A_626 = arith.addi %mul3A_624, %add3A_625 : i32
    %dma_wait3A_627 = arith.constant 0 : i32
    %dma_wait3A_628 = arith.constant 0 : i32
    %dma_wait3A_629 = tpu.memref_slice %arg6[%dma_wait3A_628] : memref<3x!tpu.dma_semaphore, #tpu.memory_space<semaphore_mem>> -> memref<1x!tpu.dma_semaphore, #tpu.memory_space<semaphore_mem>>
    %dma_wait3A_630 = tpu.memref_squeeze %dma_wait3A_629 : memref<1x!tpu.dma_semaphore, #tpu.memory_space<semaphore_mem>> -> memref<!tpu.dma_semaphore, #tpu.memory_space<semaphore_mem>>
    %dma_wait3A_631 = arith.constant 0 : i32
    %dma_wait3A_632 = arith.constant 0 : i32
    %dma_wait3A_633 = tpu.memref_slice %arg5[%arg1, %dma_wait3A_627, %dma_wait3A_631, %dma_wait3A_632] : memref<16x3x336x128xf32, #tpu.memory_space<vmem_shared>> -> memref<1x1x336x128xf32, #tpu.memory_space<vmem_shared>>
    %dma_wait3A_634 = tpu.memref_squeeze %dma_wait3A_633 : memref<1x1x336x128xf32, #tpu.memory_space<vmem_shared>> -> memref<336x128xf32, #tpu.memory_space<vmem_shared>>
    %dma_wait3A_635 = arith.constant 3040 : i32
    %dma_wait3A_636 = arith.constant 0 : i32
    %dma_wait3A_637 = tpu.memref_slice %arg2[%add3A_626, %dma_wait3A_635, %dma_wait3A_636] : memref<64x8192x128xf32, #tpu.memory_space<hbm>> -> memref<1x336x128xf32, #tpu.memory_space<hbm>>
    %dma_wait3A_638 = tpu.memref_squeeze %dma_wait3A_637 : memref<1x336x128xf32, #tpu.memory_space<hbm>> -> memref<336x128xf32, #tpu.memory_space<hbm>>
    tpu.wait_dma2 semaphore(%dma_wait3A_630 : memref<!tpu.dma_semaphore, #tpu.memory_space<semaphore_mem>>) src(%dma_wait3A_638 : memref<336x128xf32, #tpu.memory_space<hbm>>) dst(%dma_wait3A_634 : memref<336x128xf32, #tpu.memory_space<vmem_shared>>)
    %mul3A_639 = arith.constant 2 : i32
    %mul3A_640 = arith.muli %add3A, %mul3A_639 : i32
    %add3A_641 = arith.constant 0 : i32
    %add3A_642 = arith.addi %mul3A_640, %add3A_641 : i32
    %dma_start3A_643 = arith.constant 0 : i32
    %dma_start3A_644 = arith.constant 0 : i32
    %dma_start3A_645 = tpu.memref_slice %arg7[%dma_start3A_644] : memref<3x!tpu.dma_semaphore, #tpu.memory_space<semaphore_mem>> -> memref<1x!tpu.dma_semaphore, #tpu.memory_space<semaphore_mem>>
    %dma_start3A_646 = tpu.memref_squeeze %dma_start3A_645 : memref<1x!tpu.dma_semaphore, #tpu.memory_space<semaphore_mem>> -> memref<!tpu.dma_semaphore, #tpu.memory_space<semaphore_mem>>
    %dma_start3A_647 = arith.constant 3024 : i32
    %dma_start3A_648 = arith.constant 0 : i32
    %dma_start3A_649 = tpu.memref_slice %arg4[%add3A_642, %dma_start3A_647, %dma_start3A_648] : memref<64x8192x128xf32, #tpu.memory_space<hbm>> -> memref<1x336x128xf32, #tpu.memory_space<hbm>>
    %dma_start3A_650 = tpu.memref_squeeze %dma_start3A_649 : memref<1x336x128xf32, #tpu.memory_space<hbm>> -> memref<336x128xf32, #tpu.memory_space<hbm>>
    %dma_start3A_651 = arith.constant 0 : i32
    %dma_start3A_652 = arith.constant 0 : i32
    %dma_start3A_653 = tpu.memref_slice %arg5[%arg1, %dma_start3A_643, %dma_start3A_651, %dma_start3A_652] : memref<16x3x336x128xf32, #tpu.memory_space<vmem_shared>> -> memref<1x1x336x128xf32, #tpu.memory_space<vmem_shared>>
    %dma_start3A_654 = tpu.memref_squeeze %dma_start3A_653 : memref<1x1x336x128xf32, #tpu.memory_space<vmem_shared>> -> memref<336x128xf32, #tpu.memory_space<vmem_shared>>
    tpu.enqueue_dma source(%dma_start3A_654 : memref<336x128xf32, #tpu.memory_space<vmem_shared>>) target(%dma_start3A_650 : memref<336x128xf32, #tpu.memory_space<hbm>>) target_semaphore(%dma_start3A_646 : memref<!tpu.dma_semaphore, #tpu.memory_space<semaphore_mem>>)
    %mul3A_655 = arith.constant 2 : i32
    %mul3A_656 = arith.muli %add3A, %mul3A_655 : i32
    %add3A_657 = arith.constant 0 : i32
    %add3A_658 = arith.addi %mul3A_656, %add3A_657 : i32
    %dma_wait3A_659 = arith.constant 0 : i32
    %dma_wait3A_660 = arith.constant 0 : i32
    %dma_wait3A_661 = tpu.memref_slice %arg7[%dma_wait3A_660] : memref<3x!tpu.dma_semaphore, #tpu.memory_space<semaphore_mem>> -> memref<1x!tpu.dma_semaphore, #tpu.memory_space<semaphore_mem>>
    %dma_wait3A_662 = tpu.memref_squeeze %dma_wait3A_661 : memref<1x!tpu.dma_semaphore, #tpu.memory_space<semaphore_mem>> -> memref<!tpu.dma_semaphore, #tpu.memory_space<semaphore_mem>>
    %dma_wait3A_663 = arith.constant 3024 : i32
    %dma_wait3A_664 = arith.constant 0 : i32
    %dma_wait3A_665 = tpu.memref_slice %arg4[%add3A_658, %dma_wait3A_663, %dma_wait3A_664] : memref<64x8192x128xf32, #tpu.memory_space<hbm>> -> memref<1x336x128xf32, #tpu.memory_space<hbm>>
    %dma_wait3A_666 = tpu.memref_squeeze %dma_wait3A_665 : memref<1x336x128xf32, #tpu.memory_space<hbm>> -> memref<336x128xf32, #tpu.memory_space<hbm>>
    %dma_wait3A_667 = arith.constant 0 : i32
    %dma_wait3A_668 = arith.constant 0 : i32
    %dma_wait3A_669 = tpu.memref_slice %arg5[%arg1, %dma_wait3A_659, %dma_wait3A_667, %dma_wait3A_668] : memref<16x3x336x128xf32, #tpu.memory_space<vmem_shared>> -> memref<1x1x336x128xf32, #tpu.memory_space<vmem_shared>>
    %dma_wait3A_670 = tpu.memref_squeeze %dma_wait3A_669 : memref<1x1x336x128xf32, #tpu.memory_space<vmem_shared>> -> memref<336x128xf32, #tpu.memory_space<vmem_shared>>
    tpu.wait_dma2 semaphore(%dma_wait3A_662 : memref<!tpu.dma_semaphore, #tpu.memory_space<semaphore_mem>>) src(%dma_wait3A_670 : memref<336x128xf32, #tpu.memory_space<vmem_shared>>) dst(%dma_wait3A_666 : memref<336x128xf32, #tpu.memory_space<hbm>>)
    %mul3A_671 = arith.constant 2 : i32
    %mul3A_672 = arith.muli %add3A, %mul3A_671 : i32
    %add3A_673 = arith.constant 0 : i32
    %add3A_674 = arith.addi %mul3A_672, %add3A_673 : i32
    %dma_start3A_675 = arith.constant 0 : i32
    %dma_start3A_676 = arith.constant 0 : i32
    %dma_start3A_677 = tpu.memref_slice %arg6[%dma_start3A_676] : memref<3x!tpu.dma_semaphore, #tpu.memory_space<semaphore_mem>> -> memref<1x!tpu.dma_semaphore, #tpu.memory_space<semaphore_mem>>
    %dma_start3A_678 = tpu.memref_squeeze %dma_start3A_677 : memref<1x!tpu.dma_semaphore, #tpu.memory_space<semaphore_mem>> -> memref<!tpu.dma_semaphore, #tpu.memory_space<semaphore_mem>>
    %dma_start3A_679 = arith.constant 0 : i32
    %dma_start3A_680 = arith.constant 0 : i32
    %dma_start3A_681 = tpu.memref_slice %arg5[%arg1, %dma_start3A_675, %dma_start3A_679, %dma_start3A_680] : memref<16x3x336x128xf32, #tpu.memory_space<vmem_shared>> -> memref<1x1x336x128xf32, #tpu.memory_space<vmem_shared>>
    %dma_start3A_682 = tpu.memref_squeeze %dma_start3A_681 : memref<1x1x336x128xf32, #tpu.memory_space<vmem_shared>> -> memref<336x128xf32, #tpu.memory_space<vmem_shared>>
    %dma_start3A_683 = arith.constant 4048 : i32
    %dma_start3A_684 = arith.constant 0 : i32
    %dma_start3A_685 = tpu.memref_slice %arg2[%add3A_674, %dma_start3A_683, %dma_start3A_684] : memref<64x8192x128xf32, #tpu.memory_space<hbm>> -> memref<1x336x128xf32, #tpu.memory_space<hbm>>
    %dma_start3A_686 = tpu.memref_squeeze %dma_start3A_685 : memref<1x336x128xf32, #tpu.memory_space<hbm>> -> memref<336x128xf32, #tpu.memory_space<hbm>>
    tpu.enqueue_dma source(%dma_start3A_686 : memref<336x128xf32, #tpu.memory_space<hbm>>) target(%dma_start3A_682 : memref<336x128xf32, #tpu.memory_space<vmem_shared>>) target_semaphore(%dma_start3A_678 : memref<!tpu.dma_semaphore, #tpu.memory_space<semaphore_mem>>)
    %mul3A_687 = arith.constant 2 : i32
    %mul3A_688 = arith.muli %add3A, %mul3A_687 : i32
    %add3A_689 = arith.constant 0 : i32
    %add3A_690 = arith.addi %mul3A_688, %add3A_689 : i32
    %dma_wait3A_691 = arith.constant 1 : i32
    %dma_wait3A_692 = arith.constant 1 : i32
    %dma_wait3A_693 = tpu.memref_slice %arg6[%dma_wait3A_692] : memref<3x!tpu.dma_semaphore, #tpu.memory_space<semaphore_mem>> -> memref<1x!tpu.dma_semaphore, #tpu.memory_space<semaphore_mem>>
    %dma_wait3A_694 = tpu.memref_squeeze %dma_wait3A_693 : memref<1x!tpu.dma_semaphore, #tpu.memory_space<semaphore_mem>> -> memref<!tpu.dma_semaphore, #tpu.memory_space<semaphore_mem>>
    %dma_wait3A_695 = arith.constant 0 : i32
    %dma_wait3A_696 = arith.constant 0 : i32
    %dma_wait3A_697 = tpu.memref_slice %arg5[%arg1, %dma_wait3A_691, %dma_wait3A_695, %dma_wait3A_696] : memref<16x3x336x128xf32, #tpu.memory_space<vmem_shared>> -> memref<1x1x336x128xf32, #tpu.memory_space<vmem_shared>>
    %dma_wait3A_698 = tpu.memref_squeeze %dma_wait3A_697 : memref<1x1x336x128xf32, #tpu.memory_space<vmem_shared>> -> memref<336x128xf32, #tpu.memory_space<vmem_shared>>
    %dma_wait3A_699 = arith.constant 3376 : i32
    %dma_wait3A_700 = arith.constant 0 : i32
    %dma_wait3A_701 = tpu.memref_slice %arg2[%add3A_690, %dma_wait3A_699, %dma_wait3A_700] : memref<64x8192x128xf32, #tpu.memory_space<hbm>> -> memref<1x336x128xf32, #tpu.memory_space<hbm>>
    %dma_wait3A_702 = tpu.memref_squeeze %dma_wait3A_701 : memref<1x336x128xf32, #tpu.memory_space<hbm>> -> memref<336x128xf32, #tpu.memory_space<hbm>>
    tpu.wait_dma2 semaphore(%dma_wait3A_694 : memref<!tpu.dma_semaphore, #tpu.memory_space<semaphore_mem>>) src(%dma_wait3A_702 : memref<336x128xf32, #tpu.memory_space<hbm>>) dst(%dma_wait3A_698 : memref<336x128xf32, #tpu.memory_space<vmem_shared>>)
    %mul3A_703 = arith.constant 2 : i32
    %mul3A_704 = arith.muli %add3A, %mul3A_703 : i32
    %add3A_705 = arith.constant 0 : i32
    %add3A_706 = arith.addi %mul3A_704, %add3A_705 : i32
    %dma_start3A_707 = arith.constant 1 : i32
    %dma_start3A_708 = arith.constant 1 : i32
    %dma_start3A_709 = tpu.memref_slice %arg7[%dma_start3A_708] : memref<3x!tpu.dma_semaphore, #tpu.memory_space<semaphore_mem>> -> memref<1x!tpu.dma_semaphore, #tpu.memory_space<semaphore_mem>>
    %dma_start3A_710 = tpu.memref_squeeze %dma_start3A_709 : memref<1x!tpu.dma_semaphore, #tpu.memory_space<semaphore_mem>> -> memref<!tpu.dma_semaphore, #tpu.memory_space<semaphore_mem>>
    %dma_start3A_711 = arith.constant 3360 : i32
    %dma_start3A_712 = arith.constant 0 : i32
    %dma_start3A_713 = tpu.memref_slice %arg4[%add3A_706, %dma_start3A_711, %dma_start3A_712] : memref<64x8192x128xf32, #tpu.memory_space<hbm>> -> memref<1x336x128xf32, #tpu.memory_space<hbm>>
    %dma_start3A_714 = tpu.memref_squeeze %dma_start3A_713 : memref<1x336x128xf32, #tpu.memory_space<hbm>> -> memref<336x128xf32, #tpu.memory_space<hbm>>
    %dma_start3A_715 = arith.constant 0 : i32
    %dma_start3A_716 = arith.constant 0 : i32
    %dma_start3A_717 = tpu.memref_slice %arg5[%arg1, %dma_start3A_707, %dma_start3A_715, %dma_start3A_716] : memref<16x3x336x128xf32, #tpu.memory_space<vmem_shared>> -> memref<1x1x336x128xf32, #tpu.memory_space<vmem_shared>>
    %dma_start3A_718 = tpu.memref_squeeze %dma_start3A_717 : memref<1x1x336x128xf32, #tpu.memory_space<vmem_shared>> -> memref<336x128xf32, #tpu.memory_space<vmem_shared>>
    tpu.enqueue_dma source(%dma_start3A_718 : memref<336x128xf32, #tpu.memory_space<vmem_shared>>) target(%dma_start3A_714 : memref<336x128xf32, #tpu.memory_space<hbm>>) target_semaphore(%dma_start3A_710 : memref<!tpu.dma_semaphore, #tpu.memory_space<semaphore_mem>>)
    %mul3A_719 = arith.constant 2 : i32
    %mul3A_720 = arith.muli %add3A, %mul3A_719 : i32
    %add3A_721 = arith.constant 0 : i32
    %add3A_722 = arith.addi %mul3A_720, %add3A_721 : i32
    %dma_wait3A_723 = arith.constant 1 : i32
    %dma_wait3A_724 = arith.constant 1 : i32
    %dma_wait3A_725 = tpu.memref_slice %arg7[%dma_wait3A_724] : memref<3x!tpu.dma_semaphore, #tpu.memory_space<semaphore_mem>> -> memref<1x!tpu.dma_semaphore, #tpu.memory_space<semaphore_mem>>
    %dma_wait3A_726 = tpu.memref_squeeze %dma_wait3A_725 : memref<1x!tpu.dma_semaphore, #tpu.memory_space<semaphore_mem>> -> memref<!tpu.dma_semaphore, #tpu.memory_space<semaphore_mem>>
    %dma_wait3A_727 = arith.constant 3360 : i32
    %dma_wait3A_728 = arith.constant 0 : i32
    %dma_wait3A_729 = tpu.memref_slice %arg4[%add3A_722, %dma_wait3A_727, %dma_wait3A_728] : memref<64x8192x128xf32, #tpu.memory_space<hbm>> -> memref<1x336x128xf32, #tpu.memory_space<hbm>>
    %dma_wait3A_730 = tpu.memref_squeeze %dma_wait3A_729 : memref<1x336x128xf32, #tpu.memory_space<hbm>> -> memref<336x128xf32, #tpu.memory_space<hbm>>
    %dma_wait3A_731 = arith.constant 0 : i32
    %dma_wait3A_732 = arith.constant 0 : i32
    %dma_wait3A_733 = tpu.memref_slice %arg5[%arg1, %dma_wait3A_723, %dma_wait3A_731, %dma_wait3A_732] : memref<16x3x336x128xf32, #tpu.memory_space<vmem_shared>> -> memref<1x1x336x128xf32, #tpu.memory_space<vmem_shared>>
    %dma_wait3A_734 = tpu.memref_squeeze %dma_wait3A_733 : memref<1x1x336x128xf32, #tpu.memory_space<vmem_shared>> -> memref<336x128xf32, #tpu.memory_space<vmem_shared>>
    tpu.wait_dma2 semaphore(%dma_wait3A_726 : memref<!tpu.dma_semaphore, #tpu.memory_space<semaphore_mem>>) src(%dma_wait3A_734 : memref<336x128xf32, #tpu.memory_space<vmem_shared>>) dst(%dma_wait3A_730 : memref<336x128xf32, #tpu.memory_space<hbm>>)
    %mul3A_735 = arith.constant 2 : i32
    %mul3A_736 = arith.muli %add3A, %mul3A_735 : i32
    %add3A_737 = arith.constant 0 : i32
    %add3A_738 = arith.addi %mul3A_736, %add3A_737 : i32
    %dma_start3A_739 = arith.constant 1 : i32
    %dma_start3A_740 = arith.constant 1 : i32
    %dma_start3A_741 = tpu.memref_slice %arg6[%dma_start3A_740] : memref<3x!tpu.dma_semaphore, #tpu.memory_space<semaphore_mem>> -> memref<1x!tpu.dma_semaphore, #tpu.memory_space<semaphore_mem>>
    %dma_start3A_742 = tpu.memref_squeeze %dma_start3A_741 : memref<1x!tpu.dma_semaphore, #tpu.memory_space<semaphore_mem>> -> memref<!tpu.dma_semaphore, #tpu.memory_space<semaphore_mem>>
    %dma_start3A_743 = arith.constant 0 : i32
    %dma_start3A_744 = arith.constant 0 : i32
    %dma_start3A_745 = tpu.memref_slice %arg5[%arg1, %dma_start3A_739, %dma_start3A_743, %dma_start3A_744] : memref<16x3x336x128xf32, #tpu.memory_space<vmem_shared>> -> memref<1x1x336x128xf32, #tpu.memory_space<vmem_shared>>
    %dma_start3A_746 = tpu.memref_squeeze %dma_start3A_745 : memref<1x1x336x128xf32, #tpu.memory_space<vmem_shared>> -> memref<336x128xf32, #tpu.memory_space<vmem_shared>>
    %dma_start3A_747 = arith.constant 4384 : i32
    %dma_start3A_748 = arith.constant 0 : i32
    %dma_start3A_749 = tpu.memref_slice %arg2[%add3A_738, %dma_start3A_747, %dma_start3A_748] : memref<64x8192x128xf32, #tpu.memory_space<hbm>> -> memref<1x336x128xf32, #tpu.memory_space<hbm>>
    %dma_start3A_750 = tpu.memref_squeeze %dma_start3A_749 : memref<1x336x128xf32, #tpu.memory_space<hbm>> -> memref<336x128xf32, #tpu.memory_space<hbm>>
    tpu.enqueue_dma source(%dma_start3A_750 : memref<336x128xf32, #tpu.memory_space<hbm>>) target(%dma_start3A_746 : memref<336x128xf32, #tpu.memory_space<vmem_shared>>) target_semaphore(%dma_start3A_742 : memref<!tpu.dma_semaphore, #tpu.memory_space<semaphore_mem>>)
    %mul3A_751 = arith.constant 2 : i32
    %mul3A_752 = arith.muli %add3A, %mul3A_751 : i32
    %add3A_753 = arith.constant 0 : i32
    %add3A_754 = arith.addi %mul3A_752, %add3A_753 : i32
    %dma_wait3A_755 = arith.constant 2 : i32
    %dma_wait3A_756 = arith.constant 2 : i32
    %dma_wait3A_757 = tpu.memref_slice %arg6[%dma_wait3A_756] : memref<3x!tpu.dma_semaphore, #tpu.memory_space<semaphore_mem>> -> memref<1x!tpu.dma_semaphore, #tpu.memory_space<semaphore_mem>>
    %dma_wait3A_758 = tpu.memref_squeeze %dma_wait3A_757 : memref<1x!tpu.dma_semaphore, #tpu.memory_space<semaphore_mem>> -> memref<!tpu.dma_semaphore, #tpu.memory_space<semaphore_mem>>
    %dma_wait3A_759 = arith.constant 0 : i32
    %dma_wait3A_760 = arith.constant 0 : i32
    %dma_wait3A_761 = tpu.memref_slice %arg5[%arg1, %dma_wait3A_755, %dma_wait3A_759, %dma_wait3A_760] : memref<16x3x336x128xf32, #tpu.memory_space<vmem_shared>> -> memref<1x1x336x128xf32, #tpu.memory_space<vmem_shared>>
    %dma_wait3A_762 = tpu.memref_squeeze %dma_wait3A_761 : memref<1x1x336x128xf32, #tpu.memory_space<vmem_shared>> -> memref<336x128xf32, #tpu.memory_space<vmem_shared>>
    %dma_wait3A_763 = arith.constant 3712 : i32
    %dma_wait3A_764 = arith.constant 0 : i32
    %dma_wait3A_765 = tpu.memref_slice %arg2[%add3A_754, %dma_wait3A_763, %dma_wait3A_764] : memref<64x8192x128xf32, #tpu.memory_space<hbm>> -> memref<1x336x128xf32, #tpu.memory_space<hbm>>
    %dma_wait3A_766 = tpu.memref_squeeze %dma_wait3A_765 : memref<1x336x128xf32, #tpu.memory_space<hbm>> -> memref<336x128xf32, #tpu.memory_space<hbm>>
    tpu.wait_dma2 semaphore(%dma_wait3A_758 : memref<!tpu.dma_semaphore, #tpu.memory_space<semaphore_mem>>) src(%dma_wait3A_766 : memref<336x128xf32, #tpu.memory_space<hbm>>) dst(%dma_wait3A_762 : memref<336x128xf32, #tpu.memory_space<vmem_shared>>)
    %mul3A_767 = arith.constant 2 : i32
    %mul3A_768 = arith.muli %add3A, %mul3A_767 : i32
    %add3A_769 = arith.constant 0 : i32
    %add3A_770 = arith.addi %mul3A_768, %add3A_769 : i32
    %dma_start3A_771 = arith.constant 2 : i32
    %dma_start3A_772 = arith.constant 2 : i32
    %dma_start3A_773 = tpu.memref_slice %arg7[%dma_start3A_772] : memref<3x!tpu.dma_semaphore, #tpu.memory_space<semaphore_mem>> -> memref<1x!tpu.dma_semaphore, #tpu.memory_space<semaphore_mem>>
    %dma_start3A_774 = tpu.memref_squeeze %dma_start3A_773 : memref<1x!tpu.dma_semaphore, #tpu.memory_space<semaphore_mem>> -> memref<!tpu.dma_semaphore, #tpu.memory_space<semaphore_mem>>
    %dma_start3A_775 = arith.constant 3696 : i32
    %dma_start3A_776 = arith.constant 0 : i32
    %dma_start3A_777 = tpu.memref_slice %arg4[%add3A_770, %dma_start3A_775, %dma_start3A_776] : memref<64x8192x128xf32, #tpu.memory_space<hbm>> -> memref<1x336x128xf32, #tpu.memory_space<hbm>>
    %dma_start3A_778 = tpu.memref_squeeze %dma_start3A_777 : memref<1x336x128xf32, #tpu.memory_space<hbm>> -> memref<336x128xf32, #tpu.memory_space<hbm>>
    %dma_start3A_779 = arith.constant 0 : i32
    %dma_start3A_780 = arith.constant 0 : i32
    %dma_start3A_781 = tpu.memref_slice %arg5[%arg1, %dma_start3A_771, %dma_start3A_779, %dma_start3A_780] : memref<16x3x336x128xf32, #tpu.memory_space<vmem_shared>> -> memref<1x1x336x128xf32, #tpu.memory_space<vmem_shared>>
    %dma_start3A_782 = tpu.memref_squeeze %dma_start3A_781 : memref<1x1x336x128xf32, #tpu.memory_space<vmem_shared>> -> memref<336x128xf32, #tpu.memory_space<vmem_shared>>
    tpu.enqueue_dma source(%dma_start3A_782 : memref<336x128xf32, #tpu.memory_space<vmem_shared>>) target(%dma_start3A_778 : memref<336x128xf32, #tpu.memory_space<hbm>>) target_semaphore(%dma_start3A_774 : memref<!tpu.dma_semaphore, #tpu.memory_space<semaphore_mem>>)
    %mul3A_783 = arith.constant 2 : i32
    %mul3A_784 = arith.muli %add3A, %mul3A_783 : i32
    %add3A_785 = arith.constant 0 : i32
    %add3A_786 = arith.addi %mul3A_784, %add3A_785 : i32
    %dma_wait3A_787 = arith.constant 2 : i32
    %dma_wait3A_788 = arith.constant 2 : i32
    %dma_wait3A_789 = tpu.memref_slice %arg7[%dma_wait3A_788] : memref<3x!tpu.dma_semaphore, #tpu.memory_space<semaphore_mem>> -> memref<1x!tpu.dma_semaphore, #tpu.memory_space<semaphore_mem>>
    %dma_wait3A_790 = tpu.memref_squeeze %dma_wait3A_789 : memref<1x!tpu.dma_semaphore, #tpu.memory_space<semaphore_mem>> -> memref<!tpu.dma_semaphore, #tpu.memory_space<semaphore_mem>>
    %dma_wait3A_791 = arith.constant 3696 : i32
    %dma_wait3A_792 = arith.constant 0 : i32
    %dma_wait3A_793 = tpu.memref_slice %arg4[%add3A_786, %dma_wait3A_791, %dma_wait3A_792] : memref<64x8192x128xf32, #tpu.memory_space<hbm>> -> memref<1x336x128xf32, #tpu.memory_space<hbm>>
    %dma_wait3A_794 = tpu.memref_squeeze %dma_wait3A_793 : memref<1x336x128xf32, #tpu.memory_space<hbm>> -> memref<336x128xf32, #tpu.memory_space<hbm>>
    %dma_wait3A_795 = arith.constant 0 : i32
    %dma_wait3A_796 = arith.constant 0 : i32
    %dma_wait3A_797 = tpu.memref_slice %arg5[%arg1, %dma_wait3A_787, %dma_wait3A_795, %dma_wait3A_796] : memref<16x3x336x128xf32, #tpu.memory_space<vmem_shared>> -> memref<1x1x336x128xf32, #tpu.memory_space<vmem_shared>>
    %dma_wait3A_798 = tpu.memref_squeeze %dma_wait3A_797 : memref<1x1x336x128xf32, #tpu.memory_space<vmem_shared>> -> memref<336x128xf32, #tpu.memory_space<vmem_shared>>
    tpu.wait_dma2 semaphore(%dma_wait3A_790 : memref<!tpu.dma_semaphore, #tpu.memory_space<semaphore_mem>>) src(%dma_wait3A_798 : memref<336x128xf32, #tpu.memory_space<vmem_shared>>) dst(%dma_wait3A_794 : memref<336x128xf32, #tpu.memory_space<hbm>>)
    %mul3A_799 = arith.constant 2 : i32
    %mul3A_800 = arith.muli %add3A, %mul3A_799 : i32
    %add3A_801 = arith.constant 0 : i32
    %add3A_802 = arith.addi %mul3A_800, %add3A_801 : i32
    %dma_start3A_803 = arith.constant 2 : i32
    %dma_start3A_804 = arith.constant 2 : i32
    %dma_start3A_805 = tpu.memref_slice %arg6[%dma_start3A_804] : memref<3x!tpu.dma_semaphore, #tpu.memory_space<semaphore_mem>> -> memref<1x!tpu.dma_semaphore, #tpu.memory_space<semaphore_mem>>
    %dma_start3A_806 = tpu.memref_squeeze %dma_start3A_805 : memref<1x!tpu.dma_semaphore, #tpu.memory_space<semaphore_mem>> -> memref<!tpu.dma_semaphore, #tpu.memory_space<semaphore_mem>>
    %dma_start3A_807 = arith.constant 0 : i32
    %dma_start3A_808 = arith.constant 0 : i32
    %dma_start3A_809 = tpu.memref_slice %arg5[%arg1, %dma_start3A_803, %dma_start3A_807, %dma_start3A_808] : memref<16x3x336x128xf32, #tpu.memory_space<vmem_shared>> -> memref<1x1x336x128xf32, #tpu.memory_space<vmem_shared>>
    %dma_start3A_810 = tpu.memref_squeeze %dma_start3A_809 : memref<1x1x336x128xf32, #tpu.memory_space<vmem_shared>> -> memref<336x128xf32, #tpu.memory_space<vmem_shared>>
    %dma_start3A_811 = arith.constant 4720 : i32
    %dma_start3A_812 = arith.constant 0 : i32
    %dma_start3A_813 = tpu.memref_slice %arg2[%add3A_802, %dma_start3A_811, %dma_start3A_812] : memref<64x8192x128xf32, #tpu.memory_space<hbm>> -> memref<1x336x128xf32, #tpu.memory_space<hbm>>
    %dma_start3A_814 = tpu.memref_squeeze %dma_start3A_813 : memref<1x336x128xf32, #tpu.memory_space<hbm>> -> memref<336x128xf32, #tpu.memory_space<hbm>>
    tpu.enqueue_dma source(%dma_start3A_814 : memref<336x128xf32, #tpu.memory_space<hbm>>) target(%dma_start3A_810 : memref<336x128xf32, #tpu.memory_space<vmem_shared>>) target_semaphore(%dma_start3A_806 : memref<!tpu.dma_semaphore, #tpu.memory_space<semaphore_mem>>)
    %mul3A_815 = arith.constant 2 : i32
    %mul3A_816 = arith.muli %add3A, %mul3A_815 : i32
    %add3A_817 = arith.constant 0 : i32
    %add3A_818 = arith.addi %mul3A_816, %add3A_817 : i32
    %dma_wait3A_819 = arith.constant 0 : i32
    %dma_wait3A_820 = arith.constant 0 : i32
    %dma_wait3A_821 = tpu.memref_slice %arg6[%dma_wait3A_820] : memref<3x!tpu.dma_semaphore, #tpu.memory_space<semaphore_mem>> -> memref<1x!tpu.dma_semaphore, #tpu.memory_space<semaphore_mem>>
    %dma_wait3A_822 = tpu.memref_squeeze %dma_wait3A_821 : memref<1x!tpu.dma_semaphore, #tpu.memory_space<semaphore_mem>> -> memref<!tpu.dma_semaphore, #tpu.memory_space<semaphore_mem>>
    %dma_wait3A_823 = arith.constant 0 : i32
    %dma_wait3A_824 = arith.constant 0 : i32
    %dma_wait3A_825 = tpu.memref_slice %arg5[%arg1, %dma_wait3A_819, %dma_wait3A_823, %dma_wait3A_824] : memref<16x3x336x128xf32, #tpu.memory_space<vmem_shared>> -> memref<1x1x336x128xf32, #tpu.memory_space<vmem_shared>>
    %dma_wait3A_826 = tpu.memref_squeeze %dma_wait3A_825 : memref<1x1x336x128xf32, #tpu.memory_space<vmem_shared>> -> memref<336x128xf32, #tpu.memory_space<vmem_shared>>
    %dma_wait3A_827 = arith.constant 4048 : i32
    %dma_wait3A_828 = arith.constant 0 : i32
    %dma_wait3A_829 = tpu.memref_slice %arg2[%add3A_818, %dma_wait3A_827, %dma_wait3A_828] : memref<64x8192x128xf32, #tpu.memory_space<hbm>> -> memref<1x336x128xf32, #tpu.memory_space<hbm>>
    %dma_wait3A_830 = tpu.memref_squeeze %dma_wait3A_829 : memref<1x336x128xf32, #tpu.memory_space<hbm>> -> memref<336x128xf32, #tpu.memory_space<hbm>>
    tpu.wait_dma2 semaphore(%dma_wait3A_822 : memref<!tpu.dma_semaphore, #tpu.memory_space<semaphore_mem>>) src(%dma_wait3A_830 : memref<336x128xf32, #tpu.memory_space<hbm>>) dst(%dma_wait3A_826 : memref<336x128xf32, #tpu.memory_space<vmem_shared>>)
    %mul3A_831 = arith.constant 2 : i32
    %mul3A_832 = arith.muli %add3A, %mul3A_831 : i32
    %add3A_833 = arith.constant 0 : i32
    %add3A_834 = arith.addi %mul3A_832, %add3A_833 : i32
    %dma_start3A_835 = arith.constant 0 : i32
    %dma_start3A_836 = arith.constant 0 : i32
    %dma_start3A_837 = tpu.memref_slice %arg7[%dma_start3A_836] : memref<3x!tpu.dma_semaphore, #tpu.memory_space<semaphore_mem>> -> memref<1x!tpu.dma_semaphore, #tpu.memory_space<semaphore_mem>>
    %dma_start3A_838 = tpu.memref_squeeze %dma_start3A_837 : memref<1x!tpu.dma_semaphore, #tpu.memory_space<semaphore_mem>> -> memref<!tpu.dma_semaphore, #tpu.memory_space<semaphore_mem>>
    %dma_start3A_839 = arith.constant 4032 : i32
    %dma_start3A_840 = arith.constant 0 : i32
    %dma_start3A_841 = tpu.memref_slice %arg4[%add3A_834, %dma_start3A_839, %dma_start3A_840] : memref<64x8192x128xf32, #tpu.memory_space<hbm>> -> memref<1x336x128xf32, #tpu.memory_space<hbm>>
    %dma_start3A_842 = tpu.memref_squeeze %dma_start3A_841 : memref<1x336x128xf32, #tpu.memory_space<hbm>> -> memref<336x128xf32, #tpu.memory_space<hbm>>
    %dma_start3A_843 = arith.constant 0 : i32
    %dma_start3A_844 = arith.constant 0 : i32
    %dma_start3A_845 = tpu.memref_slice %arg5[%arg1, %dma_start3A_835, %dma_start3A_843, %dma_start3A_844] : memref<16x3x336x128xf32, #tpu.memory_space<vmem_shared>> -> memref<1x1x336x128xf32, #tpu.memory_space<vmem_shared>>
    %dma_start3A_846 = tpu.memref_squeeze %dma_start3A_845 : memref<1x1x336x128xf32, #tpu.memory_space<vmem_shared>> -> memref<336x128xf32, #tpu.memory_space<vmem_shared>>
    tpu.enqueue_dma source(%dma_start3A_846 : memref<336x128xf32, #tpu.memory_space<vmem_shared>>) target(%dma_start3A_842 : memref<336x128xf32, #tpu.memory_space<hbm>>) target_semaphore(%dma_start3A_838 : memref<!tpu.dma_semaphore, #tpu.memory_space<semaphore_mem>>)
    %mul3A_847 = arith.constant 2 : i32
    %mul3A_848 = arith.muli %add3A, %mul3A_847 : i32
    %add3A_849 = arith.constant 0 : i32
    %add3A_850 = arith.addi %mul3A_848, %add3A_849 : i32
    %dma_wait3A_851 = arith.constant 0 : i32
    %dma_wait3A_852 = arith.constant 0 : i32
    %dma_wait3A_853 = tpu.memref_slice %arg7[%dma_wait3A_852] : memref<3x!tpu.dma_semaphore, #tpu.memory_space<semaphore_mem>> -> memref<1x!tpu.dma_semaphore, #tpu.memory_space<semaphore_mem>>
    %dma_wait3A_854 = tpu.memref_squeeze %dma_wait3A_853 : memref<1x!tpu.dma_semaphore, #tpu.memory_space<semaphore_mem>> -> memref<!tpu.dma_semaphore, #tpu.memory_space<semaphore_mem>>
    %dma_wait3A_855 = arith.constant 4032 : i32
    %dma_wait3A_856 = arith.constant 0 : i32
    %dma_wait3A_857 = tpu.memref_slice %arg4[%add3A_850, %dma_wait3A_855, %dma_wait3A_856] : memref<64x8192x128xf32, #tpu.memory_space<hbm>> -> memref<1x336x128xf32, #tpu.memory_space<hbm>>
    %dma_wait3A_858 = tpu.memref_squeeze %dma_wait3A_857 : memref<1x336x128xf32, #tpu.memory_space<hbm>> -> memref<336x128xf32, #tpu.memory_space<hbm>>
    %dma_wait3A_859 = arith.constant 0 : i32
    %dma_wait3A_860 = arith.constant 0 : i32
    %dma_wait3A_861 = tpu.memref_slice %arg5[%arg1, %dma_wait3A_851, %dma_wait3A_859, %dma_wait3A_860] : memref<16x3x336x128xf32, #tpu.memory_space<vmem_shared>> -> memref<1x1x336x128xf32, #tpu.memory_space<vmem_shared>>
    %dma_wait3A_862 = tpu.memref_squeeze %dma_wait3A_861 : memref<1x1x336x128xf32, #tpu.memory_space<vmem_shared>> -> memref<336x128xf32, #tpu.memory_space<vmem_shared>>
    tpu.wait_dma2 semaphore(%dma_wait3A_854 : memref<!tpu.dma_semaphore, #tpu.memory_space<semaphore_mem>>) src(%dma_wait3A_862 : memref<336x128xf32, #tpu.memory_space<vmem_shared>>) dst(%dma_wait3A_858 : memref<336x128xf32, #tpu.memory_space<hbm>>)
    %mul3A_863 = arith.constant 2 : i32
    %mul3A_864 = arith.muli %add3A, %mul3A_863 : i32
    %add3A_865 = arith.constant 0 : i32
    %add3A_866 = arith.addi %mul3A_864, %add3A_865 : i32
    %dma_start3A_867 = arith.constant 0 : i32
    %dma_start3A_868 = arith.constant 0 : i32
    %dma_start3A_869 = tpu.memref_slice %arg6[%dma_start3A_868] : memref<3x!tpu.dma_semaphore, #tpu.memory_space<semaphore_mem>> -> memref<1x!tpu.dma_semaphore, #tpu.memory_space<semaphore_mem>>
    %dma_start3A_870 = tpu.memref_squeeze %dma_start3A_869 : memref<1x!tpu.dma_semaphore, #tpu.memory_space<semaphore_mem>> -> memref<!tpu.dma_semaphore, #tpu.memory_space<semaphore_mem>>
    %dma_start3A_871 = arith.constant 0 : i32
    %dma_start3A_872 = arith.constant 0 : i32
    %dma_start3A_873 = tpu.memref_slice %arg5[%arg1, %dma_start3A_867, %dma_start3A_871, %dma_start3A_872] : memref<16x3x336x128xf32, #tpu.memory_space<vmem_shared>> -> memref<1x1x336x128xf32, #tpu.memory_space<vmem_shared>>
    %dma_start3A_874 = tpu.memref_squeeze %dma_start3A_873 : memref<1x1x336x128xf32, #tpu.memory_space<vmem_shared>> -> memref<336x128xf32, #tpu.memory_space<vmem_shared>>
    %dma_start3A_875 = arith.constant 5056 : i32
    %dma_start3A_876 = arith.constant 0 : i32
    %dma_start3A_877 = tpu.memref_slice %arg2[%add3A_866, %dma_start3A_875, %dma_start3A_876] : memref<64x8192x128xf32, #tpu.memory_space<hbm>> -> memref<1x336x128xf32, #tpu.memory_space<hbm>>
    %dma_start3A_878 = tpu.memref_squeeze %dma_start3A_877 : memref<1x336x128xf32, #tpu.memory_space<hbm>> -> memref<336x128xf32, #tpu.memory_space<hbm>>
    tpu.enqueue_dma source(%dma_start3A_878 : memref<336x128xf32, #tpu.memory_space<hbm>>) target(%dma_start3A_874 : memref<336x128xf32, #tpu.memory_space<vmem_shared>>) target_semaphore(%dma_start3A_870 : memref<!tpu.dma_semaphore, #tpu.memory_space<semaphore_mem>>)
    %mul3A_879 = arith.constant 2 : i32
    %mul3A_880 = arith.muli %add3A, %mul3A_879 : i32
    %add3A_881 = arith.constant 0 : i32
    %add3A_882 = arith.addi %mul3A_880, %add3A_881 : i32
    %dma_wait3A_883 = arith.constant 1 : i32
    %dma_wait3A_884 = arith.constant 1 : i32
    %dma_wait3A_885 = tpu.memref_slice %arg6[%dma_wait3A_884] : memref<3x!tpu.dma_semaphore, #tpu.memory_space<semaphore_mem>> -> memref<1x!tpu.dma_semaphore, #tpu.memory_space<semaphore_mem>>
    %dma_wait3A_886 = tpu.memref_squeeze %dma_wait3A_885 : memref<1x!tpu.dma_semaphore, #tpu.memory_space<semaphore_mem>> -> memref<!tpu.dma_semaphore, #tpu.memory_space<semaphore_mem>>
    %dma_wait3A_887 = arith.constant 0 : i32
    %dma_wait3A_888 = arith.constant 0 : i32
    %dma_wait3A_889 = tpu.memref_slice %arg5[%arg1, %dma_wait3A_883, %dma_wait3A_887, %dma_wait3A_888] : memref<16x3x336x128xf32, #tpu.memory_space<vmem_shared>> -> memref<1x1x336x128xf32, #tpu.memory_space<vmem_shared>>
    %dma_wait3A_890 = tpu.memref_squeeze %dma_wait3A_889 : memref<1x1x336x128xf32, #tpu.memory_space<vmem_shared>> -> memref<336x128xf32, #tpu.memory_space<vmem_shared>>
    %dma_wait3A_891 = arith.constant 4384 : i32
    %dma_wait3A_892 = arith.constant 0 : i32
    %dma_wait3A_893 = tpu.memref_slice %arg2[%add3A_882, %dma_wait3A_891, %dma_wait3A_892] : memref<64x8192x128xf32, #tpu.memory_space<hbm>> -> memref<1x336x128xf32, #tpu.memory_space<hbm>>
    %dma_wait3A_894 = tpu.memref_squeeze %dma_wait3A_893 : memref<1x336x128xf32, #tpu.memory_space<hbm>> -> memref<336x128xf32, #tpu.memory_space<hbm>>
    tpu.wait_dma2 semaphore(%dma_wait3A_886 : memref<!tpu.dma_semaphore, #tpu.memory_space<semaphore_mem>>) src(%dma_wait3A_894 : memref<336x128xf32, #tpu.memory_space<hbm>>) dst(%dma_wait3A_890 : memref<336x128xf32, #tpu.memory_space<vmem_shared>>)
    %mul3A_895 = arith.constant 2 : i32
    %mul3A_896 = arith.muli %add3A, %mul3A_895 : i32
    %add3A_897 = arith.constant 0 : i32
    %add3A_898 = arith.addi %mul3A_896, %add3A_897 : i32
    %dma_start3A_899 = arith.constant 1 : i32
    %dma_start3A_900 = arith.constant 1 : i32
    %dma_start3A_901 = tpu.memref_slice %arg7[%dma_start3A_900] : memref<3x!tpu.dma_semaphore, #tpu.memory_space<semaphore_mem>> -> memref<1x!tpu.dma_semaphore, #tpu.memory_space<semaphore_mem>>
    %dma_start3A_902 = tpu.memref_squeeze %dma_start3A_901 : memref<1x!tpu.dma_semaphore, #tpu.memory_space<semaphore_mem>> -> memref<!tpu.dma_semaphore, #tpu.memory_space<semaphore_mem>>
    %dma_start3A_903 = arith.constant 4368 : i32
    %dma_start3A_904 = arith.constant 0 : i32
    %dma_start3A_905 = tpu.memref_slice %arg4[%add3A_898, %dma_start3A_903, %dma_start3A_904] : memref<64x8192x128xf32, #tpu.memory_space<hbm>> -> memref<1x336x128xf32, #tpu.memory_space<hbm>>
    %dma_start3A_906 = tpu.memref_squeeze %dma_start3A_905 : memref<1x336x128xf32, #tpu.memory_space<hbm>> -> memref<336x128xf32, #tpu.memory_space<hbm>>
    %dma_start3A_907 = arith.constant 0 : i32
    %dma_start3A_908 = arith.constant 0 : i32
    %dma_start3A_909 = tpu.memref_slice %arg5[%arg1, %dma_start3A_899, %dma_start3A_907, %dma_start3A_908] : memref<16x3x336x128xf32, #tpu.memory_space<vmem_shared>> -> memref<1x1x336x128xf32, #tpu.memory_space<vmem_shared>>
    %dma_start3A_910 = tpu.memref_squeeze %dma_start3A_909 : memref<1x1x336x128xf32, #tpu.memory_space<vmem_shared>> -> memref<336x128xf32, #tpu.memory_space<vmem_shared>>
    tpu.enqueue_dma source(%dma_start3A_910 : memref<336x128xf32, #tpu.memory_space<vmem_shared>>) target(%dma_start3A_906 : memref<336x128xf32, #tpu.memory_space<hbm>>) target_semaphore(%dma_start3A_902 : memref<!tpu.dma_semaphore, #tpu.memory_space<semaphore_mem>>)
    %mul3A_911 = arith.constant 2 : i32
    %mul3A_912 = arith.muli %add3A, %mul3A_911 : i32
    %add3A_913 = arith.constant 0 : i32
    %add3A_914 = arith.addi %mul3A_912, %add3A_913 : i32
    %dma_wait3A_915 = arith.constant 1 : i32
    %dma_wait3A_916 = arith.constant 1 : i32
    %dma_wait3A_917 = tpu.memref_slice %arg7[%dma_wait3A_916] : memref<3x!tpu.dma_semaphore, #tpu.memory_space<semaphore_mem>> -> memref<1x!tpu.dma_semaphore, #tpu.memory_space<semaphore_mem>>
    %dma_wait3A_918 = tpu.memref_squeeze %dma_wait3A_917 : memref<1x!tpu.dma_semaphore, #tpu.memory_space<semaphore_mem>> -> memref<!tpu.dma_semaphore, #tpu.memory_space<semaphore_mem>>
    %dma_wait3A_919 = arith.constant 4368 : i32
    %dma_wait3A_920 = arith.constant 0 : i32
    %dma_wait3A_921 = tpu.memref_slice %arg4[%add3A_914, %dma_wait3A_919, %dma_wait3A_920] : memref<64x8192x128xf32, #tpu.memory_space<hbm>> -> memref<1x336x128xf32, #tpu.memory_space<hbm>>
    %dma_wait3A_922 = tpu.memref_squeeze %dma_wait3A_921 : memref<1x336x128xf32, #tpu.memory_space<hbm>> -> memref<336x128xf32, #tpu.memory_space<hbm>>
    %dma_wait3A_923 = arith.constant 0 : i32
    %dma_wait3A_924 = arith.constant 0 : i32
    %dma_wait3A_925 = tpu.memref_slice %arg5[%arg1, %dma_wait3A_915, %dma_wait3A_923, %dma_wait3A_924] : memref<16x3x336x128xf32, #tpu.memory_space<vmem_shared>> -> memref<1x1x336x128xf32, #tpu.memory_space<vmem_shared>>
    %dma_wait3A_926 = tpu.memref_squeeze %dma_wait3A_925 : memref<1x1x336x128xf32, #tpu.memory_space<vmem_shared>> -> memref<336x128xf32, #tpu.memory_space<vmem_shared>>
    tpu.wait_dma2 semaphore(%dma_wait3A_918 : memref<!tpu.dma_semaphore, #tpu.memory_space<semaphore_mem>>) src(%dma_wait3A_926 : memref<336x128xf32, #tpu.memory_space<vmem_shared>>) dst(%dma_wait3A_922 : memref<336x128xf32, #tpu.memory_space<hbm>>)
    %mul3A_927 = arith.constant 2 : i32
    %mul3A_928 = arith.muli %add3A, %mul3A_927 : i32
    %add3A_929 = arith.constant 0 : i32
    %add3A_930 = arith.addi %mul3A_928, %add3A_929 : i32
    %dma_start3A_931 = arith.constant 1 : i32
    %dma_start3A_932 = arith.constant 1 : i32
    %dma_start3A_933 = tpu.memref_slice %arg6[%dma_start3A_932] : memref<3x!tpu.dma_semaphore, #tpu.memory_space<semaphore_mem>> -> memref<1x!tpu.dma_semaphore, #tpu.memory_space<semaphore_mem>>
    %dma_start3A_934 = tpu.memref_squeeze %dma_start3A_933 : memref<1x!tpu.dma_semaphore, #tpu.memory_space<semaphore_mem>> -> memref<!tpu.dma_semaphore, #tpu.memory_space<semaphore_mem>>
    %dma_start3A_935 = arith.constant 0 : i32
    %dma_start3A_936 = arith.constant 0 : i32
    %dma_start3A_937 = tpu.memref_slice %arg5[%arg1, %dma_start3A_931, %dma_start3A_935, %dma_start3A_936] : memref<16x3x336x128xf32, #tpu.memory_space<vmem_shared>> -> memref<1x1x336x128xf32, #tpu.memory_space<vmem_shared>>
    %dma_start3A_938 = tpu.memref_squeeze %dma_start3A_937 : memref<1x1x336x128xf32, #tpu.memory_space<vmem_shared>> -> memref<336x128xf32, #tpu.memory_space<vmem_shared>>
    %dma_start3A_939 = arith.constant 5392 : i32
    %dma_start3A_940 = arith.constant 0 : i32
    %dma_start3A_941 = tpu.memref_slice %arg2[%add3A_930, %dma_start3A_939, %dma_start3A_940] : memref<64x8192x128xf32, #tpu.memory_space<hbm>> -> memref<1x336x128xf32, #tpu.memory_space<hbm>>
    %dma_start3A_942 = tpu.memref_squeeze %dma_start3A_941 : memref<1x336x128xf32, #tpu.memory_space<hbm>> -> memref<336x128xf32, #tpu.memory_space<hbm>>
    tpu.enqueue_dma source(%dma_start3A_942 : memref<336x128xf32, #tpu.memory_space<hbm>>) target(%dma_start3A_938 : memref<336x128xf32, #tpu.memory_space<vmem_shared>>) target_semaphore(%dma_start3A_934 : memref<!tpu.dma_semaphore, #tpu.memory_space<semaphore_mem>>)
    %mul3A_943 = arith.constant 2 : i32
    %mul3A_944 = arith.muli %add3A, %mul3A_943 : i32
    %add3A_945 = arith.constant 0 : i32
    %add3A_946 = arith.addi %mul3A_944, %add3A_945 : i32
    %dma_wait3A_947 = arith.constant 2 : i32
    %dma_wait3A_948 = arith.constant 2 : i32
    %dma_wait3A_949 = tpu.memref_slice %arg6[%dma_wait3A_948] : memref<3x!tpu.dma_semaphore, #tpu.memory_space<semaphore_mem>> -> memref<1x!tpu.dma_semaphore, #tpu.memory_space<semaphore_mem>>
    %dma_wait3A_950 = tpu.memref_squeeze %dma_wait3A_949 : memref<1x!tpu.dma_semaphore, #tpu.memory_space<semaphore_mem>> -> memref<!tpu.dma_semaphore, #tpu.memory_space<semaphore_mem>>
    %dma_wait3A_951 = arith.constant 0 : i32
    %dma_wait3A_952 = arith.constant 0 : i32
    %dma_wait3A_953 = tpu.memref_slice %arg5[%arg1, %dma_wait3A_947, %dma_wait3A_951, %dma_wait3A_952] : memref<16x3x336x128xf32, #tpu.memory_space<vmem_shared>> -> memref<1x1x336x128xf32, #tpu.memory_space<vmem_shared>>
    %dma_wait3A_954 = tpu.memref_squeeze %dma_wait3A_953 : memref<1x1x336x128xf32, #tpu.memory_space<vmem_shared>> -> memref<336x128xf32, #tpu.memory_space<vmem_shared>>
    %dma_wait3A_955 = arith.constant 4720 : i32
    %dma_wait3A_956 = arith.constant 0 : i32
    %dma_wait3A_957 = tpu.memref_slice %arg2[%add3A_946, %dma_wait3A_955, %dma_wait3A_956] : memref<64x8192x128xf32, #tpu.memory_space<hbm>> -> memref<1x336x128xf32, #tpu.memory_space<hbm>>
    %dma_wait3A_958 = tpu.memref_squeeze %dma_wait3A_957 : memref<1x336x128xf32, #tpu.memory_space<hbm>> -> memref<336x128xf32, #tpu.memory_space<hbm>>
    tpu.wait_dma2 semaphore(%dma_wait3A_950 : memref<!tpu.dma_semaphore, #tpu.memory_space<semaphore_mem>>) src(%dma_wait3A_958 : memref<336x128xf32, #tpu.memory_space<hbm>>) dst(%dma_wait3A_954 : memref<336x128xf32, #tpu.memory_space<vmem_shared>>)
    %mul3A_959 = arith.constant 2 : i32
    %mul3A_960 = arith.muli %add3A, %mul3A_959 : i32
    %add3A_961 = arith.constant 0 : i32
    %add3A_962 = arith.addi %mul3A_960, %add3A_961 : i32
    %dma_start3A_963 = arith.constant 2 : i32
    %dma_start3A_964 = arith.constant 2 : i32
    %dma_start3A_965 = tpu.memref_slice %arg7[%dma_start3A_964] : memref<3x!tpu.dma_semaphore, #tpu.memory_space<semaphore_mem>> -> memref<1x!tpu.dma_semaphore, #tpu.memory_space<semaphore_mem>>
    %dma_start3A_966 = tpu.memref_squeeze %dma_start3A_965 : memref<1x!tpu.dma_semaphore, #tpu.memory_space<semaphore_mem>> -> memref<!tpu.dma_semaphore, #tpu.memory_space<semaphore_mem>>
    %dma_start3A_967 = arith.constant 4704 : i32
    %dma_start3A_968 = arith.constant 0 : i32
    %dma_start3A_969 = tpu.memref_slice %arg4[%add3A_962, %dma_start3A_967, %dma_start3A_968] : memref<64x8192x128xf32, #tpu.memory_space<hbm>> -> memref<1x336x128xf32, #tpu.memory_space<hbm>>
    %dma_start3A_970 = tpu.memref_squeeze %dma_start3A_969 : memref<1x336x128xf32, #tpu.memory_space<hbm>> -> memref<336x128xf32, #tpu.memory_space<hbm>>
    %dma_start3A_971 = arith.constant 0 : i32
    %dma_start3A_972 = arith.constant 0 : i32
    %dma_start3A_973 = tpu.memref_slice %arg5[%arg1, %dma_start3A_963, %dma_start3A_971, %dma_start3A_972] : memref<16x3x336x128xf32, #tpu.memory_space<vmem_shared>> -> memref<1x1x336x128xf32, #tpu.memory_space<vmem_shared>>
    %dma_start3A_974 = tpu.memref_squeeze %dma_start3A_973 : memref<1x1x336x128xf32, #tpu.memory_space<vmem_shared>> -> memref<336x128xf32, #tpu.memory_space<vmem_shared>>
    tpu.enqueue_dma source(%dma_start3A_974 : memref<336x128xf32, #tpu.memory_space<vmem_shared>>) target(%dma_start3A_970 : memref<336x128xf32, #tpu.memory_space<hbm>>) target_semaphore(%dma_start3A_966 : memref<!tpu.dma_semaphore, #tpu.memory_space<semaphore_mem>>)
    %mul3A_975 = arith.constant 2 : i32
    %mul3A_976 = arith.muli %add3A, %mul3A_975 : i32
    %add3A_977 = arith.constant 0 : i32
    %add3A_978 = arith.addi %mul3A_976, %add3A_977 : i32
    %dma_wait3A_979 = arith.constant 2 : i32
    %dma_wait3A_980 = arith.constant 2 : i32
    %dma_wait3A_981 = tpu.memref_slice %arg7[%dma_wait3A_980] : memref<3x!tpu.dma_semaphore, #tpu.memory_space<semaphore_mem>> -> memref<1x!tpu.dma_semaphore, #tpu.memory_space<semaphore_mem>>
    %dma_wait3A_982 = tpu.memref_squeeze %dma_wait3A_981 : memref<1x!tpu.dma_semaphore, #tpu.memory_space<semaphore_mem>> -> memref<!tpu.dma_semaphore, #tpu.memory_space<semaphore_mem>>
    %dma_wait3A_983 = arith.constant 4704 : i32
    %dma_wait3A_984 = arith.constant 0 : i32
    %dma_wait3A_985 = tpu.memref_slice %arg4[%add3A_978, %dma_wait3A_983, %dma_wait3A_984] : memref<64x8192x128xf32, #tpu.memory_space<hbm>> -> memref<1x336x128xf32, #tpu.memory_space<hbm>>
    %dma_wait3A_986 = tpu.memref_squeeze %dma_wait3A_985 : memref<1x336x128xf32, #tpu.memory_space<hbm>> -> memref<336x128xf32, #tpu.memory_space<hbm>>
    %dma_wait3A_987 = arith.constant 0 : i32
    %dma_wait3A_988 = arith.constant 0 : i32
    %dma_wait3A_989 = tpu.memref_slice %arg5[%arg1, %dma_wait3A_979, %dma_wait3A_987, %dma_wait3A_988] : memref<16x3x336x128xf32, #tpu.memory_space<vmem_shared>> -> memref<1x1x336x128xf32, #tpu.memory_space<vmem_shared>>
    %dma_wait3A_990 = tpu.memref_squeeze %dma_wait3A_989 : memref<1x1x336x128xf32, #tpu.memory_space<vmem_shared>> -> memref<336x128xf32, #tpu.memory_space<vmem_shared>>
    tpu.wait_dma2 semaphore(%dma_wait3A_982 : memref<!tpu.dma_semaphore, #tpu.memory_space<semaphore_mem>>) src(%dma_wait3A_990 : memref<336x128xf32, #tpu.memory_space<vmem_shared>>) dst(%dma_wait3A_986 : memref<336x128xf32, #tpu.memory_space<hbm>>)
    %mul3A_991 = arith.constant 2 : i32
    %mul3A_992 = arith.muli %add3A, %mul3A_991 : i32
    %add3A_993 = arith.constant 0 : i32
    %add3A_994 = arith.addi %mul3A_992, %add3A_993 : i32
    %dma_start3A_995 = arith.constant 2 : i32
    %dma_start3A_996 = arith.constant 2 : i32
    %dma_start3A_997 = tpu.memref_slice %arg6[%dma_start3A_996] : memref<3x!tpu.dma_semaphore, #tpu.memory_space<semaphore_mem>> -> memref<1x!tpu.dma_semaphore, #tpu.memory_space<semaphore_mem>>
    %dma_start3A_998 = tpu.memref_squeeze %dma_start3A_997 : memref<1x!tpu.dma_semaphore, #tpu.memory_space<semaphore_mem>> -> memref<!tpu.dma_semaphore, #tpu.memory_space<semaphore_mem>>
    %dma_start3A_999 = arith.constant 0 : i32
    %dma_start3A_1000 = arith.constant 0 : i32
    %dma_start3A_1001 = tpu.memref_slice %arg5[%arg1, %dma_start3A_995, %dma_start3A_999, %dma_start3A_1000] : memref<16x3x336x128xf32, #tpu.memory_space<vmem_shared>> -> memref<1x1x336x128xf32, #tpu.memory_space<vmem_shared>>
    %dma_start3A_1002 = tpu.memref_squeeze %dma_start3A_1001 : memref<1x1x336x128xf32, #tpu.memory_space<vmem_shared>> -> memref<336x128xf32, #tpu.memory_space<vmem_shared>>
    %dma_start3A_1003 = arith.constant 5728 : i32
    %dma_start3A_1004 = arith.constant 0 : i32
    %dma_start3A_1005 = tpu.memref_slice %arg2[%add3A_994, %dma_start3A_1003, %dma_start3A_1004] : memref<64x8192x128xf32, #tpu.memory_space<hbm>> -> memref<1x336x128xf32, #tpu.memory_space<hbm>>
    %dma_start3A_1006 = tpu.memref_squeeze %dma_start3A_1005 : memref<1x336x128xf32, #tpu.memory_space<hbm>> -> memref<336x128xf32, #tpu.memory_space<hbm>>
    tpu.enqueue_dma source(%dma_start3A_1006 : memref<336x128xf32, #tpu.memory_space<hbm>>) target(%dma_start3A_1002 : memref<336x128xf32, #tpu.memory_space<vmem_shared>>) target_semaphore(%dma_start3A_998 : memref<!tpu.dma_semaphore, #tpu.memory_space<semaphore_mem>>)
    %mul3A_1007 = arith.constant 2 : i32
    %mul3A_1008 = arith.muli %add3A, %mul3A_1007 : i32
    %add3A_1009 = arith.constant 0 : i32
    %add3A_1010 = arith.addi %mul3A_1008, %add3A_1009 : i32
    %dma_wait3A_1011 = arith.constant 0 : i32
    %dma_wait3A_1012 = arith.constant 0 : i32
    %dma_wait3A_1013 = tpu.memref_slice %arg6[%dma_wait3A_1012] : memref<3x!tpu.dma_semaphore, #tpu.memory_space<semaphore_mem>> -> memref<1x!tpu.dma_semaphore, #tpu.memory_space<semaphore_mem>>
    %dma_wait3A_1014 = tpu.memref_squeeze %dma_wait3A_1013 : memref<1x!tpu.dma_semaphore, #tpu.memory_space<semaphore_mem>> -> memref<!tpu.dma_semaphore, #tpu.memory_space<semaphore_mem>>
    %dma_wait3A_1015 = arith.constant 0 : i32
    %dma_wait3A_1016 = arith.constant 0 : i32
    %dma_wait3A_1017 = tpu.memref_slice %arg5[%arg1, %dma_wait3A_1011, %dma_wait3A_1015, %dma_wait3A_1016] : memref<16x3x336x128xf32, #tpu.memory_space<vmem_shared>> -> memref<1x1x336x128xf32, #tpu.memory_space<vmem_shared>>
    %dma_wait3A_1018 = tpu.memref_squeeze %dma_wait3A_1017 : memref<1x1x336x128xf32, #tpu.memory_space<vmem_shared>> -> memref<336x128xf32, #tpu.memory_space<vmem_shared>>
    %dma_wait3A_1019 = arith.constant 5056 : i32
    %dma_wait3A_1020 = arith.constant 0 : i32
    %dma_wait3A_1021 = tpu.memref_slice %arg2[%add3A_1010, %dma_wait3A_1019, %dma_wait3A_1020] : memref<64x8192x128xf32, #tpu.memory_space<hbm>> -> memref<1x336x128xf32, #tpu.memory_space<hbm>>
    %dma_wait3A_1022 = tpu.memref_squeeze %dma_wait3A_1021 : memref<1x336x128xf32, #tpu.memory_space<hbm>> -> memref<336x128xf32, #tpu.memory_space<hbm>>
    tpu.wait_dma2 semaphore(%dma_wait3A_1014 : memref<!tpu.dma_semaphore, #tpu.memory_space<semaphore_mem>>) src(%dma_wait3A_1022 : memref<336x128xf32, #tpu.memory_space<hbm>>) dst(%dma_wait3A_1018 : memref<336x128xf32, #tpu.memory_space<vmem_shared>>)
    %mul3A_1023 = arith.constant 2 : i32
    %mul3A_1024 = arith.muli %add3A, %mul3A_1023 : i32
    %add3A_1025 = arith.constant 0 : i32
    %add3A_1026 = arith.addi %mul3A_1024, %add3A_1025 : i32
    %dma_start3A_1027 = arith.constant 0 : i32
    %dma_start3A_1028 = arith.constant 0 : i32
    %dma_start3A_1029 = tpu.memref_slice %arg7[%dma_start3A_1028] : memref<3x!tpu.dma_semaphore, #tpu.memory_space<semaphore_mem>> -> memref<1x!tpu.dma_semaphore, #tpu.memory_space<semaphore_mem>>
    %dma_start3A_1030 = tpu.memref_squeeze %dma_start3A_1029 : memref<1x!tpu.dma_semaphore, #tpu.memory_space<semaphore_mem>> -> memref<!tpu.dma_semaphore, #tpu.memory_space<semaphore_mem>>
    %dma_start3A_1031 = arith.constant 5040 : i32
    %dma_start3A_1032 = arith.constant 0 : i32
    %dma_start3A_1033 = tpu.memref_slice %arg4[%add3A_1026, %dma_start3A_1031, %dma_start3A_1032] : memref<64x8192x128xf32, #tpu.memory_space<hbm>> -> memref<1x336x128xf32, #tpu.memory_space<hbm>>
    %dma_start3A_1034 = tpu.memref_squeeze %dma_start3A_1033 : memref<1x336x128xf32, #tpu.memory_space<hbm>> -> memref<336x128xf32, #tpu.memory_space<hbm>>
    %dma_start3A_1035 = arith.constant 0 : i32
    %dma_start3A_1036 = arith.constant 0 : i32
    %dma_start3A_1037 = tpu.memref_slice %arg5[%arg1, %dma_start3A_1027, %dma_start3A_1035, %dma_start3A_1036] : memref<16x3x336x128xf32, #tpu.memory_space<vmem_shared>> -> memref<1x1x336x128xf32, #tpu.memory_space<vmem_shared>>
    %dma_start3A_1038 = tpu.memref_squeeze %dma_start3A_1037 : memref<1x1x336x128xf32, #tpu.memory_space<vmem_shared>> -> memref<336x128xf32, #tpu.memory_space<vmem_shared>>
    tpu.enqueue_dma source(%dma_start3A_1038 : memref<336x128xf32, #tpu.memory_space<vmem_shared>>) target(%dma_start3A_1034 : memref<336x128xf32, #tpu.memory_space<hbm>>) target_semaphore(%dma_start3A_1030 : memref<!tpu.dma_semaphore, #tpu.memory_space<semaphore_mem>>)
    %mul3A_1039 = arith.constant 2 : i32
    %mul3A_1040 = arith.muli %add3A, %mul3A_1039 : i32
    %add3A_1041 = arith.constant 0 : i32
    %add3A_1042 = arith.addi %mul3A_1040, %add3A_1041 : i32
    %dma_wait3A_1043 = arith.constant 0 : i32
    %dma_wait3A_1044 = arith.constant 0 : i32
    %dma_wait3A_1045 = tpu.memref_slice %arg7[%dma_wait3A_1044] : memref<3x!tpu.dma_semaphore, #tpu.memory_space<semaphore_mem>> -> memref<1x!tpu.dma_semaphore, #tpu.memory_space<semaphore_mem>>
    %dma_wait3A_1046 = tpu.memref_squeeze %dma_wait3A_1045 : memref<1x!tpu.dma_semaphore, #tpu.memory_space<semaphore_mem>> -> memref<!tpu.dma_semaphore, #tpu.memory_space<semaphore_mem>>
    %dma_wait3A_1047 = arith.constant 5040 : i32
    %dma_wait3A_1048 = arith.constant 0 : i32
    %dma_wait3A_1049 = tpu.memref_slice %arg4[%add3A_1042, %dma_wait3A_1047, %dma_wait3A_1048] : memref<64x8192x128xf32, #tpu.memory_space<hbm>> -> memref<1x336x128xf32, #tpu.memory_space<hbm>>
    %dma_wait3A_1050 = tpu.memref_squeeze %dma_wait3A_1049 : memref<1x336x128xf32, #tpu.memory_space<hbm>> -> memref<336x128xf32, #tpu.memory_space<hbm>>
    %dma_wait3A_1051 = arith.constant 0 : i32
    %dma_wait3A_1052 = arith.constant 0 : i32
    %dma_wait3A_1053 = tpu.memref_slice %arg5[%arg1, %dma_wait3A_1043, %dma_wait3A_1051, %dma_wait3A_1052] : memref<16x3x336x128xf32, #tpu.memory_space<vmem_shared>> -> memref<1x1x336x128xf32, #tpu.memory_space<vmem_shared>>
    %dma_wait3A_1054 = tpu.memref_squeeze %dma_wait3A_1053 : memref<1x1x336x128xf32, #tpu.memory_space<vmem_shared>> -> memref<336x128xf32, #tpu.memory_space<vmem_shared>>
    tpu.wait_dma2 semaphore(%dma_wait3A_1046 : memref<!tpu.dma_semaphore, #tpu.memory_space<semaphore_mem>>) src(%dma_wait3A_1054 : memref<336x128xf32, #tpu.memory_space<vmem_shared>>) dst(%dma_wait3A_1050 : memref<336x128xf32, #tpu.memory_space<hbm>>)
    %mul3A_1055 = arith.constant 2 : i32
    %mul3A_1056 = arith.muli %add3A, %mul3A_1055 : i32
    %add3A_1057 = arith.constant 0 : i32
    %add3A_1058 = arith.addi %mul3A_1056, %add3A_1057 : i32
    %dma_start3A_1059 = arith.constant 0 : i32
    %dma_start3A_1060 = arith.constant 0 : i32
    %dma_start3A_1061 = tpu.memref_slice %arg6[%dma_start3A_1060] : memref<3x!tpu.dma_semaphore, #tpu.memory_space<semaphore_mem>> -> memref<1x!tpu.dma_semaphore, #tpu.memory_space<semaphore_mem>>
    %dma_start3A_1062 = tpu.memref_squeeze %dma_start3A_1061 : memref<1x!tpu.dma_semaphore, #tpu.memory_space<semaphore_mem>> -> memref<!tpu.dma_semaphore, #tpu.memory_space<semaphore_mem>>
    %dma_start3A_1063 = arith.constant 0 : i32
    %dma_start3A_1064 = arith.constant 0 : i32
    %dma_start3A_1065 = tpu.memref_slice %arg5[%arg1, %dma_start3A_1059, %dma_start3A_1063, %dma_start3A_1064] : memref<16x3x336x128xf32, #tpu.memory_space<vmem_shared>> -> memref<1x1x336x128xf32, #tpu.memory_space<vmem_shared>>
    %dma_start3A_1066 = tpu.memref_squeeze %dma_start3A_1065 : memref<1x1x336x128xf32, #tpu.memory_space<vmem_shared>> -> memref<336x128xf32, #tpu.memory_space<vmem_shared>>
    %dma_start3A_1067 = arith.constant 6064 : i32
    %dma_start3A_1068 = arith.constant 0 : i32
    %dma_start3A_1069 = tpu.memref_slice %arg2[%add3A_1058, %dma_start3A_1067, %dma_start3A_1068] : memref<64x8192x128xf32, #tpu.memory_space<hbm>> -> memref<1x336x128xf32, #tpu.memory_space<hbm>>
    %dma_start3A_1070 = tpu.memref_squeeze %dma_start3A_1069 : memref<1x336x128xf32, #tpu.memory_space<hbm>> -> memref<336x128xf32, #tpu.memory_space<hbm>>
    tpu.enqueue_dma source(%dma_start3A_1070 : memref<336x128xf32, #tpu.memory_space<hbm>>) target(%dma_start3A_1066 : memref<336x128xf32, #tpu.memory_space<vmem_shared>>) target_semaphore(%dma_start3A_1062 : memref<!tpu.dma_semaphore, #tpu.memory_space<semaphore_mem>>)
    %mul3A_1071 = arith.constant 2 : i32
    %mul3A_1072 = arith.muli %add3A, %mul3A_1071 : i32
    %add3A_1073 = arith.constant 0 : i32
    %add3A_1074 = arith.addi %mul3A_1072, %add3A_1073 : i32
    %dma_wait3A_1075 = arith.constant 1 : i32
    %dma_wait3A_1076 = arith.constant 1 : i32
    %dma_wait3A_1077 = tpu.memref_slice %arg6[%dma_wait3A_1076] : memref<3x!tpu.dma_semaphore, #tpu.memory_space<semaphore_mem>> -> memref<1x!tpu.dma_semaphore, #tpu.memory_space<semaphore_mem>>
    %dma_wait3A_1078 = tpu.memref_squeeze %dma_wait3A_1077 : memref<1x!tpu.dma_semaphore, #tpu.memory_space<semaphore_mem>> -> memref<!tpu.dma_semaphore, #tpu.memory_space<semaphore_mem>>
    %dma_wait3A_1079 = arith.constant 0 : i32
    %dma_wait3A_1080 = arith.constant 0 : i32
    %dma_wait3A_1081 = tpu.memref_slice %arg5[%arg1, %dma_wait3A_1075, %dma_wait3A_1079, %dma_wait3A_1080] : memref<16x3x336x128xf32, #tpu.memory_space<vmem_shared>> -> memref<1x1x336x128xf32, #tpu.memory_space<vmem_shared>>
    %dma_wait3A_1082 = tpu.memref_squeeze %dma_wait3A_1081 : memref<1x1x336x128xf32, #tpu.memory_space<vmem_shared>> -> memref<336x128xf32, #tpu.memory_space<vmem_shared>>
    %dma_wait3A_1083 = arith.constant 5392 : i32
    %dma_wait3A_1084 = arith.constant 0 : i32
    %dma_wait3A_1085 = tpu.memref_slice %arg2[%add3A_1074, %dma_wait3A_1083, %dma_wait3A_1084] : memref<64x8192x128xf32, #tpu.memory_space<hbm>> -> memref<1x336x128xf32, #tpu.memory_space<hbm>>
    %dma_wait3A_1086 = tpu.memref_squeeze %dma_wait3A_1085 : memref<1x336x128xf32, #tpu.memory_space<hbm>> -> memref<336x128xf32, #tpu.memory_space<hbm>>
    tpu.wait_dma2 semaphore(%dma_wait3A_1078 : memref<!tpu.dma_semaphore, #tpu.memory_space<semaphore_mem>>) src(%dma_wait3A_1086 : memref<336x128xf32, #tpu.memory_space<hbm>>) dst(%dma_wait3A_1082 : memref<336x128xf32, #tpu.memory_space<vmem_shared>>)
    %mul3A_1087 = arith.constant 2 : i32
    %mul3A_1088 = arith.muli %add3A, %mul3A_1087 : i32
    %add3A_1089 = arith.constant 0 : i32
    %add3A_1090 = arith.addi %mul3A_1088, %add3A_1089 : i32
    %dma_start3A_1091 = arith.constant 1 : i32
    %dma_start3A_1092 = arith.constant 1 : i32
    %dma_start3A_1093 = tpu.memref_slice %arg7[%dma_start3A_1092] : memref<3x!tpu.dma_semaphore, #tpu.memory_space<semaphore_mem>> -> memref<1x!tpu.dma_semaphore, #tpu.memory_space<semaphore_mem>>
    %dma_start3A_1094 = tpu.memref_squeeze %dma_start3A_1093 : memref<1x!tpu.dma_semaphore, #tpu.memory_space<semaphore_mem>> -> memref<!tpu.dma_semaphore, #tpu.memory_space<semaphore_mem>>
    %dma_start3A_1095 = arith.constant 5376 : i32
    %dma_start3A_1096 = arith.constant 0 : i32
    %dma_start3A_1097 = tpu.memref_slice %arg4[%add3A_1090, %dma_start3A_1095, %dma_start3A_1096] : memref<64x8192x128xf32, #tpu.memory_space<hbm>> -> memref<1x336x128xf32, #tpu.memory_space<hbm>>
    %dma_start3A_1098 = tpu.memref_squeeze %dma_start3A_1097 : memref<1x336x128xf32, #tpu.memory_space<hbm>> -> memref<336x128xf32, #tpu.memory_space<hbm>>
    %dma_start3A_1099 = arith.constant 0 : i32
    %dma_start3A_1100 = arith.constant 0 : i32
    %dma_start3A_1101 = tpu.memref_slice %arg5[%arg1, %dma_start3A_1091, %dma_start3A_1099, %dma_start3A_1100] : memref<16x3x336x128xf32, #tpu.memory_space<vmem_shared>> -> memref<1x1x336x128xf32, #tpu.memory_space<vmem_shared>>
    %dma_start3A_1102 = tpu.memref_squeeze %dma_start3A_1101 : memref<1x1x336x128xf32, #tpu.memory_space<vmem_shared>> -> memref<336x128xf32, #tpu.memory_space<vmem_shared>>
    tpu.enqueue_dma source(%dma_start3A_1102 : memref<336x128xf32, #tpu.memory_space<vmem_shared>>) target(%dma_start3A_1098 : memref<336x128xf32, #tpu.memory_space<hbm>>) target_semaphore(%dma_start3A_1094 : memref<!tpu.dma_semaphore, #tpu.memory_space<semaphore_mem>>)
    %mul3A_1103 = arith.constant 2 : i32
    %mul3A_1104 = arith.muli %add3A, %mul3A_1103 : i32
    %add3A_1105 = arith.constant 0 : i32
    %add3A_1106 = arith.addi %mul3A_1104, %add3A_1105 : i32
    %dma_wait3A_1107 = arith.constant 1 : i32
    %dma_wait3A_1108 = arith.constant 1 : i32
    %dma_wait3A_1109 = tpu.memref_slice %arg7[%dma_wait3A_1108] : memref<3x!tpu.dma_semaphore, #tpu.memory_space<semaphore_mem>> -> memref<1x!tpu.dma_semaphore, #tpu.memory_space<semaphore_mem>>
    %dma_wait3A_1110 = tpu.memref_squeeze %dma_wait3A_1109 : memref<1x!tpu.dma_semaphore, #tpu.memory_space<semaphore_mem>> -> memref<!tpu.dma_semaphore, #tpu.memory_space<semaphore_mem>>
    %dma_wait3A_1111 = arith.constant 5376 : i32
    %dma_wait3A_1112 = arith.constant 0 : i32
    %dma_wait3A_1113 = tpu.memref_slice %arg4[%add3A_1106, %dma_wait3A_1111, %dma_wait3A_1112] : memref<64x8192x128xf32, #tpu.memory_space<hbm>> -> memref<1x336x128xf32, #tpu.memory_space<hbm>>
    %dma_wait3A_1114 = tpu.memref_squeeze %dma_wait3A_1113 : memref<1x336x128xf32, #tpu.memory_space<hbm>> -> memref<336x128xf32, #tpu.memory_space<hbm>>
    %dma_wait3A_1115 = arith.constant 0 : i32
    %dma_wait3A_1116 = arith.constant 0 : i32
    %dma_wait3A_1117 = tpu.memref_slice %arg5[%arg1, %dma_wait3A_1107, %dma_wait3A_1115, %dma_wait3A_1116] : memref<16x3x336x128xf32, #tpu.memory_space<vmem_shared>> -> memref<1x1x336x128xf32, #tpu.memory_space<vmem_shared>>
    %dma_wait3A_1118 = tpu.memref_squeeze %dma_wait3A_1117 : memref<1x1x336x128xf32, #tpu.memory_space<vmem_shared>> -> memref<336x128xf32, #tpu.memory_space<vmem_shared>>
    tpu.wait_dma2 semaphore(%dma_wait3A_1110 : memref<!tpu.dma_semaphore, #tpu.memory_space<semaphore_mem>>) src(%dma_wait3A_1118 : memref<336x128xf32, #tpu.memory_space<vmem_shared>>) dst(%dma_wait3A_1114 : memref<336x128xf32, #tpu.memory_space<hbm>>)
    %mul3A_1119 = arith.constant 2 : i32
    %mul3A_1120 = arith.muli %add3A, %mul3A_1119 : i32
    %add3A_1121 = arith.constant 0 : i32
    %add3A_1122 = arith.addi %mul3A_1120, %add3A_1121 : i32
    %dma_start3A_1123 = arith.constant 1 : i32
    %dma_start3A_1124 = arith.constant 1 : i32
    %dma_start3A_1125 = tpu.memref_slice %arg6[%dma_start3A_1124] : memref<3x!tpu.dma_semaphore, #tpu.memory_space<semaphore_mem>> -> memref<1x!tpu.dma_semaphore, #tpu.memory_space<semaphore_mem>>
    %dma_start3A_1126 = tpu.memref_squeeze %dma_start3A_1125 : memref<1x!tpu.dma_semaphore, #tpu.memory_space<semaphore_mem>> -> memref<!tpu.dma_semaphore, #tpu.memory_space<semaphore_mem>>
    %dma_start3A_1127 = arith.constant 0 : i32
    %dma_start3A_1128 = arith.constant 0 : i32
    %dma_start3A_1129 = tpu.memref_slice %arg5[%arg1, %dma_start3A_1123, %dma_start3A_1127, %dma_start3A_1128] : memref<16x3x336x128xf32, #tpu.memory_space<vmem_shared>> -> memref<1x1x336x128xf32, #tpu.memory_space<vmem_shared>>
    %dma_start3A_1130 = tpu.memref_squeeze %dma_start3A_1129 : memref<1x1x336x128xf32, #tpu.memory_space<vmem_shared>> -> memref<336x128xf32, #tpu.memory_space<vmem_shared>>
    %dma_start3A_1131 = arith.constant 6400 : i32
    %dma_start3A_1132 = arith.constant 0 : i32
    %dma_start3A_1133 = tpu.memref_slice %arg2[%add3A_1122, %dma_start3A_1131, %dma_start3A_1132] : memref<64x8192x128xf32, #tpu.memory_space<hbm>> -> memref<1x336x128xf32, #tpu.memory_space<hbm>>
    %dma_start3A_1134 = tpu.memref_squeeze %dma_start3A_1133 : memref<1x336x128xf32, #tpu.memory_space<hbm>> -> memref<336x128xf32, #tpu.memory_space<hbm>>
    tpu.enqueue_dma source(%dma_start3A_1134 : memref<336x128xf32, #tpu.memory_space<hbm>>) target(%dma_start3A_1130 : memref<336x128xf32, #tpu.memory_space<vmem_shared>>) target_semaphore(%dma_start3A_1126 : memref<!tpu.dma_semaphore, #tpu.memory_space<semaphore_mem>>)
    %mul3A_1135 = arith.constant 2 : i32
    %mul3A_1136 = arith.muli %add3A, %mul3A_1135 : i32
    %add3A_1137 = arith.constant 0 : i32
    %add3A_1138 = arith.addi %mul3A_1136, %add3A_1137 : i32
    %dma_wait3A_1139 = arith.constant 2 : i32
    %dma_wait3A_1140 = arith.constant 2 : i32
    %dma_wait3A_1141 = tpu.memref_slice %arg6[%dma_wait3A_1140] : memref<3x!tpu.dma_semaphore, #tpu.memory_space<semaphore_mem>> -> memref<1x!tpu.dma_semaphore, #tpu.memory_space<semaphore_mem>>
    %dma_wait3A_1142 = tpu.memref_squeeze %dma_wait3A_1141 : memref<1x!tpu.dma_semaphore, #tpu.memory_space<semaphore_mem>> -> memref<!tpu.dma_semaphore, #tpu.memory_space<semaphore_mem>>
    %dma_wait3A_1143 = arith.constant 0 : i32
    %dma_wait3A_1144 = arith.constant 0 : i32
    %dma_wait3A_1145 = tpu.memref_slice %arg5[%arg1, %dma_wait3A_1139, %dma_wait3A_1143, %dma_wait3A_1144] : memref<16x3x336x128xf32, #tpu.memory_space<vmem_shared>> -> memref<1x1x336x128xf32, #tpu.memory_space<vmem_shared>>
    %dma_wait3A_1146 = tpu.memref_squeeze %dma_wait3A_1145 : memref<1x1x336x128xf32, #tpu.memory_space<vmem_shared>> -> memref<336x128xf32, #tpu.memory_space<vmem_shared>>
    %dma_wait3A_1147 = arith.constant 5728 : i32
    %dma_wait3A_1148 = arith.constant 0 : i32
    %dma_wait3A_1149 = tpu.memref_slice %arg2[%add3A_1138, %dma_wait3A_1147, %dma_wait3A_1148] : memref<64x8192x128xf32, #tpu.memory_space<hbm>> -> memref<1x336x128xf32, #tpu.memory_space<hbm>>
    %dma_wait3A_1150 = tpu.memref_squeeze %dma_wait3A_1149 : memref<1x336x128xf32, #tpu.memory_space<hbm>> -> memref<336x128xf32, #tpu.memory_space<hbm>>
    tpu.wait_dma2 semaphore(%dma_wait3A_1142 : memref<!tpu.dma_semaphore, #tpu.memory_space<semaphore_mem>>) src(%dma_wait3A_1150 : memref<336x128xf32, #tpu.memory_space<hbm>>) dst(%dma_wait3A_1146 : memref<336x128xf32, #tpu.memory_space<vmem_shared>>)
    %mul3A_1151 = arith.constant 2 : i32
    %mul3A_1152 = arith.muli %add3A, %mul3A_1151 : i32
    %add3A_1153 = arith.constant 0 : i32
    %add3A_1154 = arith.addi %mul3A_1152, %add3A_1153 : i32
    %dma_start3A_1155 = arith.constant 2 : i32
    %dma_start3A_1156 = arith.constant 2 : i32
    %dma_start3A_1157 = tpu.memref_slice %arg7[%dma_start3A_1156] : memref<3x!tpu.dma_semaphore, #tpu.memory_space<semaphore_mem>> -> memref<1x!tpu.dma_semaphore, #tpu.memory_space<semaphore_mem>>
    %dma_start3A_1158 = tpu.memref_squeeze %dma_start3A_1157 : memref<1x!tpu.dma_semaphore, #tpu.memory_space<semaphore_mem>> -> memref<!tpu.dma_semaphore, #tpu.memory_space<semaphore_mem>>
    %dma_start3A_1159 = arith.constant 5712 : i32
    %dma_start3A_1160 = arith.constant 0 : i32
    %dma_start3A_1161 = tpu.memref_slice %arg4[%add3A_1154, %dma_start3A_1159, %dma_start3A_1160] : memref<64x8192x128xf32, #tpu.memory_space<hbm>> -> memref<1x336x128xf32, #tpu.memory_space<hbm>>
    %dma_start3A_1162 = tpu.memref_squeeze %dma_start3A_1161 : memref<1x336x128xf32, #tpu.memory_space<hbm>> -> memref<336x128xf32, #tpu.memory_space<hbm>>
    %dma_start3A_1163 = arith.constant 0 : i32
    %dma_start3A_1164 = arith.constant 0 : i32
    %dma_start3A_1165 = tpu.memref_slice %arg5[%arg1, %dma_start3A_1155, %dma_start3A_1163, %dma_start3A_1164] : memref<16x3x336x128xf32, #tpu.memory_space<vmem_shared>> -> memref<1x1x336x128xf32, #tpu.memory_space<vmem_shared>>
    %dma_start3A_1166 = tpu.memref_squeeze %dma_start3A_1165 : memref<1x1x336x128xf32, #tpu.memory_space<vmem_shared>> -> memref<336x128xf32, #tpu.memory_space<vmem_shared>>
    tpu.enqueue_dma source(%dma_start3A_1166 : memref<336x128xf32, #tpu.memory_space<vmem_shared>>) target(%dma_start3A_1162 : memref<336x128xf32, #tpu.memory_space<hbm>>) target_semaphore(%dma_start3A_1158 : memref<!tpu.dma_semaphore, #tpu.memory_space<semaphore_mem>>)
    %mul3A_1167 = arith.constant 2 : i32
    %mul3A_1168 = arith.muli %add3A, %mul3A_1167 : i32
    %add3A_1169 = arith.constant 0 : i32
    %add3A_1170 = arith.addi %mul3A_1168, %add3A_1169 : i32
    %dma_wait3A_1171 = arith.constant 2 : i32
    %dma_wait3A_1172 = arith.constant 2 : i32
    %dma_wait3A_1173 = tpu.memref_slice %arg7[%dma_wait3A_1172] : memref<3x!tpu.dma_semaphore, #tpu.memory_space<semaphore_mem>> -> memref<1x!tpu.dma_semaphore, #tpu.memory_space<semaphore_mem>>
    %dma_wait3A_1174 = tpu.memref_squeeze %dma_wait3A_1173 : memref<1x!tpu.dma_semaphore, #tpu.memory_space<semaphore_mem>> -> memref<!tpu.dma_semaphore, #tpu.memory_space<semaphore_mem>>
    %dma_wait3A_1175 = arith.constant 5712 : i32
    %dma_wait3A_1176 = arith.constant 0 : i32
    %dma_wait3A_1177 = tpu.memref_slice %arg4[%add3A_1170, %dma_wait3A_1175, %dma_wait3A_1176] : memref<64x8192x128xf32, #tpu.memory_space<hbm>> -> memref<1x336x128xf32, #tpu.memory_space<hbm>>
    %dma_wait3A_1178 = tpu.memref_squeeze %dma_wait3A_1177 : memref<1x336x128xf32, #tpu.memory_space<hbm>> -> memref<336x128xf32, #tpu.memory_space<hbm>>
    %dma_wait3A_1179 = arith.constant 0 : i32
    %dma_wait3A_1180 = arith.constant 0 : i32
    %dma_wait3A_1181 = tpu.memref_slice %arg5[%arg1, %dma_wait3A_1171, %dma_wait3A_1179, %dma_wait3A_1180] : memref<16x3x336x128xf32, #tpu.memory_space<vmem_shared>> -> memref<1x1x336x128xf32, #tpu.memory_space<vmem_shared>>
    %dma_wait3A_1182 = tpu.memref_squeeze %dma_wait3A_1181 : memref<1x1x336x128xf32, #tpu.memory_space<vmem_shared>> -> memref<336x128xf32, #tpu.memory_space<vmem_shared>>
    tpu.wait_dma2 semaphore(%dma_wait3A_1174 : memref<!tpu.dma_semaphore, #tpu.memory_space<semaphore_mem>>) src(%dma_wait3A_1182 : memref<336x128xf32, #tpu.memory_space<vmem_shared>>) dst(%dma_wait3A_1178 : memref<336x128xf32, #tpu.memory_space<hbm>>)
    %mul3A_1183 = arith.constant 2 : i32
    %mul3A_1184 = arith.muli %add3A, %mul3A_1183 : i32
    %add3A_1185 = arith.constant 0 : i32
    %add3A_1186 = arith.addi %mul3A_1184, %add3A_1185 : i32
    %dma_start3A_1187 = arith.constant 2 : i32
    %dma_start3A_1188 = arith.constant 2 : i32
    %dma_start3A_1189 = tpu.memref_slice %arg6[%dma_start3A_1188] : memref<3x!tpu.dma_semaphore, #tpu.memory_space<semaphore_mem>> -> memref<1x!tpu.dma_semaphore, #tpu.memory_space<semaphore_mem>>
    %dma_start3A_1190 = tpu.memref_squeeze %dma_start3A_1189 : memref<1x!tpu.dma_semaphore, #tpu.memory_space<semaphore_mem>> -> memref<!tpu.dma_semaphore, #tpu.memory_space<semaphore_mem>>
    %dma_start3A_1191 = arith.constant 0 : i32
    %dma_start3A_1192 = arith.constant 0 : i32
    %dma_start3A_1193 = tpu.memref_slice %arg5[%arg1, %dma_start3A_1187, %dma_start3A_1191, %dma_start3A_1192] : memref<16x3x336x128xf32, #tpu.memory_space<vmem_shared>> -> memref<1x1x336x128xf32, #tpu.memory_space<vmem_shared>>
    %dma_start3A_1194 = tpu.memref_squeeze %dma_start3A_1193 : memref<1x1x336x128xf32, #tpu.memory_space<vmem_shared>> -> memref<336x128xf32, #tpu.memory_space<vmem_shared>>
    %dma_start3A_1195 = arith.constant 6736 : i32
    %dma_start3A_1196 = arith.constant 0 : i32
    %dma_start3A_1197 = tpu.memref_slice %arg2[%add3A_1186, %dma_start3A_1195, %dma_start3A_1196] : memref<64x8192x128xf32, #tpu.memory_space<hbm>> -> memref<1x336x128xf32, #tpu.memory_space<hbm>>
    %dma_start3A_1198 = tpu.memref_squeeze %dma_start3A_1197 : memref<1x336x128xf32, #tpu.memory_space<hbm>> -> memref<336x128xf32, #tpu.memory_space<hbm>>
    tpu.enqueue_dma source(%dma_start3A_1198 : memref<336x128xf32, #tpu.memory_space<hbm>>) target(%dma_start3A_1194 : memref<336x128xf32, #tpu.memory_space<vmem_shared>>) target_semaphore(%dma_start3A_1190 : memref<!tpu.dma_semaphore, #tpu.memory_space<semaphore_mem>>)
    %mul3A_1199 = arith.constant 2 : i32
    %mul3A_1200 = arith.muli %add3A, %mul3A_1199 : i32
    %add3A_1201 = arith.constant 0 : i32
    %add3A_1202 = arith.addi %mul3A_1200, %add3A_1201 : i32
    %dma_wait3A_1203 = arith.constant 0 : i32
    %dma_wait3A_1204 = arith.constant 0 : i32
    %dma_wait3A_1205 = tpu.memref_slice %arg6[%dma_wait3A_1204] : memref<3x!tpu.dma_semaphore, #tpu.memory_space<semaphore_mem>> -> memref<1x!tpu.dma_semaphore, #tpu.memory_space<semaphore_mem>>
    %dma_wait3A_1206 = tpu.memref_squeeze %dma_wait3A_1205 : memref<1x!tpu.dma_semaphore, #tpu.memory_space<semaphore_mem>> -> memref<!tpu.dma_semaphore, #tpu.memory_space<semaphore_mem>>
    %dma_wait3A_1207 = arith.constant 0 : i32
    %dma_wait3A_1208 = arith.constant 0 : i32
    %dma_wait3A_1209 = tpu.memref_slice %arg5[%arg1, %dma_wait3A_1203, %dma_wait3A_1207, %dma_wait3A_1208] : memref<16x3x336x128xf32, #tpu.memory_space<vmem_shared>> -> memref<1x1x336x128xf32, #tpu.memory_space<vmem_shared>>
    %dma_wait3A_1210 = tpu.memref_squeeze %dma_wait3A_1209 : memref<1x1x336x128xf32, #tpu.memory_space<vmem_shared>> -> memref<336x128xf32, #tpu.memory_space<vmem_shared>>
    %dma_wait3A_1211 = arith.constant 6064 : i32
    %dma_wait3A_1212 = arith.constant 0 : i32
    %dma_wait3A_1213 = tpu.memref_slice %arg2[%add3A_1202, %dma_wait3A_1211, %dma_wait3A_1212] : memref<64x8192x128xf32, #tpu.memory_space<hbm>> -> memref<1x336x128xf32, #tpu.memory_space<hbm>>
    %dma_wait3A_1214 = tpu.memref_squeeze %dma_wait3A_1213 : memref<1x336x128xf32, #tpu.memory_space<hbm>> -> memref<336x128xf32, #tpu.memory_space<hbm>>
    tpu.wait_dma2 semaphore(%dma_wait3A_1206 : memref<!tpu.dma_semaphore, #tpu.memory_space<semaphore_mem>>) src(%dma_wait3A_1214 : memref<336x128xf32, #tpu.memory_space<hbm>>) dst(%dma_wait3A_1210 : memref<336x128xf32, #tpu.memory_space<vmem_shared>>)
    %mul3A_1215 = arith.constant 2 : i32
    %mul3A_1216 = arith.muli %add3A, %mul3A_1215 : i32
    %add3A_1217 = arith.constant 0 : i32
    %add3A_1218 = arith.addi %mul3A_1216, %add3A_1217 : i32
    %dma_start3A_1219 = arith.constant 0 : i32
    %dma_start3A_1220 = arith.constant 0 : i32
    %dma_start3A_1221 = tpu.memref_slice %arg7[%dma_start3A_1220] : memref<3x!tpu.dma_semaphore, #tpu.memory_space<semaphore_mem>> -> memref<1x!tpu.dma_semaphore, #tpu.memory_space<semaphore_mem>>
    %dma_start3A_1222 = tpu.memref_squeeze %dma_start3A_1221 : memref<1x!tpu.dma_semaphore, #tpu.memory_space<semaphore_mem>> -> memref<!tpu.dma_semaphore, #tpu.memory_space<semaphore_mem>>
    %dma_start3A_1223 = arith.constant 6048 : i32
    %dma_start3A_1224 = arith.constant 0 : i32
    %dma_start3A_1225 = tpu.memref_slice %arg4[%add3A_1218, %dma_start3A_1223, %dma_start3A_1224] : memref<64x8192x128xf32, #tpu.memory_space<hbm>> -> memref<1x336x128xf32, #tpu.memory_space<hbm>>
    %dma_start3A_1226 = tpu.memref_squeeze %dma_start3A_1225 : memref<1x336x128xf32, #tpu.memory_space<hbm>> -> memref<336x128xf32, #tpu.memory_space<hbm>>
    %dma_start3A_1227 = arith.constant 0 : i32
    %dma_start3A_1228 = arith.constant 0 : i32
    %dma_start3A_1229 = tpu.memref_slice %arg5[%arg1, %dma_start3A_1219, %dma_start3A_1227, %dma_start3A_1228] : memref<16x3x336x128xf32, #tpu.memory_space<vmem_shared>> -> memref<1x1x336x128xf32, #tpu.memory_space<vmem_shared>>
    %dma_start3A_1230 = tpu.memref_squeeze %dma_start3A_1229 : memref<1x1x336x128xf32, #tpu.memory_space<vmem_shared>> -> memref<336x128xf32, #tpu.memory_space<vmem_shared>>
    tpu.enqueue_dma source(%dma_start3A_1230 : memref<336x128xf32, #tpu.memory_space<vmem_shared>>) target(%dma_start3A_1226 : memref<336x128xf32, #tpu.memory_space<hbm>>) target_semaphore(%dma_start3A_1222 : memref<!tpu.dma_semaphore, #tpu.memory_space<semaphore_mem>>)
    %mul3A_1231 = arith.constant 2 : i32
    %mul3A_1232 = arith.muli %add3A, %mul3A_1231 : i32
    %add3A_1233 = arith.constant 0 : i32
    %add3A_1234 = arith.addi %mul3A_1232, %add3A_1233 : i32
    %dma_wait3A_1235 = arith.constant 0 : i32
    %dma_wait3A_1236 = arith.constant 0 : i32
    %dma_wait3A_1237 = tpu.memref_slice %arg7[%dma_wait3A_1236] : memref<3x!tpu.dma_semaphore, #tpu.memory_space<semaphore_mem>> -> memref<1x!tpu.dma_semaphore, #tpu.memory_space<semaphore_mem>>
    %dma_wait3A_1238 = tpu.memref_squeeze %dma_wait3A_1237 : memref<1x!tpu.dma_semaphore, #tpu.memory_space<semaphore_mem>> -> memref<!tpu.dma_semaphore, #tpu.memory_space<semaphore_mem>>
    %dma_wait3A_1239 = arith.constant 6048 : i32
    %dma_wait3A_1240 = arith.constant 0 : i32
    %dma_wait3A_1241 = tpu.memref_slice %arg4[%add3A_1234, %dma_wait3A_1239, %dma_wait3A_1240] : memref<64x8192x128xf32, #tpu.memory_space<hbm>> -> memref<1x336x128xf32, #tpu.memory_space<hbm>>
    %dma_wait3A_1242 = tpu.memref_squeeze %dma_wait3A_1241 : memref<1x336x128xf32, #tpu.memory_space<hbm>> -> memref<336x128xf32, #tpu.memory_space<hbm>>
    %dma_wait3A_1243 = arith.constant 0 : i32
    %dma_wait3A_1244 = arith.constant 0 : i32
    %dma_wait3A_1245 = tpu.memref_slice %arg5[%arg1, %dma_wait3A_1235, %dma_wait3A_1243, %dma_wait3A_1244] : memref<16x3x336x128xf32, #tpu.memory_space<vmem_shared>> -> memref<1x1x336x128xf32, #tpu.memory_space<vmem_shared>>
    %dma_wait3A_1246 = tpu.memref_squeeze %dma_wait3A_1245 : memref<1x1x336x128xf32, #tpu.memory_space<vmem_shared>> -> memref<336x128xf32, #tpu.memory_space<vmem_shared>>
    tpu.wait_dma2 semaphore(%dma_wait3A_1238 : memref<!tpu.dma_semaphore, #tpu.memory_space<semaphore_mem>>) src(%dma_wait3A_1246 : memref<336x128xf32, #tpu.memory_space<vmem_shared>>) dst(%dma_wait3A_1242 : memref<336x128xf32, #tpu.memory_space<hbm>>)
    %mul3A_1247 = arith.constant 2 : i32
    %mul3A_1248 = arith.muli %add3A, %mul3A_1247 : i32
    %add3A_1249 = arith.constant 0 : i32
    %add3A_1250 = arith.addi %mul3A_1248, %add3A_1249 : i32
    %dma_start3A_1251 = arith.constant 0 : i32
    %dma_start3A_1252 = arith.constant 0 : i32
    %dma_start3A_1253 = tpu.memref_slice %arg6[%dma_start3A_1252] : memref<3x!tpu.dma_semaphore, #tpu.memory_space<semaphore_mem>> -> memref<1x!tpu.dma_semaphore, #tpu.memory_space<semaphore_mem>>
    %dma_start3A_1254 = tpu.memref_squeeze %dma_start3A_1253 : memref<1x!tpu.dma_semaphore, #tpu.memory_space<semaphore_mem>> -> memref<!tpu.dma_semaphore, #tpu.memory_space<semaphore_mem>>
    %dma_start3A_1255 = arith.constant 0 : i32
    %dma_start3A_1256 = arith.constant 0 : i32
    %dma_start3A_1257 = tpu.memref_slice %arg5[%arg1, %dma_start3A_1251, %dma_start3A_1255, %dma_start3A_1256] : memref<16x3x336x128xf32, #tpu.memory_space<vmem_shared>> -> memref<1x1x336x128xf32, #tpu.memory_space<vmem_shared>>
    %dma_start3A_1258 = tpu.memref_squeeze %dma_start3A_1257 : memref<1x1x336x128xf32, #tpu.memory_space<vmem_shared>> -> memref<336x128xf32, #tpu.memory_space<vmem_shared>>
    %dma_start3A_1259 = arith.constant 7072 : i32
    %dma_start3A_1260 = arith.constant 0 : i32
    %dma_start3A_1261 = tpu.memref_slice %arg2[%add3A_1250, %dma_start3A_1259, %dma_start3A_1260] : memref<64x8192x128xf32, #tpu.memory_space<hbm>> -> memref<1x336x128xf32, #tpu.memory_space<hbm>>
    %dma_start3A_1262 = tpu.memref_squeeze %dma_start3A_1261 : memref<1x336x128xf32, #tpu.memory_space<hbm>> -> memref<336x128xf32, #tpu.memory_space<hbm>>
    tpu.enqueue_dma source(%dma_start3A_1262 : memref<336x128xf32, #tpu.memory_space<hbm>>) target(%dma_start3A_1258 : memref<336x128xf32, #tpu.memory_space<vmem_shared>>) target_semaphore(%dma_start3A_1254 : memref<!tpu.dma_semaphore, #tpu.memory_space<semaphore_mem>>)
    %mul3A_1263 = arith.constant 2 : i32
    %mul3A_1264 = arith.muli %add3A, %mul3A_1263 : i32
    %add3A_1265 = arith.constant 0 : i32
    %add3A_1266 = arith.addi %mul3A_1264, %add3A_1265 : i32
    %dma_wait3A_1267 = arith.constant 1 : i32
    %dma_wait3A_1268 = arith.constant 1 : i32
    %dma_wait3A_1269 = tpu.memref_slice %arg6[%dma_wait3A_1268] : memref<3x!tpu.dma_semaphore, #tpu.memory_space<semaphore_mem>> -> memref<1x!tpu.dma_semaphore, #tpu.memory_space<semaphore_mem>>
    %dma_wait3A_1270 = tpu.memref_squeeze %dma_wait3A_1269 : memref<1x!tpu.dma_semaphore, #tpu.memory_space<semaphore_mem>> -> memref<!tpu.dma_semaphore, #tpu.memory_space<semaphore_mem>>
    %dma_wait3A_1271 = arith.constant 0 : i32
    %dma_wait3A_1272 = arith.constant 0 : i32
    %dma_wait3A_1273 = tpu.memref_slice %arg5[%arg1, %dma_wait3A_1267, %dma_wait3A_1271, %dma_wait3A_1272] : memref<16x3x336x128xf32, #tpu.memory_space<vmem_shared>> -> memref<1x1x336x128xf32, #tpu.memory_space<vmem_shared>>
    %dma_wait3A_1274 = tpu.memref_squeeze %dma_wait3A_1273 : memref<1x1x336x128xf32, #tpu.memory_space<vmem_shared>> -> memref<336x128xf32, #tpu.memory_space<vmem_shared>>
    %dma_wait3A_1275 = arith.constant 6400 : i32
    %dma_wait3A_1276 = arith.constant 0 : i32
    %dma_wait3A_1277 = tpu.memref_slice %arg2[%add3A_1266, %dma_wait3A_1275, %dma_wait3A_1276] : memref<64x8192x128xf32, #tpu.memory_space<hbm>> -> memref<1x336x128xf32, #tpu.memory_space<hbm>>
    %dma_wait3A_1278 = tpu.memref_squeeze %dma_wait3A_1277 : memref<1x336x128xf32, #tpu.memory_space<hbm>> -> memref<336x128xf32, #tpu.memory_space<hbm>>
    tpu.wait_dma2 semaphore(%dma_wait3A_1270 : memref<!tpu.dma_semaphore, #tpu.memory_space<semaphore_mem>>) src(%dma_wait3A_1278 : memref<336x128xf32, #tpu.memory_space<hbm>>) dst(%dma_wait3A_1274 : memref<336x128xf32, #tpu.memory_space<vmem_shared>>)
    %mul3A_1279 = arith.constant 2 : i32
    %mul3A_1280 = arith.muli %add3A, %mul3A_1279 : i32
    %add3A_1281 = arith.constant 0 : i32
    %add3A_1282 = arith.addi %mul3A_1280, %add3A_1281 : i32
    %dma_start3A_1283 = arith.constant 1 : i32
    %dma_start3A_1284 = arith.constant 1 : i32
    %dma_start3A_1285 = tpu.memref_slice %arg7[%dma_start3A_1284] : memref<3x!tpu.dma_semaphore, #tpu.memory_space<semaphore_mem>> -> memref<1x!tpu.dma_semaphore, #tpu.memory_space<semaphore_mem>>
    %dma_start3A_1286 = tpu.memref_squeeze %dma_start3A_1285 : memref<1x!tpu.dma_semaphore, #tpu.memory_space<semaphore_mem>> -> memref<!tpu.dma_semaphore, #tpu.memory_space<semaphore_mem>>
    %dma_start3A_1287 = arith.constant 6384 : i32
    %dma_start3A_1288 = arith.constant 0 : i32
    %dma_start3A_1289 = tpu.memref_slice %arg4[%add3A_1282, %dma_start3A_1287, %dma_start3A_1288] : memref<64x8192x128xf32, #tpu.memory_space<hbm>> -> memref<1x336x128xf32, #tpu.memory_space<hbm>>
    %dma_start3A_1290 = tpu.memref_squeeze %dma_start3A_1289 : memref<1x336x128xf32, #tpu.memory_space<hbm>> -> memref<336x128xf32, #tpu.memory_space<hbm>>
    %dma_start3A_1291 = arith.constant 0 : i32
    %dma_start3A_1292 = arith.constant 0 : i32
    %dma_start3A_1293 = tpu.memref_slice %arg5[%arg1, %dma_start3A_1283, %dma_start3A_1291, %dma_start3A_1292] : memref<16x3x336x128xf32, #tpu.memory_space<vmem_shared>> -> memref<1x1x336x128xf32, #tpu.memory_space<vmem_shared>>
    %dma_start3A_1294 = tpu.memref_squeeze %dma_start3A_1293 : memref<1x1x336x128xf32, #tpu.memory_space<vmem_shared>> -> memref<336x128xf32, #tpu.memory_space<vmem_shared>>
    tpu.enqueue_dma source(%dma_start3A_1294 : memref<336x128xf32, #tpu.memory_space<vmem_shared>>) target(%dma_start3A_1290 : memref<336x128xf32, #tpu.memory_space<hbm>>) target_semaphore(%dma_start3A_1286 : memref<!tpu.dma_semaphore, #tpu.memory_space<semaphore_mem>>)
    %mul3A_1295 = arith.constant 2 : i32
    %mul3A_1296 = arith.muli %add3A, %mul3A_1295 : i32
    %add3A_1297 = arith.constant 0 : i32
    %add3A_1298 = arith.addi %mul3A_1296, %add3A_1297 : i32
    %dma_wait3A_1299 = arith.constant 1 : i32
    %dma_wait3A_1300 = arith.constant 1 : i32
    %dma_wait3A_1301 = tpu.memref_slice %arg7[%dma_wait3A_1300] : memref<3x!tpu.dma_semaphore, #tpu.memory_space<semaphore_mem>> -> memref<1x!tpu.dma_semaphore, #tpu.memory_space<semaphore_mem>>
    %dma_wait3A_1302 = tpu.memref_squeeze %dma_wait3A_1301 : memref<1x!tpu.dma_semaphore, #tpu.memory_space<semaphore_mem>> -> memref<!tpu.dma_semaphore, #tpu.memory_space<semaphore_mem>>
    %dma_wait3A_1303 = arith.constant 6384 : i32
    %dma_wait3A_1304 = arith.constant 0 : i32
    %dma_wait3A_1305 = tpu.memref_slice %arg4[%add3A_1298, %dma_wait3A_1303, %dma_wait3A_1304] : memref<64x8192x128xf32, #tpu.memory_space<hbm>> -> memref<1x336x128xf32, #tpu.memory_space<hbm>>
    %dma_wait3A_1306 = tpu.memref_squeeze %dma_wait3A_1305 : memref<1x336x128xf32, #tpu.memory_space<hbm>> -> memref<336x128xf32, #tpu.memory_space<hbm>>
    %dma_wait3A_1307 = arith.constant 0 : i32
    %dma_wait3A_1308 = arith.constant 0 : i32
    %dma_wait3A_1309 = tpu.memref_slice %arg5[%arg1, %dma_wait3A_1299, %dma_wait3A_1307, %dma_wait3A_1308] : memref<16x3x336x128xf32, #tpu.memory_space<vmem_shared>> -> memref<1x1x336x128xf32, #tpu.memory_space<vmem_shared>>
    %dma_wait3A_1310 = tpu.memref_squeeze %dma_wait3A_1309 : memref<1x1x336x128xf32, #tpu.memory_space<vmem_shared>> -> memref<336x128xf32, #tpu.memory_space<vmem_shared>>
    tpu.wait_dma2 semaphore(%dma_wait3A_1302 : memref<!tpu.dma_semaphore, #tpu.memory_space<semaphore_mem>>) src(%dma_wait3A_1310 : memref<336x128xf32, #tpu.memory_space<vmem_shared>>) dst(%dma_wait3A_1306 : memref<336x128xf32, #tpu.memory_space<hbm>>)
    %mul3A_1311 = arith.constant 2 : i32
    %mul3A_1312 = arith.muli %add3A, %mul3A_1311 : i32
    %add3A_1313 = arith.constant 0 : i32
    %add3A_1314 = arith.addi %mul3A_1312, %add3A_1313 : i32
    %dma_start3A_1315 = arith.constant 1 : i32
    %dma_start3A_1316 = arith.constant 1 : i32
    %dma_start3A_1317 = tpu.memref_slice %arg6[%dma_start3A_1316] : memref<3x!tpu.dma_semaphore, #tpu.memory_space<semaphore_mem>> -> memref<1x!tpu.dma_semaphore, #tpu.memory_space<semaphore_mem>>
    %dma_start3A_1318 = tpu.memref_squeeze %dma_start3A_1317 : memref<1x!tpu.dma_semaphore, #tpu.memory_space<semaphore_mem>> -> memref<!tpu.dma_semaphore, #tpu.memory_space<semaphore_mem>>
    %dma_start3A_1319 = arith.constant 0 : i32
    %dma_start3A_1320 = arith.constant 0 : i32
    %dma_start3A_1321 = tpu.memref_slice %arg5[%arg1, %dma_start3A_1315, %dma_start3A_1319, %dma_start3A_1320] : memref<16x3x336x128xf32, #tpu.memory_space<vmem_shared>> -> memref<1x1x336x128xf32, #tpu.memory_space<vmem_shared>>
    %dma_start3A_1322 = tpu.memref_squeeze %dma_start3A_1321 : memref<1x1x336x128xf32, #tpu.memory_space<vmem_shared>> -> memref<336x128xf32, #tpu.memory_space<vmem_shared>>
    %dma_start3A_1323 = arith.constant 7408 : i32
    %dma_start3A_1324 = arith.constant 0 : i32
    %dma_start3A_1325 = tpu.memref_slice %arg2[%add3A_1314, %dma_start3A_1323, %dma_start3A_1324] : memref<64x8192x128xf32, #tpu.memory_space<hbm>> -> memref<1x336x128xf32, #tpu.memory_space<hbm>>
    %dma_start3A_1326 = tpu.memref_squeeze %dma_start3A_1325 : memref<1x336x128xf32, #tpu.memory_space<hbm>> -> memref<336x128xf32, #tpu.memory_space<hbm>>
    tpu.enqueue_dma source(%dma_start3A_1326 : memref<336x128xf32, #tpu.memory_space<hbm>>) target(%dma_start3A_1322 : memref<336x128xf32, #tpu.memory_space<vmem_shared>>) target_semaphore(%dma_start3A_1318 : memref<!tpu.dma_semaphore, #tpu.memory_space<semaphore_mem>>)
    %mul3A_1327 = arith.constant 2 : i32
    %mul3A_1328 = arith.muli %add3A, %mul3A_1327 : i32
    %add3A_1329 = arith.constant 0 : i32
    %add3A_1330 = arith.addi %mul3A_1328, %add3A_1329 : i32
    %dma_wait3A_1331 = arith.constant 2 : i32
    %dma_wait3A_1332 = arith.constant 2 : i32
    %dma_wait3A_1333 = tpu.memref_slice %arg6[%dma_wait3A_1332] : memref<3x!tpu.dma_semaphore, #tpu.memory_space<semaphore_mem>> -> memref<1x!tpu.dma_semaphore, #tpu.memory_space<semaphore_mem>>
    %dma_wait3A_1334 = tpu.memref_squeeze %dma_wait3A_1333 : memref<1x!tpu.dma_semaphore, #tpu.memory_space<semaphore_mem>> -> memref<!tpu.dma_semaphore, #tpu.memory_space<semaphore_mem>>
    %dma_wait3A_1335 = arith.constant 0 : i32
    %dma_wait3A_1336 = arith.constant 0 : i32
    %dma_wait3A_1337 = tpu.memref_slice %arg5[%arg1, %dma_wait3A_1331, %dma_wait3A_1335, %dma_wait3A_1336] : memref<16x3x336x128xf32, #tpu.memory_space<vmem_shared>> -> memref<1x1x336x128xf32, #tpu.memory_space<vmem_shared>>
    %dma_wait3A_1338 = tpu.memref_squeeze %dma_wait3A_1337 : memref<1x1x336x128xf32, #tpu.memory_space<vmem_shared>> -> memref<336x128xf32, #tpu.memory_space<vmem_shared>>
    %dma_wait3A_1339 = arith.constant 6736 : i32
    %dma_wait3A_1340 = arith.constant 0 : i32
    %dma_wait3A_1341 = tpu.memref_slice %arg2[%add3A_1330, %dma_wait3A_1339, %dma_wait3A_1340] : memref<64x8192x128xf32, #tpu.memory_space<hbm>> -> memref<1x336x128xf32, #tpu.memory_space<hbm>>
    %dma_wait3A_1342 = tpu.memref_squeeze %dma_wait3A_1341 : memref<1x336x128xf32, #tpu.memory_space<hbm>> -> memref<336x128xf32, #tpu.memory_space<hbm>>
    tpu.wait_dma2 semaphore(%dma_wait3A_1334 : memref<!tpu.dma_semaphore, #tpu.memory_space<semaphore_mem>>) src(%dma_wait3A_1342 : memref<336x128xf32, #tpu.memory_space<hbm>>) dst(%dma_wait3A_1338 : memref<336x128xf32, #tpu.memory_space<vmem_shared>>)
    %mul3A_1343 = arith.constant 2 : i32
    %mul3A_1344 = arith.muli %add3A, %mul3A_1343 : i32
    %add3A_1345 = arith.constant 0 : i32
    %add3A_1346 = arith.addi %mul3A_1344, %add3A_1345 : i32
    %dma_start3A_1347 = arith.constant 2 : i32
    %dma_start3A_1348 = arith.constant 2 : i32
    %dma_start3A_1349 = tpu.memref_slice %arg7[%dma_start3A_1348] : memref<3x!tpu.dma_semaphore, #tpu.memory_space<semaphore_mem>> -> memref<1x!tpu.dma_semaphore, #tpu.memory_space<semaphore_mem>>
    %dma_start3A_1350 = tpu.memref_squeeze %dma_start3A_1349 : memref<1x!tpu.dma_semaphore, #tpu.memory_space<semaphore_mem>> -> memref<!tpu.dma_semaphore, #tpu.memory_space<semaphore_mem>>
    %dma_start3A_1351 = arith.constant 6720 : i32
    %dma_start3A_1352 = arith.constant 0 : i32
    %dma_start3A_1353 = tpu.memref_slice %arg4[%add3A_1346, %dma_start3A_1351, %dma_start3A_1352] : memref<64x8192x128xf32, #tpu.memory_space<hbm>> -> memref<1x336x128xf32, #tpu.memory_space<hbm>>
    %dma_start3A_1354 = tpu.memref_squeeze %dma_start3A_1353 : memref<1x336x128xf32, #tpu.memory_space<hbm>> -> memref<336x128xf32, #tpu.memory_space<hbm>>
    %dma_start3A_1355 = arith.constant 0 : i32
    %dma_start3A_1356 = arith.constant 0 : i32
    %dma_start3A_1357 = tpu.memref_slice %arg5[%arg1, %dma_start3A_1347, %dma_start3A_1355, %dma_start3A_1356] : memref<16x3x336x128xf32, #tpu.memory_space<vmem_shared>> -> memref<1x1x336x128xf32, #tpu.memory_space<vmem_shared>>
    %dma_start3A_1358 = tpu.memref_squeeze %dma_start3A_1357 : memref<1x1x336x128xf32, #tpu.memory_space<vmem_shared>> -> memref<336x128xf32, #tpu.memory_space<vmem_shared>>
    tpu.enqueue_dma source(%dma_start3A_1358 : memref<336x128xf32, #tpu.memory_space<vmem_shared>>) target(%dma_start3A_1354 : memref<336x128xf32, #tpu.memory_space<hbm>>) target_semaphore(%dma_start3A_1350 : memref<!tpu.dma_semaphore, #tpu.memory_space<semaphore_mem>>)
    %mul3A_1359 = arith.constant 2 : i32
    %mul3A_1360 = arith.muli %add3A, %mul3A_1359 : i32
    %add3A_1361 = arith.constant 0 : i32
    %add3A_1362 = arith.addi %mul3A_1360, %add3A_1361 : i32
    %dma_wait3A_1363 = arith.constant 2 : i32
    %dma_wait3A_1364 = arith.constant 2 : i32
    %dma_wait3A_1365 = tpu.memref_slice %arg7[%dma_wait3A_1364] : memref<3x!tpu.dma_semaphore, #tpu.memory_space<semaphore_mem>> -> memref<1x!tpu.dma_semaphore, #tpu.memory_space<semaphore_mem>>
    %dma_wait3A_1366 = tpu.memref_squeeze %dma_wait3A_1365 : memref<1x!tpu.dma_semaphore, #tpu.memory_space<semaphore_mem>> -> memref<!tpu.dma_semaphore, #tpu.memory_space<semaphore_mem>>
    %dma_wait3A_1367 = arith.constant 6720 : i32
    %dma_wait3A_1368 = arith.constant 0 : i32
    %dma_wait3A_1369 = tpu.memref_slice %arg4[%add3A_1362, %dma_wait3A_1367, %dma_wait3A_1368] : memref<64x8192x128xf32, #tpu.memory_space<hbm>> -> memref<1x336x128xf32, #tpu.memory_space<hbm>>
    %dma_wait3A_1370 = tpu.memref_squeeze %dma_wait3A_1369 : memref<1x336x128xf32, #tpu.memory_space<hbm>> -> memref<336x128xf32, #tpu.memory_space<hbm>>
    %dma_wait3A_1371 = arith.constant 0 : i32
    %dma_wait3A_1372 = arith.constant 0 : i32
    %dma_wait3A_1373 = tpu.memref_slice %arg5[%arg1, %dma_wait3A_1363, %dma_wait3A_1371, %dma_wait3A_1372] : memref<16x3x336x128xf32, #tpu.memory_space<vmem_shared>> -> memref<1x1x336x128xf32, #tpu.memory_space<vmem_shared>>
    %dma_wait3A_1374 = tpu.memref_squeeze %dma_wait3A_1373 : memref<1x1x336x128xf32, #tpu.memory_space<vmem_shared>> -> memref<336x128xf32, #tpu.memory_space<vmem_shared>>
    tpu.wait_dma2 semaphore(%dma_wait3A_1366 : memref<!tpu.dma_semaphore, #tpu.memory_space<semaphore_mem>>) src(%dma_wait3A_1374 : memref<336x128xf32, #tpu.memory_space<vmem_shared>>) dst(%dma_wait3A_1370 : memref<336x128xf32, #tpu.memory_space<hbm>>)
    %mul3A_1375 = arith.constant 2 : i32
    %mul3A_1376 = arith.muli %add3A, %mul3A_1375 : i32
    %add3A_1377 = arith.constant 0 : i32
    %add3A_1378 = arith.addi %mul3A_1376, %add3A_1377 : i32
    %dma_start3A_1379 = arith.constant 2 : i32
    %dma_start3A_1380 = arith.constant 2 : i32
    %dma_start3A_1381 = tpu.memref_slice %arg6[%dma_start3A_1380] : memref<3x!tpu.dma_semaphore, #tpu.memory_space<semaphore_mem>> -> memref<1x!tpu.dma_semaphore, #tpu.memory_space<semaphore_mem>>
    %dma_start3A_1382 = tpu.memref_squeeze %dma_start3A_1381 : memref<1x!tpu.dma_semaphore, #tpu.memory_space<semaphore_mem>> -> memref<!tpu.dma_semaphore, #tpu.memory_space<semaphore_mem>>
    %dma_start3A_1383 = arith.constant 0 : i32
    %dma_start3A_1384 = arith.constant 0 : i32
    %dma_start3A_1385 = tpu.memref_slice %arg5[%arg1, %dma_start3A_1379, %dma_start3A_1383, %dma_start3A_1384] : memref<16x3x336x128xf32, #tpu.memory_space<vmem_shared>> -> memref<1x1x336x128xf32, #tpu.memory_space<vmem_shared>>
    %dma_start3A_1386 = tpu.memref_squeeze %dma_start3A_1385 : memref<1x1x336x128xf32, #tpu.memory_space<vmem_shared>> -> memref<336x128xf32, #tpu.memory_space<vmem_shared>>
    %dma_start3A_1387 = arith.constant 7744 : i32
    %dma_start3A_1388 = arith.constant 0 : i32
    %dma_start3A_1389 = tpu.memref_slice %arg2[%add3A_1378, %dma_start3A_1387, %dma_start3A_1388] : memref<64x8192x128xf32, #tpu.memory_space<hbm>> -> memref<1x336x128xf32, #tpu.memory_space<hbm>>
    %dma_start3A_1390 = tpu.memref_squeeze %dma_start3A_1389 : memref<1x336x128xf32, #tpu.memory_space<hbm>> -> memref<336x128xf32, #tpu.memory_space<hbm>>
    tpu.enqueue_dma source(%dma_start3A_1390 : memref<336x128xf32, #tpu.memory_space<hbm>>) target(%dma_start3A_1386 : memref<336x128xf32, #tpu.memory_space<vmem_shared>>) target_semaphore(%dma_start3A_1382 : memref<!tpu.dma_semaphore, #tpu.memory_space<semaphore_mem>>)
    %mul3A_1391 = arith.constant 2 : i32
    %mul3A_1392 = arith.muli %add3A, %mul3A_1391 : i32
    %add3A_1393 = arith.constant 0 : i32
    %add3A_1394 = arith.addi %mul3A_1392, %add3A_1393 : i32
    %dma_wait3A_1395 = arith.constant 0 : i32
    %dma_wait3A_1396 = arith.constant 0 : i32
    %dma_wait3A_1397 = tpu.memref_slice %arg6[%dma_wait3A_1396] : memref<3x!tpu.dma_semaphore, #tpu.memory_space<semaphore_mem>> -> memref<1x!tpu.dma_semaphore, #tpu.memory_space<semaphore_mem>>
    %dma_wait3A_1398 = tpu.memref_squeeze %dma_wait3A_1397 : memref<1x!tpu.dma_semaphore, #tpu.memory_space<semaphore_mem>> -> memref<!tpu.dma_semaphore, #tpu.memory_space<semaphore_mem>>
    %dma_wait3A_1399 = arith.constant 0 : i32
    %dma_wait3A_1400 = arith.constant 0 : i32
    %dma_wait3A_1401 = tpu.memref_slice %arg5[%arg1, %dma_wait3A_1395, %dma_wait3A_1399, %dma_wait3A_1400] : memref<16x3x336x128xf32, #tpu.memory_space<vmem_shared>> -> memref<1x1x336x128xf32, #tpu.memory_space<vmem_shared>>
    %dma_wait3A_1402 = tpu.memref_squeeze %dma_wait3A_1401 : memref<1x1x336x128xf32, #tpu.memory_space<vmem_shared>> -> memref<336x128xf32, #tpu.memory_space<vmem_shared>>
    %dma_wait3A_1403 = arith.constant 7072 : i32
    %dma_wait3A_1404 = arith.constant 0 : i32
    %dma_wait3A_1405 = tpu.memref_slice %arg2[%add3A_1394, %dma_wait3A_1403, %dma_wait3A_1404] : memref<64x8192x128xf32, #tpu.memory_space<hbm>> -> memref<1x336x128xf32, #tpu.memory_space<hbm>>
    %dma_wait3A_1406 = tpu.memref_squeeze %dma_wait3A_1405 : memref<1x336x128xf32, #tpu.memory_space<hbm>> -> memref<336x128xf32, #tpu.memory_space<hbm>>
    tpu.wait_dma2 semaphore(%dma_wait3A_1398 : memref<!tpu.dma_semaphore, #tpu.memory_space<semaphore_mem>>) src(%dma_wait3A_1406 : memref<336x128xf32, #tpu.memory_space<hbm>>) dst(%dma_wait3A_1402 : memref<336x128xf32, #tpu.memory_space<vmem_shared>>)
    %mul3A_1407 = arith.constant 2 : i32
    %mul3A_1408 = arith.muli %add3A, %mul3A_1407 : i32
    %add3A_1409 = arith.constant 0 : i32
    %add3A_1410 = arith.addi %mul3A_1408, %add3A_1409 : i32
    %dma_start3A_1411 = arith.constant 0 : i32
    %dma_start3A_1412 = arith.constant 0 : i32
    %dma_start3A_1413 = tpu.memref_slice %arg7[%dma_start3A_1412] : memref<3x!tpu.dma_semaphore, #tpu.memory_space<semaphore_mem>> -> memref<1x!tpu.dma_semaphore, #tpu.memory_space<semaphore_mem>>
    %dma_start3A_1414 = tpu.memref_squeeze %dma_start3A_1413 : memref<1x!tpu.dma_semaphore, #tpu.memory_space<semaphore_mem>> -> memref<!tpu.dma_semaphore, #tpu.memory_space<semaphore_mem>>
    %dma_start3A_1415 = arith.constant 7056 : i32
    %dma_start3A_1416 = arith.constant 0 : i32
    %dma_start3A_1417 = tpu.memref_slice %arg4[%add3A_1410, %dma_start3A_1415, %dma_start3A_1416] : memref<64x8192x128xf32, #tpu.memory_space<hbm>> -> memref<1x336x128xf32, #tpu.memory_space<hbm>>
    %dma_start3A_1418 = tpu.memref_squeeze %dma_start3A_1417 : memref<1x336x128xf32, #tpu.memory_space<hbm>> -> memref<336x128xf32, #tpu.memory_space<hbm>>
    %dma_start3A_1419 = arith.constant 0 : i32
    %dma_start3A_1420 = arith.constant 0 : i32
    %dma_start3A_1421 = tpu.memref_slice %arg5[%arg1, %dma_start3A_1411, %dma_start3A_1419, %dma_start3A_1420] : memref<16x3x336x128xf32, #tpu.memory_space<vmem_shared>> -> memref<1x1x336x128xf32, #tpu.memory_space<vmem_shared>>
    %dma_start3A_1422 = tpu.memref_squeeze %dma_start3A_1421 : memref<1x1x336x128xf32, #tpu.memory_space<vmem_shared>> -> memref<336x128xf32, #tpu.memory_space<vmem_shared>>
    tpu.enqueue_dma source(%dma_start3A_1422 : memref<336x128xf32, #tpu.memory_space<vmem_shared>>) target(%dma_start3A_1418 : memref<336x128xf32, #tpu.memory_space<hbm>>) target_semaphore(%dma_start3A_1414 : memref<!tpu.dma_semaphore, #tpu.memory_space<semaphore_mem>>)
    %mul3A_1423 = arith.constant 2 : i32
    %mul3A_1424 = arith.muli %add3A, %mul3A_1423 : i32
    %add3A_1425 = arith.constant 0 : i32
    %add3A_1426 = arith.addi %mul3A_1424, %add3A_1425 : i32
    %dma_wait3A_1427 = arith.constant 0 : i32
    %dma_wait3A_1428 = arith.constant 0 : i32
    %dma_wait3A_1429 = tpu.memref_slice %arg7[%dma_wait3A_1428] : memref<3x!tpu.dma_semaphore, #tpu.memory_space<semaphore_mem>> -> memref<1x!tpu.dma_semaphore, #tpu.memory_space<semaphore_mem>>
    %dma_wait3A_1430 = tpu.memref_squeeze %dma_wait3A_1429 : memref<1x!tpu.dma_semaphore, #tpu.memory_space<semaphore_mem>> -> memref<!tpu.dma_semaphore, #tpu.memory_space<semaphore_mem>>
    %dma_wait3A_1431 = arith.constant 7056 : i32
    %dma_wait3A_1432 = arith.constant 0 : i32
    %dma_wait3A_1433 = tpu.memref_slice %arg4[%add3A_1426, %dma_wait3A_1431, %dma_wait3A_1432] : memref<64x8192x128xf32, #tpu.memory_space<hbm>> -> memref<1x336x128xf32, #tpu.memory_space<hbm>>
    %dma_wait3A_1434 = tpu.memref_squeeze %dma_wait3A_1433 : memref<1x336x128xf32, #tpu.memory_space<hbm>> -> memref<336x128xf32, #tpu.memory_space<hbm>>
    %dma_wait3A_1435 = arith.constant 0 : i32
    %dma_wait3A_1436 = arith.constant 0 : i32
    %dma_wait3A_1437 = tpu.memref_slice %arg5[%arg1, %dma_wait3A_1427, %dma_wait3A_1435, %dma_wait3A_1436] : memref<16x3x336x128xf32, #tpu.memory_space<vmem_shared>> -> memref<1x1x336x128xf32, #tpu.memory_space<vmem_shared>>
    %dma_wait3A_1438 = tpu.memref_squeeze %dma_wait3A_1437 : memref<1x1x336x128xf32, #tpu.memory_space<vmem_shared>> -> memref<336x128xf32, #tpu.memory_space<vmem_shared>>
    tpu.wait_dma2 semaphore(%dma_wait3A_1430 : memref<!tpu.dma_semaphore, #tpu.memory_space<semaphore_mem>>) src(%dma_wait3A_1438 : memref<336x128xf32, #tpu.memory_space<vmem_shared>>) dst(%dma_wait3A_1434 : memref<336x128xf32, #tpu.memory_space<hbm>>)
    %mul3A_1439 = arith.constant 2 : i32
    %mul3A_1440 = arith.muli %add3A, %mul3A_1439 : i32
    %add3A_1441 = arith.constant 0 : i32
    %add3A_1442 = arith.addi %mul3A_1440, %add3A_1441 : i32
    %dma_start3A_1443 = arith.constant 0 : i32
    %dma_start3A_1444 = arith.constant 0 : i32
    %dma_start3A_1445 = tpu.memref_slice %arg6[%dma_start3A_1444] : memref<3x!tpu.dma_semaphore, #tpu.memory_space<semaphore_mem>> -> memref<1x!tpu.dma_semaphore, #tpu.memory_space<semaphore_mem>>
    %dma_start3A_1446 = tpu.memref_squeeze %dma_start3A_1445 : memref<1x!tpu.dma_semaphore, #tpu.memory_space<semaphore_mem>> -> memref<!tpu.dma_semaphore, #tpu.memory_space<semaphore_mem>>
    %dma_start3A_1447 = arith.constant 0 : i32
    %dma_start3A_1448 = arith.constant 0 : i32
    %dma_start3A_1449 = tpu.memref_slice %arg5[%arg1, %dma_start3A_1443, %dma_start3A_1447, %dma_start3A_1448] : memref<16x3x336x128xf32, #tpu.memory_space<vmem_shared>> -> memref<1x1x112x128xf32, #tpu.memory_space<vmem_shared>>
    %dma_start3A_1450 = tpu.memref_squeeze %dma_start3A_1449 : memref<1x1x112x128xf32, #tpu.memory_space<vmem_shared>> -> memref<112x128xf32, #tpu.memory_space<vmem_shared>>
    %dma_start3A_1451 = arith.constant 8080 : i32
    %dma_start3A_1452 = arith.constant 0 : i32
    %dma_start3A_1453 = tpu.memref_slice %arg2[%add3A_1442, %dma_start3A_1451, %dma_start3A_1452] : memref<64x8192x128xf32, #tpu.memory_space<hbm>> -> memref<1x112x128xf32, #tpu.memory_space<hbm>>
    %dma_start3A_1454 = tpu.memref_squeeze %dma_start3A_1453 : memref<1x112x128xf32, #tpu.memory_space<hbm>> -> memref<112x128xf32, #tpu.memory_space<hbm>>
    tpu.enqueue_dma source(%dma_start3A_1454 : memref<112x128xf32, #tpu.memory_space<hbm>>) target(%dma_start3A_1450 : memref<112x128xf32, #tpu.memory_space<vmem_shared>>) target_semaphore(%dma_start3A_1446 : memref<!tpu.dma_semaphore, #tpu.memory_space<semaphore_mem>>)
    %mul3A_1455 = arith.constant 2 : i32
    %mul3A_1456 = arith.muli %add3A, %mul3A_1455 : i32
    %add3A_1457 = arith.constant 0 : i32
    %add3A_1458 = arith.addi %mul3A_1456, %add3A_1457 : i32
    %dma_wait3A_1459 = arith.constant 1 : i32
    %dma_wait3A_1460 = arith.constant 1 : i32
    %dma_wait3A_1461 = tpu.memref_slice %arg6[%dma_wait3A_1460] : memref<3x!tpu.dma_semaphore, #tpu.memory_space<semaphore_mem>> -> memref<1x!tpu.dma_semaphore, #tpu.memory_space<semaphore_mem>>
    %dma_wait3A_1462 = tpu.memref_squeeze %dma_wait3A_1461 : memref<1x!tpu.dma_semaphore, #tpu.memory_space<semaphore_mem>> -> memref<!tpu.dma_semaphore, #tpu.memory_space<semaphore_mem>>
    %dma_wait3A_1463 = arith.constant 0 : i32
    %dma_wait3A_1464 = arith.constant 0 : i32
    %dma_wait3A_1465 = tpu.memref_slice %arg5[%arg1, %dma_wait3A_1459, %dma_wait3A_1463, %dma_wait3A_1464] : memref<16x3x336x128xf32, #tpu.memory_space<vmem_shared>> -> memref<1x1x336x128xf32, #tpu.memory_space<vmem_shared>>
    %dma_wait3A_1466 = tpu.memref_squeeze %dma_wait3A_1465 : memref<1x1x336x128xf32, #tpu.memory_space<vmem_shared>> -> memref<336x128xf32, #tpu.memory_space<vmem_shared>>
    %dma_wait3A_1467 = arith.constant 7408 : i32
    %dma_wait3A_1468 = arith.constant 0 : i32
    %dma_wait3A_1469 = tpu.memref_slice %arg2[%add3A_1458, %dma_wait3A_1467, %dma_wait3A_1468] : memref<64x8192x128xf32, #tpu.memory_space<hbm>> -> memref<1x336x128xf32, #tpu.memory_space<hbm>>
    %dma_wait3A_1470 = tpu.memref_squeeze %dma_wait3A_1469 : memref<1x336x128xf32, #tpu.memory_space<hbm>> -> memref<336x128xf32, #tpu.memory_space<hbm>>
    tpu.wait_dma2 semaphore(%dma_wait3A_1462 : memref<!tpu.dma_semaphore, #tpu.memory_space<semaphore_mem>>) src(%dma_wait3A_1470 : memref<336x128xf32, #tpu.memory_space<hbm>>) dst(%dma_wait3A_1466 : memref<336x128xf32, #tpu.memory_space<vmem_shared>>)
    %mul3A_1471 = arith.constant 2 : i32
    %mul3A_1472 = arith.muli %add3A, %mul3A_1471 : i32
    %add3A_1473 = arith.constant 0 : i32
    %add3A_1474 = arith.addi %mul3A_1472, %add3A_1473 : i32
    %dma_start3A_1475 = arith.constant 1 : i32
    %dma_start3A_1476 = arith.constant 1 : i32
    %dma_start3A_1477 = tpu.memref_slice %arg7[%dma_start3A_1476] : memref<3x!tpu.dma_semaphore, #tpu.memory_space<semaphore_mem>> -> memref<1x!tpu.dma_semaphore, #tpu.memory_space<semaphore_mem>>
    %dma_start3A_1478 = tpu.memref_squeeze %dma_start3A_1477 : memref<1x!tpu.dma_semaphore, #tpu.memory_space<semaphore_mem>> -> memref<!tpu.dma_semaphore, #tpu.memory_space<semaphore_mem>>
    %dma_start3A_1479 = arith.constant 7392 : i32
    %dma_start3A_1480 = arith.constant 0 : i32
    %dma_start3A_1481 = tpu.memref_slice %arg4[%add3A_1474, %dma_start3A_1479, %dma_start3A_1480] : memref<64x8192x128xf32, #tpu.memory_space<hbm>> -> memref<1x336x128xf32, #tpu.memory_space<hbm>>
    %dma_start3A_1482 = tpu.memref_squeeze %dma_start3A_1481 : memref<1x336x128xf32, #tpu.memory_space<hbm>> -> memref<336x128xf32, #tpu.memory_space<hbm>>
    %dma_start3A_1483 = arith.constant 0 : i32
    %dma_start3A_1484 = arith.constant 0 : i32
    %dma_start3A_1485 = tpu.memref_slice %arg5[%arg1, %dma_start3A_1475, %dma_start3A_1483, %dma_start3A_1484] : memref<16x3x336x128xf32, #tpu.memory_space<vmem_shared>> -> memref<1x1x336x128xf32, #tpu.memory_space<vmem_shared>>
    %dma_start3A_1486 = tpu.memref_squeeze %dma_start3A_1485 : memref<1x1x336x128xf32, #tpu.memory_space<vmem_shared>> -> memref<336x128xf32, #tpu.memory_space<vmem_shared>>
    tpu.enqueue_dma source(%dma_start3A_1486 : memref<336x128xf32, #tpu.memory_space<vmem_shared>>) target(%dma_start3A_1482 : memref<336x128xf32, #tpu.memory_space<hbm>>) target_semaphore(%dma_start3A_1478 : memref<!tpu.dma_semaphore, #tpu.memory_space<semaphore_mem>>)
    %mul3A_1487 = arith.constant 2 : i32
    %mul3A_1488 = arith.muli %add3A, %mul3A_1487 : i32
    %add3A_1489 = arith.constant 0 : i32
    %add3A_1490 = arith.addi %mul3A_1488, %add3A_1489 : i32
    %dma_wait3A_1491 = arith.constant 1 : i32
    %dma_wait3A_1492 = arith.constant 1 : i32
    %dma_wait3A_1493 = tpu.memref_slice %arg7[%dma_wait3A_1492] : memref<3x!tpu.dma_semaphore, #tpu.memory_space<semaphore_mem>> -> memref<1x!tpu.dma_semaphore, #tpu.memory_space<semaphore_mem>>
    %dma_wait3A_1494 = tpu.memref_squeeze %dma_wait3A_1493 : memref<1x!tpu.dma_semaphore, #tpu.memory_space<semaphore_mem>> -> memref<!tpu.dma_semaphore, #tpu.memory_space<semaphore_mem>>
    %dma_wait3A_1495 = arith.constant 7392 : i32
    %dma_wait3A_1496 = arith.constant 0 : i32
    %dma_wait3A_1497 = tpu.memref_slice %arg4[%add3A_1490, %dma_wait3A_1495, %dma_wait3A_1496] : memref<64x8192x128xf32, #tpu.memory_space<hbm>> -> memref<1x336x128xf32, #tpu.memory_space<hbm>>
    %dma_wait3A_1498 = tpu.memref_squeeze %dma_wait3A_1497 : memref<1x336x128xf32, #tpu.memory_space<hbm>> -> memref<336x128xf32, #tpu.memory_space<hbm>>
    %dma_wait3A_1499 = arith.constant 0 : i32
    %dma_wait3A_1500 = arith.constant 0 : i32
    %dma_wait3A_1501 = tpu.memref_slice %arg5[%arg1, %dma_wait3A_1491, %dma_wait3A_1499, %dma_wait3A_1500] : memref<16x3x336x128xf32, #tpu.memory_space<vmem_shared>> -> memref<1x1x336x128xf32, #tpu.memory_space<vmem_shared>>
    %dma_wait3A_1502 = tpu.memref_squeeze %dma_wait3A_1501 : memref<1x1x336x128xf32, #tpu.memory_space<vmem_shared>> -> memref<336x128xf32, #tpu.memory_space<vmem_shared>>
    tpu.wait_dma2 semaphore(%dma_wait3A_1494 : memref<!tpu.dma_semaphore, #tpu.memory_space<semaphore_mem>>) src(%dma_wait3A_1502 : memref<336x128xf32, #tpu.memory_space<vmem_shared>>) dst(%dma_wait3A_1498 : memref<336x128xf32, #tpu.memory_space<hbm>>)
    %mul3A_1503 = arith.constant 2 : i32
    %mul3A_1504 = arith.muli %add3A, %mul3A_1503 : i32
    %add3A_1505 = arith.constant 0 : i32
    %add3A_1506 = arith.addi %mul3A_1504, %add3A_1505 : i32
    %dma_start3A_1507 = arith.constant 1 : i32
    %dma_start3A_1508 = arith.constant 1 : i32
    %dma_start3A_1509 = tpu.memref_slice %arg6[%dma_start3A_1508] : memref<3x!tpu.dma_semaphore, #tpu.memory_space<semaphore_mem>> -> memref<1x!tpu.dma_semaphore, #tpu.memory_space<semaphore_mem>>
    %dma_start3A_1510 = tpu.memref_squeeze %dma_start3A_1509 : memref<1x!tpu.dma_semaphore, #tpu.memory_space<semaphore_mem>> -> memref<!tpu.dma_semaphore, #tpu.memory_space<semaphore_mem>>
    %dma_start3A_1511 = arith.constant 0 : i32
    %dma_start3A_1512 = arith.constant 0 : i32
    %dma_start3A_1513 = tpu.memref_slice %arg5[%arg1, %dma_start3A_1507, %dma_start3A_1511, %dma_start3A_1512] : memref<16x3x336x128xf32, #tpu.memory_space<vmem_shared>> -> memref<1x1x16x128xf32, #tpu.memory_space<vmem_shared>>
    %dma_start3A_1514 = tpu.memref_squeeze %dma_start3A_1513 : memref<1x1x16x128xf32, #tpu.memory_space<vmem_shared>> -> memref<16x128xf32, #tpu.memory_space<vmem_shared>>
    %dma_start3A_1515 = arith.constant 0 : i32
    %dma_start3A_1516 = arith.constant 0 : i32
    %dma_start3A_1517 = tpu.memref_slice %arg3[%add3A_1506, %dma_start3A_1515, %dma_start3A_1516] : memref<64x16x128xf32, #tpu.memory_space<hbm>> -> memref<1x16x128xf32, #tpu.memory_space<hbm>>
    %dma_start3A_1518 = tpu.memref_squeeze %dma_start3A_1517 : memref<1x16x128xf32, #tpu.memory_space<hbm>> -> memref<16x128xf32, #tpu.memory_space<hbm>>
    tpu.enqueue_dma source(%dma_start3A_1518 : memref<16x128xf32, #tpu.memory_space<hbm>>) target(%dma_start3A_1514 : memref<16x128xf32, #tpu.memory_space<vmem_shared>>) target_semaphore(%dma_start3A_1510 : memref<!tpu.dma_semaphore, #tpu.memory_space<semaphore_mem>>)
    %mul3A_1519 = arith.constant 2 : i32
    %mul3A_1520 = arith.muli %add3A, %mul3A_1519 : i32
    %add3A_1521 = arith.constant 0 : i32
    %add3A_1522 = arith.addi %mul3A_1520, %add3A_1521 : i32
    %dma_wait3A_1523 = arith.constant 2 : i32
    %dma_wait3A_1524 = arith.constant 2 : i32
    %dma_wait3A_1525 = tpu.memref_slice %arg6[%dma_wait3A_1524] : memref<3x!tpu.dma_semaphore, #tpu.memory_space<semaphore_mem>> -> memref<1x!tpu.dma_semaphore, #tpu.memory_space<semaphore_mem>>
    %dma_wait3A_1526 = tpu.memref_squeeze %dma_wait3A_1525 : memref<1x!tpu.dma_semaphore, #tpu.memory_space<semaphore_mem>> -> memref<!tpu.dma_semaphore, #tpu.memory_space<semaphore_mem>>
    %dma_wait3A_1527 = arith.constant 0 : i32
    %dma_wait3A_1528 = arith.constant 0 : i32
    %dma_wait3A_1529 = tpu.memref_slice %arg5[%arg1, %dma_wait3A_1523, %dma_wait3A_1527, %dma_wait3A_1528] : memref<16x3x336x128xf32, #tpu.memory_space<vmem_shared>> -> memref<1x1x336x128xf32, #tpu.memory_space<vmem_shared>>
    %dma_wait3A_1530 = tpu.memref_squeeze %dma_wait3A_1529 : memref<1x1x336x128xf32, #tpu.memory_space<vmem_shared>> -> memref<336x128xf32, #tpu.memory_space<vmem_shared>>
    %dma_wait3A_1531 = arith.constant 7744 : i32
    %dma_wait3A_1532 = arith.constant 0 : i32
    %dma_wait3A_1533 = tpu.memref_slice %arg2[%add3A_1522, %dma_wait3A_1531, %dma_wait3A_1532] : memref<64x8192x128xf32, #tpu.memory_space<hbm>> -> memref<1x336x128xf32, #tpu.memory_space<hbm>>
    %dma_wait3A_1534 = tpu.memref_squeeze %dma_wait3A_1533 : memref<1x336x128xf32, #tpu.memory_space<hbm>> -> memref<336x128xf32, #tpu.memory_space<hbm>>
    tpu.wait_dma2 semaphore(%dma_wait3A_1526 : memref<!tpu.dma_semaphore, #tpu.memory_space<semaphore_mem>>) src(%dma_wait3A_1534 : memref<336x128xf32, #tpu.memory_space<hbm>>) dst(%dma_wait3A_1530 : memref<336x128xf32, #tpu.memory_space<vmem_shared>>)
    %mul3A_1535 = arith.constant 2 : i32
    %mul3A_1536 = arith.muli %add3A, %mul3A_1535 : i32
    %add3A_1537 = arith.constant 0 : i32
    %add3A_1538 = arith.addi %mul3A_1536, %add3A_1537 : i32
    %dma_start3A_1539 = arith.constant 2 : i32
    %dma_start3A_1540 = arith.constant 2 : i32
    %dma_start3A_1541 = tpu.memref_slice %arg7[%dma_start3A_1540] : memref<3x!tpu.dma_semaphore, #tpu.memory_space<semaphore_mem>> -> memref<1x!tpu.dma_semaphore, #tpu.memory_space<semaphore_mem>>
    %dma_start3A_1542 = tpu.memref_squeeze %dma_start3A_1541 : memref<1x!tpu.dma_semaphore, #tpu.memory_space<semaphore_mem>> -> memref<!tpu.dma_semaphore, #tpu.memory_space<semaphore_mem>>
    %dma_start3A_1543 = arith.constant 7728 : i32
    %dma_start3A_1544 = arith.constant 0 : i32
    %dma_start3A_1545 = tpu.memref_slice %arg4[%add3A_1538, %dma_start3A_1543, %dma_start3A_1544] : memref<64x8192x128xf32, #tpu.memory_space<hbm>> -> memref<1x336x128xf32, #tpu.memory_space<hbm>>
    %dma_start3A_1546 = tpu.memref_squeeze %dma_start3A_1545 : memref<1x336x128xf32, #tpu.memory_space<hbm>> -> memref<336x128xf32, #tpu.memory_space<hbm>>
    %dma_start3A_1547 = arith.constant 0 : i32
    %dma_start3A_1548 = arith.constant 0 : i32
    %dma_start3A_1549 = tpu.memref_slice %arg5[%arg1, %dma_start3A_1539, %dma_start3A_1547, %dma_start3A_1548] : memref<16x3x336x128xf32, #tpu.memory_space<vmem_shared>> -> memref<1x1x336x128xf32, #tpu.memory_space<vmem_shared>>
    %dma_start3A_1550 = tpu.memref_squeeze %dma_start3A_1549 : memref<1x1x336x128xf32, #tpu.memory_space<vmem_shared>> -> memref<336x128xf32, #tpu.memory_space<vmem_shared>>
    tpu.enqueue_dma source(%dma_start3A_1550 : memref<336x128xf32, #tpu.memory_space<vmem_shared>>) target(%dma_start3A_1546 : memref<336x128xf32, #tpu.memory_space<hbm>>) target_semaphore(%dma_start3A_1542 : memref<!tpu.dma_semaphore, #tpu.memory_space<semaphore_mem>>)
    %mul3A_1551 = arith.constant 2 : i32
    %mul3A_1552 = arith.muli %add3A, %mul3A_1551 : i32
    %add3A_1553 = arith.constant 0 : i32
    %add3A_1554 = arith.addi %mul3A_1552, %add3A_1553 : i32
    %dma_wait3A_1555 = arith.constant 2 : i32
    %dma_wait3A_1556 = arith.constant 2 : i32
    %dma_wait3A_1557 = tpu.memref_slice %arg7[%dma_wait3A_1556] : memref<3x!tpu.dma_semaphore, #tpu.memory_space<semaphore_mem>> -> memref<1x!tpu.dma_semaphore, #tpu.memory_space<semaphore_mem>>
    %dma_wait3A_1558 = tpu.memref_squeeze %dma_wait3A_1557 : memref<1x!tpu.dma_semaphore, #tpu.memory_space<semaphore_mem>> -> memref<!tpu.dma_semaphore, #tpu.memory_space<semaphore_mem>>
    %dma_wait3A_1559 = arith.constant 7728 : i32
    %dma_wait3A_1560 = arith.constant 0 : i32
    %dma_wait3A_1561 = tpu.memref_slice %arg4[%add3A_1554, %dma_wait3A_1559, %dma_wait3A_1560] : memref<64x8192x128xf32, #tpu.memory_space<hbm>> -> memref<1x336x128xf32, #tpu.memory_space<hbm>>
    %dma_wait3A_1562 = tpu.memref_squeeze %dma_wait3A_1561 : memref<1x336x128xf32, #tpu.memory_space<hbm>> -> memref<336x128xf32, #tpu.memory_space<hbm>>
    %dma_wait3A_1563 = arith.constant 0 : i32
    %dma_wait3A_1564 = arith.constant 0 : i32
    %dma_wait3A_1565 = tpu.memref_slice %arg5[%arg1, %dma_wait3A_1555, %dma_wait3A_1563, %dma_wait3A_1564] : memref<16x3x336x128xf32, #tpu.memory_space<vmem_shared>> -> memref<1x1x336x128xf32, #tpu.memory_space<vmem_shared>>
    %dma_wait3A_1566 = tpu.memref_squeeze %dma_wait3A_1565 : memref<1x1x336x128xf32, #tpu.memory_space<vmem_shared>> -> memref<336x128xf32, #tpu.memory_space<vmem_shared>>
    tpu.wait_dma2 semaphore(%dma_wait3A_1558 : memref<!tpu.dma_semaphore, #tpu.memory_space<semaphore_mem>>) src(%dma_wait3A_1566 : memref<336x128xf32, #tpu.memory_space<vmem_shared>>) dst(%dma_wait3A_1562 : memref<336x128xf32, #tpu.memory_space<hbm>>)
    %mul3A_1567 = arith.constant 2 : i32
    %mul3A_1568 = arith.muli %add3A, %mul3A_1567 : i32
    %add3A_1569 = arith.constant 1 : i32
    %add3A_1570 = arith.addi %mul3A_1568, %add3A_1569 : i32
    %dma_start3A_1571 = arith.constant 2 : i32
    %dma_start3A_1572 = arith.constant 2 : i32
    %dma_start3A_1573 = tpu.memref_slice %arg6[%dma_start3A_1572] : memref<3x!tpu.dma_semaphore, #tpu.memory_space<semaphore_mem>> -> memref<1x!tpu.dma_semaphore, #tpu.memory_space<semaphore_mem>>
    %dma_start3A_1574 = tpu.memref_squeeze %dma_start3A_1573 : memref<1x!tpu.dma_semaphore, #tpu.memory_space<semaphore_mem>> -> memref<!tpu.dma_semaphore, #tpu.memory_space<semaphore_mem>>
    %dma_start3A_1575 = arith.constant 0 : i32
    %dma_start3A_1576 = arith.constant 0 : i32
    %dma_start3A_1577 = tpu.memref_slice %arg5[%arg1, %dma_start3A_1571, %dma_start3A_1575, %dma_start3A_1576] : memref<16x3x336x128xf32, #tpu.memory_space<vmem_shared>> -> memref<1x1x336x128xf32, #tpu.memory_space<vmem_shared>>
    %dma_start3A_1578 = tpu.memref_squeeze %dma_start3A_1577 : memref<1x1x336x128xf32, #tpu.memory_space<vmem_shared>> -> memref<336x128xf32, #tpu.memory_space<vmem_shared>>
    %dma_start3A_1579 = arith.constant 16 : i32
    %dma_start3A_1580 = arith.constant 0 : i32
    %dma_start3A_1581 = tpu.memref_slice %arg2[%add3A_1570, %dma_start3A_1579, %dma_start3A_1580] : memref<64x8192x128xf32, #tpu.memory_space<hbm>> -> memref<1x336x128xf32, #tpu.memory_space<hbm>>
    %dma_start3A_1582 = tpu.memref_squeeze %dma_start3A_1581 : memref<1x336x128xf32, #tpu.memory_space<hbm>> -> memref<336x128xf32, #tpu.memory_space<hbm>>
    tpu.enqueue_dma source(%dma_start3A_1582 : memref<336x128xf32, #tpu.memory_space<hbm>>) target(%dma_start3A_1578 : memref<336x128xf32, #tpu.memory_space<vmem_shared>>) target_semaphore(%dma_start3A_1574 : memref<!tpu.dma_semaphore, #tpu.memory_space<semaphore_mem>>)
    %mul3A_1583 = arith.constant 2 : i32
    %mul3A_1584 = arith.muli %add3A, %mul3A_1583 : i32
    %add3A_1585 = arith.constant 0 : i32
    %add3A_1586 = arith.addi %mul3A_1584, %add3A_1585 : i32
    %dma_wait3A_1587 = arith.constant 0 : i32
    %dma_wait3A_1588 = arith.constant 0 : i32
    %dma_wait3A_1589 = tpu.memref_slice %arg6[%dma_wait3A_1588] : memref<3x!tpu.dma_semaphore, #tpu.memory_space<semaphore_mem>> -> memref<1x!tpu.dma_semaphore, #tpu.memory_space<semaphore_mem>>
    %dma_wait3A_1590 = tpu.memref_squeeze %dma_wait3A_1589 : memref<1x!tpu.dma_semaphore, #tpu.memory_space<semaphore_mem>> -> memref<!tpu.dma_semaphore, #tpu.memory_space<semaphore_mem>>
    %dma_wait3A_1591 = arith.constant 0 : i32
    %dma_wait3A_1592 = arith.constant 0 : i32
    %dma_wait3A_1593 = tpu.memref_slice %arg5[%arg1, %dma_wait3A_1587, %dma_wait3A_1591, %dma_wait3A_1592] : memref<16x3x336x128xf32, #tpu.memory_space<vmem_shared>> -> memref<1x1x112x128xf32, #tpu.memory_space<vmem_shared>>
    %dma_wait3A_1594 = tpu.memref_squeeze %dma_wait3A_1593 : memref<1x1x112x128xf32, #tpu.memory_space<vmem_shared>> -> memref<112x128xf32, #tpu.memory_space<vmem_shared>>
    %dma_wait3A_1595 = arith.constant 8080 : i32
    %dma_wait3A_1596 = arith.constant 0 : i32
    %dma_wait3A_1597 = tpu.memref_slice %arg2[%add3A_1586, %dma_wait3A_1595, %dma_wait3A_1596] : memref<64x8192x128xf32, #tpu.memory_space<hbm>> -> memref<1x112x128xf32, #tpu.memory_space<hbm>>
    %dma_wait3A_1598 = tpu.memref_squeeze %dma_wait3A_1597 : memref<1x112x128xf32, #tpu.memory_space<hbm>> -> memref<112x128xf32, #tpu.memory_space<hbm>>
    tpu.wait_dma2 semaphore(%dma_wait3A_1590 : memref<!tpu.dma_semaphore, #tpu.memory_space<semaphore_mem>>) src(%dma_wait3A_1598 : memref<112x128xf32, #tpu.memory_space<hbm>>) dst(%dma_wait3A_1594 : memref<112x128xf32, #tpu.memory_space<vmem_shared>>)
    %mul3A_1599 = arith.constant 2 : i32
    %mul3A_1600 = arith.muli %add3A, %mul3A_1599 : i32
    %add3A_1601 = arith.constant 0 : i32
    %add3A_1602 = arith.addi %mul3A_1600, %add3A_1601 : i32
    %dma_start3A_1603 = arith.constant 0 : i32
    %dma_start3A_1604 = arith.constant 0 : i32
    %dma_start3A_1605 = tpu.memref_slice %arg7[%dma_start3A_1604] : memref<3x!tpu.dma_semaphore, #tpu.memory_space<semaphore_mem>> -> memref<1x!tpu.dma_semaphore, #tpu.memory_space<semaphore_mem>>
    %dma_start3A_1606 = tpu.memref_squeeze %dma_start3A_1605 : memref<1x!tpu.dma_semaphore, #tpu.memory_space<semaphore_mem>> -> memref<!tpu.dma_semaphore, #tpu.memory_space<semaphore_mem>>
    %dma_start3A_1607 = arith.constant 8064 : i32
    %dma_start3A_1608 = arith.constant 0 : i32
    %dma_start3A_1609 = tpu.memref_slice %arg4[%add3A_1602, %dma_start3A_1607, %dma_start3A_1608] : memref<64x8192x128xf32, #tpu.memory_space<hbm>> -> memref<1x112x128xf32, #tpu.memory_space<hbm>>
    %dma_start3A_1610 = tpu.memref_squeeze %dma_start3A_1609 : memref<1x112x128xf32, #tpu.memory_space<hbm>> -> memref<112x128xf32, #tpu.memory_space<hbm>>
    %dma_start3A_1611 = arith.constant 0 : i32
    %dma_start3A_1612 = arith.constant 0 : i32
    %dma_start3A_1613 = tpu.memref_slice %arg5[%arg1, %dma_start3A_1603, %dma_start3A_1611, %dma_start3A_1612] : memref<16x3x336x128xf32, #tpu.memory_space<vmem_shared>> -> memref<1x1x112x128xf32, #tpu.memory_space<vmem_shared>>
    %dma_start3A_1614 = tpu.memref_squeeze %dma_start3A_1613 : memref<1x1x112x128xf32, #tpu.memory_space<vmem_shared>> -> memref<112x128xf32, #tpu.memory_space<vmem_shared>>
    tpu.enqueue_dma source(%dma_start3A_1614 : memref<112x128xf32, #tpu.memory_space<vmem_shared>>) target(%dma_start3A_1610 : memref<112x128xf32, #tpu.memory_space<hbm>>) target_semaphore(%dma_start3A_1606 : memref<!tpu.dma_semaphore, #tpu.memory_space<semaphore_mem>>)
    %mul3A_1615 = arith.constant 2 : i32
    %mul3A_1616 = arith.muli %add3A, %mul3A_1615 : i32
    %add3A_1617 = arith.constant 0 : i32
    %add3A_1618 = arith.addi %mul3A_1616, %add3A_1617 : i32
    %dma_wait3A_1619 = arith.constant 0 : i32
    %dma_wait3A_1620 = arith.constant 0 : i32
    %dma_wait3A_1621 = tpu.memref_slice %arg7[%dma_wait3A_1620] : memref<3x!tpu.dma_semaphore, #tpu.memory_space<semaphore_mem>> -> memref<1x!tpu.dma_semaphore, #tpu.memory_space<semaphore_mem>>
    %dma_wait3A_1622 = tpu.memref_squeeze %dma_wait3A_1621 : memref<1x!tpu.dma_semaphore, #tpu.memory_space<semaphore_mem>> -> memref<!tpu.dma_semaphore, #tpu.memory_space<semaphore_mem>>
    %dma_wait3A_1623 = arith.constant 8064 : i32
    %dma_wait3A_1624 = arith.constant 0 : i32
    %dma_wait3A_1625 = tpu.memref_slice %arg4[%add3A_1618, %dma_wait3A_1623, %dma_wait3A_1624] : memref<64x8192x128xf32, #tpu.memory_space<hbm>> -> memref<1x112x128xf32, #tpu.memory_space<hbm>>
    %dma_wait3A_1626 = tpu.memref_squeeze %dma_wait3A_1625 : memref<1x112x128xf32, #tpu.memory_space<hbm>> -> memref<112x128xf32, #tpu.memory_space<hbm>>
    %dma_wait3A_1627 = arith.constant 0 : i32
    %dma_wait3A_1628 = arith.constant 0 : i32
    %dma_wait3A_1629 = tpu.memref_slice %arg5[%arg1, %dma_wait3A_1619, %dma_wait3A_1627, %dma_wait3A_1628] : memref<16x3x336x128xf32, #tpu.memory_space<vmem_shared>> -> memref<1x1x112x128xf32, #tpu.memory_space<vmem_shared>>
    %dma_wait3A_1630 = tpu.memref_squeeze %dma_wait3A_1629 : memref<1x1x112x128xf32, #tpu.memory_space<vmem_shared>> -> memref<112x128xf32, #tpu.memory_space<vmem_shared>>
    tpu.wait_dma2 semaphore(%dma_wait3A_1622 : memref<!tpu.dma_semaphore, #tpu.memory_space<semaphore_mem>>) src(%dma_wait3A_1630 : memref<112x128xf32, #tpu.memory_space<vmem_shared>>) dst(%dma_wait3A_1626 : memref<112x128xf32, #tpu.memory_space<hbm>>)
    %mul3A_1631 = arith.constant 2 : i32
    %mul3A_1632 = arith.muli %add3A, %mul3A_1631 : i32
    %add3A_1633 = arith.constant 1 : i32
    %add3A_1634 = arith.addi %mul3A_1632, %add3A_1633 : i32
    %dma_start3A_1635 = arith.constant 0 : i32
    %dma_start3A_1636 = arith.constant 0 : i32
    %dma_start3A_1637 = tpu.memref_slice %arg6[%dma_start3A_1636] : memref<3x!tpu.dma_semaphore, #tpu.memory_space<semaphore_mem>> -> memref<1x!tpu.dma_semaphore, #tpu.memory_space<semaphore_mem>>
    %dma_start3A_1638 = tpu.memref_squeeze %dma_start3A_1637 : memref<1x!tpu.dma_semaphore, #tpu.memory_space<semaphore_mem>> -> memref<!tpu.dma_semaphore, #tpu.memory_space<semaphore_mem>>
    %dma_start3A_1639 = arith.constant 0 : i32
    %dma_start3A_1640 = arith.constant 0 : i32
    %dma_start3A_1641 = tpu.memref_slice %arg5[%arg1, %dma_start3A_1635, %dma_start3A_1639, %dma_start3A_1640] : memref<16x3x336x128xf32, #tpu.memory_space<vmem_shared>> -> memref<1x1x336x128xf32, #tpu.memory_space<vmem_shared>>
    %dma_start3A_1642 = tpu.memref_squeeze %dma_start3A_1641 : memref<1x1x336x128xf32, #tpu.memory_space<vmem_shared>> -> memref<336x128xf32, #tpu.memory_space<vmem_shared>>
    %dma_start3A_1643 = arith.constant 352 : i32
    %dma_start3A_1644 = arith.constant 0 : i32
    %dma_start3A_1645 = tpu.memref_slice %arg2[%add3A_1634, %dma_start3A_1643, %dma_start3A_1644] : memref<64x8192x128xf32, #tpu.memory_space<hbm>> -> memref<1x336x128xf32, #tpu.memory_space<hbm>>
    %dma_start3A_1646 = tpu.memref_squeeze %dma_start3A_1645 : memref<1x336x128xf32, #tpu.memory_space<hbm>> -> memref<336x128xf32, #tpu.memory_space<hbm>>
    tpu.enqueue_dma source(%dma_start3A_1646 : memref<336x128xf32, #tpu.memory_space<hbm>>) target(%dma_start3A_1642 : memref<336x128xf32, #tpu.memory_space<vmem_shared>>) target_semaphore(%dma_start3A_1638 : memref<!tpu.dma_semaphore, #tpu.memory_space<semaphore_mem>>)
    %mul3A_1647 = arith.constant 2 : i32
    %mul3A_1648 = arith.muli %add3A, %mul3A_1647 : i32
    %add3A_1649 = arith.constant 0 : i32
    %add3A_1650 = arith.addi %mul3A_1648, %add3A_1649 : i32
    %dma_wait3A_1651 = arith.constant 1 : i32
    %dma_wait3A_1652 = arith.constant 1 : i32
    %dma_wait3A_1653 = tpu.memref_slice %arg6[%dma_wait3A_1652] : memref<3x!tpu.dma_semaphore, #tpu.memory_space<semaphore_mem>> -> memref<1x!tpu.dma_semaphore, #tpu.memory_space<semaphore_mem>>
    %dma_wait3A_1654 = tpu.memref_squeeze %dma_wait3A_1653 : memref<1x!tpu.dma_semaphore, #tpu.memory_space<semaphore_mem>> -> memref<!tpu.dma_semaphore, #tpu.memory_space<semaphore_mem>>
    %dma_wait3A_1655 = arith.constant 0 : i32
    %dma_wait3A_1656 = arith.constant 0 : i32
    %dma_wait3A_1657 = tpu.memref_slice %arg5[%arg1, %dma_wait3A_1651, %dma_wait3A_1655, %dma_wait3A_1656] : memref<16x3x336x128xf32, #tpu.memory_space<vmem_shared>> -> memref<1x1x16x128xf32, #tpu.memory_space<vmem_shared>>
    %dma_wait3A_1658 = tpu.memref_squeeze %dma_wait3A_1657 : memref<1x1x16x128xf32, #tpu.memory_space<vmem_shared>> -> memref<16x128xf32, #tpu.memory_space<vmem_shared>>
    %dma_wait3A_1659 = arith.constant 0 : i32
    %dma_wait3A_1660 = arith.constant 0 : i32
    %dma_wait3A_1661 = tpu.memref_slice %arg3[%add3A_1650, %dma_wait3A_1659, %dma_wait3A_1660] : memref<64x16x128xf32, #tpu.memory_space<hbm>> -> memref<1x16x128xf32, #tpu.memory_space<hbm>>
    %dma_wait3A_1662 = tpu.memref_squeeze %dma_wait3A_1661 : memref<1x16x128xf32, #tpu.memory_space<hbm>> -> memref<16x128xf32, #tpu.memory_space<hbm>>
    tpu.wait_dma2 semaphore(%dma_wait3A_1654 : memref<!tpu.dma_semaphore, #tpu.memory_space<semaphore_mem>>) src(%dma_wait3A_1662 : memref<16x128xf32, #tpu.memory_space<hbm>>) dst(%dma_wait3A_1658 : memref<16x128xf32, #tpu.memory_space<vmem_shared>>)
    %mul3A_1663 = arith.constant 2 : i32
    %mul3A_1664 = arith.muli %add3A, %mul3A_1663 : i32
    %add3A_1665 = arith.constant 0 : i32
    %add3A_1666 = arith.addi %mul3A_1664, %add3A_1665 : i32
    %dma_start3A_1667 = arith.constant 1 : i32
    %dma_start3A_1668 = arith.constant 1 : i32
    %dma_start3A_1669 = tpu.memref_slice %arg7[%dma_start3A_1668] : memref<3x!tpu.dma_semaphore, #tpu.memory_space<semaphore_mem>> -> memref<1x!tpu.dma_semaphore, #tpu.memory_space<semaphore_mem>>
    %dma_start3A_1670 = tpu.memref_squeeze %dma_start3A_1669 : memref<1x!tpu.dma_semaphore, #tpu.memory_space<semaphore_mem>> -> memref<!tpu.dma_semaphore, #tpu.memory_space<semaphore_mem>>
    %dma_start3A_1671 = arith.constant 8176 : i32
    %dma_start3A_1672 = arith.constant 0 : i32
    %dma_start3A_1673 = tpu.memref_slice %arg4[%add3A_1666, %dma_start3A_1671, %dma_start3A_1672] : memref<64x8192x128xf32, #tpu.memory_space<hbm>> -> memref<1x16x128xf32, #tpu.memory_space<hbm>>
    %dma_start3A_1674 = tpu.memref_squeeze %dma_start3A_1673 : memref<1x16x128xf32, #tpu.memory_space<hbm>> -> memref<16x128xf32, #tpu.memory_space<hbm>>
    %dma_start3A_1675 = arith.constant 0 : i32
    %dma_start3A_1676 = arith.constant 0 : i32
    %dma_start3A_1677 = tpu.memref_slice %arg5[%arg1, %dma_start3A_1667, %dma_start3A_1675, %dma_start3A_1676] : memref<16x3x336x128xf32, #tpu.memory_space<vmem_shared>> -> memref<1x1x16x128xf32, #tpu.memory_space<vmem_shared>>
    %dma_start3A_1678 = tpu.memref_squeeze %dma_start3A_1677 : memref<1x1x16x128xf32, #tpu.memory_space<vmem_shared>> -> memref<16x128xf32, #tpu.memory_space<vmem_shared>>
    tpu.enqueue_dma source(%dma_start3A_1678 : memref<16x128xf32, #tpu.memory_space<vmem_shared>>) target(%dma_start3A_1674 : memref<16x128xf32, #tpu.memory_space<hbm>>) target_semaphore(%dma_start3A_1670 : memref<!tpu.dma_semaphore, #tpu.memory_space<semaphore_mem>>)
    %mul3A_1679 = arith.constant 2 : i32
    %mul3A_1680 = arith.muli %add3A, %mul3A_1679 : i32
    %add3A_1681 = arith.constant 0 : i32
    %add3A_1682 = arith.addi %mul3A_1680, %add3A_1681 : i32
    %dma_wait3A_1683 = arith.constant 1 : i32
    %dma_wait3A_1684 = arith.constant 1 : i32
    %dma_wait3A_1685 = tpu.memref_slice %arg7[%dma_wait3A_1684] : memref<3x!tpu.dma_semaphore, #tpu.memory_space<semaphore_mem>> -> memref<1x!tpu.dma_semaphore, #tpu.memory_space<semaphore_mem>>
    %dma_wait3A_1686 = tpu.memref_squeeze %dma_wait3A_1685 : memref<1x!tpu.dma_semaphore, #tpu.memory_space<semaphore_mem>> -> memref<!tpu.dma_semaphore, #tpu.memory_space<semaphore_mem>>
    %dma_wait3A_1687 = arith.constant 8176 : i32
    %dma_wait3A_1688 = arith.constant 0 : i32
    %dma_wait3A_1689 = tpu.memref_slice %arg4[%add3A_1682, %dma_wait3A_1687, %dma_wait3A_1688] : memref<64x8192x128xf32, #tpu.memory_space<hbm>> -> memref<1x16x128xf32, #tpu.memory_space<hbm>>
    %dma_wait3A_1690 = tpu.memref_squeeze %dma_wait3A_1689 : memref<1x16x128xf32, #tpu.memory_space<hbm>> -> memref<16x128xf32, #tpu.memory_space<hbm>>
    %dma_wait3A_1691 = arith.constant 0 : i32
    %dma_wait3A_1692 = arith.constant 0 : i32
    %dma_wait3A_1693 = tpu.memref_slice %arg5[%arg1, %dma_wait3A_1683, %dma_wait3A_1691, %dma_wait3A_1692] : memref<16x3x336x128xf32, #tpu.memory_space<vmem_shared>> -> memref<1x1x16x128xf32, #tpu.memory_space<vmem_shared>>
    %dma_wait3A_1694 = tpu.memref_squeeze %dma_wait3A_1693 : memref<1x1x16x128xf32, #tpu.memory_space<vmem_shared>> -> memref<16x128xf32, #tpu.memory_space<vmem_shared>>
    tpu.wait_dma2 semaphore(%dma_wait3A_1686 : memref<!tpu.dma_semaphore, #tpu.memory_space<semaphore_mem>>) src(%dma_wait3A_1694 : memref<16x128xf32, #tpu.memory_space<vmem_shared>>) dst(%dma_wait3A_1690 : memref<16x128xf32, #tpu.memory_space<hbm>>)
    %mul3A_1695 = arith.constant 2 : i32
    %mul3A_1696 = arith.muli %add3A, %mul3A_1695 : i32
    %add3A_1697 = arith.constant 1 : i32
    %add3A_1698 = arith.addi %mul3A_1696, %add3A_1697 : i32
    %dma_start3A_1699 = arith.constant 1 : i32
    %dma_start3A_1700 = arith.constant 1 : i32
    %dma_start3A_1701 = tpu.memref_slice %arg6[%dma_start3A_1700] : memref<3x!tpu.dma_semaphore, #tpu.memory_space<semaphore_mem>> -> memref<1x!tpu.dma_semaphore, #tpu.memory_space<semaphore_mem>>
    %dma_start3A_1702 = tpu.memref_squeeze %dma_start3A_1701 : memref<1x!tpu.dma_semaphore, #tpu.memory_space<semaphore_mem>> -> memref<!tpu.dma_semaphore, #tpu.memory_space<semaphore_mem>>
    %dma_start3A_1703 = arith.constant 0 : i32
    %dma_start3A_1704 = arith.constant 0 : i32
    %dma_start3A_1705 = tpu.memref_slice %arg5[%arg1, %dma_start3A_1699, %dma_start3A_1703, %dma_start3A_1704] : memref<16x3x336x128xf32, #tpu.memory_space<vmem_shared>> -> memref<1x1x336x128xf32, #tpu.memory_space<vmem_shared>>
    %dma_start3A_1706 = tpu.memref_squeeze %dma_start3A_1705 : memref<1x1x336x128xf32, #tpu.memory_space<vmem_shared>> -> memref<336x128xf32, #tpu.memory_space<vmem_shared>>
    %dma_start3A_1707 = arith.constant 688 : i32
    %dma_start3A_1708 = arith.constant 0 : i32
    %dma_start3A_1709 = tpu.memref_slice %arg2[%add3A_1698, %dma_start3A_1707, %dma_start3A_1708] : memref<64x8192x128xf32, #tpu.memory_space<hbm>> -> memref<1x336x128xf32, #tpu.memory_space<hbm>>
    %dma_start3A_1710 = tpu.memref_squeeze %dma_start3A_1709 : memref<1x336x128xf32, #tpu.memory_space<hbm>> -> memref<336x128xf32, #tpu.memory_space<hbm>>
    tpu.enqueue_dma source(%dma_start3A_1710 : memref<336x128xf32, #tpu.memory_space<hbm>>) target(%dma_start3A_1706 : memref<336x128xf32, #tpu.memory_space<vmem_shared>>) target_semaphore(%dma_start3A_1702 : memref<!tpu.dma_semaphore, #tpu.memory_space<semaphore_mem>>)
    %mul3A_1711 = arith.constant 2 : i32
    %mul3A_1712 = arith.muli %add3A, %mul3A_1711 : i32
    %add3A_1713 = arith.constant 1 : i32
    %add3A_1714 = arith.addi %mul3A_1712, %add3A_1713 : i32
    %dma_wait3A_1715 = arith.constant 2 : i32
    %dma_wait3A_1716 = arith.constant 2 : i32
    %dma_wait3A_1717 = tpu.memref_slice %arg6[%dma_wait3A_1716] : memref<3x!tpu.dma_semaphore, #tpu.memory_space<semaphore_mem>> -> memref<1x!tpu.dma_semaphore, #tpu.memory_space<semaphore_mem>>
    %dma_wait3A_1718 = tpu.memref_squeeze %dma_wait3A_1717 : memref<1x!tpu.dma_semaphore, #tpu.memory_space<semaphore_mem>> -> memref<!tpu.dma_semaphore, #tpu.memory_space<semaphore_mem>>
    %dma_wait3A_1719 = arith.constant 0 : i32
    %dma_wait3A_1720 = arith.constant 0 : i32
    %dma_wait3A_1721 = tpu.memref_slice %arg5[%arg1, %dma_wait3A_1715, %dma_wait3A_1719, %dma_wait3A_1720] : memref<16x3x336x128xf32, #tpu.memory_space<vmem_shared>> -> memref<1x1x336x128xf32, #tpu.memory_space<vmem_shared>>
    %dma_wait3A_1722 = tpu.memref_squeeze %dma_wait3A_1721 : memref<1x1x336x128xf32, #tpu.memory_space<vmem_shared>> -> memref<336x128xf32, #tpu.memory_space<vmem_shared>>
    %dma_wait3A_1723 = arith.constant 16 : i32
    %dma_wait3A_1724 = arith.constant 0 : i32
    %dma_wait3A_1725 = tpu.memref_slice %arg2[%add3A_1714, %dma_wait3A_1723, %dma_wait3A_1724] : memref<64x8192x128xf32, #tpu.memory_space<hbm>> -> memref<1x336x128xf32, #tpu.memory_space<hbm>>
    %dma_wait3A_1726 = tpu.memref_squeeze %dma_wait3A_1725 : memref<1x336x128xf32, #tpu.memory_space<hbm>> -> memref<336x128xf32, #tpu.memory_space<hbm>>
    tpu.wait_dma2 semaphore(%dma_wait3A_1718 : memref<!tpu.dma_semaphore, #tpu.memory_space<semaphore_mem>>) src(%dma_wait3A_1726 : memref<336x128xf32, #tpu.memory_space<hbm>>) dst(%dma_wait3A_1722 : memref<336x128xf32, #tpu.memory_space<vmem_shared>>)
    %mul3A_1727 = arith.constant 2 : i32
    %mul3A_1728 = arith.muli %add3A, %mul3A_1727 : i32
    %add3A_1729 = arith.constant 1 : i32
    %add3A_1730 = arith.addi %mul3A_1728, %add3A_1729 : i32
    %dma_start3A_1731 = arith.constant 2 : i32
    %dma_start3A_1732 = arith.constant 2 : i32
    %dma_start3A_1733 = tpu.memref_slice %arg7[%dma_start3A_1732] : memref<3x!tpu.dma_semaphore, #tpu.memory_space<semaphore_mem>> -> memref<1x!tpu.dma_semaphore, #tpu.memory_space<semaphore_mem>>
    %dma_start3A_1734 = tpu.memref_squeeze %dma_start3A_1733 : memref<1x!tpu.dma_semaphore, #tpu.memory_space<semaphore_mem>> -> memref<!tpu.dma_semaphore, #tpu.memory_space<semaphore_mem>>
    %dma_start3A_1735 = arith.constant 0 : i32
    %dma_start3A_1736 = arith.constant 0 : i32
    %dma_start3A_1737 = tpu.memref_slice %arg4[%add3A_1730, %dma_start3A_1735, %dma_start3A_1736] : memref<64x8192x128xf32, #tpu.memory_space<hbm>> -> memref<1x336x128xf32, #tpu.memory_space<hbm>>
    %dma_start3A_1738 = tpu.memref_squeeze %dma_start3A_1737 : memref<1x336x128xf32, #tpu.memory_space<hbm>> -> memref<336x128xf32, #tpu.memory_space<hbm>>
    %dma_start3A_1739 = arith.constant 0 : i32
    %dma_start3A_1740 = arith.constant 0 : i32
    %dma_start3A_1741 = tpu.memref_slice %arg5[%arg1, %dma_start3A_1731, %dma_start3A_1739, %dma_start3A_1740] : memref<16x3x336x128xf32, #tpu.memory_space<vmem_shared>> -> memref<1x1x336x128xf32, #tpu.memory_space<vmem_shared>>
    %dma_start3A_1742 = tpu.memref_squeeze %dma_start3A_1741 : memref<1x1x336x128xf32, #tpu.memory_space<vmem_shared>> -> memref<336x128xf32, #tpu.memory_space<vmem_shared>>
    tpu.enqueue_dma source(%dma_start3A_1742 : memref<336x128xf32, #tpu.memory_space<vmem_shared>>) target(%dma_start3A_1738 : memref<336x128xf32, #tpu.memory_space<hbm>>) target_semaphore(%dma_start3A_1734 : memref<!tpu.dma_semaphore, #tpu.memory_space<semaphore_mem>>)
    %mul3A_1743 = arith.constant 2 : i32
    %mul3A_1744 = arith.muli %add3A, %mul3A_1743 : i32
    %add3A_1745 = arith.constant 1 : i32
    %add3A_1746 = arith.addi %mul3A_1744, %add3A_1745 : i32
    %dma_wait3A_1747 = arith.constant 2 : i32
    %dma_wait3A_1748 = arith.constant 2 : i32
    %dma_wait3A_1749 = tpu.memref_slice %arg7[%dma_wait3A_1748] : memref<3x!tpu.dma_semaphore, #tpu.memory_space<semaphore_mem>> -> memref<1x!tpu.dma_semaphore, #tpu.memory_space<semaphore_mem>>
    %dma_wait3A_1750 = tpu.memref_squeeze %dma_wait3A_1749 : memref<1x!tpu.dma_semaphore, #tpu.memory_space<semaphore_mem>> -> memref<!tpu.dma_semaphore, #tpu.memory_space<semaphore_mem>>
    %dma_wait3A_1751 = arith.constant 0 : i32
    %dma_wait3A_1752 = arith.constant 0 : i32
    %dma_wait3A_1753 = tpu.memref_slice %arg4[%add3A_1746, %dma_wait3A_1751, %dma_wait3A_1752] : memref<64x8192x128xf32, #tpu.memory_space<hbm>> -> memref<1x336x128xf32, #tpu.memory_space<hbm>>
    %dma_wait3A_1754 = tpu.memref_squeeze %dma_wait3A_1753 : memref<1x336x128xf32, #tpu.memory_space<hbm>> -> memref<336x128xf32, #tpu.memory_space<hbm>>
    %dma_wait3A_1755 = arith.constant 0 : i32
    %dma_wait3A_1756 = arith.constant 0 : i32
    %dma_wait3A_1757 = tpu.memref_slice %arg5[%arg1, %dma_wait3A_1747, %dma_wait3A_1755, %dma_wait3A_1756] : memref<16x3x336x128xf32, #tpu.memory_space<vmem_shared>> -> memref<1x1x336x128xf32, #tpu.memory_space<vmem_shared>>
    %dma_wait3A_1758 = tpu.memref_squeeze %dma_wait3A_1757 : memref<1x1x336x128xf32, #tpu.memory_space<vmem_shared>> -> memref<336x128xf32, #tpu.memory_space<vmem_shared>>
    tpu.wait_dma2 semaphore(%dma_wait3A_1750 : memref<!tpu.dma_semaphore, #tpu.memory_space<semaphore_mem>>) src(%dma_wait3A_1758 : memref<336x128xf32, #tpu.memory_space<vmem_shared>>) dst(%dma_wait3A_1754 : memref<336x128xf32, #tpu.memory_space<hbm>>)
    %mul3A_1759 = arith.constant 2 : i32
    %mul3A_1760 = arith.muli %add3A, %mul3A_1759 : i32
    %add3A_1761 = arith.constant 1 : i32
    %add3A_1762 = arith.addi %mul3A_1760, %add3A_1761 : i32
    %dma_start3A_1763 = arith.constant 2 : i32
    %dma_start3A_1764 = arith.constant 2 : i32
    %dma_start3A_1765 = tpu.memref_slice %arg6[%dma_start3A_1764] : memref<3x!tpu.dma_semaphore, #tpu.memory_space<semaphore_mem>> -> memref<1x!tpu.dma_semaphore, #tpu.memory_space<semaphore_mem>>
    %dma_start3A_1766 = tpu.memref_squeeze %dma_start3A_1765 : memref<1x!tpu.dma_semaphore, #tpu.memory_space<semaphore_mem>> -> memref<!tpu.dma_semaphore, #tpu.memory_space<semaphore_mem>>
    %dma_start3A_1767 = arith.constant 0 : i32
    %dma_start3A_1768 = arith.constant 0 : i32
    %dma_start3A_1769 = tpu.memref_slice %arg5[%arg1, %dma_start3A_1763, %dma_start3A_1767, %dma_start3A_1768] : memref<16x3x336x128xf32, #tpu.memory_space<vmem_shared>> -> memref<1x1x336x128xf32, #tpu.memory_space<vmem_shared>>
    %dma_start3A_1770 = tpu.memref_squeeze %dma_start3A_1769 : memref<1x1x336x128xf32, #tpu.memory_space<vmem_shared>> -> memref<336x128xf32, #tpu.memory_space<vmem_shared>>
    %dma_start3A_1771 = arith.constant 1024 : i32
    %dma_start3A_1772 = arith.constant 0 : i32
    %dma_start3A_1773 = tpu.memref_slice %arg2[%add3A_1762, %dma_start3A_1771, %dma_start3A_1772] : memref<64x8192x128xf32, #tpu.memory_space<hbm>> -> memref<1x336x128xf32, #tpu.memory_space<hbm>>
    %dma_start3A_1774 = tpu.memref_squeeze %dma_start3A_1773 : memref<1x336x128xf32, #tpu.memory_space<hbm>> -> memref<336x128xf32, #tpu.memory_space<hbm>>
    tpu.enqueue_dma source(%dma_start3A_1774 : memref<336x128xf32, #tpu.memory_space<hbm>>) target(%dma_start3A_1770 : memref<336x128xf32, #tpu.memory_space<vmem_shared>>) target_semaphore(%dma_start3A_1766 : memref<!tpu.dma_semaphore, #tpu.memory_space<semaphore_mem>>)
    %mul3A_1775 = arith.constant 2 : i32
    %mul3A_1776 = arith.muli %add3A, %mul3A_1775 : i32
    %add3A_1777 = arith.constant 1 : i32
    %add3A_1778 = arith.addi %mul3A_1776, %add3A_1777 : i32
    %dma_wait3A_1779 = arith.constant 0 : i32
    %dma_wait3A_1780 = arith.constant 0 : i32
    %dma_wait3A_1781 = tpu.memref_slice %arg6[%dma_wait3A_1780] : memref<3x!tpu.dma_semaphore, #tpu.memory_space<semaphore_mem>> -> memref<1x!tpu.dma_semaphore, #tpu.memory_space<semaphore_mem>>
    %dma_wait3A_1782 = tpu.memref_squeeze %dma_wait3A_1781 : memref<1x!tpu.dma_semaphore, #tpu.memory_space<semaphore_mem>> -> memref<!tpu.dma_semaphore, #tpu.memory_space<semaphore_mem>>
    %dma_wait3A_1783 = arith.constant 0 : i32
    %dma_wait3A_1784 = arith.constant 0 : i32
    %dma_wait3A_1785 = tpu.memref_slice %arg5[%arg1, %dma_wait3A_1779, %dma_wait3A_1783, %dma_wait3A_1784] : memref<16x3x336x128xf32, #tpu.memory_space<vmem_shared>> -> memref<1x1x336x128xf32, #tpu.memory_space<vmem_shared>>
    %dma_wait3A_1786 = tpu.memref_squeeze %dma_wait3A_1785 : memref<1x1x336x128xf32, #tpu.memory_space<vmem_shared>> -> memref<336x128xf32, #tpu.memory_space<vmem_shared>>
    %dma_wait3A_1787 = arith.constant 352 : i32
    %dma_wait3A_1788 = arith.constant 0 : i32
    %dma_wait3A_1789 = tpu.memref_slice %arg2[%add3A_1778, %dma_wait3A_1787, %dma_wait3A_1788] : memref<64x8192x128xf32, #tpu.memory_space<hbm>> -> memref<1x336x128xf32, #tpu.memory_space<hbm>>
    %dma_wait3A_1790 = tpu.memref_squeeze %dma_wait3A_1789 : memref<1x336x128xf32, #tpu.memory_space<hbm>> -> memref<336x128xf32, #tpu.memory_space<hbm>>
    tpu.wait_dma2 semaphore(%dma_wait3A_1782 : memref<!tpu.dma_semaphore, #tpu.memory_space<semaphore_mem>>) src(%dma_wait3A_1790 : memref<336x128xf32, #tpu.memory_space<hbm>>) dst(%dma_wait3A_1786 : memref<336x128xf32, #tpu.memory_space<vmem_shared>>)
    %mul3A_1791 = arith.constant 2 : i32
    %mul3A_1792 = arith.muli %add3A, %mul3A_1791 : i32
    %add3A_1793 = arith.constant 1 : i32
    %add3A_1794 = arith.addi %mul3A_1792, %add3A_1793 : i32
    %dma_start3A_1795 = arith.constant 0 : i32
    %dma_start3A_1796 = arith.constant 0 : i32
    %dma_start3A_1797 = tpu.memref_slice %arg7[%dma_start3A_1796] : memref<3x!tpu.dma_semaphore, #tpu.memory_space<semaphore_mem>> -> memref<1x!tpu.dma_semaphore, #tpu.memory_space<semaphore_mem>>
    %dma_start3A_1798 = tpu.memref_squeeze %dma_start3A_1797 : memref<1x!tpu.dma_semaphore, #tpu.memory_space<semaphore_mem>> -> memref<!tpu.dma_semaphore, #tpu.memory_space<semaphore_mem>>
    %dma_start3A_1799 = arith.constant 336 : i32
    %dma_start3A_1800 = arith.constant 0 : i32
    %dma_start3A_1801 = tpu.memref_slice %arg4[%add3A_1794, %dma_start3A_1799, %dma_start3A_1800] : memref<64x8192x128xf32, #tpu.memory_space<hbm>> -> memref<1x336x128xf32, #tpu.memory_space<hbm>>
    %dma_start3A_1802 = tpu.memref_squeeze %dma_start3A_1801 : memref<1x336x128xf32, #tpu.memory_space<hbm>> -> memref<336x128xf32, #tpu.memory_space<hbm>>
    %dma_start3A_1803 = arith.constant 0 : i32
    %dma_start3A_1804 = arith.constant 0 : i32
    %dma_start3A_1805 = tpu.memref_slice %arg5[%arg1, %dma_start3A_1795, %dma_start3A_1803, %dma_start3A_1804] : memref<16x3x336x128xf32, #tpu.memory_space<vmem_shared>> -> memref<1x1x336x128xf32, #tpu.memory_space<vmem_shared>>
    %dma_start3A_1806 = tpu.memref_squeeze %dma_start3A_1805 : memref<1x1x336x128xf32, #tpu.memory_space<vmem_shared>> -> memref<336x128xf32, #tpu.memory_space<vmem_shared>>
    tpu.enqueue_dma source(%dma_start3A_1806 : memref<336x128xf32, #tpu.memory_space<vmem_shared>>) target(%dma_start3A_1802 : memref<336x128xf32, #tpu.memory_space<hbm>>) target_semaphore(%dma_start3A_1798 : memref<!tpu.dma_semaphore, #tpu.memory_space<semaphore_mem>>)
    %mul3A_1807 = arith.constant 2 : i32
    %mul3A_1808 = arith.muli %add3A, %mul3A_1807 : i32
    %add3A_1809 = arith.constant 1 : i32
    %add3A_1810 = arith.addi %mul3A_1808, %add3A_1809 : i32
    %dma_wait3A_1811 = arith.constant 0 : i32
    %dma_wait3A_1812 = arith.constant 0 : i32
    %dma_wait3A_1813 = tpu.memref_slice %arg7[%dma_wait3A_1812] : memref<3x!tpu.dma_semaphore, #tpu.memory_space<semaphore_mem>> -> memref<1x!tpu.dma_semaphore, #tpu.memory_space<semaphore_mem>>
    %dma_wait3A_1814 = tpu.memref_squeeze %dma_wait3A_1813 : memref<1x!tpu.dma_semaphore, #tpu.memory_space<semaphore_mem>> -> memref<!tpu.dma_semaphore, #tpu.memory_space<semaphore_mem>>
    %dma_wait3A_1815 = arith.constant 336 : i32
    %dma_wait3A_1816 = arith.constant 0 : i32
    %dma_wait3A_1817 = tpu.memref_slice %arg4[%add3A_1810, %dma_wait3A_1815, %dma_wait3A_1816] : memref<64x8192x128xf32, #tpu.memory_space<hbm>> -> memref<1x336x128xf32, #tpu.memory_space<hbm>>
    %dma_wait3A_1818 = tpu.memref_squeeze %dma_wait3A_1817 : memref<1x336x128xf32, #tpu.memory_space<hbm>> -> memref<336x128xf32, #tpu.memory_space<hbm>>
    %dma_wait3A_1819 = arith.constant 0 : i32
    %dma_wait3A_1820 = arith.constant 0 : i32
    %dma_wait3A_1821 = tpu.memref_slice %arg5[%arg1, %dma_wait3A_1811, %dma_wait3A_1819, %dma_wait3A_1820] : memref<16x3x336x128xf32, #tpu.memory_space<vmem_shared>> -> memref<1x1x336x128xf32, #tpu.memory_space<vmem_shared>>
    %dma_wait3A_1822 = tpu.memref_squeeze %dma_wait3A_1821 : memref<1x1x336x128xf32, #tpu.memory_space<vmem_shared>> -> memref<336x128xf32, #tpu.memory_space<vmem_shared>>
    tpu.wait_dma2 semaphore(%dma_wait3A_1814 : memref<!tpu.dma_semaphore, #tpu.memory_space<semaphore_mem>>) src(%dma_wait3A_1822 : memref<336x128xf32, #tpu.memory_space<vmem_shared>>) dst(%dma_wait3A_1818 : memref<336x128xf32, #tpu.memory_space<hbm>>)
    %mul3A_1823 = arith.constant 2 : i32
    %mul3A_1824 = arith.muli %add3A, %mul3A_1823 : i32
    %add3A_1825 = arith.constant 1 : i32
    %add3A_1826 = arith.addi %mul3A_1824, %add3A_1825 : i32
    %dma_start3A_1827 = arith.constant 0 : i32
    %dma_start3A_1828 = arith.constant 0 : i32
    %dma_start3A_1829 = tpu.memref_slice %arg6[%dma_start3A_1828] : memref<3x!tpu.dma_semaphore, #tpu.memory_space<semaphore_mem>> -> memref<1x!tpu.dma_semaphore, #tpu.memory_space<semaphore_mem>>
    %dma_start3A_1830 = tpu.memref_squeeze %dma_start3A_1829 : memref<1x!tpu.dma_semaphore, #tpu.memory_space<semaphore_mem>> -> memref<!tpu.dma_semaphore, #tpu.memory_space<semaphore_mem>>
    %dma_start3A_1831 = arith.constant 0 : i32
    %dma_start3A_1832 = arith.constant 0 : i32
    %dma_start3A_1833 = tpu.memref_slice %arg5[%arg1, %dma_start3A_1827, %dma_start3A_1831, %dma_start3A_1832] : memref<16x3x336x128xf32, #tpu.memory_space<vmem_shared>> -> memref<1x1x336x128xf32, #tpu.memory_space<vmem_shared>>
    %dma_start3A_1834 = tpu.memref_squeeze %dma_start3A_1833 : memref<1x1x336x128xf32, #tpu.memory_space<vmem_shared>> -> memref<336x128xf32, #tpu.memory_space<vmem_shared>>
    %dma_start3A_1835 = arith.constant 1360 : i32
    %dma_start3A_1836 = arith.constant 0 : i32
    %dma_start3A_1837 = tpu.memref_slice %arg2[%add3A_1826, %dma_start3A_1835, %dma_start3A_1836] : memref<64x8192x128xf32, #tpu.memory_space<hbm>> -> memref<1x336x128xf32, #tpu.memory_space<hbm>>
    %dma_start3A_1838 = tpu.memref_squeeze %dma_start3A_1837 : memref<1x336x128xf32, #tpu.memory_space<hbm>> -> memref<336x128xf32, #tpu.memory_space<hbm>>
    tpu.enqueue_dma source(%dma_start3A_1838 : memref<336x128xf32, #tpu.memory_space<hbm>>) target(%dma_start3A_1834 : memref<336x128xf32, #tpu.memory_space<vmem_shared>>) target_semaphore(%dma_start3A_1830 : memref<!tpu.dma_semaphore, #tpu.memory_space<semaphore_mem>>)
    %mul3A_1839 = arith.constant 2 : i32
    %mul3A_1840 = arith.muli %add3A, %mul3A_1839 : i32
    %add3A_1841 = arith.constant 1 : i32
    %add3A_1842 = arith.addi %mul3A_1840, %add3A_1841 : i32
    %dma_wait3A_1843 = arith.constant 1 : i32
    %dma_wait3A_1844 = arith.constant 1 : i32
    %dma_wait3A_1845 = tpu.memref_slice %arg6[%dma_wait3A_1844] : memref<3x!tpu.dma_semaphore, #tpu.memory_space<semaphore_mem>> -> memref<1x!tpu.dma_semaphore, #tpu.memory_space<semaphore_mem>>
    %dma_wait3A_1846 = tpu.memref_squeeze %dma_wait3A_1845 : memref<1x!tpu.dma_semaphore, #tpu.memory_space<semaphore_mem>> -> memref<!tpu.dma_semaphore, #tpu.memory_space<semaphore_mem>>
    %dma_wait3A_1847 = arith.constant 0 : i32
    %dma_wait3A_1848 = arith.constant 0 : i32
    %dma_wait3A_1849 = tpu.memref_slice %arg5[%arg1, %dma_wait3A_1843, %dma_wait3A_1847, %dma_wait3A_1848] : memref<16x3x336x128xf32, #tpu.memory_space<vmem_shared>> -> memref<1x1x336x128xf32, #tpu.memory_space<vmem_shared>>
    %dma_wait3A_1850 = tpu.memref_squeeze %dma_wait3A_1849 : memref<1x1x336x128xf32, #tpu.memory_space<vmem_shared>> -> memref<336x128xf32, #tpu.memory_space<vmem_shared>>
    %dma_wait3A_1851 = arith.constant 688 : i32
    %dma_wait3A_1852 = arith.constant 0 : i32
    %dma_wait3A_1853 = tpu.memref_slice %arg2[%add3A_1842, %dma_wait3A_1851, %dma_wait3A_1852] : memref<64x8192x128xf32, #tpu.memory_space<hbm>> -> memref<1x336x128xf32, #tpu.memory_space<hbm>>
    %dma_wait3A_1854 = tpu.memref_squeeze %dma_wait3A_1853 : memref<1x336x128xf32, #tpu.memory_space<hbm>> -> memref<336x128xf32, #tpu.memory_space<hbm>>
    tpu.wait_dma2 semaphore(%dma_wait3A_1846 : memref<!tpu.dma_semaphore, #tpu.memory_space<semaphore_mem>>) src(%dma_wait3A_1854 : memref<336x128xf32, #tpu.memory_space<hbm>>) dst(%dma_wait3A_1850 : memref<336x128xf32, #tpu.memory_space<vmem_shared>>)
    %mul3A_1855 = arith.constant 2 : i32
    %mul3A_1856 = arith.muli %add3A, %mul3A_1855 : i32
    %add3A_1857 = arith.constant 1 : i32
    %add3A_1858 = arith.addi %mul3A_1856, %add3A_1857 : i32
    %dma_start3A_1859 = arith.constant 1 : i32
    %dma_start3A_1860 = arith.constant 1 : i32
    %dma_start3A_1861 = tpu.memref_slice %arg7[%dma_start3A_1860] : memref<3x!tpu.dma_semaphore, #tpu.memory_space<semaphore_mem>> -> memref<1x!tpu.dma_semaphore, #tpu.memory_space<semaphore_mem>>
    %dma_start3A_1862 = tpu.memref_squeeze %dma_start3A_1861 : memref<1x!tpu.dma_semaphore, #tpu.memory_space<semaphore_mem>> -> memref<!tpu.dma_semaphore, #tpu.memory_space<semaphore_mem>>
    %dma_start3A_1863 = arith.constant 672 : i32
    %dma_start3A_1864 = arith.constant 0 : i32
    %dma_start3A_1865 = tpu.memref_slice %arg4[%add3A_1858, %dma_start3A_1863, %dma_start3A_1864] : memref<64x8192x128xf32, #tpu.memory_space<hbm>> -> memref<1x336x128xf32, #tpu.memory_space<hbm>>
    %dma_start3A_1866 = tpu.memref_squeeze %dma_start3A_1865 : memref<1x336x128xf32, #tpu.memory_space<hbm>> -> memref<336x128xf32, #tpu.memory_space<hbm>>
    %dma_start3A_1867 = arith.constant 0 : i32
    %dma_start3A_1868 = arith.constant 0 : i32
    %dma_start3A_1869 = tpu.memref_slice %arg5[%arg1, %dma_start3A_1859, %dma_start3A_1867, %dma_start3A_1868] : memref<16x3x336x128xf32, #tpu.memory_space<vmem_shared>> -> memref<1x1x336x128xf32, #tpu.memory_space<vmem_shared>>
    %dma_start3A_1870 = tpu.memref_squeeze %dma_start3A_1869 : memref<1x1x336x128xf32, #tpu.memory_space<vmem_shared>> -> memref<336x128xf32, #tpu.memory_space<vmem_shared>>
    tpu.enqueue_dma source(%dma_start3A_1870 : memref<336x128xf32, #tpu.memory_space<vmem_shared>>) target(%dma_start3A_1866 : memref<336x128xf32, #tpu.memory_space<hbm>>) target_semaphore(%dma_start3A_1862 : memref<!tpu.dma_semaphore, #tpu.memory_space<semaphore_mem>>)
    %mul3A_1871 = arith.constant 2 : i32
    %mul3A_1872 = arith.muli %add3A, %mul3A_1871 : i32
    %add3A_1873 = arith.constant 1 : i32
    %add3A_1874 = arith.addi %mul3A_1872, %add3A_1873 : i32
    %dma_wait3A_1875 = arith.constant 1 : i32
    %dma_wait3A_1876 = arith.constant 1 : i32
    %dma_wait3A_1877 = tpu.memref_slice %arg7[%dma_wait3A_1876] : memref<3x!tpu.dma_semaphore, #tpu.memory_space<semaphore_mem>> -> memref<1x!tpu.dma_semaphore, #tpu.memory_space<semaphore_mem>>
    %dma_wait3A_1878 = tpu.memref_squeeze %dma_wait3A_1877 : memref<1x!tpu.dma_semaphore, #tpu.memory_space<semaphore_mem>> -> memref<!tpu.dma_semaphore, #tpu.memory_space<semaphore_mem>>
    %dma_wait3A_1879 = arith.constant 672 : i32
    %dma_wait3A_1880 = arith.constant 0 : i32
    %dma_wait3A_1881 = tpu.memref_slice %arg4[%add3A_1874, %dma_wait3A_1879, %dma_wait3A_1880] : memref<64x8192x128xf32, #tpu.memory_space<hbm>> -> memref<1x336x128xf32, #tpu.memory_space<hbm>>
    %dma_wait3A_1882 = tpu.memref_squeeze %dma_wait3A_1881 : memref<1x336x128xf32, #tpu.memory_space<hbm>> -> memref<336x128xf32, #tpu.memory_space<hbm>>
    %dma_wait3A_1883 = arith.constant 0 : i32
    %dma_wait3A_1884 = arith.constant 0 : i32
    %dma_wait3A_1885 = tpu.memref_slice %arg5[%arg1, %dma_wait3A_1875, %dma_wait3A_1883, %dma_wait3A_1884] : memref<16x3x336x128xf32, #tpu.memory_space<vmem_shared>> -> memref<1x1x336x128xf32, #tpu.memory_space<vmem_shared>>
    %dma_wait3A_1886 = tpu.memref_squeeze %dma_wait3A_1885 : memref<1x1x336x128xf32, #tpu.memory_space<vmem_shared>> -> memref<336x128xf32, #tpu.memory_space<vmem_shared>>
    tpu.wait_dma2 semaphore(%dma_wait3A_1878 : memref<!tpu.dma_semaphore, #tpu.memory_space<semaphore_mem>>) src(%dma_wait3A_1886 : memref<336x128xf32, #tpu.memory_space<vmem_shared>>) dst(%dma_wait3A_1882 : memref<336x128xf32, #tpu.memory_space<hbm>>)
    %mul3A_1887 = arith.constant 2 : i32
    %mul3A_1888 = arith.muli %add3A, %mul3A_1887 : i32
    %add3A_1889 = arith.constant 1 : i32
    %add3A_1890 = arith.addi %mul3A_1888, %add3A_1889 : i32
    %dma_start3A_1891 = arith.constant 1 : i32
    %dma_start3A_1892 = arith.constant 1 : i32
    %dma_start3A_1893 = tpu.memref_slice %arg6[%dma_start3A_1892] : memref<3x!tpu.dma_semaphore, #tpu.memory_space<semaphore_mem>> -> memref<1x!tpu.dma_semaphore, #tpu.memory_space<semaphore_mem>>
    %dma_start3A_1894 = tpu.memref_squeeze %dma_start3A_1893 : memref<1x!tpu.dma_semaphore, #tpu.memory_space<semaphore_mem>> -> memref<!tpu.dma_semaphore, #tpu.memory_space<semaphore_mem>>
    %dma_start3A_1895 = arith.constant 0 : i32
    %dma_start3A_1896 = arith.constant 0 : i32
    %dma_start3A_1897 = tpu.memref_slice %arg5[%arg1, %dma_start3A_1891, %dma_start3A_1895, %dma_start3A_1896] : memref<16x3x336x128xf32, #tpu.memory_space<vmem_shared>> -> memref<1x1x336x128xf32, #tpu.memory_space<vmem_shared>>
    %dma_start3A_1898 = tpu.memref_squeeze %dma_start3A_1897 : memref<1x1x336x128xf32, #tpu.memory_space<vmem_shared>> -> memref<336x128xf32, #tpu.memory_space<vmem_shared>>
    %dma_start3A_1899 = arith.constant 1696 : i32
    %dma_start3A_1900 = arith.constant 0 : i32
    %dma_start3A_1901 = tpu.memref_slice %arg2[%add3A_1890, %dma_start3A_1899, %dma_start3A_1900] : memref<64x8192x128xf32, #tpu.memory_space<hbm>> -> memref<1x336x128xf32, #tpu.memory_space<hbm>>
    %dma_start3A_1902 = tpu.memref_squeeze %dma_start3A_1901 : memref<1x336x128xf32, #tpu.memory_space<hbm>> -> memref<336x128xf32, #tpu.memory_space<hbm>>
    tpu.enqueue_dma source(%dma_start3A_1902 : memref<336x128xf32, #tpu.memory_space<hbm>>) target(%dma_start3A_1898 : memref<336x128xf32, #tpu.memory_space<vmem_shared>>) target_semaphore(%dma_start3A_1894 : memref<!tpu.dma_semaphore, #tpu.memory_space<semaphore_mem>>)
    %mul3A_1903 = arith.constant 2 : i32
    %mul3A_1904 = arith.muli %add3A, %mul3A_1903 : i32
    %add3A_1905 = arith.constant 1 : i32
    %add3A_1906 = arith.addi %mul3A_1904, %add3A_1905 : i32
    %dma_wait3A_1907 = arith.constant 2 : i32
    %dma_wait3A_1908 = arith.constant 2 : i32
    %dma_wait3A_1909 = tpu.memref_slice %arg6[%dma_wait3A_1908] : memref<3x!tpu.dma_semaphore, #tpu.memory_space<semaphore_mem>> -> memref<1x!tpu.dma_semaphore, #tpu.memory_space<semaphore_mem>>
    %dma_wait3A_1910 = tpu.memref_squeeze %dma_wait3A_1909 : memref<1x!tpu.dma_semaphore, #tpu.memory_space<semaphore_mem>> -> memref<!tpu.dma_semaphore, #tpu.memory_space<semaphore_mem>>
    %dma_wait3A_1911 = arith.constant 0 : i32
    %dma_wait3A_1912 = arith.constant 0 : i32
    %dma_wait3A_1913 = tpu.memref_slice %arg5[%arg1, %dma_wait3A_1907, %dma_wait3A_1911, %dma_wait3A_1912] : memref<16x3x336x128xf32, #tpu.memory_space<vmem_shared>> -> memref<1x1x336x128xf32, #tpu.memory_space<vmem_shared>>
    %dma_wait3A_1914 = tpu.memref_squeeze %dma_wait3A_1913 : memref<1x1x336x128xf32, #tpu.memory_space<vmem_shared>> -> memref<336x128xf32, #tpu.memory_space<vmem_shared>>
    %dma_wait3A_1915 = arith.constant 1024 : i32
    %dma_wait3A_1916 = arith.constant 0 : i32
    %dma_wait3A_1917 = tpu.memref_slice %arg2[%add3A_1906, %dma_wait3A_1915, %dma_wait3A_1916] : memref<64x8192x128xf32, #tpu.memory_space<hbm>> -> memref<1x336x128xf32, #tpu.memory_space<hbm>>
    %dma_wait3A_1918 = tpu.memref_squeeze %dma_wait3A_1917 : memref<1x336x128xf32, #tpu.memory_space<hbm>> -> memref<336x128xf32, #tpu.memory_space<hbm>>
    tpu.wait_dma2 semaphore(%dma_wait3A_1910 : memref<!tpu.dma_semaphore, #tpu.memory_space<semaphore_mem>>) src(%dma_wait3A_1918 : memref<336x128xf32, #tpu.memory_space<hbm>>) dst(%dma_wait3A_1914 : memref<336x128xf32, #tpu.memory_space<vmem_shared>>)
    %mul3A_1919 = arith.constant 2 : i32
    %mul3A_1920 = arith.muli %add3A, %mul3A_1919 : i32
    %add3A_1921 = arith.constant 1 : i32
    %add3A_1922 = arith.addi %mul3A_1920, %add3A_1921 : i32
    %dma_start3A_1923 = arith.constant 2 : i32
    %dma_start3A_1924 = arith.constant 2 : i32
    %dma_start3A_1925 = tpu.memref_slice %arg7[%dma_start3A_1924] : memref<3x!tpu.dma_semaphore, #tpu.memory_space<semaphore_mem>> -> memref<1x!tpu.dma_semaphore, #tpu.memory_space<semaphore_mem>>
    %dma_start3A_1926 = tpu.memref_squeeze %dma_start3A_1925 : memref<1x!tpu.dma_semaphore, #tpu.memory_space<semaphore_mem>> -> memref<!tpu.dma_semaphore, #tpu.memory_space<semaphore_mem>>
    %dma_start3A_1927 = arith.constant 1008 : i32
    %dma_start3A_1928 = arith.constant 0 : i32
    %dma_start3A_1929 = tpu.memref_slice %arg4[%add3A_1922, %dma_start3A_1927, %dma_start3A_1928] : memref<64x8192x128xf32, #tpu.memory_space<hbm>> -> memref<1x336x128xf32, #tpu.memory_space<hbm>>
    %dma_start3A_1930 = tpu.memref_squeeze %dma_start3A_1929 : memref<1x336x128xf32, #tpu.memory_space<hbm>> -> memref<336x128xf32, #tpu.memory_space<hbm>>
    %dma_start3A_1931 = arith.constant 0 : i32
    %dma_start3A_1932 = arith.constant 0 : i32
    %dma_start3A_1933 = tpu.memref_slice %arg5[%arg1, %dma_start3A_1923, %dma_start3A_1931, %dma_start3A_1932] : memref<16x3x336x128xf32, #tpu.memory_space<vmem_shared>> -> memref<1x1x336x128xf32, #tpu.memory_space<vmem_shared>>
    %dma_start3A_1934 = tpu.memref_squeeze %dma_start3A_1933 : memref<1x1x336x128xf32, #tpu.memory_space<vmem_shared>> -> memref<336x128xf32, #tpu.memory_space<vmem_shared>>
    tpu.enqueue_dma source(%dma_start3A_1934 : memref<336x128xf32, #tpu.memory_space<vmem_shared>>) target(%dma_start3A_1930 : memref<336x128xf32, #tpu.memory_space<hbm>>) target_semaphore(%dma_start3A_1926 : memref<!tpu.dma_semaphore, #tpu.memory_space<semaphore_mem>>)
    %mul3A_1935 = arith.constant 2 : i32
    %mul3A_1936 = arith.muli %add3A, %mul3A_1935 : i32
    %add3A_1937 = arith.constant 1 : i32
    %add3A_1938 = arith.addi %mul3A_1936, %add3A_1937 : i32
    %dma_wait3A_1939 = arith.constant 2 : i32
    %dma_wait3A_1940 = arith.constant 2 : i32
    %dma_wait3A_1941 = tpu.memref_slice %arg7[%dma_wait3A_1940] : memref<3x!tpu.dma_semaphore, #tpu.memory_space<semaphore_mem>> -> memref<1x!tpu.dma_semaphore, #tpu.memory_space<semaphore_mem>>
    %dma_wait3A_1942 = tpu.memref_squeeze %dma_wait3A_1941 : memref<1x!tpu.dma_semaphore, #tpu.memory_space<semaphore_mem>> -> memref<!tpu.dma_semaphore, #tpu.memory_space<semaphore_mem>>
    %dma_wait3A_1943 = arith.constant 1008 : i32
    %dma_wait3A_1944 = arith.constant 0 : i32
    %dma_wait3A_1945 = tpu.memref_slice %arg4[%add3A_1938, %dma_wait3A_1943, %dma_wait3A_1944] : memref<64x8192x128xf32, #tpu.memory_space<hbm>> -> memref<1x336x128xf32, #tpu.memory_space<hbm>>
    %dma_wait3A_1946 = tpu.memref_squeeze %dma_wait3A_1945 : memref<1x336x128xf32, #tpu.memory_space<hbm>> -> memref<336x128xf32, #tpu.memory_space<hbm>>
    %dma_wait3A_1947 = arith.constant 0 : i32
    %dma_wait3A_1948 = arith.constant 0 : i32
    %dma_wait3A_1949 = tpu.memref_slice %arg5[%arg1, %dma_wait3A_1939, %dma_wait3A_1947, %dma_wait3A_1948] : memref<16x3x336x128xf32, #tpu.memory_space<vmem_shared>> -> memref<1x1x336x128xf32, #tpu.memory_space<vmem_shared>>
    %dma_wait3A_1950 = tpu.memref_squeeze %dma_wait3A_1949 : memref<1x1x336x128xf32, #tpu.memory_space<vmem_shared>> -> memref<336x128xf32, #tpu.memory_space<vmem_shared>>
    tpu.wait_dma2 semaphore(%dma_wait3A_1942 : memref<!tpu.dma_semaphore, #tpu.memory_space<semaphore_mem>>) src(%dma_wait3A_1950 : memref<336x128xf32, #tpu.memory_space<vmem_shared>>) dst(%dma_wait3A_1946 : memref<336x128xf32, #tpu.memory_space<hbm>>)
    %mul3A_1951 = arith.constant 2 : i32
    %mul3A_1952 = arith.muli %add3A, %mul3A_1951 : i32
    %add3A_1953 = arith.constant 1 : i32
    %add3A_1954 = arith.addi %mul3A_1952, %add3A_1953 : i32
    %dma_start3A_1955 = arith.constant 2 : i32
    %dma_start3A_1956 = arith.constant 2 : i32
    %dma_start3A_1957 = tpu.memref_slice %arg6[%dma_start3A_1956] : memref<3x!tpu.dma_semaphore, #tpu.memory_space<semaphore_mem>> -> memref<1x!tpu.dma_semaphore, #tpu.memory_space<semaphore_mem>>
    %dma_start3A_1958 = tpu.memref_squeeze %dma_start3A_1957 : memref<1x!tpu.dma_semaphore, #tpu.memory_space<semaphore_mem>> -> memref<!tpu.dma_semaphore, #tpu.memory_space<semaphore_mem>>
    %dma_start3A_1959 = arith.constant 0 : i32
    %dma_start3A_1960 = arith.constant 0 : i32
    %dma_start3A_1961 = tpu.memref_slice %arg5[%arg1, %dma_start3A_1955, %dma_start3A_1959, %dma_start3A_1960] : memref<16x3x336x128xf32, #tpu.memory_space<vmem_shared>> -> memref<1x1x336x128xf32, #tpu.memory_space<vmem_shared>>
    %dma_start3A_1962 = tpu.memref_squeeze %dma_start3A_1961 : memref<1x1x336x128xf32, #tpu.memory_space<vmem_shared>> -> memref<336x128xf32, #tpu.memory_space<vmem_shared>>
    %dma_start3A_1963 = arith.constant 2032 : i32
    %dma_start3A_1964 = arith.constant 0 : i32
    %dma_start3A_1965 = tpu.memref_slice %arg2[%add3A_1954, %dma_start3A_1963, %dma_start3A_1964] : memref<64x8192x128xf32, #tpu.memory_space<hbm>> -> memref<1x336x128xf32, #tpu.memory_space<hbm>>
    %dma_start3A_1966 = tpu.memref_squeeze %dma_start3A_1965 : memref<1x336x128xf32, #tpu.memory_space<hbm>> -> memref<336x128xf32, #tpu.memory_space<hbm>>
    tpu.enqueue_dma source(%dma_start3A_1966 : memref<336x128xf32, #tpu.memory_space<hbm>>) target(%dma_start3A_1962 : memref<336x128xf32, #tpu.memory_space<vmem_shared>>) target_semaphore(%dma_start3A_1958 : memref<!tpu.dma_semaphore, #tpu.memory_space<semaphore_mem>>)
    %mul3A_1967 = arith.constant 2 : i32
    %mul3A_1968 = arith.muli %add3A, %mul3A_1967 : i32
    %add3A_1969 = arith.constant 1 : i32
    %add3A_1970 = arith.addi %mul3A_1968, %add3A_1969 : i32
    %dma_wait3A_1971 = arith.constant 0 : i32
    %dma_wait3A_1972 = arith.constant 0 : i32
    %dma_wait3A_1973 = tpu.memref_slice %arg6[%dma_wait3A_1972] : memref<3x!tpu.dma_semaphore, #tpu.memory_space<semaphore_mem>> -> memref<1x!tpu.dma_semaphore, #tpu.memory_space<semaphore_mem>>
    %dma_wait3A_1974 = tpu.memref_squeeze %dma_wait3A_1973 : memref<1x!tpu.dma_semaphore, #tpu.memory_space<semaphore_mem>> -> memref<!tpu.dma_semaphore, #tpu.memory_space<semaphore_mem>>
    %dma_wait3A_1975 = arith.constant 0 : i32
    %dma_wait3A_1976 = arith.constant 0 : i32
    %dma_wait3A_1977 = tpu.memref_slice %arg5[%arg1, %dma_wait3A_1971, %dma_wait3A_1975, %dma_wait3A_1976] : memref<16x3x336x128xf32, #tpu.memory_space<vmem_shared>> -> memref<1x1x336x128xf32, #tpu.memory_space<vmem_shared>>
    %dma_wait3A_1978 = tpu.memref_squeeze %dma_wait3A_1977 : memref<1x1x336x128xf32, #tpu.memory_space<vmem_shared>> -> memref<336x128xf32, #tpu.memory_space<vmem_shared>>
    %dma_wait3A_1979 = arith.constant 1360 : i32
    %dma_wait3A_1980 = arith.constant 0 : i32
    %dma_wait3A_1981 = tpu.memref_slice %arg2[%add3A_1970, %dma_wait3A_1979, %dma_wait3A_1980] : memref<64x8192x128xf32, #tpu.memory_space<hbm>> -> memref<1x336x128xf32, #tpu.memory_space<hbm>>
    %dma_wait3A_1982 = tpu.memref_squeeze %dma_wait3A_1981 : memref<1x336x128xf32, #tpu.memory_space<hbm>> -> memref<336x128xf32, #tpu.memory_space<hbm>>
    tpu.wait_dma2 semaphore(%dma_wait3A_1974 : memref<!tpu.dma_semaphore, #tpu.memory_space<semaphore_mem>>) src(%dma_wait3A_1982 : memref<336x128xf32, #tpu.memory_space<hbm>>) dst(%dma_wait3A_1978 : memref<336x128xf32, #tpu.memory_space<vmem_shared>>)
    %mul3A_1983 = arith.constant 2 : i32
    %mul3A_1984 = arith.muli %add3A, %mul3A_1983 : i32
    %add3A_1985 = arith.constant 1 : i32
    %add3A_1986 = arith.addi %mul3A_1984, %add3A_1985 : i32
    %dma_start3A_1987 = arith.constant 0 : i32
    %dma_start3A_1988 = arith.constant 0 : i32
    %dma_start3A_1989 = tpu.memref_slice %arg7[%dma_start3A_1988] : memref<3x!tpu.dma_semaphore, #tpu.memory_space<semaphore_mem>> -> memref<1x!tpu.dma_semaphore, #tpu.memory_space<semaphore_mem>>
    %dma_start3A_1990 = tpu.memref_squeeze %dma_start3A_1989 : memref<1x!tpu.dma_semaphore, #tpu.memory_space<semaphore_mem>> -> memref<!tpu.dma_semaphore, #tpu.memory_space<semaphore_mem>>
    %dma_start3A_1991 = arith.constant 1344 : i32
    %dma_start3A_1992 = arith.constant 0 : i32
    %dma_start3A_1993 = tpu.memref_slice %arg4[%add3A_1986, %dma_start3A_1991, %dma_start3A_1992] : memref<64x8192x128xf32, #tpu.memory_space<hbm>> -> memref<1x336x128xf32, #tpu.memory_space<hbm>>
    %dma_start3A_1994 = tpu.memref_squeeze %dma_start3A_1993 : memref<1x336x128xf32, #tpu.memory_space<hbm>> -> memref<336x128xf32, #tpu.memory_space<hbm>>
    %dma_start3A_1995 = arith.constant 0 : i32
    %dma_start3A_1996 = arith.constant 0 : i32
    %dma_start3A_1997 = tpu.memref_slice %arg5[%arg1, %dma_start3A_1987, %dma_start3A_1995, %dma_start3A_1996] : memref<16x3x336x128xf32, #tpu.memory_space<vmem_shared>> -> memref<1x1x336x128xf32, #tpu.memory_space<vmem_shared>>
    %dma_start3A_1998 = tpu.memref_squeeze %dma_start3A_1997 : memref<1x1x336x128xf32, #tpu.memory_space<vmem_shared>> -> memref<336x128xf32, #tpu.memory_space<vmem_shared>>
    tpu.enqueue_dma source(%dma_start3A_1998 : memref<336x128xf32, #tpu.memory_space<vmem_shared>>) target(%dma_start3A_1994 : memref<336x128xf32, #tpu.memory_space<hbm>>) target_semaphore(%dma_start3A_1990 : memref<!tpu.dma_semaphore, #tpu.memory_space<semaphore_mem>>)
    %mul3A_1999 = arith.constant 2 : i32
    %mul3A_2000 = arith.muli %add3A, %mul3A_1999 : i32
    %add3A_2001 = arith.constant 1 : i32
    %add3A_2002 = arith.addi %mul3A_2000, %add3A_2001 : i32
    %dma_wait3A_2003 = arith.constant 0 : i32
    %dma_wait3A_2004 = arith.constant 0 : i32
    %dma_wait3A_2005 = tpu.memref_slice %arg7[%dma_wait3A_2004] : memref<3x!tpu.dma_semaphore, #tpu.memory_space<semaphore_mem>> -> memref<1x!tpu.dma_semaphore, #tpu.memory_space<semaphore_mem>>
    %dma_wait3A_2006 = tpu.memref_squeeze %dma_wait3A_2005 : memref<1x!tpu.dma_semaphore, #tpu.memory_space<semaphore_mem>> -> memref<!tpu.dma_semaphore, #tpu.memory_space<semaphore_mem>>
    %dma_wait3A_2007 = arith.constant 1344 : i32
    %dma_wait3A_2008 = arith.constant 0 : i32
    %dma_wait3A_2009 = tpu.memref_slice %arg4[%add3A_2002, %dma_wait3A_2007, %dma_wait3A_2008] : memref<64x8192x128xf32, #tpu.memory_space<hbm>> -> memref<1x336x128xf32, #tpu.memory_space<hbm>>
    %dma_wait3A_2010 = tpu.memref_squeeze %dma_wait3A_2009 : memref<1x336x128xf32, #tpu.memory_space<hbm>> -> memref<336x128xf32, #tpu.memory_space<hbm>>
    %dma_wait3A_2011 = arith.constant 0 : i32
    %dma_wait3A_2012 = arith.constant 0 : i32
    %dma_wait3A_2013 = tpu.memref_slice %arg5[%arg1, %dma_wait3A_2003, %dma_wait3A_2011, %dma_wait3A_2012] : memref<16x3x336x128xf32, #tpu.memory_space<vmem_shared>> -> memref<1x1x336x128xf32, #tpu.memory_space<vmem_shared>>
    %dma_wait3A_2014 = tpu.memref_squeeze %dma_wait3A_2013 : memref<1x1x336x128xf32, #tpu.memory_space<vmem_shared>> -> memref<336x128xf32, #tpu.memory_space<vmem_shared>>
    tpu.wait_dma2 semaphore(%dma_wait3A_2006 : memref<!tpu.dma_semaphore, #tpu.memory_space<semaphore_mem>>) src(%dma_wait3A_2014 : memref<336x128xf32, #tpu.memory_space<vmem_shared>>) dst(%dma_wait3A_2010 : memref<336x128xf32, #tpu.memory_space<hbm>>)
    %mul3A_2015 = arith.constant 2 : i32
    %mul3A_2016 = arith.muli %add3A, %mul3A_2015 : i32
    %add3A_2017 = arith.constant 1 : i32
    %add3A_2018 = arith.addi %mul3A_2016, %add3A_2017 : i32
    %dma_start3A_2019 = arith.constant 0 : i32
    %dma_start3A_2020 = arith.constant 0 : i32
    %dma_start3A_2021 = tpu.memref_slice %arg6[%dma_start3A_2020] : memref<3x!tpu.dma_semaphore, #tpu.memory_space<semaphore_mem>> -> memref<1x!tpu.dma_semaphore, #tpu.memory_space<semaphore_mem>>
    %dma_start3A_2022 = tpu.memref_squeeze %dma_start3A_2021 : memref<1x!tpu.dma_semaphore, #tpu.memory_space<semaphore_mem>> -> memref<!tpu.dma_semaphore, #tpu.memory_space<semaphore_mem>>
    %dma_start3A_2023 = arith.constant 0 : i32
    %dma_start3A_2024 = arith.constant 0 : i32
    %dma_start3A_2025 = tpu.memref_slice %arg5[%arg1, %dma_start3A_2019, %dma_start3A_2023, %dma_start3A_2024] : memref<16x3x336x128xf32, #tpu.memory_space<vmem_shared>> -> memref<1x1x336x128xf32, #tpu.memory_space<vmem_shared>>
    %dma_start3A_2026 = tpu.memref_squeeze %dma_start3A_2025 : memref<1x1x336x128xf32, #tpu.memory_space<vmem_shared>> -> memref<336x128xf32, #tpu.memory_space<vmem_shared>>
    %dma_start3A_2027 = arith.constant 2368 : i32
    %dma_start3A_2028 = arith.constant 0 : i32
    %dma_start3A_2029 = tpu.memref_slice %arg2[%add3A_2018, %dma_start3A_2027, %dma_start3A_2028] : memref<64x8192x128xf32, #tpu.memory_space<hbm>> -> memref<1x336x128xf32, #tpu.memory_space<hbm>>
    %dma_start3A_2030 = tpu.memref_squeeze %dma_start3A_2029 : memref<1x336x128xf32, #tpu.memory_space<hbm>> -> memref<336x128xf32, #tpu.memory_space<hbm>>
    tpu.enqueue_dma source(%dma_start3A_2030 : memref<336x128xf32, #tpu.memory_space<hbm>>) target(%dma_start3A_2026 : memref<336x128xf32, #tpu.memory_space<vmem_shared>>) target_semaphore(%dma_start3A_2022 : memref<!tpu.dma_semaphore, #tpu.memory_space<semaphore_mem>>)
    %mul3A_2031 = arith.constant 2 : i32
    %mul3A_2032 = arith.muli %add3A, %mul3A_2031 : i32
    %add3A_2033 = arith.constant 1 : i32
    %add3A_2034 = arith.addi %mul3A_2032, %add3A_2033 : i32
    %dma_wait3A_2035 = arith.constant 1 : i32
    %dma_wait3A_2036 = arith.constant 1 : i32
    %dma_wait3A_2037 = tpu.memref_slice %arg6[%dma_wait3A_2036] : memref<3x!tpu.dma_semaphore, #tpu.memory_space<semaphore_mem>> -> memref<1x!tpu.dma_semaphore, #tpu.memory_space<semaphore_mem>>
    %dma_wait3A_2038 = tpu.memref_squeeze %dma_wait3A_2037 : memref<1x!tpu.dma_semaphore, #tpu.memory_space<semaphore_mem>> -> memref<!tpu.dma_semaphore, #tpu.memory_space<semaphore_mem>>
    %dma_wait3A_2039 = arith.constant 0 : i32
    %dma_wait3A_2040 = arith.constant 0 : i32
    %dma_wait3A_2041 = tpu.memref_slice %arg5[%arg1, %dma_wait3A_2035, %dma_wait3A_2039, %dma_wait3A_2040] : memref<16x3x336x128xf32, #tpu.memory_space<vmem_shared>> -> memref<1x1x336x128xf32, #tpu.memory_space<vmem_shared>>
    %dma_wait3A_2042 = tpu.memref_squeeze %dma_wait3A_2041 : memref<1x1x336x128xf32, #tpu.memory_space<vmem_shared>> -> memref<336x128xf32, #tpu.memory_space<vmem_shared>>
    %dma_wait3A_2043 = arith.constant 1696 : i32
    %dma_wait3A_2044 = arith.constant 0 : i32
    %dma_wait3A_2045 = tpu.memref_slice %arg2[%add3A_2034, %dma_wait3A_2043, %dma_wait3A_2044] : memref<64x8192x128xf32, #tpu.memory_space<hbm>> -> memref<1x336x128xf32, #tpu.memory_space<hbm>>
    %dma_wait3A_2046 = tpu.memref_squeeze %dma_wait3A_2045 : memref<1x336x128xf32, #tpu.memory_space<hbm>> -> memref<336x128xf32, #tpu.memory_space<hbm>>
    tpu.wait_dma2 semaphore(%dma_wait3A_2038 : memref<!tpu.dma_semaphore, #tpu.memory_space<semaphore_mem>>) src(%dma_wait3A_2046 : memref<336x128xf32, #tpu.memory_space<hbm>>) dst(%dma_wait3A_2042 : memref<336x128xf32, #tpu.memory_space<vmem_shared>>)
    %mul3A_2047 = arith.constant 2 : i32
    %mul3A_2048 = arith.muli %add3A, %mul3A_2047 : i32
    %add3A_2049 = arith.constant 1 : i32
    %add3A_2050 = arith.addi %mul3A_2048, %add3A_2049 : i32
    %dma_start3A_2051 = arith.constant 1 : i32
    %dma_start3A_2052 = arith.constant 1 : i32
    %dma_start3A_2053 = tpu.memref_slice %arg7[%dma_start3A_2052] : memref<3x!tpu.dma_semaphore, #tpu.memory_space<semaphore_mem>> -> memref<1x!tpu.dma_semaphore, #tpu.memory_space<semaphore_mem>>
    %dma_start3A_2054 = tpu.memref_squeeze %dma_start3A_2053 : memref<1x!tpu.dma_semaphore, #tpu.memory_space<semaphore_mem>> -> memref<!tpu.dma_semaphore, #tpu.memory_space<semaphore_mem>>
    %dma_start3A_2055 = arith.constant 1680 : i32
    %dma_start3A_2056 = arith.constant 0 : i32
    %dma_start3A_2057 = tpu.memref_slice %arg4[%add3A_2050, %dma_start3A_2055, %dma_start3A_2056] : memref<64x8192x128xf32, #tpu.memory_space<hbm>> -> memref<1x336x128xf32, #tpu.memory_space<hbm>>
    %dma_start3A_2058 = tpu.memref_squeeze %dma_start3A_2057 : memref<1x336x128xf32, #tpu.memory_space<hbm>> -> memref<336x128xf32, #tpu.memory_space<hbm>>
    %dma_start3A_2059 = arith.constant 0 : i32
    %dma_start3A_2060 = arith.constant 0 : i32
    %dma_start3A_2061 = tpu.memref_slice %arg5[%arg1, %dma_start3A_2051, %dma_start3A_2059, %dma_start3A_2060] : memref<16x3x336x128xf32, #tpu.memory_space<vmem_shared>> -> memref<1x1x336x128xf32, #tpu.memory_space<vmem_shared>>
    %dma_start3A_2062 = tpu.memref_squeeze %dma_start3A_2061 : memref<1x1x336x128xf32, #tpu.memory_space<vmem_shared>> -> memref<336x128xf32, #tpu.memory_space<vmem_shared>>
    tpu.enqueue_dma source(%dma_start3A_2062 : memref<336x128xf32, #tpu.memory_space<vmem_shared>>) target(%dma_start3A_2058 : memref<336x128xf32, #tpu.memory_space<hbm>>) target_semaphore(%dma_start3A_2054 : memref<!tpu.dma_semaphore, #tpu.memory_space<semaphore_mem>>)
    %mul3A_2063 = arith.constant 2 : i32
    %mul3A_2064 = arith.muli %add3A, %mul3A_2063 : i32
    %add3A_2065 = arith.constant 1 : i32
    %add3A_2066 = arith.addi %mul3A_2064, %add3A_2065 : i32
    %dma_wait3A_2067 = arith.constant 1 : i32
    %dma_wait3A_2068 = arith.constant 1 : i32
    %dma_wait3A_2069 = tpu.memref_slice %arg7[%dma_wait3A_2068] : memref<3x!tpu.dma_semaphore, #tpu.memory_space<semaphore_mem>> -> memref<1x!tpu.dma_semaphore, #tpu.memory_space<semaphore_mem>>
    %dma_wait3A_2070 = tpu.memref_squeeze %dma_wait3A_2069 : memref<1x!tpu.dma_semaphore, #tpu.memory_space<semaphore_mem>> -> memref<!tpu.dma_semaphore, #tpu.memory_space<semaphore_mem>>
    %dma_wait3A_2071 = arith.constant 1680 : i32
    %dma_wait3A_2072 = arith.constant 0 : i32
    %dma_wait3A_2073 = tpu.memref_slice %arg4[%add3A_2066, %dma_wait3A_2071, %dma_wait3A_2072] : memref<64x8192x128xf32, #tpu.memory_space<hbm>> -> memref<1x336x128xf32, #tpu.memory_space<hbm>>
    %dma_wait3A_2074 = tpu.memref_squeeze %dma_wait3A_2073 : memref<1x336x128xf32, #tpu.memory_space<hbm>> -> memref<336x128xf32, #tpu.memory_space<hbm>>
    %dma_wait3A_2075 = arith.constant 0 : i32
    %dma_wait3A_2076 = arith.constant 0 : i32
    %dma_wait3A_2077 = tpu.memref_slice %arg5[%arg1, %dma_wait3A_2067, %dma_wait3A_2075, %dma_wait3A_2076] : memref<16x3x336x128xf32, #tpu.memory_space<vmem_shared>> -> memref<1x1x336x128xf32, #tpu.memory_space<vmem_shared>>
    %dma_wait3A_2078 = tpu.memref_squeeze %dma_wait3A_2077 : memref<1x1x336x128xf32, #tpu.memory_space<vmem_shared>> -> memref<336x128xf32, #tpu.memory_space<vmem_shared>>
    tpu.wait_dma2 semaphore(%dma_wait3A_2070 : memref<!tpu.dma_semaphore, #tpu.memory_space<semaphore_mem>>) src(%dma_wait3A_2078 : memref<336x128xf32, #tpu.memory_space<vmem_shared>>) dst(%dma_wait3A_2074 : memref<336x128xf32, #tpu.memory_space<hbm>>)
    %mul3A_2079 = arith.constant 2 : i32
    %mul3A_2080 = arith.muli %add3A, %mul3A_2079 : i32
    %add3A_2081 = arith.constant 1 : i32
    %add3A_2082 = arith.addi %mul3A_2080, %add3A_2081 : i32
    %dma_start3A_2083 = arith.constant 1 : i32
    %dma_start3A_2084 = arith.constant 1 : i32
    %dma_start3A_2085 = tpu.memref_slice %arg6[%dma_start3A_2084] : memref<3x!tpu.dma_semaphore, #tpu.memory_space<semaphore_mem>> -> memref<1x!tpu.dma_semaphore, #tpu.memory_space<semaphore_mem>>
    %dma_start3A_2086 = tpu.memref_squeeze %dma_start3A_2085 : memref<1x!tpu.dma_semaphore, #tpu.memory_space<semaphore_mem>> -> memref<!tpu.dma_semaphore, #tpu.memory_space<semaphore_mem>>
    %dma_start3A_2087 = arith.constant 0 : i32
    %dma_start3A_2088 = arith.constant 0 : i32
    %dma_start3A_2089 = tpu.memref_slice %arg5[%arg1, %dma_start3A_2083, %dma_start3A_2087, %dma_start3A_2088] : memref<16x3x336x128xf32, #tpu.memory_space<vmem_shared>> -> memref<1x1x336x128xf32, #tpu.memory_space<vmem_shared>>
    %dma_start3A_2090 = tpu.memref_squeeze %dma_start3A_2089 : memref<1x1x336x128xf32, #tpu.memory_space<vmem_shared>> -> memref<336x128xf32, #tpu.memory_space<vmem_shared>>
    %dma_start3A_2091 = arith.constant 2704 : i32
    %dma_start3A_2092 = arith.constant 0 : i32
    %dma_start3A_2093 = tpu.memref_slice %arg2[%add3A_2082, %dma_start3A_2091, %dma_start3A_2092] : memref<64x8192x128xf32, #tpu.memory_space<hbm>> -> memref<1x336x128xf32, #tpu.memory_space<hbm>>
    %dma_start3A_2094 = tpu.memref_squeeze %dma_start3A_2093 : memref<1x336x128xf32, #tpu.memory_space<hbm>> -> memref<336x128xf32, #tpu.memory_space<hbm>>
    tpu.enqueue_dma source(%dma_start3A_2094 : memref<336x128xf32, #tpu.memory_space<hbm>>) target(%dma_start3A_2090 : memref<336x128xf32, #tpu.memory_space<vmem_shared>>) target_semaphore(%dma_start3A_2086 : memref<!tpu.dma_semaphore, #tpu.memory_space<semaphore_mem>>)
    %mul3A_2095 = arith.constant 2 : i32
    %mul3A_2096 = arith.muli %add3A, %mul3A_2095 : i32
    %add3A_2097 = arith.constant 1 : i32
    %add3A_2098 = arith.addi %mul3A_2096, %add3A_2097 : i32
    %dma_wait3A_2099 = arith.constant 2 : i32
    %dma_wait3A_2100 = arith.constant 2 : i32
    %dma_wait3A_2101 = tpu.memref_slice %arg6[%dma_wait3A_2100] : memref<3x!tpu.dma_semaphore, #tpu.memory_space<semaphore_mem>> -> memref<1x!tpu.dma_semaphore, #tpu.memory_space<semaphore_mem>>
    %dma_wait3A_2102 = tpu.memref_squeeze %dma_wait3A_2101 : memref<1x!tpu.dma_semaphore, #tpu.memory_space<semaphore_mem>> -> memref<!tpu.dma_semaphore, #tpu.memory_space<semaphore_mem>>
    %dma_wait3A_2103 = arith.constant 0 : i32
    %dma_wait3A_2104 = arith.constant 0 : i32
    %dma_wait3A_2105 = tpu.memref_slice %arg5[%arg1, %dma_wait3A_2099, %dma_wait3A_2103, %dma_wait3A_2104] : memref<16x3x336x128xf32, #tpu.memory_space<vmem_shared>> -> memref<1x1x336x128xf32, #tpu.memory_space<vmem_shared>>
    %dma_wait3A_2106 = tpu.memref_squeeze %dma_wait3A_2105 : memref<1x1x336x128xf32, #tpu.memory_space<vmem_shared>> -> memref<336x128xf32, #tpu.memory_space<vmem_shared>>
    %dma_wait3A_2107 = arith.constant 2032 : i32
    %dma_wait3A_2108 = arith.constant 0 : i32
    %dma_wait3A_2109 = tpu.memref_slice %arg2[%add3A_2098, %dma_wait3A_2107, %dma_wait3A_2108] : memref<64x8192x128xf32, #tpu.memory_space<hbm>> -> memref<1x336x128xf32, #tpu.memory_space<hbm>>
    %dma_wait3A_2110 = tpu.memref_squeeze %dma_wait3A_2109 : memref<1x336x128xf32, #tpu.memory_space<hbm>> -> memref<336x128xf32, #tpu.memory_space<hbm>>
    tpu.wait_dma2 semaphore(%dma_wait3A_2102 : memref<!tpu.dma_semaphore, #tpu.memory_space<semaphore_mem>>) src(%dma_wait3A_2110 : memref<336x128xf32, #tpu.memory_space<hbm>>) dst(%dma_wait3A_2106 : memref<336x128xf32, #tpu.memory_space<vmem_shared>>)
    %mul3A_2111 = arith.constant 2 : i32
    %mul3A_2112 = arith.muli %add3A, %mul3A_2111 : i32
    %add3A_2113 = arith.constant 1 : i32
    %add3A_2114 = arith.addi %mul3A_2112, %add3A_2113 : i32
    %dma_start3A_2115 = arith.constant 2 : i32
    %dma_start3A_2116 = arith.constant 2 : i32
    %dma_start3A_2117 = tpu.memref_slice %arg7[%dma_start3A_2116] : memref<3x!tpu.dma_semaphore, #tpu.memory_space<semaphore_mem>> -> memref<1x!tpu.dma_semaphore, #tpu.memory_space<semaphore_mem>>
    %dma_start3A_2118 = tpu.memref_squeeze %dma_start3A_2117 : memref<1x!tpu.dma_semaphore, #tpu.memory_space<semaphore_mem>> -> memref<!tpu.dma_semaphore, #tpu.memory_space<semaphore_mem>>
    %dma_start3A_2119 = arith.constant 2016 : i32
    %dma_start3A_2120 = arith.constant 0 : i32
    %dma_start3A_2121 = tpu.memref_slice %arg4[%add3A_2114, %dma_start3A_2119, %dma_start3A_2120] : memref<64x8192x128xf32, #tpu.memory_space<hbm>> -> memref<1x336x128xf32, #tpu.memory_space<hbm>>
    %dma_start3A_2122 = tpu.memref_squeeze %dma_start3A_2121 : memref<1x336x128xf32, #tpu.memory_space<hbm>> -> memref<336x128xf32, #tpu.memory_space<hbm>>
    %dma_start3A_2123 = arith.constant 0 : i32
    %dma_start3A_2124 = arith.constant 0 : i32
    %dma_start3A_2125 = tpu.memref_slice %arg5[%arg1, %dma_start3A_2115, %dma_start3A_2123, %dma_start3A_2124] : memref<16x3x336x128xf32, #tpu.memory_space<vmem_shared>> -> memref<1x1x336x128xf32, #tpu.memory_space<vmem_shared>>
    %dma_start3A_2126 = tpu.memref_squeeze %dma_start3A_2125 : memref<1x1x336x128xf32, #tpu.memory_space<vmem_shared>> -> memref<336x128xf32, #tpu.memory_space<vmem_shared>>
    tpu.enqueue_dma source(%dma_start3A_2126 : memref<336x128xf32, #tpu.memory_space<vmem_shared>>) target(%dma_start3A_2122 : memref<336x128xf32, #tpu.memory_space<hbm>>) target_semaphore(%dma_start3A_2118 : memref<!tpu.dma_semaphore, #tpu.memory_space<semaphore_mem>>)
    %mul3A_2127 = arith.constant 2 : i32
    %mul3A_2128 = arith.muli %add3A, %mul3A_2127 : i32
    %add3A_2129 = arith.constant 1 : i32
    %add3A_2130 = arith.addi %mul3A_2128, %add3A_2129 : i32
    %dma_wait3A_2131 = arith.constant 2 : i32
    %dma_wait3A_2132 = arith.constant 2 : i32
    %dma_wait3A_2133 = tpu.memref_slice %arg7[%dma_wait3A_2132] : memref<3x!tpu.dma_semaphore, #tpu.memory_space<semaphore_mem>> -> memref<1x!tpu.dma_semaphore, #tpu.memory_space<semaphore_mem>>
    %dma_wait3A_2134 = tpu.memref_squeeze %dma_wait3A_2133 : memref<1x!tpu.dma_semaphore, #tpu.memory_space<semaphore_mem>> -> memref<!tpu.dma_semaphore, #tpu.memory_space<semaphore_mem>>
    %dma_wait3A_2135 = arith.constant 2016 : i32
    %dma_wait3A_2136 = arith.constant 0 : i32
    %dma_wait3A_2137 = tpu.memref_slice %arg4[%add3A_2130, %dma_wait3A_2135, %dma_wait3A_2136] : memref<64x8192x128xf32, #tpu.memory_space<hbm>> -> memref<1x336x128xf32, #tpu.memory_space<hbm>>
    %dma_wait3A_2138 = tpu.memref_squeeze %dma_wait3A_2137 : memref<1x336x128xf32, #tpu.memory_space<hbm>> -> memref<336x128xf32, #tpu.memory_space<hbm>>
    %dma_wait3A_2139 = arith.constant 0 : i32
    %dma_wait3A_2140 = arith.constant 0 : i32
    %dma_wait3A_2141 = tpu.memref_slice %arg5[%arg1, %dma_wait3A_2131, %dma_wait3A_2139, %dma_wait3A_2140] : memref<16x3x336x128xf32, #tpu.memory_space<vmem_shared>> -> memref<1x1x336x128xf32, #tpu.memory_space<vmem_shared>>
    %dma_wait3A_2142 = tpu.memref_squeeze %dma_wait3A_2141 : memref<1x1x336x128xf32, #tpu.memory_space<vmem_shared>> -> memref<336x128xf32, #tpu.memory_space<vmem_shared>>
    tpu.wait_dma2 semaphore(%dma_wait3A_2134 : memref<!tpu.dma_semaphore, #tpu.memory_space<semaphore_mem>>) src(%dma_wait3A_2142 : memref<336x128xf32, #tpu.memory_space<vmem_shared>>) dst(%dma_wait3A_2138 : memref<336x128xf32, #tpu.memory_space<hbm>>)
    %mul3A_2143 = arith.constant 2 : i32
    %mul3A_2144 = arith.muli %add3A, %mul3A_2143 : i32
    %add3A_2145 = arith.constant 1 : i32
    %add3A_2146 = arith.addi %mul3A_2144, %add3A_2145 : i32
    %dma_start3A_2147 = arith.constant 2 : i32
    %dma_start3A_2148 = arith.constant 2 : i32
    %dma_start3A_2149 = tpu.memref_slice %arg6[%dma_start3A_2148] : memref<3x!tpu.dma_semaphore, #tpu.memory_space<semaphore_mem>> -> memref<1x!tpu.dma_semaphore, #tpu.memory_space<semaphore_mem>>
    %dma_start3A_2150 = tpu.memref_squeeze %dma_start3A_2149 : memref<1x!tpu.dma_semaphore, #tpu.memory_space<semaphore_mem>> -> memref<!tpu.dma_semaphore, #tpu.memory_space<semaphore_mem>>
    %dma_start3A_2151 = arith.constant 0 : i32
    %dma_start3A_2152 = arith.constant 0 : i32
    %dma_start3A_2153 = tpu.memref_slice %arg5[%arg1, %dma_start3A_2147, %dma_start3A_2151, %dma_start3A_2152] : memref<16x3x336x128xf32, #tpu.memory_space<vmem_shared>> -> memref<1x1x336x128xf32, #tpu.memory_space<vmem_shared>>
    %dma_start3A_2154 = tpu.memref_squeeze %dma_start3A_2153 : memref<1x1x336x128xf32, #tpu.memory_space<vmem_shared>> -> memref<336x128xf32, #tpu.memory_space<vmem_shared>>
    %dma_start3A_2155 = arith.constant 3040 : i32
    %dma_start3A_2156 = arith.constant 0 : i32
    %dma_start3A_2157 = tpu.memref_slice %arg2[%add3A_2146, %dma_start3A_2155, %dma_start3A_2156] : memref<64x8192x128xf32, #tpu.memory_space<hbm>> -> memref<1x336x128xf32, #tpu.memory_space<hbm>>
    %dma_start3A_2158 = tpu.memref_squeeze %dma_start3A_2157 : memref<1x336x128xf32, #tpu.memory_space<hbm>> -> memref<336x128xf32, #tpu.memory_space<hbm>>
    tpu.enqueue_dma source(%dma_start3A_2158 : memref<336x128xf32, #tpu.memory_space<hbm>>) target(%dma_start3A_2154 : memref<336x128xf32, #tpu.memory_space<vmem_shared>>) target_semaphore(%dma_start3A_2150 : memref<!tpu.dma_semaphore, #tpu.memory_space<semaphore_mem>>)
    %mul3A_2159 = arith.constant 2 : i32
    %mul3A_2160 = arith.muli %add3A, %mul3A_2159 : i32
    %add3A_2161 = arith.constant 1 : i32
    %add3A_2162 = arith.addi %mul3A_2160, %add3A_2161 : i32
    %dma_wait3A_2163 = arith.constant 0 : i32
    %dma_wait3A_2164 = arith.constant 0 : i32
    %dma_wait3A_2165 = tpu.memref_slice %arg6[%dma_wait3A_2164] : memref<3x!tpu.dma_semaphore, #tpu.memory_space<semaphore_mem>> -> memref<1x!tpu.dma_semaphore, #tpu.memory_space<semaphore_mem>>
    %dma_wait3A_2166 = tpu.memref_squeeze %dma_wait3A_2165 : memref<1x!tpu.dma_semaphore, #tpu.memory_space<semaphore_mem>> -> memref<!tpu.dma_semaphore, #tpu.memory_space<semaphore_mem>>
    %dma_wait3A_2167 = arith.constant 0 : i32
    %dma_wait3A_2168 = arith.constant 0 : i32
    %dma_wait3A_2169 = tpu.memref_slice %arg5[%arg1, %dma_wait3A_2163, %dma_wait3A_2167, %dma_wait3A_2168] : memref<16x3x336x128xf32, #tpu.memory_space<vmem_shared>> -> memref<1x1x336x128xf32, #tpu.memory_space<vmem_shared>>
    %dma_wait3A_2170 = tpu.memref_squeeze %dma_wait3A_2169 : memref<1x1x336x128xf32, #tpu.memory_space<vmem_shared>> -> memref<336x128xf32, #tpu.memory_space<vmem_shared>>
    %dma_wait3A_2171 = arith.constant 2368 : i32
    %dma_wait3A_2172 = arith.constant 0 : i32
    %dma_wait3A_2173 = tpu.memref_slice %arg2[%add3A_2162, %dma_wait3A_2171, %dma_wait3A_2172] : memref<64x8192x128xf32, #tpu.memory_space<hbm>> -> memref<1x336x128xf32, #tpu.memory_space<hbm>>
    %dma_wait3A_2174 = tpu.memref_squeeze %dma_wait3A_2173 : memref<1x336x128xf32, #tpu.memory_space<hbm>> -> memref<336x128xf32, #tpu.memory_space<hbm>>
    tpu.wait_dma2 semaphore(%dma_wait3A_2166 : memref<!tpu.dma_semaphore, #tpu.memory_space<semaphore_mem>>) src(%dma_wait3A_2174 : memref<336x128xf32, #tpu.memory_space<hbm>>) dst(%dma_wait3A_2170 : memref<336x128xf32, #tpu.memory_space<vmem_shared>>)
    %mul3A_2175 = arith.constant 2 : i32
    %mul3A_2176 = arith.muli %add3A, %mul3A_2175 : i32
    %add3A_2177 = arith.constant 1 : i32
    %add3A_2178 = arith.addi %mul3A_2176, %add3A_2177 : i32
    %dma_start3A_2179 = arith.constant 0 : i32
    %dma_start3A_2180 = arith.constant 0 : i32
    %dma_start3A_2181 = tpu.memref_slice %arg7[%dma_start3A_2180] : memref<3x!tpu.dma_semaphore, #tpu.memory_space<semaphore_mem>> -> memref<1x!tpu.dma_semaphore, #tpu.memory_space<semaphore_mem>>
    %dma_start3A_2182 = tpu.memref_squeeze %dma_start3A_2181 : memref<1x!tpu.dma_semaphore, #tpu.memory_space<semaphore_mem>> -> memref<!tpu.dma_semaphore, #tpu.memory_space<semaphore_mem>>
    %dma_start3A_2183 = arith.constant 2352 : i32
    %dma_start3A_2184 = arith.constant 0 : i32
    %dma_start3A_2185 = tpu.memref_slice %arg4[%add3A_2178, %dma_start3A_2183, %dma_start3A_2184] : memref<64x8192x128xf32, #tpu.memory_space<hbm>> -> memref<1x336x128xf32, #tpu.memory_space<hbm>>
    %dma_start3A_2186 = tpu.memref_squeeze %dma_start3A_2185 : memref<1x336x128xf32, #tpu.memory_space<hbm>> -> memref<336x128xf32, #tpu.memory_space<hbm>>
    %dma_start3A_2187 = arith.constant 0 : i32
    %dma_start3A_2188 = arith.constant 0 : i32
    %dma_start3A_2189 = tpu.memref_slice %arg5[%arg1, %dma_start3A_2179, %dma_start3A_2187, %dma_start3A_2188] : memref<16x3x336x128xf32, #tpu.memory_space<vmem_shared>> -> memref<1x1x336x128xf32, #tpu.memory_space<vmem_shared>>
    %dma_start3A_2190 = tpu.memref_squeeze %dma_start3A_2189 : memref<1x1x336x128xf32, #tpu.memory_space<vmem_shared>> -> memref<336x128xf32, #tpu.memory_space<vmem_shared>>
    tpu.enqueue_dma source(%dma_start3A_2190 : memref<336x128xf32, #tpu.memory_space<vmem_shared>>) target(%dma_start3A_2186 : memref<336x128xf32, #tpu.memory_space<hbm>>) target_semaphore(%dma_start3A_2182 : memref<!tpu.dma_semaphore, #tpu.memory_space<semaphore_mem>>)
    %mul3A_2191 = arith.constant 2 : i32
    %mul3A_2192 = arith.muli %add3A, %mul3A_2191 : i32
    %add3A_2193 = arith.constant 1 : i32
    %add3A_2194 = arith.addi %mul3A_2192, %add3A_2193 : i32
    %dma_wait3A_2195 = arith.constant 0 : i32
    %dma_wait3A_2196 = arith.constant 0 : i32
    %dma_wait3A_2197 = tpu.memref_slice %arg7[%dma_wait3A_2196] : memref<3x!tpu.dma_semaphore, #tpu.memory_space<semaphore_mem>> -> memref<1x!tpu.dma_semaphore, #tpu.memory_space<semaphore_mem>>
    %dma_wait3A_2198 = tpu.memref_squeeze %dma_wait3A_2197 : memref<1x!tpu.dma_semaphore, #tpu.memory_space<semaphore_mem>> -> memref<!tpu.dma_semaphore, #tpu.memory_space<semaphore_mem>>
    %dma_wait3A_2199 = arith.constant 2352 : i32
    %dma_wait3A_2200 = arith.constant 0 : i32
    %dma_wait3A_2201 = tpu.memref_slice %arg4[%add3A_2194, %dma_wait3A_2199, %dma_wait3A_2200] : memref<64x8192x128xf32, #tpu.memory_space<hbm>> -> memref<1x336x128xf32, #tpu.memory_space<hbm>>
    %dma_wait3A_2202 = tpu.memref_squeeze %dma_wait3A_2201 : memref<1x336x128xf32, #tpu.memory_space<hbm>> -> memref<336x128xf32, #tpu.memory_space<hbm>>
    %dma_wait3A_2203 = arith.constant 0 : i32
    %dma_wait3A_2204 = arith.constant 0 : i32
    %dma_wait3A_2205 = tpu.memref_slice %arg5[%arg1, %dma_wait3A_2195, %dma_wait3A_2203, %dma_wait3A_2204] : memref<16x3x336x128xf32, #tpu.memory_space<vmem_shared>> -> memref<1x1x336x128xf32, #tpu.memory_space<vmem_shared>>
    %dma_wait3A_2206 = tpu.memref_squeeze %dma_wait3A_2205 : memref<1x1x336x128xf32, #tpu.memory_space<vmem_shared>> -> memref<336x128xf32, #tpu.memory_space<vmem_shared>>
    tpu.wait_dma2 semaphore(%dma_wait3A_2198 : memref<!tpu.dma_semaphore, #tpu.memory_space<semaphore_mem>>) src(%dma_wait3A_2206 : memref<336x128xf32, #tpu.memory_space<vmem_shared>>) dst(%dma_wait3A_2202 : memref<336x128xf32, #tpu.memory_space<hbm>>)
    %mul3A_2207 = arith.constant 2 : i32
    %mul3A_2208 = arith.muli %add3A, %mul3A_2207 : i32
    %add3A_2209 = arith.constant 1 : i32
    %add3A_2210 = arith.addi %mul3A_2208, %add3A_2209 : i32
    %dma_start3A_2211 = arith.constant 0 : i32
    %dma_start3A_2212 = arith.constant 0 : i32
    %dma_start3A_2213 = tpu.memref_slice %arg6[%dma_start3A_2212] : memref<3x!tpu.dma_semaphore, #tpu.memory_space<semaphore_mem>> -> memref<1x!tpu.dma_semaphore, #tpu.memory_space<semaphore_mem>>
    %dma_start3A_2214 = tpu.memref_squeeze %dma_start3A_2213 : memref<1x!tpu.dma_semaphore, #tpu.memory_space<semaphore_mem>> -> memref<!tpu.dma_semaphore, #tpu.memory_space<semaphore_mem>>
    %dma_start3A_2215 = arith.constant 0 : i32
    %dma_start3A_2216 = arith.constant 0 : i32
    %dma_start3A_2217 = tpu.memref_slice %arg5[%arg1, %dma_start3A_2211, %dma_start3A_2215, %dma_start3A_2216] : memref<16x3x336x128xf32, #tpu.memory_space<vmem_shared>> -> memref<1x1x336x128xf32, #tpu.memory_space<vmem_shared>>
    %dma_start3A_2218 = tpu.memref_squeeze %dma_start3A_2217 : memref<1x1x336x128xf32, #tpu.memory_space<vmem_shared>> -> memref<336x128xf32, #tpu.memory_space<vmem_shared>>
    %dma_start3A_2219 = arith.constant 3376 : i32
    %dma_start3A_2220 = arith.constant 0 : i32
    %dma_start3A_2221 = tpu.memref_slice %arg2[%add3A_2210, %dma_start3A_2219, %dma_start3A_2220] : memref<64x8192x128xf32, #tpu.memory_space<hbm>> -> memref<1x336x128xf32, #tpu.memory_space<hbm>>
    %dma_start3A_2222 = tpu.memref_squeeze %dma_start3A_2221 : memref<1x336x128xf32, #tpu.memory_space<hbm>> -> memref<336x128xf32, #tpu.memory_space<hbm>>
    tpu.enqueue_dma source(%dma_start3A_2222 : memref<336x128xf32, #tpu.memory_space<hbm>>) target(%dma_start3A_2218 : memref<336x128xf32, #tpu.memory_space<vmem_shared>>) target_semaphore(%dma_start3A_2214 : memref<!tpu.dma_semaphore, #tpu.memory_space<semaphore_mem>>)
    %mul3A_2223 = arith.constant 2 : i32
    %mul3A_2224 = arith.muli %add3A, %mul3A_2223 : i32
    %add3A_2225 = arith.constant 1 : i32
    %add3A_2226 = arith.addi %mul3A_2224, %add3A_2225 : i32
    %dma_wait3A_2227 = arith.constant 1 : i32
    %dma_wait3A_2228 = arith.constant 1 : i32
    %dma_wait3A_2229 = tpu.memref_slice %arg6[%dma_wait3A_2228] : memref<3x!tpu.dma_semaphore, #tpu.memory_space<semaphore_mem>> -> memref<1x!tpu.dma_semaphore, #tpu.memory_space<semaphore_mem>>
    %dma_wait3A_2230 = tpu.memref_squeeze %dma_wait3A_2229 : memref<1x!tpu.dma_semaphore, #tpu.memory_space<semaphore_mem>> -> memref<!tpu.dma_semaphore, #tpu.memory_space<semaphore_mem>>
    %dma_wait3A_2231 = arith.constant 0 : i32
    %dma_wait3A_2232 = arith.constant 0 : i32
    %dma_wait3A_2233 = tpu.memref_slice %arg5[%arg1, %dma_wait3A_2227, %dma_wait3A_2231, %dma_wait3A_2232] : memref<16x3x336x128xf32, #tpu.memory_space<vmem_shared>> -> memref<1x1x336x128xf32, #tpu.memory_space<vmem_shared>>
    %dma_wait3A_2234 = tpu.memref_squeeze %dma_wait3A_2233 : memref<1x1x336x128xf32, #tpu.memory_space<vmem_shared>> -> memref<336x128xf32, #tpu.memory_space<vmem_shared>>
    %dma_wait3A_2235 = arith.constant 2704 : i32
    %dma_wait3A_2236 = arith.constant 0 : i32
    %dma_wait3A_2237 = tpu.memref_slice %arg2[%add3A_2226, %dma_wait3A_2235, %dma_wait3A_2236] : memref<64x8192x128xf32, #tpu.memory_space<hbm>> -> memref<1x336x128xf32, #tpu.memory_space<hbm>>
    %dma_wait3A_2238 = tpu.memref_squeeze %dma_wait3A_2237 : memref<1x336x128xf32, #tpu.memory_space<hbm>> -> memref<336x128xf32, #tpu.memory_space<hbm>>
    tpu.wait_dma2 semaphore(%dma_wait3A_2230 : memref<!tpu.dma_semaphore, #tpu.memory_space<semaphore_mem>>) src(%dma_wait3A_2238 : memref<336x128xf32, #tpu.memory_space<hbm>>) dst(%dma_wait3A_2234 : memref<336x128xf32, #tpu.memory_space<vmem_shared>>)
    %mul3A_2239 = arith.constant 2 : i32
    %mul3A_2240 = arith.muli %add3A, %mul3A_2239 : i32
    %add3A_2241 = arith.constant 1 : i32
    %add3A_2242 = arith.addi %mul3A_2240, %add3A_2241 : i32
    %dma_start3A_2243 = arith.constant 1 : i32
    %dma_start3A_2244 = arith.constant 1 : i32
    %dma_start3A_2245 = tpu.memref_slice %arg7[%dma_start3A_2244] : memref<3x!tpu.dma_semaphore, #tpu.memory_space<semaphore_mem>> -> memref<1x!tpu.dma_semaphore, #tpu.memory_space<semaphore_mem>>
    %dma_start3A_2246 = tpu.memref_squeeze %dma_start3A_2245 : memref<1x!tpu.dma_semaphore, #tpu.memory_space<semaphore_mem>> -> memref<!tpu.dma_semaphore, #tpu.memory_space<semaphore_mem>>
    %dma_start3A_2247 = arith.constant 2688 : i32
    %dma_start3A_2248 = arith.constant 0 : i32
    %dma_start3A_2249 = tpu.memref_slice %arg4[%add3A_2242, %dma_start3A_2247, %dma_start3A_2248] : memref<64x8192x128xf32, #tpu.memory_space<hbm>> -> memref<1x336x128xf32, #tpu.memory_space<hbm>>
    %dma_start3A_2250 = tpu.memref_squeeze %dma_start3A_2249 : memref<1x336x128xf32, #tpu.memory_space<hbm>> -> memref<336x128xf32, #tpu.memory_space<hbm>>
    %dma_start3A_2251 = arith.constant 0 : i32
    %dma_start3A_2252 = arith.constant 0 : i32
    %dma_start3A_2253 = tpu.memref_slice %arg5[%arg1, %dma_start3A_2243, %dma_start3A_2251, %dma_start3A_2252] : memref<16x3x336x128xf32, #tpu.memory_space<vmem_shared>> -> memref<1x1x336x128xf32, #tpu.memory_space<vmem_shared>>
    %dma_start3A_2254 = tpu.memref_squeeze %dma_start3A_2253 : memref<1x1x336x128xf32, #tpu.memory_space<vmem_shared>> -> memref<336x128xf32, #tpu.memory_space<vmem_shared>>
    tpu.enqueue_dma source(%dma_start3A_2254 : memref<336x128xf32, #tpu.memory_space<vmem_shared>>) target(%dma_start3A_2250 : memref<336x128xf32, #tpu.memory_space<hbm>>) target_semaphore(%dma_start3A_2246 : memref<!tpu.dma_semaphore, #tpu.memory_space<semaphore_mem>>)
    %mul3A_2255 = arith.constant 2 : i32
    %mul3A_2256 = arith.muli %add3A, %mul3A_2255 : i32
    %add3A_2257 = arith.constant 1 : i32
    %add3A_2258 = arith.addi %mul3A_2256, %add3A_2257 : i32
    %dma_wait3A_2259 = arith.constant 1 : i32
    %dma_wait3A_2260 = arith.constant 1 : i32
    %dma_wait3A_2261 = tpu.memref_slice %arg7[%dma_wait3A_2260] : memref<3x!tpu.dma_semaphore, #tpu.memory_space<semaphore_mem>> -> memref<1x!tpu.dma_semaphore, #tpu.memory_space<semaphore_mem>>
    %dma_wait3A_2262 = tpu.memref_squeeze %dma_wait3A_2261 : memref<1x!tpu.dma_semaphore, #tpu.memory_space<semaphore_mem>> -> memref<!tpu.dma_semaphore, #tpu.memory_space<semaphore_mem>>
    %dma_wait3A_2263 = arith.constant 2688 : i32
    %dma_wait3A_2264 = arith.constant 0 : i32
    %dma_wait3A_2265 = tpu.memref_slice %arg4[%add3A_2258, %dma_wait3A_2263, %dma_wait3A_2264] : memref<64x8192x128xf32, #tpu.memory_space<hbm>> -> memref<1x336x128xf32, #tpu.memory_space<hbm>>
    %dma_wait3A_2266 = tpu.memref_squeeze %dma_wait3A_2265 : memref<1x336x128xf32, #tpu.memory_space<hbm>> -> memref<336x128xf32, #tpu.memory_space<hbm>>
    %dma_wait3A_2267 = arith.constant 0 : i32
    %dma_wait3A_2268 = arith.constant 0 : i32
    %dma_wait3A_2269 = tpu.memref_slice %arg5[%arg1, %dma_wait3A_2259, %dma_wait3A_2267, %dma_wait3A_2268] : memref<16x3x336x128xf32, #tpu.memory_space<vmem_shared>> -> memref<1x1x336x128xf32, #tpu.memory_space<vmem_shared>>
    %dma_wait3A_2270 = tpu.memref_squeeze %dma_wait3A_2269 : memref<1x1x336x128xf32, #tpu.memory_space<vmem_shared>> -> memref<336x128xf32, #tpu.memory_space<vmem_shared>>
    tpu.wait_dma2 semaphore(%dma_wait3A_2262 : memref<!tpu.dma_semaphore, #tpu.memory_space<semaphore_mem>>) src(%dma_wait3A_2270 : memref<336x128xf32, #tpu.memory_space<vmem_shared>>) dst(%dma_wait3A_2266 : memref<336x128xf32, #tpu.memory_space<hbm>>)
    %mul3A_2271 = arith.constant 2 : i32
    %mul3A_2272 = arith.muli %add3A, %mul3A_2271 : i32
    %add3A_2273 = arith.constant 1 : i32
    %add3A_2274 = arith.addi %mul3A_2272, %add3A_2273 : i32
    %dma_start3A_2275 = arith.constant 1 : i32
    %dma_start3A_2276 = arith.constant 1 : i32
    %dma_start3A_2277 = tpu.memref_slice %arg6[%dma_start3A_2276] : memref<3x!tpu.dma_semaphore, #tpu.memory_space<semaphore_mem>> -> memref<1x!tpu.dma_semaphore, #tpu.memory_space<semaphore_mem>>
    %dma_start3A_2278 = tpu.memref_squeeze %dma_start3A_2277 : memref<1x!tpu.dma_semaphore, #tpu.memory_space<semaphore_mem>> -> memref<!tpu.dma_semaphore, #tpu.memory_space<semaphore_mem>>
    %dma_start3A_2279 = arith.constant 0 : i32
    %dma_start3A_2280 = arith.constant 0 : i32
    %dma_start3A_2281 = tpu.memref_slice %arg5[%arg1, %dma_start3A_2275, %dma_start3A_2279, %dma_start3A_2280] : memref<16x3x336x128xf32, #tpu.memory_space<vmem_shared>> -> memref<1x1x336x128xf32, #tpu.memory_space<vmem_shared>>
    %dma_start3A_2282 = tpu.memref_squeeze %dma_start3A_2281 : memref<1x1x336x128xf32, #tpu.memory_space<vmem_shared>> -> memref<336x128xf32, #tpu.memory_space<vmem_shared>>
    %dma_start3A_2283 = arith.constant 3712 : i32
    %dma_start3A_2284 = arith.constant 0 : i32
    %dma_start3A_2285 = tpu.memref_slice %arg2[%add3A_2274, %dma_start3A_2283, %dma_start3A_2284] : memref<64x8192x128xf32, #tpu.memory_space<hbm>> -> memref<1x336x128xf32, #tpu.memory_space<hbm>>
    %dma_start3A_2286 = tpu.memref_squeeze %dma_start3A_2285 : memref<1x336x128xf32, #tpu.memory_space<hbm>> -> memref<336x128xf32, #tpu.memory_space<hbm>>
    tpu.enqueue_dma source(%dma_start3A_2286 : memref<336x128xf32, #tpu.memory_space<hbm>>) target(%dma_start3A_2282 : memref<336x128xf32, #tpu.memory_space<vmem_shared>>) target_semaphore(%dma_start3A_2278 : memref<!tpu.dma_semaphore, #tpu.memory_space<semaphore_mem>>)
    %mul3A_2287 = arith.constant 2 : i32
    %mul3A_2288 = arith.muli %add3A, %mul3A_2287 : i32
    %add3A_2289 = arith.constant 1 : i32
    %add3A_2290 = arith.addi %mul3A_2288, %add3A_2289 : i32
    %dma_wait3A_2291 = arith.constant 2 : i32
    %dma_wait3A_2292 = arith.constant 2 : i32
    %dma_wait3A_2293 = tpu.memref_slice %arg6[%dma_wait3A_2292] : memref<3x!tpu.dma_semaphore, #tpu.memory_space<semaphore_mem>> -> memref<1x!tpu.dma_semaphore, #tpu.memory_space<semaphore_mem>>
    %dma_wait3A_2294 = tpu.memref_squeeze %dma_wait3A_2293 : memref<1x!tpu.dma_semaphore, #tpu.memory_space<semaphore_mem>> -> memref<!tpu.dma_semaphore, #tpu.memory_space<semaphore_mem>>
    %dma_wait3A_2295 = arith.constant 0 : i32
    %dma_wait3A_2296 = arith.constant 0 : i32
    %dma_wait3A_2297 = tpu.memref_slice %arg5[%arg1, %dma_wait3A_2291, %dma_wait3A_2295, %dma_wait3A_2296] : memref<16x3x336x128xf32, #tpu.memory_space<vmem_shared>> -> memref<1x1x336x128xf32, #tpu.memory_space<vmem_shared>>
    %dma_wait3A_2298 = tpu.memref_squeeze %dma_wait3A_2297 : memref<1x1x336x128xf32, #tpu.memory_space<vmem_shared>> -> memref<336x128xf32, #tpu.memory_space<vmem_shared>>
    %dma_wait3A_2299 = arith.constant 3040 : i32
    %dma_wait3A_2300 = arith.constant 0 : i32
    %dma_wait3A_2301 = tpu.memref_slice %arg2[%add3A_2290, %dma_wait3A_2299, %dma_wait3A_2300] : memref<64x8192x128xf32, #tpu.memory_space<hbm>> -> memref<1x336x128xf32, #tpu.memory_space<hbm>>
    %dma_wait3A_2302 = tpu.memref_squeeze %dma_wait3A_2301 : memref<1x336x128xf32, #tpu.memory_space<hbm>> -> memref<336x128xf32, #tpu.memory_space<hbm>>
    tpu.wait_dma2 semaphore(%dma_wait3A_2294 : memref<!tpu.dma_semaphore, #tpu.memory_space<semaphore_mem>>) src(%dma_wait3A_2302 : memref<336x128xf32, #tpu.memory_space<hbm>>) dst(%dma_wait3A_2298 : memref<336x128xf32, #tpu.memory_space<vmem_shared>>)
    %mul3A_2303 = arith.constant 2 : i32
    %mul3A_2304 = arith.muli %add3A, %mul3A_2303 : i32
    %add3A_2305 = arith.constant 1 : i32
    %add3A_2306 = arith.addi %mul3A_2304, %add3A_2305 : i32
    %dma_start3A_2307 = arith.constant 2 : i32
    %dma_start3A_2308 = arith.constant 2 : i32
    %dma_start3A_2309 = tpu.memref_slice %arg7[%dma_start3A_2308] : memref<3x!tpu.dma_semaphore, #tpu.memory_space<semaphore_mem>> -> memref<1x!tpu.dma_semaphore, #tpu.memory_space<semaphore_mem>>
    %dma_start3A_2310 = tpu.memref_squeeze %dma_start3A_2309 : memref<1x!tpu.dma_semaphore, #tpu.memory_space<semaphore_mem>> -> memref<!tpu.dma_semaphore, #tpu.memory_space<semaphore_mem>>
    %dma_start3A_2311 = arith.constant 3024 : i32
    %dma_start3A_2312 = arith.constant 0 : i32
    %dma_start3A_2313 = tpu.memref_slice %arg4[%add3A_2306, %dma_start3A_2311, %dma_start3A_2312] : memref<64x8192x128xf32, #tpu.memory_space<hbm>> -> memref<1x336x128xf32, #tpu.memory_space<hbm>>
    %dma_start3A_2314 = tpu.memref_squeeze %dma_start3A_2313 : memref<1x336x128xf32, #tpu.memory_space<hbm>> -> memref<336x128xf32, #tpu.memory_space<hbm>>
    %dma_start3A_2315 = arith.constant 0 : i32
    %dma_start3A_2316 = arith.constant 0 : i32
    %dma_start3A_2317 = tpu.memref_slice %arg5[%arg1, %dma_start3A_2307, %dma_start3A_2315, %dma_start3A_2316] : memref<16x3x336x128xf32, #tpu.memory_space<vmem_shared>> -> memref<1x1x336x128xf32, #tpu.memory_space<vmem_shared>>
    %dma_start3A_2318 = tpu.memref_squeeze %dma_start3A_2317 : memref<1x1x336x128xf32, #tpu.memory_space<vmem_shared>> -> memref<336x128xf32, #tpu.memory_space<vmem_shared>>
    tpu.enqueue_dma source(%dma_start3A_2318 : memref<336x128xf32, #tpu.memory_space<vmem_shared>>) target(%dma_start3A_2314 : memref<336x128xf32, #tpu.memory_space<hbm>>) target_semaphore(%dma_start3A_2310 : memref<!tpu.dma_semaphore, #tpu.memory_space<semaphore_mem>>)
    %mul3A_2319 = arith.constant 2 : i32
    %mul3A_2320 = arith.muli %add3A, %mul3A_2319 : i32
    %add3A_2321 = arith.constant 1 : i32
    %add3A_2322 = arith.addi %mul3A_2320, %add3A_2321 : i32
    %dma_wait3A_2323 = arith.constant 2 : i32
    %dma_wait3A_2324 = arith.constant 2 : i32
    %dma_wait3A_2325 = tpu.memref_slice %arg7[%dma_wait3A_2324] : memref<3x!tpu.dma_semaphore, #tpu.memory_space<semaphore_mem>> -> memref<1x!tpu.dma_semaphore, #tpu.memory_space<semaphore_mem>>
    %dma_wait3A_2326 = tpu.memref_squeeze %dma_wait3A_2325 : memref<1x!tpu.dma_semaphore, #tpu.memory_space<semaphore_mem>> -> memref<!tpu.dma_semaphore, #tpu.memory_space<semaphore_mem>>
    %dma_wait3A_2327 = arith.constant 3024 : i32
    %dma_wait3A_2328 = arith.constant 0 : i32
    %dma_wait3A_2329 = tpu.memref_slice %arg4[%add3A_2322, %dma_wait3A_2327, %dma_wait3A_2328] : memref<64x8192x128xf32, #tpu.memory_space<hbm>> -> memref<1x336x128xf32, #tpu.memory_space<hbm>>
    %dma_wait3A_2330 = tpu.memref_squeeze %dma_wait3A_2329 : memref<1x336x128xf32, #tpu.memory_space<hbm>> -> memref<336x128xf32, #tpu.memory_space<hbm>>
    %dma_wait3A_2331 = arith.constant 0 : i32
    %dma_wait3A_2332 = arith.constant 0 : i32
    %dma_wait3A_2333 = tpu.memref_slice %arg5[%arg1, %dma_wait3A_2323, %dma_wait3A_2331, %dma_wait3A_2332] : memref<16x3x336x128xf32, #tpu.memory_space<vmem_shared>> -> memref<1x1x336x128xf32, #tpu.memory_space<vmem_shared>>
    %dma_wait3A_2334 = tpu.memref_squeeze %dma_wait3A_2333 : memref<1x1x336x128xf32, #tpu.memory_space<vmem_shared>> -> memref<336x128xf32, #tpu.memory_space<vmem_shared>>
    tpu.wait_dma2 semaphore(%dma_wait3A_2326 : memref<!tpu.dma_semaphore, #tpu.memory_space<semaphore_mem>>) src(%dma_wait3A_2334 : memref<336x128xf32, #tpu.memory_space<vmem_shared>>) dst(%dma_wait3A_2330 : memref<336x128xf32, #tpu.memory_space<hbm>>)
    %mul3A_2335 = arith.constant 2 : i32
    %mul3A_2336 = arith.muli %add3A, %mul3A_2335 : i32
    %add3A_2337 = arith.constant 1 : i32
    %add3A_2338 = arith.addi %mul3A_2336, %add3A_2337 : i32
    %dma_start3A_2339 = arith.constant 2 : i32
    %dma_start3A_2340 = arith.constant 2 : i32
    %dma_start3A_2341 = tpu.memref_slice %arg6[%dma_start3A_2340] : memref<3x!tpu.dma_semaphore, #tpu.memory_space<semaphore_mem>> -> memref<1x!tpu.dma_semaphore, #tpu.memory_space<semaphore_mem>>
    %dma_start3A_2342 = tpu.memref_squeeze %dma_start3A_2341 : memref<1x!tpu.dma_semaphore, #tpu.memory_space<semaphore_mem>> -> memref<!tpu.dma_semaphore, #tpu.memory_space<semaphore_mem>>
    %dma_start3A_2343 = arith.constant 0 : i32
    %dma_start3A_2344 = arith.constant 0 : i32
    %dma_start3A_2345 = tpu.memref_slice %arg5[%arg1, %dma_start3A_2339, %dma_start3A_2343, %dma_start3A_2344] : memref<16x3x336x128xf32, #tpu.memory_space<vmem_shared>> -> memref<1x1x336x128xf32, #tpu.memory_space<vmem_shared>>
    %dma_start3A_2346 = tpu.memref_squeeze %dma_start3A_2345 : memref<1x1x336x128xf32, #tpu.memory_space<vmem_shared>> -> memref<336x128xf32, #tpu.memory_space<vmem_shared>>
    %dma_start3A_2347 = arith.constant 4048 : i32
    %dma_start3A_2348 = arith.constant 0 : i32
    %dma_start3A_2349 = tpu.memref_slice %arg2[%add3A_2338, %dma_start3A_2347, %dma_start3A_2348] : memref<64x8192x128xf32, #tpu.memory_space<hbm>> -> memref<1x336x128xf32, #tpu.memory_space<hbm>>
    %dma_start3A_2350 = tpu.memref_squeeze %dma_start3A_2349 : memref<1x336x128xf32, #tpu.memory_space<hbm>> -> memref<336x128xf32, #tpu.memory_space<hbm>>
    tpu.enqueue_dma source(%dma_start3A_2350 : memref<336x128xf32, #tpu.memory_space<hbm>>) target(%dma_start3A_2346 : memref<336x128xf32, #tpu.memory_space<vmem_shared>>) target_semaphore(%dma_start3A_2342 : memref<!tpu.dma_semaphore, #tpu.memory_space<semaphore_mem>>)
    %mul3A_2351 = arith.constant 2 : i32
    %mul3A_2352 = arith.muli %add3A, %mul3A_2351 : i32
    %add3A_2353 = arith.constant 1 : i32
    %add3A_2354 = arith.addi %mul3A_2352, %add3A_2353 : i32
    %dma_wait3A_2355 = arith.constant 0 : i32
    %dma_wait3A_2356 = arith.constant 0 : i32
    %dma_wait3A_2357 = tpu.memref_slice %arg6[%dma_wait3A_2356] : memref<3x!tpu.dma_semaphore, #tpu.memory_space<semaphore_mem>> -> memref<1x!tpu.dma_semaphore, #tpu.memory_space<semaphore_mem>>
    %dma_wait3A_2358 = tpu.memref_squeeze %dma_wait3A_2357 : memref<1x!tpu.dma_semaphore, #tpu.memory_space<semaphore_mem>> -> memref<!tpu.dma_semaphore, #tpu.memory_space<semaphore_mem>>
    %dma_wait3A_2359 = arith.constant 0 : i32
    %dma_wait3A_2360 = arith.constant 0 : i32
    %dma_wait3A_2361 = tpu.memref_slice %arg5[%arg1, %dma_wait3A_2355, %dma_wait3A_2359, %dma_wait3A_2360] : memref<16x3x336x128xf32, #tpu.memory_space<vmem_shared>> -> memref<1x1x336x128xf32, #tpu.memory_space<vmem_shared>>
    %dma_wait3A_2362 = tpu.memref_squeeze %dma_wait3A_2361 : memref<1x1x336x128xf32, #tpu.memory_space<vmem_shared>> -> memref<336x128xf32, #tpu.memory_space<vmem_shared>>
    %dma_wait3A_2363 = arith.constant 3376 : i32
    %dma_wait3A_2364 = arith.constant 0 : i32
    %dma_wait3A_2365 = tpu.memref_slice %arg2[%add3A_2354, %dma_wait3A_2363, %dma_wait3A_2364] : memref<64x8192x128xf32, #tpu.memory_space<hbm>> -> memref<1x336x128xf32, #tpu.memory_space<hbm>>
    %dma_wait3A_2366 = tpu.memref_squeeze %dma_wait3A_2365 : memref<1x336x128xf32, #tpu.memory_space<hbm>> -> memref<336x128xf32, #tpu.memory_space<hbm>>
    tpu.wait_dma2 semaphore(%dma_wait3A_2358 : memref<!tpu.dma_semaphore, #tpu.memory_space<semaphore_mem>>) src(%dma_wait3A_2366 : memref<336x128xf32, #tpu.memory_space<hbm>>) dst(%dma_wait3A_2362 : memref<336x128xf32, #tpu.memory_space<vmem_shared>>)
    %mul3A_2367 = arith.constant 2 : i32
    %mul3A_2368 = arith.muli %add3A, %mul3A_2367 : i32
    %add3A_2369 = arith.constant 1 : i32
    %add3A_2370 = arith.addi %mul3A_2368, %add3A_2369 : i32
    %dma_start3A_2371 = arith.constant 0 : i32
    %dma_start3A_2372 = arith.constant 0 : i32
    %dma_start3A_2373 = tpu.memref_slice %arg7[%dma_start3A_2372] : memref<3x!tpu.dma_semaphore, #tpu.memory_space<semaphore_mem>> -> memref<1x!tpu.dma_semaphore, #tpu.memory_space<semaphore_mem>>
    %dma_start3A_2374 = tpu.memref_squeeze %dma_start3A_2373 : memref<1x!tpu.dma_semaphore, #tpu.memory_space<semaphore_mem>> -> memref<!tpu.dma_semaphore, #tpu.memory_space<semaphore_mem>>
    %dma_start3A_2375 = arith.constant 3360 : i32
    %dma_start3A_2376 = arith.constant 0 : i32
    %dma_start3A_2377 = tpu.memref_slice %arg4[%add3A_2370, %dma_start3A_2375, %dma_start3A_2376] : memref<64x8192x128xf32, #tpu.memory_space<hbm>> -> memref<1x336x128xf32, #tpu.memory_space<hbm>>
    %dma_start3A_2378 = tpu.memref_squeeze %dma_start3A_2377 : memref<1x336x128xf32, #tpu.memory_space<hbm>> -> memref<336x128xf32, #tpu.memory_space<hbm>>
    %dma_start3A_2379 = arith.constant 0 : i32
    %dma_start3A_2380 = arith.constant 0 : i32
    %dma_start3A_2381 = tpu.memref_slice %arg5[%arg1, %dma_start3A_2371, %dma_start3A_2379, %dma_start3A_2380] : memref<16x3x336x128xf32, #tpu.memory_space<vmem_shared>> -> memref<1x1x336x128xf32, #tpu.memory_space<vmem_shared>>
    %dma_start3A_2382 = tpu.memref_squeeze %dma_start3A_2381 : memref<1x1x336x128xf32, #tpu.memory_space<vmem_shared>> -> memref<336x128xf32, #tpu.memory_space<vmem_shared>>
    tpu.enqueue_dma source(%dma_start3A_2382 : memref<336x128xf32, #tpu.memory_space<vmem_shared>>) target(%dma_start3A_2378 : memref<336x128xf32, #tpu.memory_space<hbm>>) target_semaphore(%dma_start3A_2374 : memref<!tpu.dma_semaphore, #tpu.memory_space<semaphore_mem>>)
    %mul3A_2383 = arith.constant 2 : i32
    %mul3A_2384 = arith.muli %add3A, %mul3A_2383 : i32
    %add3A_2385 = arith.constant 1 : i32
    %add3A_2386 = arith.addi %mul3A_2384, %add3A_2385 : i32
    %dma_wait3A_2387 = arith.constant 0 : i32
    %dma_wait3A_2388 = arith.constant 0 : i32
    %dma_wait3A_2389 = tpu.memref_slice %arg7[%dma_wait3A_2388] : memref<3x!tpu.dma_semaphore, #tpu.memory_space<semaphore_mem>> -> memref<1x!tpu.dma_semaphore, #tpu.memory_space<semaphore_mem>>
    %dma_wait3A_2390 = tpu.memref_squeeze %dma_wait3A_2389 : memref<1x!tpu.dma_semaphore, #tpu.memory_space<semaphore_mem>> -> memref<!tpu.dma_semaphore, #tpu.memory_space<semaphore_mem>>
    %dma_wait3A_2391 = arith.constant 3360 : i32
    %dma_wait3A_2392 = arith.constant 0 : i32
    %dma_wait3A_2393 = tpu.memref_slice %arg4[%add3A_2386, %dma_wait3A_2391, %dma_wait3A_2392] : memref<64x8192x128xf32, #tpu.memory_space<hbm>> -> memref<1x336x128xf32, #tpu.memory_space<hbm>>
    %dma_wait3A_2394 = tpu.memref_squeeze %dma_wait3A_2393 : memref<1x336x128xf32, #tpu.memory_space<hbm>> -> memref<336x128xf32, #tpu.memory_space<hbm>>
    %dma_wait3A_2395 = arith.constant 0 : i32
    %dma_wait3A_2396 = arith.constant 0 : i32
    %dma_wait3A_2397 = tpu.memref_slice %arg5[%arg1, %dma_wait3A_2387, %dma_wait3A_2395, %dma_wait3A_2396] : memref<16x3x336x128xf32, #tpu.memory_space<vmem_shared>> -> memref<1x1x336x128xf32, #tpu.memory_space<vmem_shared>>
    %dma_wait3A_2398 = tpu.memref_squeeze %dma_wait3A_2397 : memref<1x1x336x128xf32, #tpu.memory_space<vmem_shared>> -> memref<336x128xf32, #tpu.memory_space<vmem_shared>>
    tpu.wait_dma2 semaphore(%dma_wait3A_2390 : memref<!tpu.dma_semaphore, #tpu.memory_space<semaphore_mem>>) src(%dma_wait3A_2398 : memref<336x128xf32, #tpu.memory_space<vmem_shared>>) dst(%dma_wait3A_2394 : memref<336x128xf32, #tpu.memory_space<hbm>>)
    %mul3A_2399 = arith.constant 2 : i32
    %mul3A_2400 = arith.muli %add3A, %mul3A_2399 : i32
    %add3A_2401 = arith.constant 1 : i32
    %add3A_2402 = arith.addi %mul3A_2400, %add3A_2401 : i32
    %dma_start3A_2403 = arith.constant 0 : i32
    %dma_start3A_2404 = arith.constant 0 : i32
    %dma_start3A_2405 = tpu.memref_slice %arg6[%dma_start3A_2404] : memref<3x!tpu.dma_semaphore, #tpu.memory_space<semaphore_mem>> -> memref<1x!tpu.dma_semaphore, #tpu.memory_space<semaphore_mem>>
    %dma_start3A_2406 = tpu.memref_squeeze %dma_start3A_2405 : memref<1x!tpu.dma_semaphore, #tpu.memory_space<semaphore_mem>> -> memref<!tpu.dma_semaphore, #tpu.memory_space<semaphore_mem>>
    %dma_start3A_2407 = arith.constant 0 : i32
    %dma_start3A_2408 = arith.constant 0 : i32
    %dma_start3A_2409 = tpu.memref_slice %arg5[%arg1, %dma_start3A_2403, %dma_start3A_2407, %dma_start3A_2408] : memref<16x3x336x128xf32, #tpu.memory_space<vmem_shared>> -> memref<1x1x336x128xf32, #tpu.memory_space<vmem_shared>>
    %dma_start3A_2410 = tpu.memref_squeeze %dma_start3A_2409 : memref<1x1x336x128xf32, #tpu.memory_space<vmem_shared>> -> memref<336x128xf32, #tpu.memory_space<vmem_shared>>
    %dma_start3A_2411 = arith.constant 4384 : i32
    %dma_start3A_2412 = arith.constant 0 : i32
    %dma_start3A_2413 = tpu.memref_slice %arg2[%add3A_2402, %dma_start3A_2411, %dma_start3A_2412] : memref<64x8192x128xf32, #tpu.memory_space<hbm>> -> memref<1x336x128xf32, #tpu.memory_space<hbm>>
    %dma_start3A_2414 = tpu.memref_squeeze %dma_start3A_2413 : memref<1x336x128xf32, #tpu.memory_space<hbm>> -> memref<336x128xf32, #tpu.memory_space<hbm>>
    tpu.enqueue_dma source(%dma_start3A_2414 : memref<336x128xf32, #tpu.memory_space<hbm>>) target(%dma_start3A_2410 : memref<336x128xf32, #tpu.memory_space<vmem_shared>>) target_semaphore(%dma_start3A_2406 : memref<!tpu.dma_semaphore, #tpu.memory_space<semaphore_mem>>)
    %mul3A_2415 = arith.constant 2 : i32
    %mul3A_2416 = arith.muli %add3A, %mul3A_2415 : i32
    %add3A_2417 = arith.constant 1 : i32
    %add3A_2418 = arith.addi %mul3A_2416, %add3A_2417 : i32
    %dma_wait3A_2419 = arith.constant 1 : i32
    %dma_wait3A_2420 = arith.constant 1 : i32
    %dma_wait3A_2421 = tpu.memref_slice %arg6[%dma_wait3A_2420] : memref<3x!tpu.dma_semaphore, #tpu.memory_space<semaphore_mem>> -> memref<1x!tpu.dma_semaphore, #tpu.memory_space<semaphore_mem>>
    %dma_wait3A_2422 = tpu.memref_squeeze %dma_wait3A_2421 : memref<1x!tpu.dma_semaphore, #tpu.memory_space<semaphore_mem>> -> memref<!tpu.dma_semaphore, #tpu.memory_space<semaphore_mem>>
    %dma_wait3A_2423 = arith.constant 0 : i32
    %dma_wait3A_2424 = arith.constant 0 : i32
    %dma_wait3A_2425 = tpu.memref_slice %arg5[%arg1, %dma_wait3A_2419, %dma_wait3A_2423, %dma_wait3A_2424] : memref<16x3x336x128xf32, #tpu.memory_space<vmem_shared>> -> memref<1x1x336x128xf32, #tpu.memory_space<vmem_shared>>
    %dma_wait3A_2426 = tpu.memref_squeeze %dma_wait3A_2425 : memref<1x1x336x128xf32, #tpu.memory_space<vmem_shared>> -> memref<336x128xf32, #tpu.memory_space<vmem_shared>>
    %dma_wait3A_2427 = arith.constant 3712 : i32
    %dma_wait3A_2428 = arith.constant 0 : i32
    %dma_wait3A_2429 = tpu.memref_slice %arg2[%add3A_2418, %dma_wait3A_2427, %dma_wait3A_2428] : memref<64x8192x128xf32, #tpu.memory_space<hbm>> -> memref<1x336x128xf32, #tpu.memory_space<hbm>>
    %dma_wait3A_2430 = tpu.memref_squeeze %dma_wait3A_2429 : memref<1x336x128xf32, #tpu.memory_space<hbm>> -> memref<336x128xf32, #tpu.memory_space<hbm>>
    tpu.wait_dma2 semaphore(%dma_wait3A_2422 : memref<!tpu.dma_semaphore, #tpu.memory_space<semaphore_mem>>) src(%dma_wait3A_2430 : memref<336x128xf32, #tpu.memory_space<hbm>>) dst(%dma_wait3A_2426 : memref<336x128xf32, #tpu.memory_space<vmem_shared>>)
    %mul3A_2431 = arith.constant 2 : i32
    %mul3A_2432 = arith.muli %add3A, %mul3A_2431 : i32
    %add3A_2433 = arith.constant 1 : i32
    %add3A_2434 = arith.addi %mul3A_2432, %add3A_2433 : i32
    %dma_start3A_2435 = arith.constant 1 : i32
    %dma_start3A_2436 = arith.constant 1 : i32
    %dma_start3A_2437 = tpu.memref_slice %arg7[%dma_start3A_2436] : memref<3x!tpu.dma_semaphore, #tpu.memory_space<semaphore_mem>> -> memref<1x!tpu.dma_semaphore, #tpu.memory_space<semaphore_mem>>
    %dma_start3A_2438 = tpu.memref_squeeze %dma_start3A_2437 : memref<1x!tpu.dma_semaphore, #tpu.memory_space<semaphore_mem>> -> memref<!tpu.dma_semaphore, #tpu.memory_space<semaphore_mem>>
    %dma_start3A_2439 = arith.constant 3696 : i32
    %dma_start3A_2440 = arith.constant 0 : i32
    %dma_start3A_2441 = tpu.memref_slice %arg4[%add3A_2434, %dma_start3A_2439, %dma_start3A_2440] : memref<64x8192x128xf32, #tpu.memory_space<hbm>> -> memref<1x336x128xf32, #tpu.memory_space<hbm>>
    %dma_start3A_2442 = tpu.memref_squeeze %dma_start3A_2441 : memref<1x336x128xf32, #tpu.memory_space<hbm>> -> memref<336x128xf32, #tpu.memory_space<hbm>>
    %dma_start3A_2443 = arith.constant 0 : i32
    %dma_start3A_2444 = arith.constant 0 : i32
    %dma_start3A_2445 = tpu.memref_slice %arg5[%arg1, %dma_start3A_2435, %dma_start3A_2443, %dma_start3A_2444] : memref<16x3x336x128xf32, #tpu.memory_space<vmem_shared>> -> memref<1x1x336x128xf32, #tpu.memory_space<vmem_shared>>
    %dma_start3A_2446 = tpu.memref_squeeze %dma_start3A_2445 : memref<1x1x336x128xf32, #tpu.memory_space<vmem_shared>> -> memref<336x128xf32, #tpu.memory_space<vmem_shared>>
    tpu.enqueue_dma source(%dma_start3A_2446 : memref<336x128xf32, #tpu.memory_space<vmem_shared>>) target(%dma_start3A_2442 : memref<336x128xf32, #tpu.memory_space<hbm>>) target_semaphore(%dma_start3A_2438 : memref<!tpu.dma_semaphore, #tpu.memory_space<semaphore_mem>>)
    %mul3A_2447 = arith.constant 2 : i32
    %mul3A_2448 = arith.muli %add3A, %mul3A_2447 : i32
    %add3A_2449 = arith.constant 1 : i32
    %add3A_2450 = arith.addi %mul3A_2448, %add3A_2449 : i32
    %dma_wait3A_2451 = arith.constant 1 : i32
    %dma_wait3A_2452 = arith.constant 1 : i32
    %dma_wait3A_2453 = tpu.memref_slice %arg7[%dma_wait3A_2452] : memref<3x!tpu.dma_semaphore, #tpu.memory_space<semaphore_mem>> -> memref<1x!tpu.dma_semaphore, #tpu.memory_space<semaphore_mem>>
    %dma_wait3A_2454 = tpu.memref_squeeze %dma_wait3A_2453 : memref<1x!tpu.dma_semaphore, #tpu.memory_space<semaphore_mem>> -> memref<!tpu.dma_semaphore, #tpu.memory_space<semaphore_mem>>
    %dma_wait3A_2455 = arith.constant 3696 : i32
    %dma_wait3A_2456 = arith.constant 0 : i32
    %dma_wait3A_2457 = tpu.memref_slice %arg4[%add3A_2450, %dma_wait3A_2455, %dma_wait3A_2456] : memref<64x8192x128xf32, #tpu.memory_space<hbm>> -> memref<1x336x128xf32, #tpu.memory_space<hbm>>
    %dma_wait3A_2458 = tpu.memref_squeeze %dma_wait3A_2457 : memref<1x336x128xf32, #tpu.memory_space<hbm>> -> memref<336x128xf32, #tpu.memory_space<hbm>>
    %dma_wait3A_2459 = arith.constant 0 : i32
    %dma_wait3A_2460 = arith.constant 0 : i32
    %dma_wait3A_2461 = tpu.memref_slice %arg5[%arg1, %dma_wait3A_2451, %dma_wait3A_2459, %dma_wait3A_2460] : memref<16x3x336x128xf32, #tpu.memory_space<vmem_shared>> -> memref<1x1x336x128xf32, #tpu.memory_space<vmem_shared>>
    %dma_wait3A_2462 = tpu.memref_squeeze %dma_wait3A_2461 : memref<1x1x336x128xf32, #tpu.memory_space<vmem_shared>> -> memref<336x128xf32, #tpu.memory_space<vmem_shared>>
    tpu.wait_dma2 semaphore(%dma_wait3A_2454 : memref<!tpu.dma_semaphore, #tpu.memory_space<semaphore_mem>>) src(%dma_wait3A_2462 : memref<336x128xf32, #tpu.memory_space<vmem_shared>>) dst(%dma_wait3A_2458 : memref<336x128xf32, #tpu.memory_space<hbm>>)
    %mul3A_2463 = arith.constant 2 : i32
    %mul3A_2464 = arith.muli %add3A, %mul3A_2463 : i32
    %add3A_2465 = arith.constant 1 : i32
    %add3A_2466 = arith.addi %mul3A_2464, %add3A_2465 : i32
    %dma_start3A_2467 = arith.constant 1 : i32
    %dma_start3A_2468 = arith.constant 1 : i32
    %dma_start3A_2469 = tpu.memref_slice %arg6[%dma_start3A_2468] : memref<3x!tpu.dma_semaphore, #tpu.memory_space<semaphore_mem>> -> memref<1x!tpu.dma_semaphore, #tpu.memory_space<semaphore_mem>>
    %dma_start3A_2470 = tpu.memref_squeeze %dma_start3A_2469 : memref<1x!tpu.dma_semaphore, #tpu.memory_space<semaphore_mem>> -> memref<!tpu.dma_semaphore, #tpu.memory_space<semaphore_mem>>
    %dma_start3A_2471 = arith.constant 0 : i32
    %dma_start3A_2472 = arith.constant 0 : i32
    %dma_start3A_2473 = tpu.memref_slice %arg5[%arg1, %dma_start3A_2467, %dma_start3A_2471, %dma_start3A_2472] : memref<16x3x336x128xf32, #tpu.memory_space<vmem_shared>> -> memref<1x1x336x128xf32, #tpu.memory_space<vmem_shared>>
    %dma_start3A_2474 = tpu.memref_squeeze %dma_start3A_2473 : memref<1x1x336x128xf32, #tpu.memory_space<vmem_shared>> -> memref<336x128xf32, #tpu.memory_space<vmem_shared>>
    %dma_start3A_2475 = arith.constant 4720 : i32
    %dma_start3A_2476 = arith.constant 0 : i32
    %dma_start3A_2477 = tpu.memref_slice %arg2[%add3A_2466, %dma_start3A_2475, %dma_start3A_2476] : memref<64x8192x128xf32, #tpu.memory_space<hbm>> -> memref<1x336x128xf32, #tpu.memory_space<hbm>>
    %dma_start3A_2478 = tpu.memref_squeeze %dma_start3A_2477 : memref<1x336x128xf32, #tpu.memory_space<hbm>> -> memref<336x128xf32, #tpu.memory_space<hbm>>
    tpu.enqueue_dma source(%dma_start3A_2478 : memref<336x128xf32, #tpu.memory_space<hbm>>) target(%dma_start3A_2474 : memref<336x128xf32, #tpu.memory_space<vmem_shared>>) target_semaphore(%dma_start3A_2470 : memref<!tpu.dma_semaphore, #tpu.memory_space<semaphore_mem>>)
    %mul3A_2479 = arith.constant 2 : i32
    %mul3A_2480 = arith.muli %add3A, %mul3A_2479 : i32
    %add3A_2481 = arith.constant 1 : i32
    %add3A_2482 = arith.addi %mul3A_2480, %add3A_2481 : i32
    %dma_wait3A_2483 = arith.constant 2 : i32
    %dma_wait3A_2484 = arith.constant 2 : i32
    %dma_wait3A_2485 = tpu.memref_slice %arg6[%dma_wait3A_2484] : memref<3x!tpu.dma_semaphore, #tpu.memory_space<semaphore_mem>> -> memref<1x!tpu.dma_semaphore, #tpu.memory_space<semaphore_mem>>
    %dma_wait3A_2486 = tpu.memref_squeeze %dma_wait3A_2485 : memref<1x!tpu.dma_semaphore, #tpu.memory_space<semaphore_mem>> -> memref<!tpu.dma_semaphore, #tpu.memory_space<semaphore_mem>>
    %dma_wait3A_2487 = arith.constant 0 : i32
    %dma_wait3A_2488 = arith.constant 0 : i32
    %dma_wait3A_2489 = tpu.memref_slice %arg5[%arg1, %dma_wait3A_2483, %dma_wait3A_2487, %dma_wait3A_2488] : memref<16x3x336x128xf32, #tpu.memory_space<vmem_shared>> -> memref<1x1x336x128xf32, #tpu.memory_space<vmem_shared>>
    %dma_wait3A_2490 = tpu.memref_squeeze %dma_wait3A_2489 : memref<1x1x336x128xf32, #tpu.memory_space<vmem_shared>> -> memref<336x128xf32, #tpu.memory_space<vmem_shared>>
    %dma_wait3A_2491 = arith.constant 4048 : i32
    %dma_wait3A_2492 = arith.constant 0 : i32
    %dma_wait3A_2493 = tpu.memref_slice %arg2[%add3A_2482, %dma_wait3A_2491, %dma_wait3A_2492] : memref<64x8192x128xf32, #tpu.memory_space<hbm>> -> memref<1x336x128xf32, #tpu.memory_space<hbm>>
    %dma_wait3A_2494 = tpu.memref_squeeze %dma_wait3A_2493 : memref<1x336x128xf32, #tpu.memory_space<hbm>> -> memref<336x128xf32, #tpu.memory_space<hbm>>
    tpu.wait_dma2 semaphore(%dma_wait3A_2486 : memref<!tpu.dma_semaphore, #tpu.memory_space<semaphore_mem>>) src(%dma_wait3A_2494 : memref<336x128xf32, #tpu.memory_space<hbm>>) dst(%dma_wait3A_2490 : memref<336x128xf32, #tpu.memory_space<vmem_shared>>)
    %mul3A_2495 = arith.constant 2 : i32
    %mul3A_2496 = arith.muli %add3A, %mul3A_2495 : i32
    %add3A_2497 = arith.constant 1 : i32
    %add3A_2498 = arith.addi %mul3A_2496, %add3A_2497 : i32
    %dma_start3A_2499 = arith.constant 2 : i32
    %dma_start3A_2500 = arith.constant 2 : i32
    %dma_start3A_2501 = tpu.memref_slice %arg7[%dma_start3A_2500] : memref<3x!tpu.dma_semaphore, #tpu.memory_space<semaphore_mem>> -> memref<1x!tpu.dma_semaphore, #tpu.memory_space<semaphore_mem>>
    %dma_start3A_2502 = tpu.memref_squeeze %dma_start3A_2501 : memref<1x!tpu.dma_semaphore, #tpu.memory_space<semaphore_mem>> -> memref<!tpu.dma_semaphore, #tpu.memory_space<semaphore_mem>>
    %dma_start3A_2503 = arith.constant 4032 : i32
    %dma_start3A_2504 = arith.constant 0 : i32
    %dma_start3A_2505 = tpu.memref_slice %arg4[%add3A_2498, %dma_start3A_2503, %dma_start3A_2504] : memref<64x8192x128xf32, #tpu.memory_space<hbm>> -> memref<1x336x128xf32, #tpu.memory_space<hbm>>
    %dma_start3A_2506 = tpu.memref_squeeze %dma_start3A_2505 : memref<1x336x128xf32, #tpu.memory_space<hbm>> -> memref<336x128xf32, #tpu.memory_space<hbm>>
    %dma_start3A_2507 = arith.constant 0 : i32
    %dma_start3A_2508 = arith.constant 0 : i32
    %dma_start3A_2509 = tpu.memref_slice %arg5[%arg1, %dma_start3A_2499, %dma_start3A_2507, %dma_start3A_2508] : memref<16x3x336x128xf32, #tpu.memory_space<vmem_shared>> -> memref<1x1x336x128xf32, #tpu.memory_space<vmem_shared>>
    %dma_start3A_2510 = tpu.memref_squeeze %dma_start3A_2509 : memref<1x1x336x128xf32, #tpu.memory_space<vmem_shared>> -> memref<336x128xf32, #tpu.memory_space<vmem_shared>>
    tpu.enqueue_dma source(%dma_start3A_2510 : memref<336x128xf32, #tpu.memory_space<vmem_shared>>) target(%dma_start3A_2506 : memref<336x128xf32, #tpu.memory_space<hbm>>) target_semaphore(%dma_start3A_2502 : memref<!tpu.dma_semaphore, #tpu.memory_space<semaphore_mem>>)
    %mul3A_2511 = arith.constant 2 : i32
    %mul3A_2512 = arith.muli %add3A, %mul3A_2511 : i32
    %add3A_2513 = arith.constant 1 : i32
    %add3A_2514 = arith.addi %mul3A_2512, %add3A_2513 : i32
    %dma_wait3A_2515 = arith.constant 2 : i32
    %dma_wait3A_2516 = arith.constant 2 : i32
    %dma_wait3A_2517 = tpu.memref_slice %arg7[%dma_wait3A_2516] : memref<3x!tpu.dma_semaphore, #tpu.memory_space<semaphore_mem>> -> memref<1x!tpu.dma_semaphore, #tpu.memory_space<semaphore_mem>>
    %dma_wait3A_2518 = tpu.memref_squeeze %dma_wait3A_2517 : memref<1x!tpu.dma_semaphore, #tpu.memory_space<semaphore_mem>> -> memref<!tpu.dma_semaphore, #tpu.memory_space<semaphore_mem>>
    %dma_wait3A_2519 = arith.constant 4032 : i32
    %dma_wait3A_2520 = arith.constant 0 : i32
    %dma_wait3A_2521 = tpu.memref_slice %arg4[%add3A_2514, %dma_wait3A_2519, %dma_wait3A_2520] : memref<64x8192x128xf32, #tpu.memory_space<hbm>> -> memref<1x336x128xf32, #tpu.memory_space<hbm>>
    %dma_wait3A_2522 = tpu.memref_squeeze %dma_wait3A_2521 : memref<1x336x128xf32, #tpu.memory_space<hbm>> -> memref<336x128xf32, #tpu.memory_space<hbm>>
    %dma_wait3A_2523 = arith.constant 0 : i32
    %dma_wait3A_2524 = arith.constant 0 : i32
    %dma_wait3A_2525 = tpu.memref_slice %arg5[%arg1, %dma_wait3A_2515, %dma_wait3A_2523, %dma_wait3A_2524] : memref<16x3x336x128xf32, #tpu.memory_space<vmem_shared>> -> memref<1x1x336x128xf32, #tpu.memory_space<vmem_shared>>
    %dma_wait3A_2526 = tpu.memref_squeeze %dma_wait3A_2525 : memref<1x1x336x128xf32, #tpu.memory_space<vmem_shared>> -> memref<336x128xf32, #tpu.memory_space<vmem_shared>>
    tpu.wait_dma2 semaphore(%dma_wait3A_2518 : memref<!tpu.dma_semaphore, #tpu.memory_space<semaphore_mem>>) src(%dma_wait3A_2526 : memref<336x128xf32, #tpu.memory_space<vmem_shared>>) dst(%dma_wait3A_2522 : memref<336x128xf32, #tpu.memory_space<hbm>>)
    %mul3A_2527 = arith.constant 2 : i32
    %mul3A_2528 = arith.muli %add3A, %mul3A_2527 : i32
    %add3A_2529 = arith.constant 1 : i32
    %add3A_2530 = arith.addi %mul3A_2528, %add3A_2529 : i32
    %dma_start3A_2531 = arith.constant 2 : i32
    %dma_start3A_2532 = arith.constant 2 : i32
    %dma_start3A_2533 = tpu.memref_slice %arg6[%dma_start3A_2532] : memref<3x!tpu.dma_semaphore, #tpu.memory_space<semaphore_mem>> -> memref<1x!tpu.dma_semaphore, #tpu.memory_space<semaphore_mem>>
    %dma_start3A_2534 = tpu.memref_squeeze %dma_start3A_2533 : memref<1x!tpu.dma_semaphore, #tpu.memory_space<semaphore_mem>> -> memref<!tpu.dma_semaphore, #tpu.memory_space<semaphore_mem>>
    %dma_start3A_2535 = arith.constant 0 : i32
    %dma_start3A_2536 = arith.constant 0 : i32
    %dma_start3A_2537 = tpu.memref_slice %arg5[%arg1, %dma_start3A_2531, %dma_start3A_2535, %dma_start3A_2536] : memref<16x3x336x128xf32, #tpu.memory_space<vmem_shared>> -> memref<1x1x336x128xf32, #tpu.memory_space<vmem_shared>>
    %dma_start3A_2538 = tpu.memref_squeeze %dma_start3A_2537 : memref<1x1x336x128xf32, #tpu.memory_space<vmem_shared>> -> memref<336x128xf32, #tpu.memory_space<vmem_shared>>
    %dma_start3A_2539 = arith.constant 5056 : i32
    %dma_start3A_2540 = arith.constant 0 : i32
    %dma_start3A_2541 = tpu.memref_slice %arg2[%add3A_2530, %dma_start3A_2539, %dma_start3A_2540] : memref<64x8192x128xf32, #tpu.memory_space<hbm>> -> memref<1x336x128xf32, #tpu.memory_space<hbm>>
    %dma_start3A_2542 = tpu.memref_squeeze %dma_start3A_2541 : memref<1x336x128xf32, #tpu.memory_space<hbm>> -> memref<336x128xf32, #tpu.memory_space<hbm>>
    tpu.enqueue_dma source(%dma_start3A_2542 : memref<336x128xf32, #tpu.memory_space<hbm>>) target(%dma_start3A_2538 : memref<336x128xf32, #tpu.memory_space<vmem_shared>>) target_semaphore(%dma_start3A_2534 : memref<!tpu.dma_semaphore, #tpu.memory_space<semaphore_mem>>)
    %mul3A_2543 = arith.constant 2 : i32
    %mul3A_2544 = arith.muli %add3A, %mul3A_2543 : i32
    %add3A_2545 = arith.constant 1 : i32
    %add3A_2546 = arith.addi %mul3A_2544, %add3A_2545 : i32
    %dma_wait3A_2547 = arith.constant 0 : i32
    %dma_wait3A_2548 = arith.constant 0 : i32
    %dma_wait3A_2549 = tpu.memref_slice %arg6[%dma_wait3A_2548] : memref<3x!tpu.dma_semaphore, #tpu.memory_space<semaphore_mem>> -> memref<1x!tpu.dma_semaphore, #tpu.memory_space<semaphore_mem>>
    %dma_wait3A_2550 = tpu.memref_squeeze %dma_wait3A_2549 : memref<1x!tpu.dma_semaphore, #tpu.memory_space<semaphore_mem>> -> memref<!tpu.dma_semaphore, #tpu.memory_space<semaphore_mem>>
    %dma_wait3A_2551 = arith.constant 0 : i32
    %dma_wait3A_2552 = arith.constant 0 : i32
    %dma_wait3A_2553 = tpu.memref_slice %arg5[%arg1, %dma_wait3A_2547, %dma_wait3A_2551, %dma_wait3A_2552] : memref<16x3x336x128xf32, #tpu.memory_space<vmem_shared>> -> memref<1x1x336x128xf32, #tpu.memory_space<vmem_shared>>
    %dma_wait3A_2554 = tpu.memref_squeeze %dma_wait3A_2553 : memref<1x1x336x128xf32, #tpu.memory_space<vmem_shared>> -> memref<336x128xf32, #tpu.memory_space<vmem_shared>>
    %dma_wait3A_2555 = arith.constant 4384 : i32
    %dma_wait3A_2556 = arith.constant 0 : i32
    %dma_wait3A_2557 = tpu.memref_slice %arg2[%add3A_2546, %dma_wait3A_2555, %dma_wait3A_2556] : memref<64x8192x128xf32, #tpu.memory_space<hbm>> -> memref<1x336x128xf32, #tpu.memory_space<hbm>>
    %dma_wait3A_2558 = tpu.memref_squeeze %dma_wait3A_2557 : memref<1x336x128xf32, #tpu.memory_space<hbm>> -> memref<336x128xf32, #tpu.memory_space<hbm>>
    tpu.wait_dma2 semaphore(%dma_wait3A_2550 : memref<!tpu.dma_semaphore, #tpu.memory_space<semaphore_mem>>) src(%dma_wait3A_2558 : memref<336x128xf32, #tpu.memory_space<hbm>>) dst(%dma_wait3A_2554 : memref<336x128xf32, #tpu.memory_space<vmem_shared>>)
    %mul3A_2559 = arith.constant 2 : i32
    %mul3A_2560 = arith.muli %add3A, %mul3A_2559 : i32
    %add3A_2561 = arith.constant 1 : i32
    %add3A_2562 = arith.addi %mul3A_2560, %add3A_2561 : i32
    %dma_start3A_2563 = arith.constant 0 : i32
    %dma_start3A_2564 = arith.constant 0 : i32
    %dma_start3A_2565 = tpu.memref_slice %arg7[%dma_start3A_2564] : memref<3x!tpu.dma_semaphore, #tpu.memory_space<semaphore_mem>> -> memref<1x!tpu.dma_semaphore, #tpu.memory_space<semaphore_mem>>
    %dma_start3A_2566 = tpu.memref_squeeze %dma_start3A_2565 : memref<1x!tpu.dma_semaphore, #tpu.memory_space<semaphore_mem>> -> memref<!tpu.dma_semaphore, #tpu.memory_space<semaphore_mem>>
    %dma_start3A_2567 = arith.constant 4368 : i32
    %dma_start3A_2568 = arith.constant 0 : i32
    %dma_start3A_2569 = tpu.memref_slice %arg4[%add3A_2562, %dma_start3A_2567, %dma_start3A_2568] : memref<64x8192x128xf32, #tpu.memory_space<hbm>> -> memref<1x336x128xf32, #tpu.memory_space<hbm>>
    %dma_start3A_2570 = tpu.memref_squeeze %dma_start3A_2569 : memref<1x336x128xf32, #tpu.memory_space<hbm>> -> memref<336x128xf32, #tpu.memory_space<hbm>>
    %dma_start3A_2571 = arith.constant 0 : i32
    %dma_start3A_2572 = arith.constant 0 : i32
    %dma_start3A_2573 = tpu.memref_slice %arg5[%arg1, %dma_start3A_2563, %dma_start3A_2571, %dma_start3A_2572] : memref<16x3x336x128xf32, #tpu.memory_space<vmem_shared>> -> memref<1x1x336x128xf32, #tpu.memory_space<vmem_shared>>
    %dma_start3A_2574 = tpu.memref_squeeze %dma_start3A_2573 : memref<1x1x336x128xf32, #tpu.memory_space<vmem_shared>> -> memref<336x128xf32, #tpu.memory_space<vmem_shared>>
    tpu.enqueue_dma source(%dma_start3A_2574 : memref<336x128xf32, #tpu.memory_space<vmem_shared>>) target(%dma_start3A_2570 : memref<336x128xf32, #tpu.memory_space<hbm>>) target_semaphore(%dma_start3A_2566 : memref<!tpu.dma_semaphore, #tpu.memory_space<semaphore_mem>>)
    %mul3A_2575 = arith.constant 2 : i32
    %mul3A_2576 = arith.muli %add3A, %mul3A_2575 : i32
    %add3A_2577 = arith.constant 1 : i32
    %add3A_2578 = arith.addi %mul3A_2576, %add3A_2577 : i32
    %dma_wait3A_2579 = arith.constant 0 : i32
    %dma_wait3A_2580 = arith.constant 0 : i32
    %dma_wait3A_2581 = tpu.memref_slice %arg7[%dma_wait3A_2580] : memref<3x!tpu.dma_semaphore, #tpu.memory_space<semaphore_mem>> -> memref<1x!tpu.dma_semaphore, #tpu.memory_space<semaphore_mem>>
    %dma_wait3A_2582 = tpu.memref_squeeze %dma_wait3A_2581 : memref<1x!tpu.dma_semaphore, #tpu.memory_space<semaphore_mem>> -> memref<!tpu.dma_semaphore, #tpu.memory_space<semaphore_mem>>
    %dma_wait3A_2583 = arith.constant 4368 : i32
    %dma_wait3A_2584 = arith.constant 0 : i32
    %dma_wait3A_2585 = tpu.memref_slice %arg4[%add3A_2578, %dma_wait3A_2583, %dma_wait3A_2584] : memref<64x8192x128xf32, #tpu.memory_space<hbm>> -> memref<1x336x128xf32, #tpu.memory_space<hbm>>
    %dma_wait3A_2586 = tpu.memref_squeeze %dma_wait3A_2585 : memref<1x336x128xf32, #tpu.memory_space<hbm>> -> memref<336x128xf32, #tpu.memory_space<hbm>>
    %dma_wait3A_2587 = arith.constant 0 : i32
    %dma_wait3A_2588 = arith.constant 0 : i32
    %dma_wait3A_2589 = tpu.memref_slice %arg5[%arg1, %dma_wait3A_2579, %dma_wait3A_2587, %dma_wait3A_2588] : memref<16x3x336x128xf32, #tpu.memory_space<vmem_shared>> -> memref<1x1x336x128xf32, #tpu.memory_space<vmem_shared>>
    %dma_wait3A_2590 = tpu.memref_squeeze %dma_wait3A_2589 : memref<1x1x336x128xf32, #tpu.memory_space<vmem_shared>> -> memref<336x128xf32, #tpu.memory_space<vmem_shared>>
    tpu.wait_dma2 semaphore(%dma_wait3A_2582 : memref<!tpu.dma_semaphore, #tpu.memory_space<semaphore_mem>>) src(%dma_wait3A_2590 : memref<336x128xf32, #tpu.memory_space<vmem_shared>>) dst(%dma_wait3A_2586 : memref<336x128xf32, #tpu.memory_space<hbm>>)
    %mul3A_2591 = arith.constant 2 : i32
    %mul3A_2592 = arith.muli %add3A, %mul3A_2591 : i32
    %add3A_2593 = arith.constant 1 : i32
    %add3A_2594 = arith.addi %mul3A_2592, %add3A_2593 : i32
    %dma_start3A_2595 = arith.constant 0 : i32
    %dma_start3A_2596 = arith.constant 0 : i32
    %dma_start3A_2597 = tpu.memref_slice %arg6[%dma_start3A_2596] : memref<3x!tpu.dma_semaphore, #tpu.memory_space<semaphore_mem>> -> memref<1x!tpu.dma_semaphore, #tpu.memory_space<semaphore_mem>>
    %dma_start3A_2598 = tpu.memref_squeeze %dma_start3A_2597 : memref<1x!tpu.dma_semaphore, #tpu.memory_space<semaphore_mem>> -> memref<!tpu.dma_semaphore, #tpu.memory_space<semaphore_mem>>
    %dma_start3A_2599 = arith.constant 0 : i32
    %dma_start3A_2600 = arith.constant 0 : i32
    %dma_start3A_2601 = tpu.memref_slice %arg5[%arg1, %dma_start3A_2595, %dma_start3A_2599, %dma_start3A_2600] : memref<16x3x336x128xf32, #tpu.memory_space<vmem_shared>> -> memref<1x1x336x128xf32, #tpu.memory_space<vmem_shared>>
    %dma_start3A_2602 = tpu.memref_squeeze %dma_start3A_2601 : memref<1x1x336x128xf32, #tpu.memory_space<vmem_shared>> -> memref<336x128xf32, #tpu.memory_space<vmem_shared>>
    %dma_start3A_2603 = arith.constant 5392 : i32
    %dma_start3A_2604 = arith.constant 0 : i32
    %dma_start3A_2605 = tpu.memref_slice %arg2[%add3A_2594, %dma_start3A_2603, %dma_start3A_2604] : memref<64x8192x128xf32, #tpu.memory_space<hbm>> -> memref<1x336x128xf32, #tpu.memory_space<hbm>>
    %dma_start3A_2606 = tpu.memref_squeeze %dma_start3A_2605 : memref<1x336x128xf32, #tpu.memory_space<hbm>> -> memref<336x128xf32, #tpu.memory_space<hbm>>
    tpu.enqueue_dma source(%dma_start3A_2606 : memref<336x128xf32, #tpu.memory_space<hbm>>) target(%dma_start3A_2602 : memref<336x128xf32, #tpu.memory_space<vmem_shared>>) target_semaphore(%dma_start3A_2598 : memref<!tpu.dma_semaphore, #tpu.memory_space<semaphore_mem>>)
    %mul3A_2607 = arith.constant 2 : i32
    %mul3A_2608 = arith.muli %add3A, %mul3A_2607 : i32
    %add3A_2609 = arith.constant 1 : i32
    %add3A_2610 = arith.addi %mul3A_2608, %add3A_2609 : i32
    %dma_wait3A_2611 = arith.constant 1 : i32
    %dma_wait3A_2612 = arith.constant 1 : i32
    %dma_wait3A_2613 = tpu.memref_slice %arg6[%dma_wait3A_2612] : memref<3x!tpu.dma_semaphore, #tpu.memory_space<semaphore_mem>> -> memref<1x!tpu.dma_semaphore, #tpu.memory_space<semaphore_mem>>
    %dma_wait3A_2614 = tpu.memref_squeeze %dma_wait3A_2613 : memref<1x!tpu.dma_semaphore, #tpu.memory_space<semaphore_mem>> -> memref<!tpu.dma_semaphore, #tpu.memory_space<semaphore_mem>>
    %dma_wait3A_2615 = arith.constant 0 : i32
    %dma_wait3A_2616 = arith.constant 0 : i32
    %dma_wait3A_2617 = tpu.memref_slice %arg5[%arg1, %dma_wait3A_2611, %dma_wait3A_2615, %dma_wait3A_2616] : memref<16x3x336x128xf32, #tpu.memory_space<vmem_shared>> -> memref<1x1x336x128xf32, #tpu.memory_space<vmem_shared>>
    %dma_wait3A_2618 = tpu.memref_squeeze %dma_wait3A_2617 : memref<1x1x336x128xf32, #tpu.memory_space<vmem_shared>> -> memref<336x128xf32, #tpu.memory_space<vmem_shared>>
    %dma_wait3A_2619 = arith.constant 4720 : i32
    %dma_wait3A_2620 = arith.constant 0 : i32
    %dma_wait3A_2621 = tpu.memref_slice %arg2[%add3A_2610, %dma_wait3A_2619, %dma_wait3A_2620] : memref<64x8192x128xf32, #tpu.memory_space<hbm>> -> memref<1x336x128xf32, #tpu.memory_space<hbm>>
    %dma_wait3A_2622 = tpu.memref_squeeze %dma_wait3A_2621 : memref<1x336x128xf32, #tpu.memory_space<hbm>> -> memref<336x128xf32, #tpu.memory_space<hbm>>
    tpu.wait_dma2 semaphore(%dma_wait3A_2614 : memref<!tpu.dma_semaphore, #tpu.memory_space<semaphore_mem>>) src(%dma_wait3A_2622 : memref<336x128xf32, #tpu.memory_space<hbm>>) dst(%dma_wait3A_2618 : memref<336x128xf32, #tpu.memory_space<vmem_shared>>)
    %mul3A_2623 = arith.constant 2 : i32
    %mul3A_2624 = arith.muli %add3A, %mul3A_2623 : i32
    %add3A_2625 = arith.constant 1 : i32
    %add3A_2626 = arith.addi %mul3A_2624, %add3A_2625 : i32
    %dma_start3A_2627 = arith.constant 1 : i32
    %dma_start3A_2628 = arith.constant 1 : i32
    %dma_start3A_2629 = tpu.memref_slice %arg7[%dma_start3A_2628] : memref<3x!tpu.dma_semaphore, #tpu.memory_space<semaphore_mem>> -> memref<1x!tpu.dma_semaphore, #tpu.memory_space<semaphore_mem>>
    %dma_start3A_2630 = tpu.memref_squeeze %dma_start3A_2629 : memref<1x!tpu.dma_semaphore, #tpu.memory_space<semaphore_mem>> -> memref<!tpu.dma_semaphore, #tpu.memory_space<semaphore_mem>>
    %dma_start3A_2631 = arith.constant 4704 : i32
    %dma_start3A_2632 = arith.constant 0 : i32
    %dma_start3A_2633 = tpu.memref_slice %arg4[%add3A_2626, %dma_start3A_2631, %dma_start3A_2632] : memref<64x8192x128xf32, #tpu.memory_space<hbm>> -> memref<1x336x128xf32, #tpu.memory_space<hbm>>
    %dma_start3A_2634 = tpu.memref_squeeze %dma_start3A_2633 : memref<1x336x128xf32, #tpu.memory_space<hbm>> -> memref<336x128xf32, #tpu.memory_space<hbm>>
    %dma_start3A_2635 = arith.constant 0 : i32
    %dma_start3A_2636 = arith.constant 0 : i32
    %dma_start3A_2637 = tpu.memref_slice %arg5[%arg1, %dma_start3A_2627, %dma_start3A_2635, %dma_start3A_2636] : memref<16x3x336x128xf32, #tpu.memory_space<vmem_shared>> -> memref<1x1x336x128xf32, #tpu.memory_space<vmem_shared>>
    %dma_start3A_2638 = tpu.memref_squeeze %dma_start3A_2637 : memref<1x1x336x128xf32, #tpu.memory_space<vmem_shared>> -> memref<336x128xf32, #tpu.memory_space<vmem_shared>>
    tpu.enqueue_dma source(%dma_start3A_2638 : memref<336x128xf32, #tpu.memory_space<vmem_shared>>) target(%dma_start3A_2634 : memref<336x128xf32, #tpu.memory_space<hbm>>) target_semaphore(%dma_start3A_2630 : memref<!tpu.dma_semaphore, #tpu.memory_space<semaphore_mem>>)
    %mul3A_2639 = arith.constant 2 : i32
    %mul3A_2640 = arith.muli %add3A, %mul3A_2639 : i32
    %add3A_2641 = arith.constant 1 : i32
    %add3A_2642 = arith.addi %mul3A_2640, %add3A_2641 : i32
    %dma_wait3A_2643 = arith.constant 1 : i32
    %dma_wait3A_2644 = arith.constant 1 : i32
    %dma_wait3A_2645 = tpu.memref_slice %arg7[%dma_wait3A_2644] : memref<3x!tpu.dma_semaphore, #tpu.memory_space<semaphore_mem>> -> memref<1x!tpu.dma_semaphore, #tpu.memory_space<semaphore_mem>>
    %dma_wait3A_2646 = tpu.memref_squeeze %dma_wait3A_2645 : memref<1x!tpu.dma_semaphore, #tpu.memory_space<semaphore_mem>> -> memref<!tpu.dma_semaphore, #tpu.memory_space<semaphore_mem>>
    %dma_wait3A_2647 = arith.constant 4704 : i32
    %dma_wait3A_2648 = arith.constant 0 : i32
    %dma_wait3A_2649 = tpu.memref_slice %arg4[%add3A_2642, %dma_wait3A_2647, %dma_wait3A_2648] : memref<64x8192x128xf32, #tpu.memory_space<hbm>> -> memref<1x336x128xf32, #tpu.memory_space<hbm>>
    %dma_wait3A_2650 = tpu.memref_squeeze %dma_wait3A_2649 : memref<1x336x128xf32, #tpu.memory_space<hbm>> -> memref<336x128xf32, #tpu.memory_space<hbm>>
    %dma_wait3A_2651 = arith.constant 0 : i32
    %dma_wait3A_2652 = arith.constant 0 : i32
    %dma_wait3A_2653 = tpu.memref_slice %arg5[%arg1, %dma_wait3A_2643, %dma_wait3A_2651, %dma_wait3A_2652] : memref<16x3x336x128xf32, #tpu.memory_space<vmem_shared>> -> memref<1x1x336x128xf32, #tpu.memory_space<vmem_shared>>
    %dma_wait3A_2654 = tpu.memref_squeeze %dma_wait3A_2653 : memref<1x1x336x128xf32, #tpu.memory_space<vmem_shared>> -> memref<336x128xf32, #tpu.memory_space<vmem_shared>>
    tpu.wait_dma2 semaphore(%dma_wait3A_2646 : memref<!tpu.dma_semaphore, #tpu.memory_space<semaphore_mem>>) src(%dma_wait3A_2654 : memref<336x128xf32, #tpu.memory_space<vmem_shared>>) dst(%dma_wait3A_2650 : memref<336x128xf32, #tpu.memory_space<hbm>>)
    %mul3A_2655 = arith.constant 2 : i32
    %mul3A_2656 = arith.muli %add3A, %mul3A_2655 : i32
    %add3A_2657 = arith.constant 1 : i32
    %add3A_2658 = arith.addi %mul3A_2656, %add3A_2657 : i32
    %dma_start3A_2659 = arith.constant 1 : i32
    %dma_start3A_2660 = arith.constant 1 : i32
    %dma_start3A_2661 = tpu.memref_slice %arg6[%dma_start3A_2660] : memref<3x!tpu.dma_semaphore, #tpu.memory_space<semaphore_mem>> -> memref<1x!tpu.dma_semaphore, #tpu.memory_space<semaphore_mem>>
    %dma_start3A_2662 = tpu.memref_squeeze %dma_start3A_2661 : memref<1x!tpu.dma_semaphore, #tpu.memory_space<semaphore_mem>> -> memref<!tpu.dma_semaphore, #tpu.memory_space<semaphore_mem>>
    %dma_start3A_2663 = arith.constant 0 : i32
    %dma_start3A_2664 = arith.constant 0 : i32
    %dma_start3A_2665 = tpu.memref_slice %arg5[%arg1, %dma_start3A_2659, %dma_start3A_2663, %dma_start3A_2664] : memref<16x3x336x128xf32, #tpu.memory_space<vmem_shared>> -> memref<1x1x336x128xf32, #tpu.memory_space<vmem_shared>>
    %dma_start3A_2666 = tpu.memref_squeeze %dma_start3A_2665 : memref<1x1x336x128xf32, #tpu.memory_space<vmem_shared>> -> memref<336x128xf32, #tpu.memory_space<vmem_shared>>
    %dma_start3A_2667 = arith.constant 5728 : i32
    %dma_start3A_2668 = arith.constant 0 : i32
    %dma_start3A_2669 = tpu.memref_slice %arg2[%add3A_2658, %dma_start3A_2667, %dma_start3A_2668] : memref<64x8192x128xf32, #tpu.memory_space<hbm>> -> memref<1x336x128xf32, #tpu.memory_space<hbm>>
    %dma_start3A_2670 = tpu.memref_squeeze %dma_start3A_2669 : memref<1x336x128xf32, #tpu.memory_space<hbm>> -> memref<336x128xf32, #tpu.memory_space<hbm>>
    tpu.enqueue_dma source(%dma_start3A_2670 : memref<336x128xf32, #tpu.memory_space<hbm>>) target(%dma_start3A_2666 : memref<336x128xf32, #tpu.memory_space<vmem_shared>>) target_semaphore(%dma_start3A_2662 : memref<!tpu.dma_semaphore, #tpu.memory_space<semaphore_mem>>)
    %mul3A_2671 = arith.constant 2 : i32
    %mul3A_2672 = arith.muli %add3A, %mul3A_2671 : i32
    %add3A_2673 = arith.constant 1 : i32
    %add3A_2674 = arith.addi %mul3A_2672, %add3A_2673 : i32
    %dma_wait3A_2675 = arith.constant 2 : i32
    %dma_wait3A_2676 = arith.constant 2 : i32
    %dma_wait3A_2677 = tpu.memref_slice %arg6[%dma_wait3A_2676] : memref<3x!tpu.dma_semaphore, #tpu.memory_space<semaphore_mem>> -> memref<1x!tpu.dma_semaphore, #tpu.memory_space<semaphore_mem>>
    %dma_wait3A_2678 = tpu.memref_squeeze %dma_wait3A_2677 : memref<1x!tpu.dma_semaphore, #tpu.memory_space<semaphore_mem>> -> memref<!tpu.dma_semaphore, #tpu.memory_space<semaphore_mem>>
    %dma_wait3A_2679 = arith.constant 0 : i32
    %dma_wait3A_2680 = arith.constant 0 : i32
    %dma_wait3A_2681 = tpu.memref_slice %arg5[%arg1, %dma_wait3A_2675, %dma_wait3A_2679, %dma_wait3A_2680] : memref<16x3x336x128xf32, #tpu.memory_space<vmem_shared>> -> memref<1x1x336x128xf32, #tpu.memory_space<vmem_shared>>
    %dma_wait3A_2682 = tpu.memref_squeeze %dma_wait3A_2681 : memref<1x1x336x128xf32, #tpu.memory_space<vmem_shared>> -> memref<336x128xf32, #tpu.memory_space<vmem_shared>>
    %dma_wait3A_2683 = arith.constant 5056 : i32
    %dma_wait3A_2684 = arith.constant 0 : i32
    %dma_wait3A_2685 = tpu.memref_slice %arg2[%add3A_2674, %dma_wait3A_2683, %dma_wait3A_2684] : memref<64x8192x128xf32, #tpu.memory_space<hbm>> -> memref<1x336x128xf32, #tpu.memory_space<hbm>>
    %dma_wait3A_2686 = tpu.memref_squeeze %dma_wait3A_2685 : memref<1x336x128xf32, #tpu.memory_space<hbm>> -> memref<336x128xf32, #tpu.memory_space<hbm>>
    tpu.wait_dma2 semaphore(%dma_wait3A_2678 : memref<!tpu.dma_semaphore, #tpu.memory_space<semaphore_mem>>) src(%dma_wait3A_2686 : memref<336x128xf32, #tpu.memory_space<hbm>>) dst(%dma_wait3A_2682 : memref<336x128xf32, #tpu.memory_space<vmem_shared>>)
    %mul3A_2687 = arith.constant 2 : i32
    %mul3A_2688 = arith.muli %add3A, %mul3A_2687 : i32
    %add3A_2689 = arith.constant 1 : i32
    %add3A_2690 = arith.addi %mul3A_2688, %add3A_2689 : i32
    %dma_start3A_2691 = arith.constant 2 : i32
    %dma_start3A_2692 = arith.constant 2 : i32
    %dma_start3A_2693 = tpu.memref_slice %arg7[%dma_start3A_2692] : memref<3x!tpu.dma_semaphore, #tpu.memory_space<semaphore_mem>> -> memref<1x!tpu.dma_semaphore, #tpu.memory_space<semaphore_mem>>
    %dma_start3A_2694 = tpu.memref_squeeze %dma_start3A_2693 : memref<1x!tpu.dma_semaphore, #tpu.memory_space<semaphore_mem>> -> memref<!tpu.dma_semaphore, #tpu.memory_space<semaphore_mem>>
    %dma_start3A_2695 = arith.constant 5040 : i32
    %dma_start3A_2696 = arith.constant 0 : i32
    %dma_start3A_2697 = tpu.memref_slice %arg4[%add3A_2690, %dma_start3A_2695, %dma_start3A_2696] : memref<64x8192x128xf32, #tpu.memory_space<hbm>> -> memref<1x336x128xf32, #tpu.memory_space<hbm>>
    %dma_start3A_2698 = tpu.memref_squeeze %dma_start3A_2697 : memref<1x336x128xf32, #tpu.memory_space<hbm>> -> memref<336x128xf32, #tpu.memory_space<hbm>>
    %dma_start3A_2699 = arith.constant 0 : i32
    %dma_start3A_2700 = arith.constant 0 : i32
    %dma_start3A_2701 = tpu.memref_slice %arg5[%arg1, %dma_start3A_2691, %dma_start3A_2699, %dma_start3A_2700] : memref<16x3x336x128xf32, #tpu.memory_space<vmem_shared>> -> memref<1x1x336x128xf32, #tpu.memory_space<vmem_shared>>
    %dma_start3A_2702 = tpu.memref_squeeze %dma_start3A_2701 : memref<1x1x336x128xf32, #tpu.memory_space<vmem_shared>> -> memref<336x128xf32, #tpu.memory_space<vmem_shared>>
    tpu.enqueue_dma source(%dma_start3A_2702 : memref<336x128xf32, #tpu.memory_space<vmem_shared>>) target(%dma_start3A_2698 : memref<336x128xf32, #tpu.memory_space<hbm>>) target_semaphore(%dma_start3A_2694 : memref<!tpu.dma_semaphore, #tpu.memory_space<semaphore_mem>>)
    %mul3A_2703 = arith.constant 2 : i32
    %mul3A_2704 = arith.muli %add3A, %mul3A_2703 : i32
    %add3A_2705 = arith.constant 1 : i32
    %add3A_2706 = arith.addi %mul3A_2704, %add3A_2705 : i32
    %dma_wait3A_2707 = arith.constant 2 : i32
    %dma_wait3A_2708 = arith.constant 2 : i32
    %dma_wait3A_2709 = tpu.memref_slice %arg7[%dma_wait3A_2708] : memref<3x!tpu.dma_semaphore, #tpu.memory_space<semaphore_mem>> -> memref<1x!tpu.dma_semaphore, #tpu.memory_space<semaphore_mem>>
    %dma_wait3A_2710 = tpu.memref_squeeze %dma_wait3A_2709 : memref<1x!tpu.dma_semaphore, #tpu.memory_space<semaphore_mem>> -> memref<!tpu.dma_semaphore, #tpu.memory_space<semaphore_mem>>
    %dma_wait3A_2711 = arith.constant 5040 : i32
    %dma_wait3A_2712 = arith.constant 0 : i32
    %dma_wait3A_2713 = tpu.memref_slice %arg4[%add3A_2706, %dma_wait3A_2711, %dma_wait3A_2712] : memref<64x8192x128xf32, #tpu.memory_space<hbm>> -> memref<1x336x128xf32, #tpu.memory_space<hbm>>
    %dma_wait3A_2714 = tpu.memref_squeeze %dma_wait3A_2713 : memref<1x336x128xf32, #tpu.memory_space<hbm>> -> memref<336x128xf32, #tpu.memory_space<hbm>>
    %dma_wait3A_2715 = arith.constant 0 : i32
    %dma_wait3A_2716 = arith.constant 0 : i32
    %dma_wait3A_2717 = tpu.memref_slice %arg5[%arg1, %dma_wait3A_2707, %dma_wait3A_2715, %dma_wait3A_2716] : memref<16x3x336x128xf32, #tpu.memory_space<vmem_shared>> -> memref<1x1x336x128xf32, #tpu.memory_space<vmem_shared>>
    %dma_wait3A_2718 = tpu.memref_squeeze %dma_wait3A_2717 : memref<1x1x336x128xf32, #tpu.memory_space<vmem_shared>> -> memref<336x128xf32, #tpu.memory_space<vmem_shared>>
    tpu.wait_dma2 semaphore(%dma_wait3A_2710 : memref<!tpu.dma_semaphore, #tpu.memory_space<semaphore_mem>>) src(%dma_wait3A_2718 : memref<336x128xf32, #tpu.memory_space<vmem_shared>>) dst(%dma_wait3A_2714 : memref<336x128xf32, #tpu.memory_space<hbm>>)
    %mul3A_2719 = arith.constant 2 : i32
    %mul3A_2720 = arith.muli %add3A, %mul3A_2719 : i32
    %add3A_2721 = arith.constant 1 : i32
    %add3A_2722 = arith.addi %mul3A_2720, %add3A_2721 : i32
    %dma_start3A_2723 = arith.constant 2 : i32
    %dma_start3A_2724 = arith.constant 2 : i32
    %dma_start3A_2725 = tpu.memref_slice %arg6[%dma_start3A_2724] : memref<3x!tpu.dma_semaphore, #tpu.memory_space<semaphore_mem>> -> memref<1x!tpu.dma_semaphore, #tpu.memory_space<semaphore_mem>>
    %dma_start3A_2726 = tpu.memref_squeeze %dma_start3A_2725 : memref<1x!tpu.dma_semaphore, #tpu.memory_space<semaphore_mem>> -> memref<!tpu.dma_semaphore, #tpu.memory_space<semaphore_mem>>
    %dma_start3A_2727 = arith.constant 0 : i32
    %dma_start3A_2728 = arith.constant 0 : i32
    %dma_start3A_2729 = tpu.memref_slice %arg5[%arg1, %dma_start3A_2723, %dma_start3A_2727, %dma_start3A_2728] : memref<16x3x336x128xf32, #tpu.memory_space<vmem_shared>> -> memref<1x1x336x128xf32, #tpu.memory_space<vmem_shared>>
    %dma_start3A_2730 = tpu.memref_squeeze %dma_start3A_2729 : memref<1x1x336x128xf32, #tpu.memory_space<vmem_shared>> -> memref<336x128xf32, #tpu.memory_space<vmem_shared>>
    %dma_start3A_2731 = arith.constant 6064 : i32
    %dma_start3A_2732 = arith.constant 0 : i32
    %dma_start3A_2733 = tpu.memref_slice %arg2[%add3A_2722, %dma_start3A_2731, %dma_start3A_2732] : memref<64x8192x128xf32, #tpu.memory_space<hbm>> -> memref<1x336x128xf32, #tpu.memory_space<hbm>>
    %dma_start3A_2734 = tpu.memref_squeeze %dma_start3A_2733 : memref<1x336x128xf32, #tpu.memory_space<hbm>> -> memref<336x128xf32, #tpu.memory_space<hbm>>
    tpu.enqueue_dma source(%dma_start3A_2734 : memref<336x128xf32, #tpu.memory_space<hbm>>) target(%dma_start3A_2730 : memref<336x128xf32, #tpu.memory_space<vmem_shared>>) target_semaphore(%dma_start3A_2726 : memref<!tpu.dma_semaphore, #tpu.memory_space<semaphore_mem>>)
    %mul3A_2735 = arith.constant 2 : i32
    %mul3A_2736 = arith.muli %add3A, %mul3A_2735 : i32
    %add3A_2737 = arith.constant 1 : i32
    %add3A_2738 = arith.addi %mul3A_2736, %add3A_2737 : i32
    %dma_wait3A_2739 = arith.constant 0 : i32
    %dma_wait3A_2740 = arith.constant 0 : i32
    %dma_wait3A_2741 = tpu.memref_slice %arg6[%dma_wait3A_2740] : memref<3x!tpu.dma_semaphore, #tpu.memory_space<semaphore_mem>> -> memref<1x!tpu.dma_semaphore, #tpu.memory_space<semaphore_mem>>
    %dma_wait3A_2742 = tpu.memref_squeeze %dma_wait3A_2741 : memref<1x!tpu.dma_semaphore, #tpu.memory_space<semaphore_mem>> -> memref<!tpu.dma_semaphore, #tpu.memory_space<semaphore_mem>>
    %dma_wait3A_2743 = arith.constant 0 : i32
    %dma_wait3A_2744 = arith.constant 0 : i32
    %dma_wait3A_2745 = tpu.memref_slice %arg5[%arg1, %dma_wait3A_2739, %dma_wait3A_2743, %dma_wait3A_2744] : memref<16x3x336x128xf32, #tpu.memory_space<vmem_shared>> -> memref<1x1x336x128xf32, #tpu.memory_space<vmem_shared>>
    %dma_wait3A_2746 = tpu.memref_squeeze %dma_wait3A_2745 : memref<1x1x336x128xf32, #tpu.memory_space<vmem_shared>> -> memref<336x128xf32, #tpu.memory_space<vmem_shared>>
    %dma_wait3A_2747 = arith.constant 5392 : i32
    %dma_wait3A_2748 = arith.constant 0 : i32
    %dma_wait3A_2749 = tpu.memref_slice %arg2[%add3A_2738, %dma_wait3A_2747, %dma_wait3A_2748] : memref<64x8192x128xf32, #tpu.memory_space<hbm>> -> memref<1x336x128xf32, #tpu.memory_space<hbm>>
    %dma_wait3A_2750 = tpu.memref_squeeze %dma_wait3A_2749 : memref<1x336x128xf32, #tpu.memory_space<hbm>> -> memref<336x128xf32, #tpu.memory_space<hbm>>
    tpu.wait_dma2 semaphore(%dma_wait3A_2742 : memref<!tpu.dma_semaphore, #tpu.memory_space<semaphore_mem>>) src(%dma_wait3A_2750 : memref<336x128xf32, #tpu.memory_space<hbm>>) dst(%dma_wait3A_2746 : memref<336x128xf32, #tpu.memory_space<vmem_shared>>)
    %mul3A_2751 = arith.constant 2 : i32
    %mul3A_2752 = arith.muli %add3A, %mul3A_2751 : i32
    %add3A_2753 = arith.constant 1 : i32
    %add3A_2754 = arith.addi %mul3A_2752, %add3A_2753 : i32
    %dma_start3A_2755 = arith.constant 0 : i32
    %dma_start3A_2756 = arith.constant 0 : i32
    %dma_start3A_2757 = tpu.memref_slice %arg7[%dma_start3A_2756] : memref<3x!tpu.dma_semaphore, #tpu.memory_space<semaphore_mem>> -> memref<1x!tpu.dma_semaphore, #tpu.memory_space<semaphore_mem>>
    %dma_start3A_2758 = tpu.memref_squeeze %dma_start3A_2757 : memref<1x!tpu.dma_semaphore, #tpu.memory_space<semaphore_mem>> -> memref<!tpu.dma_semaphore, #tpu.memory_space<semaphore_mem>>
    %dma_start3A_2759 = arith.constant 5376 : i32
    %dma_start3A_2760 = arith.constant 0 : i32
    %dma_start3A_2761 = tpu.memref_slice %arg4[%add3A_2754, %dma_start3A_2759, %dma_start3A_2760] : memref<64x8192x128xf32, #tpu.memory_space<hbm>> -> memref<1x336x128xf32, #tpu.memory_space<hbm>>
    %dma_start3A_2762 = tpu.memref_squeeze %dma_start3A_2761 : memref<1x336x128xf32, #tpu.memory_space<hbm>> -> memref<336x128xf32, #tpu.memory_space<hbm>>
    %dma_start3A_2763 = arith.constant 0 : i32
    %dma_start3A_2764 = arith.constant 0 : i32
    %dma_start3A_2765 = tpu.memref_slice %arg5[%arg1, %dma_start3A_2755, %dma_start3A_2763, %dma_start3A_2764] : memref<16x3x336x128xf32, #tpu.memory_space<vmem_shared>> -> memref<1x1x336x128xf32, #tpu.memory_space<vmem_shared>>
    %dma_start3A_2766 = tpu.memref_squeeze %dma_start3A_2765 : memref<1x1x336x128xf32, #tpu.memory_space<vmem_shared>> -> memref<336x128xf32, #tpu.memory_space<vmem_shared>>
    tpu.enqueue_dma source(%dma_start3A_2766 : memref<336x128xf32, #tpu.memory_space<vmem_shared>>) target(%dma_start3A_2762 : memref<336x128xf32, #tpu.memory_space<hbm>>) target_semaphore(%dma_start3A_2758 : memref<!tpu.dma_semaphore, #tpu.memory_space<semaphore_mem>>)
    %mul3A_2767 = arith.constant 2 : i32
    %mul3A_2768 = arith.muli %add3A, %mul3A_2767 : i32
    %add3A_2769 = arith.constant 1 : i32
    %add3A_2770 = arith.addi %mul3A_2768, %add3A_2769 : i32
    %dma_wait3A_2771 = arith.constant 0 : i32
    %dma_wait3A_2772 = arith.constant 0 : i32
    %dma_wait3A_2773 = tpu.memref_slice %arg7[%dma_wait3A_2772] : memref<3x!tpu.dma_semaphore, #tpu.memory_space<semaphore_mem>> -> memref<1x!tpu.dma_semaphore, #tpu.memory_space<semaphore_mem>>
    %dma_wait3A_2774 = tpu.memref_squeeze %dma_wait3A_2773 : memref<1x!tpu.dma_semaphore, #tpu.memory_space<semaphore_mem>> -> memref<!tpu.dma_semaphore, #tpu.memory_space<semaphore_mem>>
    %dma_wait3A_2775 = arith.constant 5376 : i32
    %dma_wait3A_2776 = arith.constant 0 : i32
    %dma_wait3A_2777 = tpu.memref_slice %arg4[%add3A_2770, %dma_wait3A_2775, %dma_wait3A_2776] : memref<64x8192x128xf32, #tpu.memory_space<hbm>> -> memref<1x336x128xf32, #tpu.memory_space<hbm>>
    %dma_wait3A_2778 = tpu.memref_squeeze %dma_wait3A_2777 : memref<1x336x128xf32, #tpu.memory_space<hbm>> -> memref<336x128xf32, #tpu.memory_space<hbm>>
    %dma_wait3A_2779 = arith.constant 0 : i32
    %dma_wait3A_2780 = arith.constant 0 : i32
    %dma_wait3A_2781 = tpu.memref_slice %arg5[%arg1, %dma_wait3A_2771, %dma_wait3A_2779, %dma_wait3A_2780] : memref<16x3x336x128xf32, #tpu.memory_space<vmem_shared>> -> memref<1x1x336x128xf32, #tpu.memory_space<vmem_shared>>
    %dma_wait3A_2782 = tpu.memref_squeeze %dma_wait3A_2781 : memref<1x1x336x128xf32, #tpu.memory_space<vmem_shared>> -> memref<336x128xf32, #tpu.memory_space<vmem_shared>>
    tpu.wait_dma2 semaphore(%dma_wait3A_2774 : memref<!tpu.dma_semaphore, #tpu.memory_space<semaphore_mem>>) src(%dma_wait3A_2782 : memref<336x128xf32, #tpu.memory_space<vmem_shared>>) dst(%dma_wait3A_2778 : memref<336x128xf32, #tpu.memory_space<hbm>>)
    %mul3A_2783 = arith.constant 2 : i32
    %mul3A_2784 = arith.muli %add3A, %mul3A_2783 : i32
    %add3A_2785 = arith.constant 1 : i32
    %add3A_2786 = arith.addi %mul3A_2784, %add3A_2785 : i32
    %dma_start3A_2787 = arith.constant 0 : i32
    %dma_start3A_2788 = arith.constant 0 : i32
    %dma_start3A_2789 = tpu.memref_slice %arg6[%dma_start3A_2788] : memref<3x!tpu.dma_semaphore, #tpu.memory_space<semaphore_mem>> -> memref<1x!tpu.dma_semaphore, #tpu.memory_space<semaphore_mem>>
    %dma_start3A_2790 = tpu.memref_squeeze %dma_start3A_2789 : memref<1x!tpu.dma_semaphore, #tpu.memory_space<semaphore_mem>> -> memref<!tpu.dma_semaphore, #tpu.memory_space<semaphore_mem>>
    %dma_start3A_2791 = arith.constant 0 : i32
    %dma_start3A_2792 = arith.constant 0 : i32
    %dma_start3A_2793 = tpu.memref_slice %arg5[%arg1, %dma_start3A_2787, %dma_start3A_2791, %dma_start3A_2792] : memref<16x3x336x128xf32, #tpu.memory_space<vmem_shared>> -> memref<1x1x336x128xf32, #tpu.memory_space<vmem_shared>>
    %dma_start3A_2794 = tpu.memref_squeeze %dma_start3A_2793 : memref<1x1x336x128xf32, #tpu.memory_space<vmem_shared>> -> memref<336x128xf32, #tpu.memory_space<vmem_shared>>
    %dma_start3A_2795 = arith.constant 6400 : i32
    %dma_start3A_2796 = arith.constant 0 : i32
    %dma_start3A_2797 = tpu.memref_slice %arg2[%add3A_2786, %dma_start3A_2795, %dma_start3A_2796] : memref<64x8192x128xf32, #tpu.memory_space<hbm>> -> memref<1x336x128xf32, #tpu.memory_space<hbm>>
    %dma_start3A_2798 = tpu.memref_squeeze %dma_start3A_2797 : memref<1x336x128xf32, #tpu.memory_space<hbm>> -> memref<336x128xf32, #tpu.memory_space<hbm>>
    tpu.enqueue_dma source(%dma_start3A_2798 : memref<336x128xf32, #tpu.memory_space<hbm>>) target(%dma_start3A_2794 : memref<336x128xf32, #tpu.memory_space<vmem_shared>>) target_semaphore(%dma_start3A_2790 : memref<!tpu.dma_semaphore, #tpu.memory_space<semaphore_mem>>)
    %mul3A_2799 = arith.constant 2 : i32
    %mul3A_2800 = arith.muli %add3A, %mul3A_2799 : i32
    %add3A_2801 = arith.constant 1 : i32
    %add3A_2802 = arith.addi %mul3A_2800, %add3A_2801 : i32
    %dma_wait3A_2803 = arith.constant 1 : i32
    %dma_wait3A_2804 = arith.constant 1 : i32
    %dma_wait3A_2805 = tpu.memref_slice %arg6[%dma_wait3A_2804] : memref<3x!tpu.dma_semaphore, #tpu.memory_space<semaphore_mem>> -> memref<1x!tpu.dma_semaphore, #tpu.memory_space<semaphore_mem>>
    %dma_wait3A_2806 = tpu.memref_squeeze %dma_wait3A_2805 : memref<1x!tpu.dma_semaphore, #tpu.memory_space<semaphore_mem>> -> memref<!tpu.dma_semaphore, #tpu.memory_space<semaphore_mem>>
    %dma_wait3A_2807 = arith.constant 0 : i32
    %dma_wait3A_2808 = arith.constant 0 : i32
    %dma_wait3A_2809 = tpu.memref_slice %arg5[%arg1, %dma_wait3A_2803, %dma_wait3A_2807, %dma_wait3A_2808] : memref<16x3x336x128xf32, #tpu.memory_space<vmem_shared>> -> memref<1x1x336x128xf32, #tpu.memory_space<vmem_shared>>
    %dma_wait3A_2810 = tpu.memref_squeeze %dma_wait3A_2809 : memref<1x1x336x128xf32, #tpu.memory_space<vmem_shared>> -> memref<336x128xf32, #tpu.memory_space<vmem_shared>>
    %dma_wait3A_2811 = arith.constant 5728 : i32
    %dma_wait3A_2812 = arith.constant 0 : i32
    %dma_wait3A_2813 = tpu.memref_slice %arg2[%add3A_2802, %dma_wait3A_2811, %dma_wait3A_2812] : memref<64x8192x128xf32, #tpu.memory_space<hbm>> -> memref<1x336x128xf32, #tpu.memory_space<hbm>>
    %dma_wait3A_2814 = tpu.memref_squeeze %dma_wait3A_2813 : memref<1x336x128xf32, #tpu.memory_space<hbm>> -> memref<336x128xf32, #tpu.memory_space<hbm>>
    tpu.wait_dma2 semaphore(%dma_wait3A_2806 : memref<!tpu.dma_semaphore, #tpu.memory_space<semaphore_mem>>) src(%dma_wait3A_2814 : memref<336x128xf32, #tpu.memory_space<hbm>>) dst(%dma_wait3A_2810 : memref<336x128xf32, #tpu.memory_space<vmem_shared>>)
    %mul3A_2815 = arith.constant 2 : i32
    %mul3A_2816 = arith.muli %add3A, %mul3A_2815 : i32
    %add3A_2817 = arith.constant 1 : i32
    %add3A_2818 = arith.addi %mul3A_2816, %add3A_2817 : i32
    %dma_start3A_2819 = arith.constant 1 : i32
    %dma_start3A_2820 = arith.constant 1 : i32
    %dma_start3A_2821 = tpu.memref_slice %arg7[%dma_start3A_2820] : memref<3x!tpu.dma_semaphore, #tpu.memory_space<semaphore_mem>> -> memref<1x!tpu.dma_semaphore, #tpu.memory_space<semaphore_mem>>
    %dma_start3A_2822 = tpu.memref_squeeze %dma_start3A_2821 : memref<1x!tpu.dma_semaphore, #tpu.memory_space<semaphore_mem>> -> memref<!tpu.dma_semaphore, #tpu.memory_space<semaphore_mem>>
    %dma_start3A_2823 = arith.constant 5712 : i32
    %dma_start3A_2824 = arith.constant 0 : i32
    %dma_start3A_2825 = tpu.memref_slice %arg4[%add3A_2818, %dma_start3A_2823, %dma_start3A_2824] : memref<64x8192x128xf32, #tpu.memory_space<hbm>> -> memref<1x336x128xf32, #tpu.memory_space<hbm>>
    %dma_start3A_2826 = tpu.memref_squeeze %dma_start3A_2825 : memref<1x336x128xf32, #tpu.memory_space<hbm>> -> memref<336x128xf32, #tpu.memory_space<hbm>>
    %dma_start3A_2827 = arith.constant 0 : i32
    %dma_start3A_2828 = arith.constant 0 : i32
    %dma_start3A_2829 = tpu.memref_slice %arg5[%arg1, %dma_start3A_2819, %dma_start3A_2827, %dma_start3A_2828] : memref<16x3x336x128xf32, #tpu.memory_space<vmem_shared>> -> memref<1x1x336x128xf32, #tpu.memory_space<vmem_shared>>
    %dma_start3A_2830 = tpu.memref_squeeze %dma_start3A_2829 : memref<1x1x336x128xf32, #tpu.memory_space<vmem_shared>> -> memref<336x128xf32, #tpu.memory_space<vmem_shared>>
    tpu.enqueue_dma source(%dma_start3A_2830 : memref<336x128xf32, #tpu.memory_space<vmem_shared>>) target(%dma_start3A_2826 : memref<336x128xf32, #tpu.memory_space<hbm>>) target_semaphore(%dma_start3A_2822 : memref<!tpu.dma_semaphore, #tpu.memory_space<semaphore_mem>>)
    %mul3A_2831 = arith.constant 2 : i32
    %mul3A_2832 = arith.muli %add3A, %mul3A_2831 : i32
    %add3A_2833 = arith.constant 1 : i32
    %add3A_2834 = arith.addi %mul3A_2832, %add3A_2833 : i32
    %dma_wait3A_2835 = arith.constant 1 : i32
    %dma_wait3A_2836 = arith.constant 1 : i32
    %dma_wait3A_2837 = tpu.memref_slice %arg7[%dma_wait3A_2836] : memref<3x!tpu.dma_semaphore, #tpu.memory_space<semaphore_mem>> -> memref<1x!tpu.dma_semaphore, #tpu.memory_space<semaphore_mem>>
    %dma_wait3A_2838 = tpu.memref_squeeze %dma_wait3A_2837 : memref<1x!tpu.dma_semaphore, #tpu.memory_space<semaphore_mem>> -> memref<!tpu.dma_semaphore, #tpu.memory_space<semaphore_mem>>
    %dma_wait3A_2839 = arith.constant 5712 : i32
    %dma_wait3A_2840 = arith.constant 0 : i32
    %dma_wait3A_2841 = tpu.memref_slice %arg4[%add3A_2834, %dma_wait3A_2839, %dma_wait3A_2840] : memref<64x8192x128xf32, #tpu.memory_space<hbm>> -> memref<1x336x128xf32, #tpu.memory_space<hbm>>
    %dma_wait3A_2842 = tpu.memref_squeeze %dma_wait3A_2841 : memref<1x336x128xf32, #tpu.memory_space<hbm>> -> memref<336x128xf32, #tpu.memory_space<hbm>>
    %dma_wait3A_2843 = arith.constant 0 : i32
    %dma_wait3A_2844 = arith.constant 0 : i32
    %dma_wait3A_2845 = tpu.memref_slice %arg5[%arg1, %dma_wait3A_2835, %dma_wait3A_2843, %dma_wait3A_2844] : memref<16x3x336x128xf32, #tpu.memory_space<vmem_shared>> -> memref<1x1x336x128xf32, #tpu.memory_space<vmem_shared>>
    %dma_wait3A_2846 = tpu.memref_squeeze %dma_wait3A_2845 : memref<1x1x336x128xf32, #tpu.memory_space<vmem_shared>> -> memref<336x128xf32, #tpu.memory_space<vmem_shared>>
    tpu.wait_dma2 semaphore(%dma_wait3A_2838 : memref<!tpu.dma_semaphore, #tpu.memory_space<semaphore_mem>>) src(%dma_wait3A_2846 : memref<336x128xf32, #tpu.memory_space<vmem_shared>>) dst(%dma_wait3A_2842 : memref<336x128xf32, #tpu.memory_space<hbm>>)
    %mul3A_2847 = arith.constant 2 : i32
    %mul3A_2848 = arith.muli %add3A, %mul3A_2847 : i32
    %add3A_2849 = arith.constant 1 : i32
    %add3A_2850 = arith.addi %mul3A_2848, %add3A_2849 : i32
    %dma_start3A_2851 = arith.constant 1 : i32
    %dma_start3A_2852 = arith.constant 1 : i32
    %dma_start3A_2853 = tpu.memref_slice %arg6[%dma_start3A_2852] : memref<3x!tpu.dma_semaphore, #tpu.memory_space<semaphore_mem>> -> memref<1x!tpu.dma_semaphore, #tpu.memory_space<semaphore_mem>>
    %dma_start3A_2854 = tpu.memref_squeeze %dma_start3A_2853 : memref<1x!tpu.dma_semaphore, #tpu.memory_space<semaphore_mem>> -> memref<!tpu.dma_semaphore, #tpu.memory_space<semaphore_mem>>
    %dma_start3A_2855 = arith.constant 0 : i32
    %dma_start3A_2856 = arith.constant 0 : i32
    %dma_start3A_2857 = tpu.memref_slice %arg5[%arg1, %dma_start3A_2851, %dma_start3A_2855, %dma_start3A_2856] : memref<16x3x336x128xf32, #tpu.memory_space<vmem_shared>> -> memref<1x1x336x128xf32, #tpu.memory_space<vmem_shared>>
    %dma_start3A_2858 = tpu.memref_squeeze %dma_start3A_2857 : memref<1x1x336x128xf32, #tpu.memory_space<vmem_shared>> -> memref<336x128xf32, #tpu.memory_space<vmem_shared>>
    %dma_start3A_2859 = arith.constant 6736 : i32
    %dma_start3A_2860 = arith.constant 0 : i32
    %dma_start3A_2861 = tpu.memref_slice %arg2[%add3A_2850, %dma_start3A_2859, %dma_start3A_2860] : memref<64x8192x128xf32, #tpu.memory_space<hbm>> -> memref<1x336x128xf32, #tpu.memory_space<hbm>>
    %dma_start3A_2862 = tpu.memref_squeeze %dma_start3A_2861 : memref<1x336x128xf32, #tpu.memory_space<hbm>> -> memref<336x128xf32, #tpu.memory_space<hbm>>
    tpu.enqueue_dma source(%dma_start3A_2862 : memref<336x128xf32, #tpu.memory_space<hbm>>) target(%dma_start3A_2858 : memref<336x128xf32, #tpu.memory_space<vmem_shared>>) target_semaphore(%dma_start3A_2854 : memref<!tpu.dma_semaphore, #tpu.memory_space<semaphore_mem>>)
    %mul3A_2863 = arith.constant 2 : i32
    %mul3A_2864 = arith.muli %add3A, %mul3A_2863 : i32
    %add3A_2865 = arith.constant 1 : i32
    %add3A_2866 = arith.addi %mul3A_2864, %add3A_2865 : i32
    %dma_wait3A_2867 = arith.constant 2 : i32
    %dma_wait3A_2868 = arith.constant 2 : i32
    %dma_wait3A_2869 = tpu.memref_slice %arg6[%dma_wait3A_2868] : memref<3x!tpu.dma_semaphore, #tpu.memory_space<semaphore_mem>> -> memref<1x!tpu.dma_semaphore, #tpu.memory_space<semaphore_mem>>
    %dma_wait3A_2870 = tpu.memref_squeeze %dma_wait3A_2869 : memref<1x!tpu.dma_semaphore, #tpu.memory_space<semaphore_mem>> -> memref<!tpu.dma_semaphore, #tpu.memory_space<semaphore_mem>>
    %dma_wait3A_2871 = arith.constant 0 : i32
    %dma_wait3A_2872 = arith.constant 0 : i32
    %dma_wait3A_2873 = tpu.memref_slice %arg5[%arg1, %dma_wait3A_2867, %dma_wait3A_2871, %dma_wait3A_2872] : memref<16x3x336x128xf32, #tpu.memory_space<vmem_shared>> -> memref<1x1x336x128xf32, #tpu.memory_space<vmem_shared>>
    %dma_wait3A_2874 = tpu.memref_squeeze %dma_wait3A_2873 : memref<1x1x336x128xf32, #tpu.memory_space<vmem_shared>> -> memref<336x128xf32, #tpu.memory_space<vmem_shared>>
    %dma_wait3A_2875 = arith.constant 6064 : i32
    %dma_wait3A_2876 = arith.constant 0 : i32
    %dma_wait3A_2877 = tpu.memref_slice %arg2[%add3A_2866, %dma_wait3A_2875, %dma_wait3A_2876] : memref<64x8192x128xf32, #tpu.memory_space<hbm>> -> memref<1x336x128xf32, #tpu.memory_space<hbm>>
    %dma_wait3A_2878 = tpu.memref_squeeze %dma_wait3A_2877 : memref<1x336x128xf32, #tpu.memory_space<hbm>> -> memref<336x128xf32, #tpu.memory_space<hbm>>
    tpu.wait_dma2 semaphore(%dma_wait3A_2870 : memref<!tpu.dma_semaphore, #tpu.memory_space<semaphore_mem>>) src(%dma_wait3A_2878 : memref<336x128xf32, #tpu.memory_space<hbm>>) dst(%dma_wait3A_2874 : memref<336x128xf32, #tpu.memory_space<vmem_shared>>)
    %mul3A_2879 = arith.constant 2 : i32
    %mul3A_2880 = arith.muli %add3A, %mul3A_2879 : i32
    %add3A_2881 = arith.constant 1 : i32
    %add3A_2882 = arith.addi %mul3A_2880, %add3A_2881 : i32
    %dma_start3A_2883 = arith.constant 2 : i32
    %dma_start3A_2884 = arith.constant 2 : i32
    %dma_start3A_2885 = tpu.memref_slice %arg7[%dma_start3A_2884] : memref<3x!tpu.dma_semaphore, #tpu.memory_space<semaphore_mem>> -> memref<1x!tpu.dma_semaphore, #tpu.memory_space<semaphore_mem>>
    %dma_start3A_2886 = tpu.memref_squeeze %dma_start3A_2885 : memref<1x!tpu.dma_semaphore, #tpu.memory_space<semaphore_mem>> -> memref<!tpu.dma_semaphore, #tpu.memory_space<semaphore_mem>>
    %dma_start3A_2887 = arith.constant 6048 : i32
    %dma_start3A_2888 = arith.constant 0 : i32
    %dma_start3A_2889 = tpu.memref_slice %arg4[%add3A_2882, %dma_start3A_2887, %dma_start3A_2888] : memref<64x8192x128xf32, #tpu.memory_space<hbm>> -> memref<1x336x128xf32, #tpu.memory_space<hbm>>
    %dma_start3A_2890 = tpu.memref_squeeze %dma_start3A_2889 : memref<1x336x128xf32, #tpu.memory_space<hbm>> -> memref<336x128xf32, #tpu.memory_space<hbm>>
    %dma_start3A_2891 = arith.constant 0 : i32
    %dma_start3A_2892 = arith.constant 0 : i32
    %dma_start3A_2893 = tpu.memref_slice %arg5[%arg1, %dma_start3A_2883, %dma_start3A_2891, %dma_start3A_2892] : memref<16x3x336x128xf32, #tpu.memory_space<vmem_shared>> -> memref<1x1x336x128xf32, #tpu.memory_space<vmem_shared>>
    %dma_start3A_2894 = tpu.memref_squeeze %dma_start3A_2893 : memref<1x1x336x128xf32, #tpu.memory_space<vmem_shared>> -> memref<336x128xf32, #tpu.memory_space<vmem_shared>>
    tpu.enqueue_dma source(%dma_start3A_2894 : memref<336x128xf32, #tpu.memory_space<vmem_shared>>) target(%dma_start3A_2890 : memref<336x128xf32, #tpu.memory_space<hbm>>) target_semaphore(%dma_start3A_2886 : memref<!tpu.dma_semaphore, #tpu.memory_space<semaphore_mem>>)
    %mul3A_2895 = arith.constant 2 : i32
    %mul3A_2896 = arith.muli %add3A, %mul3A_2895 : i32
    %add3A_2897 = arith.constant 1 : i32
    %add3A_2898 = arith.addi %mul3A_2896, %add3A_2897 : i32
    %dma_wait3A_2899 = arith.constant 2 : i32
    %dma_wait3A_2900 = arith.constant 2 : i32
    %dma_wait3A_2901 = tpu.memref_slice %arg7[%dma_wait3A_2900] : memref<3x!tpu.dma_semaphore, #tpu.memory_space<semaphore_mem>> -> memref<1x!tpu.dma_semaphore, #tpu.memory_space<semaphore_mem>>
    %dma_wait3A_2902 = tpu.memref_squeeze %dma_wait3A_2901 : memref<1x!tpu.dma_semaphore, #tpu.memory_space<semaphore_mem>> -> memref<!tpu.dma_semaphore, #tpu.memory_space<semaphore_mem>>
    %dma_wait3A_2903 = arith.constant 6048 : i32
    %dma_wait3A_2904 = arith.constant 0 : i32
    %dma_wait3A_2905 = tpu.memref_slice %arg4[%add3A_2898, %dma_wait3A_2903, %dma_wait3A_2904] : memref<64x8192x128xf32, #tpu.memory_space<hbm>> -> memref<1x336x128xf32, #tpu.memory_space<hbm>>
    %dma_wait3A_2906 = tpu.memref_squeeze %dma_wait3A_2905 : memref<1x336x128xf32, #tpu.memory_space<hbm>> -> memref<336x128xf32, #tpu.memory_space<hbm>>
    %dma_wait3A_2907 = arith.constant 0 : i32
    %dma_wait3A_2908 = arith.constant 0 : i32
    %dma_wait3A_2909 = tpu.memref_slice %arg5[%arg1, %dma_wait3A_2899, %dma_wait3A_2907, %dma_wait3A_2908] : memref<16x3x336x128xf32, #tpu.memory_space<vmem_shared>> -> memref<1x1x336x128xf32, #tpu.memory_space<vmem_shared>>
    %dma_wait3A_2910 = tpu.memref_squeeze %dma_wait3A_2909 : memref<1x1x336x128xf32, #tpu.memory_space<vmem_shared>> -> memref<336x128xf32, #tpu.memory_space<vmem_shared>>
    tpu.wait_dma2 semaphore(%dma_wait3A_2902 : memref<!tpu.dma_semaphore, #tpu.memory_space<semaphore_mem>>) src(%dma_wait3A_2910 : memref<336x128xf32, #tpu.memory_space<vmem_shared>>) dst(%dma_wait3A_2906 : memref<336x128xf32, #tpu.memory_space<hbm>>)
    %mul3A_2911 = arith.constant 2 : i32
    %mul3A_2912 = arith.muli %add3A, %mul3A_2911 : i32
    %add3A_2913 = arith.constant 1 : i32
    %add3A_2914 = arith.addi %mul3A_2912, %add3A_2913 : i32
    %dma_start3A_2915 = arith.constant 2 : i32
    %dma_start3A_2916 = arith.constant 2 : i32
    %dma_start3A_2917 = tpu.memref_slice %arg6[%dma_start3A_2916] : memref<3x!tpu.dma_semaphore, #tpu.memory_space<semaphore_mem>> -> memref<1x!tpu.dma_semaphore, #tpu.memory_space<semaphore_mem>>
    %dma_start3A_2918 = tpu.memref_squeeze %dma_start3A_2917 : memref<1x!tpu.dma_semaphore, #tpu.memory_space<semaphore_mem>> -> memref<!tpu.dma_semaphore, #tpu.memory_space<semaphore_mem>>
    %dma_start3A_2919 = arith.constant 0 : i32
    %dma_start3A_2920 = arith.constant 0 : i32
    %dma_start3A_2921 = tpu.memref_slice %arg5[%arg1, %dma_start3A_2915, %dma_start3A_2919, %dma_start3A_2920] : memref<16x3x336x128xf32, #tpu.memory_space<vmem_shared>> -> memref<1x1x336x128xf32, #tpu.memory_space<vmem_shared>>
    %dma_start3A_2922 = tpu.memref_squeeze %dma_start3A_2921 : memref<1x1x336x128xf32, #tpu.memory_space<vmem_shared>> -> memref<336x128xf32, #tpu.memory_space<vmem_shared>>
    %dma_start3A_2923 = arith.constant 7072 : i32
    %dma_start3A_2924 = arith.constant 0 : i32
    %dma_start3A_2925 = tpu.memref_slice %arg2[%add3A_2914, %dma_start3A_2923, %dma_start3A_2924] : memref<64x8192x128xf32, #tpu.memory_space<hbm>> -> memref<1x336x128xf32, #tpu.memory_space<hbm>>
    %dma_start3A_2926 = tpu.memref_squeeze %dma_start3A_2925 : memref<1x336x128xf32, #tpu.memory_space<hbm>> -> memref<336x128xf32, #tpu.memory_space<hbm>>
    tpu.enqueue_dma source(%dma_start3A_2926 : memref<336x128xf32, #tpu.memory_space<hbm>>) target(%dma_start3A_2922 : memref<336x128xf32, #tpu.memory_space<vmem_shared>>) target_semaphore(%dma_start3A_2918 : memref<!tpu.dma_semaphore, #tpu.memory_space<semaphore_mem>>)
    %mul3A_2927 = arith.constant 2 : i32
    %mul3A_2928 = arith.muli %add3A, %mul3A_2927 : i32
    %add3A_2929 = arith.constant 1 : i32
    %add3A_2930 = arith.addi %mul3A_2928, %add3A_2929 : i32
    %dma_wait3A_2931 = arith.constant 0 : i32
    %dma_wait3A_2932 = arith.constant 0 : i32
    %dma_wait3A_2933 = tpu.memref_slice %arg6[%dma_wait3A_2932] : memref<3x!tpu.dma_semaphore, #tpu.memory_space<semaphore_mem>> -> memref<1x!tpu.dma_semaphore, #tpu.memory_space<semaphore_mem>>
    %dma_wait3A_2934 = tpu.memref_squeeze %dma_wait3A_2933 : memref<1x!tpu.dma_semaphore, #tpu.memory_space<semaphore_mem>> -> memref<!tpu.dma_semaphore, #tpu.memory_space<semaphore_mem>>
    %dma_wait3A_2935 = arith.constant 0 : i32
    %dma_wait3A_2936 = arith.constant 0 : i32
    %dma_wait3A_2937 = tpu.memref_slice %arg5[%arg1, %dma_wait3A_2931, %dma_wait3A_2935, %dma_wait3A_2936] : memref<16x3x336x128xf32, #tpu.memory_space<vmem_shared>> -> memref<1x1x336x128xf32, #tpu.memory_space<vmem_shared>>
    %dma_wait3A_2938 = tpu.memref_squeeze %dma_wait3A_2937 : memref<1x1x336x128xf32, #tpu.memory_space<vmem_shared>> -> memref<336x128xf32, #tpu.memory_space<vmem_shared>>
    %dma_wait3A_2939 = arith.constant 6400 : i32
    %dma_wait3A_2940 = arith.constant 0 : i32
    %dma_wait3A_2941 = tpu.memref_slice %arg2[%add3A_2930, %dma_wait3A_2939, %dma_wait3A_2940] : memref<64x8192x128xf32, #tpu.memory_space<hbm>> -> memref<1x336x128xf32, #tpu.memory_space<hbm>>
    %dma_wait3A_2942 = tpu.memref_squeeze %dma_wait3A_2941 : memref<1x336x128xf32, #tpu.memory_space<hbm>> -> memref<336x128xf32, #tpu.memory_space<hbm>>
    tpu.wait_dma2 semaphore(%dma_wait3A_2934 : memref<!tpu.dma_semaphore, #tpu.memory_space<semaphore_mem>>) src(%dma_wait3A_2942 : memref<336x128xf32, #tpu.memory_space<hbm>>) dst(%dma_wait3A_2938 : memref<336x128xf32, #tpu.memory_space<vmem_shared>>)
    %mul3A_2943 = arith.constant 2 : i32
    %mul3A_2944 = arith.muli %add3A, %mul3A_2943 : i32
    %add3A_2945 = arith.constant 1 : i32
    %add3A_2946 = arith.addi %mul3A_2944, %add3A_2945 : i32
    %dma_start3A_2947 = arith.constant 0 : i32
    %dma_start3A_2948 = arith.constant 0 : i32
    %dma_start3A_2949 = tpu.memref_slice %arg7[%dma_start3A_2948] : memref<3x!tpu.dma_semaphore, #tpu.memory_space<semaphore_mem>> -> memref<1x!tpu.dma_semaphore, #tpu.memory_space<semaphore_mem>>
    %dma_start3A_2950 = tpu.memref_squeeze %dma_start3A_2949 : memref<1x!tpu.dma_semaphore, #tpu.memory_space<semaphore_mem>> -> memref<!tpu.dma_semaphore, #tpu.memory_space<semaphore_mem>>
    %dma_start3A_2951 = arith.constant 6384 : i32
    %dma_start3A_2952 = arith.constant 0 : i32
    %dma_start3A_2953 = tpu.memref_slice %arg4[%add3A_2946, %dma_start3A_2951, %dma_start3A_2952] : memref<64x8192x128xf32, #tpu.memory_space<hbm>> -> memref<1x336x128xf32, #tpu.memory_space<hbm>>
    %dma_start3A_2954 = tpu.memref_squeeze %dma_start3A_2953 : memref<1x336x128xf32, #tpu.memory_space<hbm>> -> memref<336x128xf32, #tpu.memory_space<hbm>>
    %dma_start3A_2955 = arith.constant 0 : i32
    %dma_start3A_2956 = arith.constant 0 : i32
    %dma_start3A_2957 = tpu.memref_slice %arg5[%arg1, %dma_start3A_2947, %dma_start3A_2955, %dma_start3A_2956] : memref<16x3x336x128xf32, #tpu.memory_space<vmem_shared>> -> memref<1x1x336x128xf32, #tpu.memory_space<vmem_shared>>
    %dma_start3A_2958 = tpu.memref_squeeze %dma_start3A_2957 : memref<1x1x336x128xf32, #tpu.memory_space<vmem_shared>> -> memref<336x128xf32, #tpu.memory_space<vmem_shared>>
    tpu.enqueue_dma source(%dma_start3A_2958 : memref<336x128xf32, #tpu.memory_space<vmem_shared>>) target(%dma_start3A_2954 : memref<336x128xf32, #tpu.memory_space<hbm>>) target_semaphore(%dma_start3A_2950 : memref<!tpu.dma_semaphore, #tpu.memory_space<semaphore_mem>>)
    %mul3A_2959 = arith.constant 2 : i32
    %mul3A_2960 = arith.muli %add3A, %mul3A_2959 : i32
    %add3A_2961 = arith.constant 1 : i32
    %add3A_2962 = arith.addi %mul3A_2960, %add3A_2961 : i32
    %dma_wait3A_2963 = arith.constant 0 : i32
    %dma_wait3A_2964 = arith.constant 0 : i32
    %dma_wait3A_2965 = tpu.memref_slice %arg7[%dma_wait3A_2964] : memref<3x!tpu.dma_semaphore, #tpu.memory_space<semaphore_mem>> -> memref<1x!tpu.dma_semaphore, #tpu.memory_space<semaphore_mem>>
    %dma_wait3A_2966 = tpu.memref_squeeze %dma_wait3A_2965 : memref<1x!tpu.dma_semaphore, #tpu.memory_space<semaphore_mem>> -> memref<!tpu.dma_semaphore, #tpu.memory_space<semaphore_mem>>
    %dma_wait3A_2967 = arith.constant 6384 : i32
    %dma_wait3A_2968 = arith.constant 0 : i32
    %dma_wait3A_2969 = tpu.memref_slice %arg4[%add3A_2962, %dma_wait3A_2967, %dma_wait3A_2968] : memref<64x8192x128xf32, #tpu.memory_space<hbm>> -> memref<1x336x128xf32, #tpu.memory_space<hbm>>
    %dma_wait3A_2970 = tpu.memref_squeeze %dma_wait3A_2969 : memref<1x336x128xf32, #tpu.memory_space<hbm>> -> memref<336x128xf32, #tpu.memory_space<hbm>>
    %dma_wait3A_2971 = arith.constant 0 : i32
    %dma_wait3A_2972 = arith.constant 0 : i32
    %dma_wait3A_2973 = tpu.memref_slice %arg5[%arg1, %dma_wait3A_2963, %dma_wait3A_2971, %dma_wait3A_2972] : memref<16x3x336x128xf32, #tpu.memory_space<vmem_shared>> -> memref<1x1x336x128xf32, #tpu.memory_space<vmem_shared>>
    %dma_wait3A_2974 = tpu.memref_squeeze %dma_wait3A_2973 : memref<1x1x336x128xf32, #tpu.memory_space<vmem_shared>> -> memref<336x128xf32, #tpu.memory_space<vmem_shared>>
    tpu.wait_dma2 semaphore(%dma_wait3A_2966 : memref<!tpu.dma_semaphore, #tpu.memory_space<semaphore_mem>>) src(%dma_wait3A_2974 : memref<336x128xf32, #tpu.memory_space<vmem_shared>>) dst(%dma_wait3A_2970 : memref<336x128xf32, #tpu.memory_space<hbm>>)
    %mul3A_2975 = arith.constant 2 : i32
    %mul3A_2976 = arith.muli %add3A, %mul3A_2975 : i32
    %add3A_2977 = arith.constant 1 : i32
    %add3A_2978 = arith.addi %mul3A_2976, %add3A_2977 : i32
    %dma_start3A_2979 = arith.constant 0 : i32
    %dma_start3A_2980 = arith.constant 0 : i32
    %dma_start3A_2981 = tpu.memref_slice %arg6[%dma_start3A_2980] : memref<3x!tpu.dma_semaphore, #tpu.memory_space<semaphore_mem>> -> memref<1x!tpu.dma_semaphore, #tpu.memory_space<semaphore_mem>>
    %dma_start3A_2982 = tpu.memref_squeeze %dma_start3A_2981 : memref<1x!tpu.dma_semaphore, #tpu.memory_space<semaphore_mem>> -> memref<!tpu.dma_semaphore, #tpu.memory_space<semaphore_mem>>
    %dma_start3A_2983 = arith.constant 0 : i32
    %dma_start3A_2984 = arith.constant 0 : i32
    %dma_start3A_2985 = tpu.memref_slice %arg5[%arg1, %dma_start3A_2979, %dma_start3A_2983, %dma_start3A_2984] : memref<16x3x336x128xf32, #tpu.memory_space<vmem_shared>> -> memref<1x1x336x128xf32, #tpu.memory_space<vmem_shared>>
    %dma_start3A_2986 = tpu.memref_squeeze %dma_start3A_2985 : memref<1x1x336x128xf32, #tpu.memory_space<vmem_shared>> -> memref<336x128xf32, #tpu.memory_space<vmem_shared>>
    %dma_start3A_2987 = arith.constant 7408 : i32
    %dma_start3A_2988 = arith.constant 0 : i32
    %dma_start3A_2989 = tpu.memref_slice %arg2[%add3A_2978, %dma_start3A_2987, %dma_start3A_2988] : memref<64x8192x128xf32, #tpu.memory_space<hbm>> -> memref<1x336x128xf32, #tpu.memory_space<hbm>>
    %dma_start3A_2990 = tpu.memref_squeeze %dma_start3A_2989 : memref<1x336x128xf32, #tpu.memory_space<hbm>> -> memref<336x128xf32, #tpu.memory_space<hbm>>
    tpu.enqueue_dma source(%dma_start3A_2990 : memref<336x128xf32, #tpu.memory_space<hbm>>) target(%dma_start3A_2986 : memref<336x128xf32, #tpu.memory_space<vmem_shared>>) target_semaphore(%dma_start3A_2982 : memref<!tpu.dma_semaphore, #tpu.memory_space<semaphore_mem>>)
    %mul3A_2991 = arith.constant 2 : i32
    %mul3A_2992 = arith.muli %add3A, %mul3A_2991 : i32
    %add3A_2993 = arith.constant 1 : i32
    %add3A_2994 = arith.addi %mul3A_2992, %add3A_2993 : i32
    %dma_wait3A_2995 = arith.constant 1 : i32
    %dma_wait3A_2996 = arith.constant 1 : i32
    %dma_wait3A_2997 = tpu.memref_slice %arg6[%dma_wait3A_2996] : memref<3x!tpu.dma_semaphore, #tpu.memory_space<semaphore_mem>> -> memref<1x!tpu.dma_semaphore, #tpu.memory_space<semaphore_mem>>
    %dma_wait3A_2998 = tpu.memref_squeeze %dma_wait3A_2997 : memref<1x!tpu.dma_semaphore, #tpu.memory_space<semaphore_mem>> -> memref<!tpu.dma_semaphore, #tpu.memory_space<semaphore_mem>>
    %dma_wait3A_2999 = arith.constant 0 : i32
    %dma_wait3A_3000 = arith.constant 0 : i32
    %dma_wait3A_3001 = tpu.memref_slice %arg5[%arg1, %dma_wait3A_2995, %dma_wait3A_2999, %dma_wait3A_3000] : memref<16x3x336x128xf32, #tpu.memory_space<vmem_shared>> -> memref<1x1x336x128xf32, #tpu.memory_space<vmem_shared>>
    %dma_wait3A_3002 = tpu.memref_squeeze %dma_wait3A_3001 : memref<1x1x336x128xf32, #tpu.memory_space<vmem_shared>> -> memref<336x128xf32, #tpu.memory_space<vmem_shared>>
    %dma_wait3A_3003 = arith.constant 6736 : i32
    %dma_wait3A_3004 = arith.constant 0 : i32
    %dma_wait3A_3005 = tpu.memref_slice %arg2[%add3A_2994, %dma_wait3A_3003, %dma_wait3A_3004] : memref<64x8192x128xf32, #tpu.memory_space<hbm>> -> memref<1x336x128xf32, #tpu.memory_space<hbm>>
    %dma_wait3A_3006 = tpu.memref_squeeze %dma_wait3A_3005 : memref<1x336x128xf32, #tpu.memory_space<hbm>> -> memref<336x128xf32, #tpu.memory_space<hbm>>
    tpu.wait_dma2 semaphore(%dma_wait3A_2998 : memref<!tpu.dma_semaphore, #tpu.memory_space<semaphore_mem>>) src(%dma_wait3A_3006 : memref<336x128xf32, #tpu.memory_space<hbm>>) dst(%dma_wait3A_3002 : memref<336x128xf32, #tpu.memory_space<vmem_shared>>)
    %mul3A_3007 = arith.constant 2 : i32
    %mul3A_3008 = arith.muli %add3A, %mul3A_3007 : i32
    %add3A_3009 = arith.constant 1 : i32
    %add3A_3010 = arith.addi %mul3A_3008, %add3A_3009 : i32
    %dma_start3A_3011 = arith.constant 1 : i32
    %dma_start3A_3012 = arith.constant 1 : i32
    %dma_start3A_3013 = tpu.memref_slice %arg7[%dma_start3A_3012] : memref<3x!tpu.dma_semaphore, #tpu.memory_space<semaphore_mem>> -> memref<1x!tpu.dma_semaphore, #tpu.memory_space<semaphore_mem>>
    %dma_start3A_3014 = tpu.memref_squeeze %dma_start3A_3013 : memref<1x!tpu.dma_semaphore, #tpu.memory_space<semaphore_mem>> -> memref<!tpu.dma_semaphore, #tpu.memory_space<semaphore_mem>>
    %dma_start3A_3015 = arith.constant 6720 : i32
    %dma_start3A_3016 = arith.constant 0 : i32
    %dma_start3A_3017 = tpu.memref_slice %arg4[%add3A_3010, %dma_start3A_3015, %dma_start3A_3016] : memref<64x8192x128xf32, #tpu.memory_space<hbm>> -> memref<1x336x128xf32, #tpu.memory_space<hbm>>
    %dma_start3A_3018 = tpu.memref_squeeze %dma_start3A_3017 : memref<1x336x128xf32, #tpu.memory_space<hbm>> -> memref<336x128xf32, #tpu.memory_space<hbm>>
    %dma_start3A_3019 = arith.constant 0 : i32
    %dma_start3A_3020 = arith.constant 0 : i32
    %dma_start3A_3021 = tpu.memref_slice %arg5[%arg1, %dma_start3A_3011, %dma_start3A_3019, %dma_start3A_3020] : memref<16x3x336x128xf32, #tpu.memory_space<vmem_shared>> -> memref<1x1x336x128xf32, #tpu.memory_space<vmem_shared>>
    %dma_start3A_3022 = tpu.memref_squeeze %dma_start3A_3021 : memref<1x1x336x128xf32, #tpu.memory_space<vmem_shared>> -> memref<336x128xf32, #tpu.memory_space<vmem_shared>>
    tpu.enqueue_dma source(%dma_start3A_3022 : memref<336x128xf32, #tpu.memory_space<vmem_shared>>) target(%dma_start3A_3018 : memref<336x128xf32, #tpu.memory_space<hbm>>) target_semaphore(%dma_start3A_3014 : memref<!tpu.dma_semaphore, #tpu.memory_space<semaphore_mem>>)
    %mul3A_3023 = arith.constant 2 : i32
    %mul3A_3024 = arith.muli %add3A, %mul3A_3023 : i32
    %add3A_3025 = arith.constant 1 : i32
    %add3A_3026 = arith.addi %mul3A_3024, %add3A_3025 : i32
    %dma_wait3A_3027 = arith.constant 1 : i32
    %dma_wait3A_3028 = arith.constant 1 : i32
    %dma_wait3A_3029 = tpu.memref_slice %arg7[%dma_wait3A_3028] : memref<3x!tpu.dma_semaphore, #tpu.memory_space<semaphore_mem>> -> memref<1x!tpu.dma_semaphore, #tpu.memory_space<semaphore_mem>>
    %dma_wait3A_3030 = tpu.memref_squeeze %dma_wait3A_3029 : memref<1x!tpu.dma_semaphore, #tpu.memory_space<semaphore_mem>> -> memref<!tpu.dma_semaphore, #tpu.memory_space<semaphore_mem>>
    %dma_wait3A_3031 = arith.constant 6720 : i32
    %dma_wait3A_3032 = arith.constant 0 : i32
    %dma_wait3A_3033 = tpu.memref_slice %arg4[%add3A_3026, %dma_wait3A_3031, %dma_wait3A_3032] : memref<64x8192x128xf32, #tpu.memory_space<hbm>> -> memref<1x336x128xf32, #tpu.memory_space<hbm>>
    %dma_wait3A_3034 = tpu.memref_squeeze %dma_wait3A_3033 : memref<1x336x128xf32, #tpu.memory_space<hbm>> -> memref<336x128xf32, #tpu.memory_space<hbm>>
    %dma_wait3A_3035 = arith.constant 0 : i32
    %dma_wait3A_3036 = arith.constant 0 : i32
    %dma_wait3A_3037 = tpu.memref_slice %arg5[%arg1, %dma_wait3A_3027, %dma_wait3A_3035, %dma_wait3A_3036] : memref<16x3x336x128xf32, #tpu.memory_space<vmem_shared>> -> memref<1x1x336x128xf32, #tpu.memory_space<vmem_shared>>
    %dma_wait3A_3038 = tpu.memref_squeeze %dma_wait3A_3037 : memref<1x1x336x128xf32, #tpu.memory_space<vmem_shared>> -> memref<336x128xf32, #tpu.memory_space<vmem_shared>>
    tpu.wait_dma2 semaphore(%dma_wait3A_3030 : memref<!tpu.dma_semaphore, #tpu.memory_space<semaphore_mem>>) src(%dma_wait3A_3038 : memref<336x128xf32, #tpu.memory_space<vmem_shared>>) dst(%dma_wait3A_3034 : memref<336x128xf32, #tpu.memory_space<hbm>>)
    %mul3A_3039 = arith.constant 2 : i32
    %mul3A_3040 = arith.muli %add3A, %mul3A_3039 : i32
    %add3A_3041 = arith.constant 1 : i32
    %add3A_3042 = arith.addi %mul3A_3040, %add3A_3041 : i32
    %dma_start3A_3043 = arith.constant 1 : i32
    %dma_start3A_3044 = arith.constant 1 : i32
    %dma_start3A_3045 = tpu.memref_slice %arg6[%dma_start3A_3044] : memref<3x!tpu.dma_semaphore, #tpu.memory_space<semaphore_mem>> -> memref<1x!tpu.dma_semaphore, #tpu.memory_space<semaphore_mem>>
    %dma_start3A_3046 = tpu.memref_squeeze %dma_start3A_3045 : memref<1x!tpu.dma_semaphore, #tpu.memory_space<semaphore_mem>> -> memref<!tpu.dma_semaphore, #tpu.memory_space<semaphore_mem>>
    %dma_start3A_3047 = arith.constant 0 : i32
    %dma_start3A_3048 = arith.constant 0 : i32
    %dma_start3A_3049 = tpu.memref_slice %arg5[%arg1, %dma_start3A_3043, %dma_start3A_3047, %dma_start3A_3048] : memref<16x3x336x128xf32, #tpu.memory_space<vmem_shared>> -> memref<1x1x336x128xf32, #tpu.memory_space<vmem_shared>>
    %dma_start3A_3050 = tpu.memref_squeeze %dma_start3A_3049 : memref<1x1x336x128xf32, #tpu.memory_space<vmem_shared>> -> memref<336x128xf32, #tpu.memory_space<vmem_shared>>
    %dma_start3A_3051 = arith.constant 7744 : i32
    %dma_start3A_3052 = arith.constant 0 : i32
    %dma_start3A_3053 = tpu.memref_slice %arg2[%add3A_3042, %dma_start3A_3051, %dma_start3A_3052] : memref<64x8192x128xf32, #tpu.memory_space<hbm>> -> memref<1x336x128xf32, #tpu.memory_space<hbm>>
    %dma_start3A_3054 = tpu.memref_squeeze %dma_start3A_3053 : memref<1x336x128xf32, #tpu.memory_space<hbm>> -> memref<336x128xf32, #tpu.memory_space<hbm>>
    tpu.enqueue_dma source(%dma_start3A_3054 : memref<336x128xf32, #tpu.memory_space<hbm>>) target(%dma_start3A_3050 : memref<336x128xf32, #tpu.memory_space<vmem_shared>>) target_semaphore(%dma_start3A_3046 : memref<!tpu.dma_semaphore, #tpu.memory_space<semaphore_mem>>)
    %mul3A_3055 = arith.constant 2 : i32
    %mul3A_3056 = arith.muli %add3A, %mul3A_3055 : i32
    %add3A_3057 = arith.constant 1 : i32
    %add3A_3058 = arith.addi %mul3A_3056, %add3A_3057 : i32
    %dma_wait3A_3059 = arith.constant 2 : i32
    %dma_wait3A_3060 = arith.constant 2 : i32
    %dma_wait3A_3061 = tpu.memref_slice %arg6[%dma_wait3A_3060] : memref<3x!tpu.dma_semaphore, #tpu.memory_space<semaphore_mem>> -> memref<1x!tpu.dma_semaphore, #tpu.memory_space<semaphore_mem>>
    %dma_wait3A_3062 = tpu.memref_squeeze %dma_wait3A_3061 : memref<1x!tpu.dma_semaphore, #tpu.memory_space<semaphore_mem>> -> memref<!tpu.dma_semaphore, #tpu.memory_space<semaphore_mem>>
    %dma_wait3A_3063 = arith.constant 0 : i32
    %dma_wait3A_3064 = arith.constant 0 : i32
    %dma_wait3A_3065 = tpu.memref_slice %arg5[%arg1, %dma_wait3A_3059, %dma_wait3A_3063, %dma_wait3A_3064] : memref<16x3x336x128xf32, #tpu.memory_space<vmem_shared>> -> memref<1x1x336x128xf32, #tpu.memory_space<vmem_shared>>
    %dma_wait3A_3066 = tpu.memref_squeeze %dma_wait3A_3065 : memref<1x1x336x128xf32, #tpu.memory_space<vmem_shared>> -> memref<336x128xf32, #tpu.memory_space<vmem_shared>>
    %dma_wait3A_3067 = arith.constant 7072 : i32
    %dma_wait3A_3068 = arith.constant 0 : i32
    %dma_wait3A_3069 = tpu.memref_slice %arg2[%add3A_3058, %dma_wait3A_3067, %dma_wait3A_3068] : memref<64x8192x128xf32, #tpu.memory_space<hbm>> -> memref<1x336x128xf32, #tpu.memory_space<hbm>>
    %dma_wait3A_3070 = tpu.memref_squeeze %dma_wait3A_3069 : memref<1x336x128xf32, #tpu.memory_space<hbm>> -> memref<336x128xf32, #tpu.memory_space<hbm>>
    tpu.wait_dma2 semaphore(%dma_wait3A_3062 : memref<!tpu.dma_semaphore, #tpu.memory_space<semaphore_mem>>) src(%dma_wait3A_3070 : memref<336x128xf32, #tpu.memory_space<hbm>>) dst(%dma_wait3A_3066 : memref<336x128xf32, #tpu.memory_space<vmem_shared>>)
    %mul3A_3071 = arith.constant 2 : i32
    %mul3A_3072 = arith.muli %add3A, %mul3A_3071 : i32
    %add3A_3073 = arith.constant 1 : i32
    %add3A_3074 = arith.addi %mul3A_3072, %add3A_3073 : i32
    %dma_start3A_3075 = arith.constant 2 : i32
    %dma_start3A_3076 = arith.constant 2 : i32
    %dma_start3A_3077 = tpu.memref_slice %arg7[%dma_start3A_3076] : memref<3x!tpu.dma_semaphore, #tpu.memory_space<semaphore_mem>> -> memref<1x!tpu.dma_semaphore, #tpu.memory_space<semaphore_mem>>
    %dma_start3A_3078 = tpu.memref_squeeze %dma_start3A_3077 : memref<1x!tpu.dma_semaphore, #tpu.memory_space<semaphore_mem>> -> memref<!tpu.dma_semaphore, #tpu.memory_space<semaphore_mem>>
    %dma_start3A_3079 = arith.constant 7056 : i32
    %dma_start3A_3080 = arith.constant 0 : i32
    %dma_start3A_3081 = tpu.memref_slice %arg4[%add3A_3074, %dma_start3A_3079, %dma_start3A_3080] : memref<64x8192x128xf32, #tpu.memory_space<hbm>> -> memref<1x336x128xf32, #tpu.memory_space<hbm>>
    %dma_start3A_3082 = tpu.memref_squeeze %dma_start3A_3081 : memref<1x336x128xf32, #tpu.memory_space<hbm>> -> memref<336x128xf32, #tpu.memory_space<hbm>>
    %dma_start3A_3083 = arith.constant 0 : i32
    %dma_start3A_3084 = arith.constant 0 : i32
    %dma_start3A_3085 = tpu.memref_slice %arg5[%arg1, %dma_start3A_3075, %dma_start3A_3083, %dma_start3A_3084] : memref<16x3x336x128xf32, #tpu.memory_space<vmem_shared>> -> memref<1x1x336x128xf32, #tpu.memory_space<vmem_shared>>
    %dma_start3A_3086 = tpu.memref_squeeze %dma_start3A_3085 : memref<1x1x336x128xf32, #tpu.memory_space<vmem_shared>> -> memref<336x128xf32, #tpu.memory_space<vmem_shared>>
    tpu.enqueue_dma source(%dma_start3A_3086 : memref<336x128xf32, #tpu.memory_space<vmem_shared>>) target(%dma_start3A_3082 : memref<336x128xf32, #tpu.memory_space<hbm>>) target_semaphore(%dma_start3A_3078 : memref<!tpu.dma_semaphore, #tpu.memory_space<semaphore_mem>>)
    %mul3A_3087 = arith.constant 2 : i32
    %mul3A_3088 = arith.muli %add3A, %mul3A_3087 : i32
    %add3A_3089 = arith.constant 1 : i32
    %add3A_3090 = arith.addi %mul3A_3088, %add3A_3089 : i32
    %dma_wait3A_3091 = arith.constant 2 : i32
    %dma_wait3A_3092 = arith.constant 2 : i32
    %dma_wait3A_3093 = tpu.memref_slice %arg7[%dma_wait3A_3092] : memref<3x!tpu.dma_semaphore, #tpu.memory_space<semaphore_mem>> -> memref<1x!tpu.dma_semaphore, #tpu.memory_space<semaphore_mem>>
    %dma_wait3A_3094 = tpu.memref_squeeze %dma_wait3A_3093 : memref<1x!tpu.dma_semaphore, #tpu.memory_space<semaphore_mem>> -> memref<!tpu.dma_semaphore, #tpu.memory_space<semaphore_mem>>
    %dma_wait3A_3095 = arith.constant 7056 : i32
    %dma_wait3A_3096 = arith.constant 0 : i32
    %dma_wait3A_3097 = tpu.memref_slice %arg4[%add3A_3090, %dma_wait3A_3095, %dma_wait3A_3096] : memref<64x8192x128xf32, #tpu.memory_space<hbm>> -> memref<1x336x128xf32, #tpu.memory_space<hbm>>
    %dma_wait3A_3098 = tpu.memref_squeeze %dma_wait3A_3097 : memref<1x336x128xf32, #tpu.memory_space<hbm>> -> memref<336x128xf32, #tpu.memory_space<hbm>>
    %dma_wait3A_3099 = arith.constant 0 : i32
    %dma_wait3A_3100 = arith.constant 0 : i32
    %dma_wait3A_3101 = tpu.memref_slice %arg5[%arg1, %dma_wait3A_3091, %dma_wait3A_3099, %dma_wait3A_3100] : memref<16x3x336x128xf32, #tpu.memory_space<vmem_shared>> -> memref<1x1x336x128xf32, #tpu.memory_space<vmem_shared>>
    %dma_wait3A_3102 = tpu.memref_squeeze %dma_wait3A_3101 : memref<1x1x336x128xf32, #tpu.memory_space<vmem_shared>> -> memref<336x128xf32, #tpu.memory_space<vmem_shared>>
    tpu.wait_dma2 semaphore(%dma_wait3A_3094 : memref<!tpu.dma_semaphore, #tpu.memory_space<semaphore_mem>>) src(%dma_wait3A_3102 : memref<336x128xf32, #tpu.memory_space<vmem_shared>>) dst(%dma_wait3A_3098 : memref<336x128xf32, #tpu.memory_space<hbm>>)
    %mul3A_3103 = arith.constant 2 : i32
    %mul3A_3104 = arith.muli %add3A, %mul3A_3103 : i32
    %add3A_3105 = arith.constant 1 : i32
    %add3A_3106 = arith.addi %mul3A_3104, %add3A_3105 : i32
    %dma_start3A_3107 = arith.constant 2 : i32
    %dma_start3A_3108 = arith.constant 2 : i32
    %dma_start3A_3109 = tpu.memref_slice %arg6[%dma_start3A_3108] : memref<3x!tpu.dma_semaphore, #tpu.memory_space<semaphore_mem>> -> memref<1x!tpu.dma_semaphore, #tpu.memory_space<semaphore_mem>>
    %dma_start3A_3110 = tpu.memref_squeeze %dma_start3A_3109 : memref<1x!tpu.dma_semaphore, #tpu.memory_space<semaphore_mem>> -> memref<!tpu.dma_semaphore, #tpu.memory_space<semaphore_mem>>
    %dma_start3A_3111 = arith.constant 0 : i32
    %dma_start3A_3112 = arith.constant 0 : i32
    %dma_start3A_3113 = tpu.memref_slice %arg5[%arg1, %dma_start3A_3107, %dma_start3A_3111, %dma_start3A_3112] : memref<16x3x336x128xf32, #tpu.memory_space<vmem_shared>> -> memref<1x1x112x128xf32, #tpu.memory_space<vmem_shared>>
    %dma_start3A_3114 = tpu.memref_squeeze %dma_start3A_3113 : memref<1x1x112x128xf32, #tpu.memory_space<vmem_shared>> -> memref<112x128xf32, #tpu.memory_space<vmem_shared>>
    %dma_start3A_3115 = arith.constant 8080 : i32
    %dma_start3A_3116 = arith.constant 0 : i32
    %dma_start3A_3117 = tpu.memref_slice %arg2[%add3A_3106, %dma_start3A_3115, %dma_start3A_3116] : memref<64x8192x128xf32, #tpu.memory_space<hbm>> -> memref<1x112x128xf32, #tpu.memory_space<hbm>>
    %dma_start3A_3118 = tpu.memref_squeeze %dma_start3A_3117 : memref<1x112x128xf32, #tpu.memory_space<hbm>> -> memref<112x128xf32, #tpu.memory_space<hbm>>
    tpu.enqueue_dma source(%dma_start3A_3118 : memref<112x128xf32, #tpu.memory_space<hbm>>) target(%dma_start3A_3114 : memref<112x128xf32, #tpu.memory_space<vmem_shared>>) target_semaphore(%dma_start3A_3110 : memref<!tpu.dma_semaphore, #tpu.memory_space<semaphore_mem>>)
    %mul3A_3119 = arith.constant 2 : i32
    %mul3A_3120 = arith.muli %add3A, %mul3A_3119 : i32
    %add3A_3121 = arith.constant 1 : i32
    %add3A_3122 = arith.addi %mul3A_3120, %add3A_3121 : i32
    %dma_wait3A_3123 = arith.constant 0 : i32
    %dma_wait3A_3124 = arith.constant 0 : i32
    %dma_wait3A_3125 = tpu.memref_slice %arg6[%dma_wait3A_3124] : memref<3x!tpu.dma_semaphore, #tpu.memory_space<semaphore_mem>> -> memref<1x!tpu.dma_semaphore, #tpu.memory_space<semaphore_mem>>
    %dma_wait3A_3126 = tpu.memref_squeeze %dma_wait3A_3125 : memref<1x!tpu.dma_semaphore, #tpu.memory_space<semaphore_mem>> -> memref<!tpu.dma_semaphore, #tpu.memory_space<semaphore_mem>>
    %dma_wait3A_3127 = arith.constant 0 : i32
    %dma_wait3A_3128 = arith.constant 0 : i32
    %dma_wait3A_3129 = tpu.memref_slice %arg5[%arg1, %dma_wait3A_3123, %dma_wait3A_3127, %dma_wait3A_3128] : memref<16x3x336x128xf32, #tpu.memory_space<vmem_shared>> -> memref<1x1x336x128xf32, #tpu.memory_space<vmem_shared>>
    %dma_wait3A_3130 = tpu.memref_squeeze %dma_wait3A_3129 : memref<1x1x336x128xf32, #tpu.memory_space<vmem_shared>> -> memref<336x128xf32, #tpu.memory_space<vmem_shared>>
    %dma_wait3A_3131 = arith.constant 7408 : i32
    %dma_wait3A_3132 = arith.constant 0 : i32
    %dma_wait3A_3133 = tpu.memref_slice %arg2[%add3A_3122, %dma_wait3A_3131, %dma_wait3A_3132] : memref<64x8192x128xf32, #tpu.memory_space<hbm>> -> memref<1x336x128xf32, #tpu.memory_space<hbm>>
    %dma_wait3A_3134 = tpu.memref_squeeze %dma_wait3A_3133 : memref<1x336x128xf32, #tpu.memory_space<hbm>> -> memref<336x128xf32, #tpu.memory_space<hbm>>
    tpu.wait_dma2 semaphore(%dma_wait3A_3126 : memref<!tpu.dma_semaphore, #tpu.memory_space<semaphore_mem>>) src(%dma_wait3A_3134 : memref<336x128xf32, #tpu.memory_space<hbm>>) dst(%dma_wait3A_3130 : memref<336x128xf32, #tpu.memory_space<vmem_shared>>)
    %mul3A_3135 = arith.constant 2 : i32
    %mul3A_3136 = arith.muli %add3A, %mul3A_3135 : i32
    %add3A_3137 = arith.constant 1 : i32
    %add3A_3138 = arith.addi %mul3A_3136, %add3A_3137 : i32
    %dma_start3A_3139 = arith.constant 0 : i32
    %dma_start3A_3140 = arith.constant 0 : i32
    %dma_start3A_3141 = tpu.memref_slice %arg7[%dma_start3A_3140] : memref<3x!tpu.dma_semaphore, #tpu.memory_space<semaphore_mem>> -> memref<1x!tpu.dma_semaphore, #tpu.memory_space<semaphore_mem>>
    %dma_start3A_3142 = tpu.memref_squeeze %dma_start3A_3141 : memref<1x!tpu.dma_semaphore, #tpu.memory_space<semaphore_mem>> -> memref<!tpu.dma_semaphore, #tpu.memory_space<semaphore_mem>>
    %dma_start3A_3143 = arith.constant 7392 : i32
    %dma_start3A_3144 = arith.constant 0 : i32
    %dma_start3A_3145 = tpu.memref_slice %arg4[%add3A_3138, %dma_start3A_3143, %dma_start3A_3144] : memref<64x8192x128xf32, #tpu.memory_space<hbm>> -> memref<1x336x128xf32, #tpu.memory_space<hbm>>
    %dma_start3A_3146 = tpu.memref_squeeze %dma_start3A_3145 : memref<1x336x128xf32, #tpu.memory_space<hbm>> -> memref<336x128xf32, #tpu.memory_space<hbm>>
    %dma_start3A_3147 = arith.constant 0 : i32
    %dma_start3A_3148 = arith.constant 0 : i32
    %dma_start3A_3149 = tpu.memref_slice %arg5[%arg1, %dma_start3A_3139, %dma_start3A_3147, %dma_start3A_3148] : memref<16x3x336x128xf32, #tpu.memory_space<vmem_shared>> -> memref<1x1x336x128xf32, #tpu.memory_space<vmem_shared>>
    %dma_start3A_3150 = tpu.memref_squeeze %dma_start3A_3149 : memref<1x1x336x128xf32, #tpu.memory_space<vmem_shared>> -> memref<336x128xf32, #tpu.memory_space<vmem_shared>>
    tpu.enqueue_dma source(%dma_start3A_3150 : memref<336x128xf32, #tpu.memory_space<vmem_shared>>) target(%dma_start3A_3146 : memref<336x128xf32, #tpu.memory_space<hbm>>) target_semaphore(%dma_start3A_3142 : memref<!tpu.dma_semaphore, #tpu.memory_space<semaphore_mem>>)
    %mul3A_3151 = arith.constant 2 : i32
    %mul3A_3152 = arith.muli %add3A, %mul3A_3151 : i32
    %add3A_3153 = arith.constant 1 : i32
    %add3A_3154 = arith.addi %mul3A_3152, %add3A_3153 : i32
    %dma_wait3A_3155 = arith.constant 0 : i32
    %dma_wait3A_3156 = arith.constant 0 : i32
    %dma_wait3A_3157 = tpu.memref_slice %arg7[%dma_wait3A_3156] : memref<3x!tpu.dma_semaphore, #tpu.memory_space<semaphore_mem>> -> memref<1x!tpu.dma_semaphore, #tpu.memory_space<semaphore_mem>>
    %dma_wait3A_3158 = tpu.memref_squeeze %dma_wait3A_3157 : memref<1x!tpu.dma_semaphore, #tpu.memory_space<semaphore_mem>> -> memref<!tpu.dma_semaphore, #tpu.memory_space<semaphore_mem>>
    %dma_wait3A_3159 = arith.constant 7392 : i32
    %dma_wait3A_3160 = arith.constant 0 : i32
    %dma_wait3A_3161 = tpu.memref_slice %arg4[%add3A_3154, %dma_wait3A_3159, %dma_wait3A_3160] : memref<64x8192x128xf32, #tpu.memory_space<hbm>> -> memref<1x336x128xf32, #tpu.memory_space<hbm>>
    %dma_wait3A_3162 = tpu.memref_squeeze %dma_wait3A_3161 : memref<1x336x128xf32, #tpu.memory_space<hbm>> -> memref<336x128xf32, #tpu.memory_space<hbm>>
    %dma_wait3A_3163 = arith.constant 0 : i32
    %dma_wait3A_3164 = arith.constant 0 : i32
    %dma_wait3A_3165 = tpu.memref_slice %arg5[%arg1, %dma_wait3A_3155, %dma_wait3A_3163, %dma_wait3A_3164] : memref<16x3x336x128xf32, #tpu.memory_space<vmem_shared>> -> memref<1x1x336x128xf32, #tpu.memory_space<vmem_shared>>
    %dma_wait3A_3166 = tpu.memref_squeeze %dma_wait3A_3165 : memref<1x1x336x128xf32, #tpu.memory_space<vmem_shared>> -> memref<336x128xf32, #tpu.memory_space<vmem_shared>>
    tpu.wait_dma2 semaphore(%dma_wait3A_3158 : memref<!tpu.dma_semaphore, #tpu.memory_space<semaphore_mem>>) src(%dma_wait3A_3166 : memref<336x128xf32, #tpu.memory_space<vmem_shared>>) dst(%dma_wait3A_3162 : memref<336x128xf32, #tpu.memory_space<hbm>>)
    %mul3A_3167 = arith.constant 2 : i32
    %mul3A_3168 = arith.muli %add3A, %mul3A_3167 : i32
    %add3A_3169 = arith.constant 1 : i32
    %add3A_3170 = arith.addi %mul3A_3168, %add3A_3169 : i32
    %dma_start3A_3171 = arith.constant 0 : i32
    %dma_start3A_3172 = arith.constant 0 : i32
    %dma_start3A_3173 = tpu.memref_slice %arg6[%dma_start3A_3172] : memref<3x!tpu.dma_semaphore, #tpu.memory_space<semaphore_mem>> -> memref<1x!tpu.dma_semaphore, #tpu.memory_space<semaphore_mem>>
    %dma_start3A_3174 = tpu.memref_squeeze %dma_start3A_3173 : memref<1x!tpu.dma_semaphore, #tpu.memory_space<semaphore_mem>> -> memref<!tpu.dma_semaphore, #tpu.memory_space<semaphore_mem>>
    %dma_start3A_3175 = arith.constant 0 : i32
    %dma_start3A_3176 = arith.constant 0 : i32
    %dma_start3A_3177 = tpu.memref_slice %arg5[%arg1, %dma_start3A_3171, %dma_start3A_3175, %dma_start3A_3176] : memref<16x3x336x128xf32, #tpu.memory_space<vmem_shared>> -> memref<1x1x16x128xf32, #tpu.memory_space<vmem_shared>>
    %dma_start3A_3178 = tpu.memref_squeeze %dma_start3A_3177 : memref<1x1x16x128xf32, #tpu.memory_space<vmem_shared>> -> memref<16x128xf32, #tpu.memory_space<vmem_shared>>
    %dma_start3A_3179 = arith.constant 0 : i32
    %dma_start3A_3180 = arith.constant 0 : i32
    %dma_start3A_3181 = tpu.memref_slice %arg3[%add3A_3170, %dma_start3A_3179, %dma_start3A_3180] : memref<64x16x128xf32, #tpu.memory_space<hbm>> -> memref<1x16x128xf32, #tpu.memory_space<hbm>>
    %dma_start3A_3182 = tpu.memref_squeeze %dma_start3A_3181 : memref<1x16x128xf32, #tpu.memory_space<hbm>> -> memref<16x128xf32, #tpu.memory_space<hbm>>
    tpu.enqueue_dma source(%dma_start3A_3182 : memref<16x128xf32, #tpu.memory_space<hbm>>) target(%dma_start3A_3178 : memref<16x128xf32, #tpu.memory_space<vmem_shared>>) target_semaphore(%dma_start3A_3174 : memref<!tpu.dma_semaphore, #tpu.memory_space<semaphore_mem>>)
    %mul3A_3183 = arith.constant 2 : i32
    %mul3A_3184 = arith.muli %add3A, %mul3A_3183 : i32
    %add3A_3185 = arith.constant 1 : i32
    %add3A_3186 = arith.addi %mul3A_3184, %add3A_3185 : i32
    %dma_wait3A_3187 = arith.constant 1 : i32
    %dma_wait3A_3188 = arith.constant 1 : i32
    %dma_wait3A_3189 = tpu.memref_slice %arg6[%dma_wait3A_3188] : memref<3x!tpu.dma_semaphore, #tpu.memory_space<semaphore_mem>> -> memref<1x!tpu.dma_semaphore, #tpu.memory_space<semaphore_mem>>
    %dma_wait3A_3190 = tpu.memref_squeeze %dma_wait3A_3189 : memref<1x!tpu.dma_semaphore, #tpu.memory_space<semaphore_mem>> -> memref<!tpu.dma_semaphore, #tpu.memory_space<semaphore_mem>>
    %dma_wait3A_3191 = arith.constant 0 : i32
    %dma_wait3A_3192 = arith.constant 0 : i32
    %dma_wait3A_3193 = tpu.memref_slice %arg5[%arg1, %dma_wait3A_3187, %dma_wait3A_3191, %dma_wait3A_3192] : memref<16x3x336x128xf32, #tpu.memory_space<vmem_shared>> -> memref<1x1x336x128xf32, #tpu.memory_space<vmem_shared>>
    %dma_wait3A_3194 = tpu.memref_squeeze %dma_wait3A_3193 : memref<1x1x336x128xf32, #tpu.memory_space<vmem_shared>> -> memref<336x128xf32, #tpu.memory_space<vmem_shared>>
    %dma_wait3A_3195 = arith.constant 7744 : i32
    %dma_wait3A_3196 = arith.constant 0 : i32
    %dma_wait3A_3197 = tpu.memref_slice %arg2[%add3A_3186, %dma_wait3A_3195, %dma_wait3A_3196] : memref<64x8192x128xf32, #tpu.memory_space<hbm>> -> memref<1x336x128xf32, #tpu.memory_space<hbm>>
    %dma_wait3A_3198 = tpu.memref_squeeze %dma_wait3A_3197 : memref<1x336x128xf32, #tpu.memory_space<hbm>> -> memref<336x128xf32, #tpu.memory_space<hbm>>
    tpu.wait_dma2 semaphore(%dma_wait3A_3190 : memref<!tpu.dma_semaphore, #tpu.memory_space<semaphore_mem>>) src(%dma_wait3A_3198 : memref<336x128xf32, #tpu.memory_space<hbm>>) dst(%dma_wait3A_3194 : memref<336x128xf32, #tpu.memory_space<vmem_shared>>)
    %mul3A_3199 = arith.constant 2 : i32
    %mul3A_3200 = arith.muli %add3A, %mul3A_3199 : i32
    %add3A_3201 = arith.constant 1 : i32
    %add3A_3202 = arith.addi %mul3A_3200, %add3A_3201 : i32
    %dma_start3A_3203 = arith.constant 1 : i32
    %dma_start3A_3204 = arith.constant 1 : i32
    %dma_start3A_3205 = tpu.memref_slice %arg7[%dma_start3A_3204] : memref<3x!tpu.dma_semaphore, #tpu.memory_space<semaphore_mem>> -> memref<1x!tpu.dma_semaphore, #tpu.memory_space<semaphore_mem>>
    %dma_start3A_3206 = tpu.memref_squeeze %dma_start3A_3205 : memref<1x!tpu.dma_semaphore, #tpu.memory_space<semaphore_mem>> -> memref<!tpu.dma_semaphore, #tpu.memory_space<semaphore_mem>>
    %dma_start3A_3207 = arith.constant 7728 : i32
    %dma_start3A_3208 = arith.constant 0 : i32
    %dma_start3A_3209 = tpu.memref_slice %arg4[%add3A_3202, %dma_start3A_3207, %dma_start3A_3208] : memref<64x8192x128xf32, #tpu.memory_space<hbm>> -> memref<1x336x128xf32, #tpu.memory_space<hbm>>
    %dma_start3A_3210 = tpu.memref_squeeze %dma_start3A_3209 : memref<1x336x128xf32, #tpu.memory_space<hbm>> -> memref<336x128xf32, #tpu.memory_space<hbm>>
    %dma_start3A_3211 = arith.constant 0 : i32
    %dma_start3A_3212 = arith.constant 0 : i32
    %dma_start3A_3213 = tpu.memref_slice %arg5[%arg1, %dma_start3A_3203, %dma_start3A_3211, %dma_start3A_3212] : memref<16x3x336x128xf32, #tpu.memory_space<vmem_shared>> -> memref<1x1x336x128xf32, #tpu.memory_space<vmem_shared>>
    %dma_start3A_3214 = tpu.memref_squeeze %dma_start3A_3213 : memref<1x1x336x128xf32, #tpu.memory_space<vmem_shared>> -> memref<336x128xf32, #tpu.memory_space<vmem_shared>>
    tpu.enqueue_dma source(%dma_start3A_3214 : memref<336x128xf32, #tpu.memory_space<vmem_shared>>) target(%dma_start3A_3210 : memref<336x128xf32, #tpu.memory_space<hbm>>) target_semaphore(%dma_start3A_3206 : memref<!tpu.dma_semaphore, #tpu.memory_space<semaphore_mem>>)
    %mul3A_3215 = arith.constant 2 : i32
    %mul3A_3216 = arith.muli %add3A, %mul3A_3215 : i32
    %add3A_3217 = arith.constant 1 : i32
    %add3A_3218 = arith.addi %mul3A_3216, %add3A_3217 : i32
    %dma_wait3A_3219 = arith.constant 2 : i32
    %dma_wait3A_3220 = arith.constant 2 : i32
    %dma_wait3A_3221 = tpu.memref_slice %arg6[%dma_wait3A_3220] : memref<3x!tpu.dma_semaphore, #tpu.memory_space<semaphore_mem>> -> memref<1x!tpu.dma_semaphore, #tpu.memory_space<semaphore_mem>>
    %dma_wait3A_3222 = tpu.memref_squeeze %dma_wait3A_3221 : memref<1x!tpu.dma_semaphore, #tpu.memory_space<semaphore_mem>> -> memref<!tpu.dma_semaphore, #tpu.memory_space<semaphore_mem>>
    %dma_wait3A_3223 = arith.constant 0 : i32
    %dma_wait3A_3224 = arith.constant 0 : i32
    %dma_wait3A_3225 = tpu.memref_slice %arg5[%arg1, %dma_wait3A_3219, %dma_wait3A_3223, %dma_wait3A_3224] : memref<16x3x336x128xf32, #tpu.memory_space<vmem_shared>> -> memref<1x1x112x128xf32, #tpu.memory_space<vmem_shared>>
    %dma_wait3A_3226 = tpu.memref_squeeze %dma_wait3A_3225 : memref<1x1x112x128xf32, #tpu.memory_space<vmem_shared>> -> memref<112x128xf32, #tpu.memory_space<vmem_shared>>
    %dma_wait3A_3227 = arith.constant 8080 : i32
    %dma_wait3A_3228 = arith.constant 0 : i32
    %dma_wait3A_3229 = tpu.memref_slice %arg2[%add3A_3218, %dma_wait3A_3227, %dma_wait3A_3228] : memref<64x8192x128xf32, #tpu.memory_space<hbm>> -> memref<1x112x128xf32, #tpu.memory_space<hbm>>
    %dma_wait3A_3230 = tpu.memref_squeeze %dma_wait3A_3229 : memref<1x112x128xf32, #tpu.memory_space<hbm>> -> memref<112x128xf32, #tpu.memory_space<hbm>>
    tpu.wait_dma2 semaphore(%dma_wait3A_3222 : memref<!tpu.dma_semaphore, #tpu.memory_space<semaphore_mem>>) src(%dma_wait3A_3230 : memref<112x128xf32, #tpu.memory_space<hbm>>) dst(%dma_wait3A_3226 : memref<112x128xf32, #tpu.memory_space<vmem_shared>>)
    %mul3A_3231 = arith.constant 2 : i32
    %mul3A_3232 = arith.muli %add3A, %mul3A_3231 : i32
    %add3A_3233 = arith.constant 1 : i32
    %add3A_3234 = arith.addi %mul3A_3232, %add3A_3233 : i32
    %dma_start3A_3235 = arith.constant 2 : i32
    %dma_start3A_3236 = arith.constant 2 : i32
    %dma_start3A_3237 = tpu.memref_slice %arg7[%dma_start3A_3236] : memref<3x!tpu.dma_semaphore, #tpu.memory_space<semaphore_mem>> -> memref<1x!tpu.dma_semaphore, #tpu.memory_space<semaphore_mem>>
    %dma_start3A_3238 = tpu.memref_squeeze %dma_start3A_3237 : memref<1x!tpu.dma_semaphore, #tpu.memory_space<semaphore_mem>> -> memref<!tpu.dma_semaphore, #tpu.memory_space<semaphore_mem>>
    %dma_start3A_3239 = arith.constant 8064 : i32
    %dma_start3A_3240 = arith.constant 0 : i32
    %dma_start3A_3241 = tpu.memref_slice %arg4[%add3A_3234, %dma_start3A_3239, %dma_start3A_3240] : memref<64x8192x128xf32, #tpu.memory_space<hbm>> -> memref<1x112x128xf32, #tpu.memory_space<hbm>>
    %dma_start3A_3242 = tpu.memref_squeeze %dma_start3A_3241 : memref<1x112x128xf32, #tpu.memory_space<hbm>> -> memref<112x128xf32, #tpu.memory_space<hbm>>
    %dma_start3A_3243 = arith.constant 0 : i32
    %dma_start3A_3244 = arith.constant 0 : i32
    %dma_start3A_3245 = tpu.memref_slice %arg5[%arg1, %dma_start3A_3235, %dma_start3A_3243, %dma_start3A_3244] : memref<16x3x336x128xf32, #tpu.memory_space<vmem_shared>> -> memref<1x1x112x128xf32, #tpu.memory_space<vmem_shared>>
    %dma_start3A_3246 = tpu.memref_squeeze %dma_start3A_3245 : memref<1x1x112x128xf32, #tpu.memory_space<vmem_shared>> -> memref<112x128xf32, #tpu.memory_space<vmem_shared>>
    tpu.enqueue_dma source(%dma_start3A_3246 : memref<112x128xf32, #tpu.memory_space<vmem_shared>>) target(%dma_start3A_3242 : memref<112x128xf32, #tpu.memory_space<hbm>>) target_semaphore(%dma_start3A_3238 : memref<!tpu.dma_semaphore, #tpu.memory_space<semaphore_mem>>)
    %mul3A_3247 = arith.constant 2 : i32
    %mul3A_3248 = arith.muli %add3A, %mul3A_3247 : i32
    %add3A_3249 = arith.constant 1 : i32
    %add3A_3250 = arith.addi %mul3A_3248, %add3A_3249 : i32
    %dma_wait3A_3251 = arith.constant 0 : i32
    %dma_wait3A_3252 = arith.constant 0 : i32
    %dma_wait3A_3253 = tpu.memref_slice %arg6[%dma_wait3A_3252] : memref<3x!tpu.dma_semaphore, #tpu.memory_space<semaphore_mem>> -> memref<1x!tpu.dma_semaphore, #tpu.memory_space<semaphore_mem>>
    %dma_wait3A_3254 = tpu.memref_squeeze %dma_wait3A_3253 : memref<1x!tpu.dma_semaphore, #tpu.memory_space<semaphore_mem>> -> memref<!tpu.dma_semaphore, #tpu.memory_space<semaphore_mem>>
    %dma_wait3A_3255 = arith.constant 0 : i32
    %dma_wait3A_3256 = arith.constant 0 : i32
    %dma_wait3A_3257 = tpu.memref_slice %arg5[%arg1, %dma_wait3A_3251, %dma_wait3A_3255, %dma_wait3A_3256] : memref<16x3x336x128xf32, #tpu.memory_space<vmem_shared>> -> memref<1x1x16x128xf32, #tpu.memory_space<vmem_shared>>
    %dma_wait3A_3258 = tpu.memref_squeeze %dma_wait3A_3257 : memref<1x1x16x128xf32, #tpu.memory_space<vmem_shared>> -> memref<16x128xf32, #tpu.memory_space<vmem_shared>>
    %dma_wait3A_3259 = arith.constant 0 : i32
    %dma_wait3A_3260 = arith.constant 0 : i32
    %dma_wait3A_3261 = tpu.memref_slice %arg3[%add3A_3250, %dma_wait3A_3259, %dma_wait3A_3260] : memref<64x16x128xf32, #tpu.memory_space<hbm>> -> memref<1x16x128xf32, #tpu.memory_space<hbm>>
    %dma_wait3A_3262 = tpu.memref_squeeze %dma_wait3A_3261 : memref<1x16x128xf32, #tpu.memory_space<hbm>> -> memref<16x128xf32, #tpu.memory_space<hbm>>
    tpu.wait_dma2 semaphore(%dma_wait3A_3254 : memref<!tpu.dma_semaphore, #tpu.memory_space<semaphore_mem>>) src(%dma_wait3A_3262 : memref<16x128xf32, #tpu.memory_space<hbm>>) dst(%dma_wait3A_3258 : memref<16x128xf32, #tpu.memory_space<vmem_shared>>)
    %mul3A_3263 = arith.constant 2 : i32
    %mul3A_3264 = arith.muli %add3A, %mul3A_3263 : i32
    %add3A_3265 = arith.constant 1 : i32
    %add3A_3266 = arith.addi %mul3A_3264, %add3A_3265 : i32
    %dma_start3A_3267 = arith.constant 0 : i32
    %dma_start3A_3268 = arith.constant 0 : i32
    %dma_start3A_3269 = tpu.memref_slice %arg7[%dma_start3A_3268] : memref<3x!tpu.dma_semaphore, #tpu.memory_space<semaphore_mem>> -> memref<1x!tpu.dma_semaphore, #tpu.memory_space<semaphore_mem>>
    %dma_start3A_3270 = tpu.memref_squeeze %dma_start3A_3269 : memref<1x!tpu.dma_semaphore, #tpu.memory_space<semaphore_mem>> -> memref<!tpu.dma_semaphore, #tpu.memory_space<semaphore_mem>>
    %dma_start3A_3271 = arith.constant 8176 : i32
    %dma_start3A_3272 = arith.constant 0 : i32
    %dma_start3A_3273 = tpu.memref_slice %arg4[%add3A_3266, %dma_start3A_3271, %dma_start3A_3272] : memref<64x8192x128xf32, #tpu.memory_space<hbm>> -> memref<1x16x128xf32, #tpu.memory_space<hbm>>
    %dma_start3A_3274 = tpu.memref_squeeze %dma_start3A_3273 : memref<1x16x128xf32, #tpu.memory_space<hbm>> -> memref<16x128xf32, #tpu.memory_space<hbm>>
    %dma_start3A_3275 = arith.constant 0 : i32
    %dma_start3A_3276 = arith.constant 0 : i32
    %dma_start3A_3277 = tpu.memref_slice %arg5[%arg1, %dma_start3A_3267, %dma_start3A_3275, %dma_start3A_3276] : memref<16x3x336x128xf32, #tpu.memory_space<vmem_shared>> -> memref<1x1x16x128xf32, #tpu.memory_space<vmem_shared>>
    %dma_start3A_3278 = tpu.memref_squeeze %dma_start3A_3277 : memref<1x1x16x128xf32, #tpu.memory_space<vmem_shared>> -> memref<16x128xf32, #tpu.memory_space<vmem_shared>>
    tpu.enqueue_dma source(%dma_start3A_3278 : memref<16x128xf32, #tpu.memory_space<vmem_shared>>) target(%dma_start3A_3274 : memref<16x128xf32, #tpu.memory_space<hbm>>) target_semaphore(%dma_start3A_3270 : memref<!tpu.dma_semaphore, #tpu.memory_space<semaphore_mem>>)
    %mul3A_3279 = arith.constant 2 : i32
    %mul3A_3280 = arith.muli %add3A, %mul3A_3279 : i32
    %add3A_3281 = arith.constant 1 : i32
    %add3A_3282 = arith.addi %mul3A_3280, %add3A_3281 : i32
    %dma_wait3A_3283 = arith.constant 1 : i32
    %dma_wait3A_3284 = arith.constant 1 : i32
    %dma_wait3A_3285 = tpu.memref_slice %arg7[%dma_wait3A_3284] : memref<3x!tpu.dma_semaphore, #tpu.memory_space<semaphore_mem>> -> memref<1x!tpu.dma_semaphore, #tpu.memory_space<semaphore_mem>>
    %dma_wait3A_3286 = tpu.memref_squeeze %dma_wait3A_3285 : memref<1x!tpu.dma_semaphore, #tpu.memory_space<semaphore_mem>> -> memref<!tpu.dma_semaphore, #tpu.memory_space<semaphore_mem>>
    %dma_wait3A_3287 = arith.constant 7728 : i32
    %dma_wait3A_3288 = arith.constant 0 : i32
    %dma_wait3A_3289 = tpu.memref_slice %arg4[%add3A_3282, %dma_wait3A_3287, %dma_wait3A_3288] : memref<64x8192x128xf32, #tpu.memory_space<hbm>> -> memref<1x336x128xf32, #tpu.memory_space<hbm>>
    %dma_wait3A_3290 = tpu.memref_squeeze %dma_wait3A_3289 : memref<1x336x128xf32, #tpu.memory_space<hbm>> -> memref<336x128xf32, #tpu.memory_space<hbm>>
    %dma_wait3A_3291 = arith.constant 0 : i32
    %dma_wait3A_3292 = arith.constant 0 : i32
    %dma_wait3A_3293 = tpu.memref_slice %arg5[%arg1, %dma_wait3A_3283, %dma_wait3A_3291, %dma_wait3A_3292] : memref<16x3x336x128xf32, #tpu.memory_space<vmem_shared>> -> memref<1x1x336x128xf32, #tpu.memory_space<vmem_shared>>
    %dma_wait3A_3294 = tpu.memref_squeeze %dma_wait3A_3293 : memref<1x1x336x128xf32, #tpu.memory_space<vmem_shared>> -> memref<336x128xf32, #tpu.memory_space<vmem_shared>>
    tpu.wait_dma2 semaphore(%dma_wait3A_3286 : memref<!tpu.dma_semaphore, #tpu.memory_space<semaphore_mem>>) src(%dma_wait3A_3294 : memref<336x128xf32, #tpu.memory_space<vmem_shared>>) dst(%dma_wait3A_3290 : memref<336x128xf32, #tpu.memory_space<hbm>>)
    %mul3A_3295 = arith.constant 2 : i32
    %mul3A_3296 = arith.muli %add3A, %mul3A_3295 : i32
    %add3A_3297 = arith.constant 1 : i32
    %add3A_3298 = arith.addi %mul3A_3296, %add3A_3297 : i32
    %dma_wait3A_3299 = arith.constant 2 : i32
    %dma_wait3A_3300 = arith.constant 2 : i32
    %dma_wait3A_3301 = tpu.memref_slice %arg7[%dma_wait3A_3300] : memref<3x!tpu.dma_semaphore, #tpu.memory_space<semaphore_mem>> -> memref<1x!tpu.dma_semaphore, #tpu.memory_space<semaphore_mem>>
    %dma_wait3A_3302 = tpu.memref_squeeze %dma_wait3A_3301 : memref<1x!tpu.dma_semaphore, #tpu.memory_space<semaphore_mem>> -> memref<!tpu.dma_semaphore, #tpu.memory_space<semaphore_mem>>
    %dma_wait3A_3303 = arith.constant 8064 : i32
    %dma_wait3A_3304 = arith.constant 0 : i32
    %dma_wait3A_3305 = tpu.memref_slice %arg4[%add3A_3298, %dma_wait3A_3303, %dma_wait3A_3304] : memref<64x8192x128xf32, #tpu.memory_space<hbm>> -> memref<1x112x128xf32, #tpu.memory_space<hbm>>
    %dma_wait3A_3306 = tpu.memref_squeeze %dma_wait3A_3305 : memref<1x112x128xf32, #tpu.memory_space<hbm>> -> memref<112x128xf32, #tpu.memory_space<hbm>>
    %dma_wait3A_3307 = arith.constant 0 : i32
    %dma_wait3A_3308 = arith.constant 0 : i32
    %dma_wait3A_3309 = tpu.memref_slice %arg5[%arg1, %dma_wait3A_3299, %dma_wait3A_3307, %dma_wait3A_3308] : memref<16x3x336x128xf32, #tpu.memory_space<vmem_shared>> -> memref<1x1x112x128xf32, #tpu.memory_space<vmem_shared>>
    %dma_wait3A_3310 = tpu.memref_squeeze %dma_wait3A_3309 : memref<1x1x112x128xf32, #tpu.memory_space<vmem_shared>> -> memref<112x128xf32, #tpu.memory_space<vmem_shared>>
    tpu.wait_dma2 semaphore(%dma_wait3A_3302 : memref<!tpu.dma_semaphore, #tpu.memory_space<semaphore_mem>>) src(%dma_wait3A_3310 : memref<112x128xf32, #tpu.memory_space<vmem_shared>>) dst(%dma_wait3A_3306 : memref<112x128xf32, #tpu.memory_space<hbm>>)
    %mul3A_3311 = arith.constant 2 : i32
    %mul3A_3312 = arith.muli %add3A, %mul3A_3311 : i32
    %add3A_3313 = arith.constant 1 : i32
    %add3A_3314 = arith.addi %mul3A_3312, %add3A_3313 : i32
    %dma_wait3A_3315 = arith.constant 0 : i32
    %dma_wait3A_3316 = arith.constant 0 : i32
    %dma_wait3A_3317 = tpu.memref_slice %arg7[%dma_wait3A_3316] : memref<3x!tpu.dma_semaphore, #tpu.memory_space<semaphore_mem>> -> memref<1x!tpu.dma_semaphore, #tpu.memory_space<semaphore_mem>>
    %dma_wait3A_3318 = tpu.memref_squeeze %dma_wait3A_3317 : memref<1x!tpu.dma_semaphore, #tpu.memory_space<semaphore_mem>> -> memref<!tpu.dma_semaphore, #tpu.memory_space<semaphore_mem>>
    %dma_wait3A_3319 = arith.constant 8176 : i32
    %dma_wait3A_3320 = arith.constant 0 : i32
    %dma_wait3A_3321 = tpu.memref_slice %arg4[%add3A_3314, %dma_wait3A_3319, %dma_wait3A_3320] : memref<64x8192x128xf32, #tpu.memory_space<hbm>> -> memref<1x16x128xf32, #tpu.memory_space<hbm>>
    %dma_wait3A_3322 = tpu.memref_squeeze %dma_wait3A_3321 : memref<1x16x128xf32, #tpu.memory_space<hbm>> -> memref<16x128xf32, #tpu.memory_space<hbm>>
    %dma_wait3A_3323 = arith.constant 0 : i32
    %dma_wait3A_3324 = arith.constant 0 : i32
    %dma_wait3A_3325 = tpu.memref_slice %arg5[%arg1, %dma_wait3A_3315, %dma_wait3A_3323, %dma_wait3A_3324] : memref<16x3x336x128xf32, #tpu.memory_space<vmem_shared>> -> memref<1x1x16x128xf32, #tpu.memory_space<vmem_shared>>
    %dma_wait3A_3326 = tpu.memref_squeeze %dma_wait3A_3325 : memref<1x1x16x128xf32, #tpu.memory_space<vmem_shared>> -> memref<16x128xf32, #tpu.memory_space<vmem_shared>>
    tpu.wait_dma2 semaphore(%dma_wait3A_3318 : memref<!tpu.dma_semaphore, #tpu.memory_space<semaphore_mem>>) src(%dma_wait3A_3326 : memref<16x128xf32, #tpu.memory_space<vmem_shared>>) dst(%dma_wait3A_3322 : memref<16x128xf32, #tpu.memory_space<hbm>>)
    return
  }
}

</mosaic_0001>

<sc_bundles>
// kernel: kernel.3.cloned.1.call-start
scs
__scs_entry_jumppad:
0x0: {  	(pc) =	sbr.rel $0x88, $3  }
0x1: {  	(tag) =	ssettag $0x0;
	lr =	simm.s32 $0x1  }
0x2: {  	[smem:$0x3F9F] =	sst lr;
	_ =	strace $0xD0000000  }
0x3: {  	_ = 	snop  }
0x4: {  	_ = 	snop  }
0x5: {  	_ = 	snop  }
0x6: {  	_ = 	snop  }
0x7: {  	_ = 	snop  }
__scs_overlays_trampoline_lowered:
0x8: {  	[smem:$0x3FAE] =	sst s0  }
0x9: {  	[smem:$0x3FAF] =	sst s1  }
0xa: {  	[smem:$0x3FB0] =	sst s2  }
0xb: {  	[smem:$0x3FB1] =	sst s3  }
0xc: {  	[smem:$0x3FB2] =	sst s4  }
0xd: {  	[smem:$0x3FB3] =	sst s5  }
0xe: {  	[smem:$0x3FB4] =	sst s6  }
0xf: {  	[smem:$0x3FB5] =	sst s7  }
0x10: {  	[smem:$0x3FB6] =	sst s8  }
0x11: {  	[smem:$0x3FB7] =	sst s9;
	s0 =	simm.s32 @!p0 $0x0  }
0x12: {  	s1 =	sld [smem:$0x3F9D];
	s0 =	simm.s32 @p0 $0x1  }
0x13: {  	[smem:$0x3FB8] =	sst s0;
	s0 =	simm.s32 @!p1 $0x0  }
0x14: {  	s2 =	sld [smem:$0x3F9C];
	s0 =	simm.s32 @p1 $0x1  }
0x15: {  	[smem:$0x3FB9] =	sst s0;
	s0 =	simm.s32 @!p2 $0x0  }
0x16: {  	s3 =	sld [smem:$0x3FDB];
	s0 =	simm.s32 @p2 $0x1  }
0x17: {  	s4 =	simm.s32 $0x1BF5;
	[smem:$0x3FBB] =	sst s0  }
0x18: {  	s0 =	sld [smem:$0x3F9E];
	_ =	swait.ge [sflag:s4], $0x0  }
0x19: {  	s7 =	sld [smem:$0x3F9F]  }
0x1a: {  	s8 =	sadd.s32 $0xFFFFE003, lr  }
0x1b: {  	s9 =	sadd.s32 $0xFFFFFEF7, lr;
	s5 =	simm.s32 $0xFFFFFFFF;
	p2 =	slt.u32 s8, $0xFFFFF086  }
0x1c: {  	p1 =	slt.u32 s9, $0xF7A;
	s5 =	simm.s32 @!p2 $0x0  }
0x1d: {  	s5 =	simm.s32 @p1 $0x1;
	p0 =	seq.s32 s7, s2  }
0x1e: {  	s7 =	smul.u32 @!p0 $0xF7A, s2;
	p2 =	seq.s32 @!p0 s5, $0x0  }
0x1f: {  	s9 =	smul.u32 $0xF7A, s1;
	s8 =	simm.s32 @!p0 $0x1BF5;
	p2 =	por !p2, p0  }
0x20: {  	[sflag:s8] =	ssyncset.s32 @!p0 $0xFFFFF086;
	s6 =	sadd.s32 @!p0 s3, s7;
	s7 =	simm.s32 @!p0 $0x108  }
0x21: {  	s3 =	sadd.s32 s3, s9;
	s6 =	sadd.s32 @!p0 $0x88, s6;
	s7 =	simm.s32 @p2 $0x1082  }
0x22: {  	[simem:s7], [sflag:s8] =	dma.local @!p0 [hbm:s6], $0xF7A  }
0x23: {  	s9 =	sor.u32 $0xD0000000, s2;
	s6 =	simm.s32 $0x108;
	_ =	swait.ge @!p0 [sflag:s8], $0x0  }
0x24: {  	s3 =	sadd.s32 $0x88, s3;
	s6 =	simm.s32 @!p1 $0x1082;
	[sflag:s4] =	ssyncset.s32 $0xFFFFF086  }
0x25: {  	[simem:s6], [sflag:s4] =	dma.local [hbm:s3], $0xF7A  }
0x26: {  	[smem:$0x3F9F] =	sst s1;
	(tag) =	ssettag s2;
	_ =	strace s9  }
0x27: {  	s1 =	sld [smem:$0x3FAF]  }
0x28: {  	s2 =	sld [smem:$0x3FB0]  }
0x29: {  	s4 =	sld [smem:$0x3FB2]  }
0x2a: {  	p0 =	seq.s32 s5, $0x0;
	s5 =	sld [smem:$0x3FB3]  }
0x2b: {  	s6 =	sld [smem:$0x3FB4]  }
0x2c: {  	s7 =	sld [smem:$0x3FB5]  }
0x2d: {  	s3 =	simm.s32 $0x108;
	s8 =	sld [smem:$0x3FB6]  }
0x2e: {  	s3 =	simm.s32 @!p0 $0x1082;
	s9 =	sld [smem:$0x3FB7]  }
0x2f: {  	lr =	sadd.s32 s0, s3;
	s0 =	sld [smem:$0x3FAE]  }
0x30: {  	s3 =	sld [smem:$0x3FB1]  }
0x31: {  	[smem:$0x3FBA] =	sst s10  }
0x32: {  	s10 =	sld [smem:$0x3FB8];
	_ =	sdelay $0x3  }
0x33: {  	p0 =	seq.s32 s10, $0x1;
	s10 =	sld [smem:$0x3FBA];
	_ =	sdelay $0x3  }
0x34: {  	[smem:$0x3FBA] =	sst s10  }
0x35: {  	s10 =	sld [smem:$0x3FB9];
	_ =	sdelay $0x3  }
0x36: {  	p1 =	seq.s32 s10, $0x1;
	s10 =	sld [smem:$0x3FBA];
	_ =	sdelay $0x3  }
0x37: {  	[smem:$0x3FBA] =	sst s10  }
0x38: {  	s10 =	sld [smem:$0x3FBB]  }
0x39: {  	_ = 	snop;
	(pc) =	sbr.ind lr, $3  }
0x3a: {  	_ = 	snop  }
0x3b: {  	_ = 	snop  }
0x3c: {  	p2 =	seq.s32 s10, $0x1;
	s10 =	sld [smem:$0x3FBA]  }
0x3d: {  	_ =	shalt  }
0x3e: {  	_ =	shalt  }
0x3f: {  	_ =	shalt  }
0x40: {  	_ =	shalt  }
0x41: {  	_ =	shalt  }
0x42: {  	_ =	shalt  }
0x43: {  	_ =	shalt  }
0x44: {  	_ =	shalt  }
0x45: {  	_ =	shalt  }
0x46: {  	_ =	shalt  }
0x47: {  	_ =	shalt  }
0x48: {  	_ =	shalt  }
0x49: {  	_ =	shalt  }
0x4a: {  	_ =	shalt  }
0x4b: {  	_ =	shalt  }
0x4c: {  	_ =	shalt  }
0x4d: {  	_ =	shalt  }
0x4e: {  	_ =	shalt  }
0x4f: {  	_ =	shalt  }
0x50: {  	_ =	shalt  }
0x51: {  	_ =	shalt  }
0x52: {  	_ =	shalt  }
0x53: {  	_ =	shalt  }
0x54: {  	_ =	shalt  }
0x55: {  	_ =	shalt  }
0x56: {  	_ =	shalt  }
0x57: {  	_ =	shalt  }
0x58: {  	_ =	shalt  }
0x59: {  	_ =	shalt  }
0x5a: {  	_ =	shalt  }
0x5b: {  	_ =	shalt  }
0x5c: {  	_ =	shalt  }
0x5d: {  	_ =	shalt  }
0x5e: {  	_ =	shalt  }
0x5f: {  	_ =	shalt  }
0x60: {  	_ =	shalt  }
0x61: {  	_ =	shalt  }
0x62: {  	_ =	shalt  }
0x63: {  	_ =	shalt  }
0x64: {  	_ =	shalt  }
0x65: {  	_ =	shalt  }
0x66: {  	_ =	shalt  }
0x67: {  	_ =	shalt  }
0x68: {  	_ =	shalt  }
0x69: {  	_ =	shalt  }
0x6a: {  	_ =	shalt  }
0x6b: {  	_ =	shalt  }
0x6c: {  	_ =	shalt  }
0x6d: {  	_ =	shalt  }
0x6e: {  	_ =	shalt  }
0x6f: {  	_ =	shalt  }
0x70: {  	_ =	shalt  }
0x71: {  	_ =	shalt  }
0x72: {  	_ =	shalt  }
0x73: {  	_ =	shalt  }
0x74: {  	_ =	shalt  }
0x75: {  	_ =	shalt  }
0x76: {  	_ =	shalt  }
0x77: {  	_ =	shalt  }
0x78: {  	_ =	shalt  }
0x79: {  	_ =	shalt  }
0x7a: {  	_ =	shalt  }
0x7b: {  	_ =	shalt  }
0x7c: {  	_ =	shalt  }
0x7d: {  	_ =	shalt  }
0x7e: {  	_ =	shalt  }
0x7f: {  	_ =	shalt  }
0x80: {  	_ =	shalt  }
0x81: {  	_ =	shalt  }
0x82: {  	_ =	shalt  }
0x83: {  	_ =	shalt  }
0x84: {  	_ =	shalt  }
0x85: {  	_ =	shalt  }
0x86: {  	_ =	shalt  }
0x87: {  	_ =	shalt  }
.Lfunc_end0:
.L_simem_size_0:
called_computation_lowered:
.L_overlay_start_0:
0x88: {  	s2 =	sld [smem:$0x3FD9]  }
0x89: {  	s3 =	sld [smem:$0x3FFE];
	_ =	sdelay $0x1  }
0x8a: {  	s1 =	srdreg.scid  }
0x8b: {  	s0 =	sand.u32 $0x1, s1  }
0x8c: {  	s18 =	sshll.u32 s0, $0xA;
	s2 =	sadd.s32 s3, s2  }
0x8d: {  	s2 =	sadd.s32 s2, s18  }
0x8e: {  	[smem:$0x3FC6] =	sst s2  }
0x8f: {  	_ = 	snop  }
0x90: {  	s2 =	sld [smem:$0x3FC9]  }
0x91: {  	s19 =	sld [smem:$0x3FC8]  }
0x92: {  	s4 =	sld [smem:$0x3FD0];
	(tm) =	ssettm $0x1  }
0x93: {  	s5 =	sld [smem:$0x3FFB];
	_ =	sdelay $0x3  }
0x94: {  	_ =	strace s5  }
0x95: {  	s5 =	sld [smem:$0x3FFC];
	_ =	sdelay $0x3  }
0x96: {  	_ =	strace s5  }
0x97: {  	s5 =	sld [smem:$0x3FFD];
	_ =	sdelay $0x3  }
0x98: {  	_ =	strace s5  }
0x99: {  	_ =	strace $0x8FFFFFFF  }
0x9a: {  	s20 =	sld [smem:$0x3FDB];
	_ =	sdelay $0x1  }
0x9b: {  	s6 =	simm.s32 $_scs_section_size  }
0x9c: {  	s7 =	simm.s32 $_size__tile_overlayer_lowered;
	s8 =	simm.s32 $_tile_overlayer_lowered  }
0x9d: {  	s23 =	simm.s32 $0x1BFF;
	s22 =	sshll.u32 s8, $0x1;
	s5 =	sadd.s32 s6, s20  }
0x9e: {  	s9 =	simm.s32 $0x0;
	s21 =	sshll.u32 s7, $0x1;
	s7 =	sadd.s32 s22, s5  }
0x9f: {  	[timem:s9], [sflag:s23] =	dma.local [hbm:s7], s21  }
0xa0: {  	_ =	swait.ge [sflag:s23], s21  }
0xa1: {  	s6 =	ssub.s32 $0x0, s21;
	[sflag:s23] =	ssyncset.done $0x0  }
0xa2: {  	[sflag:s23] =	ssyncadd.s32 s6;
	_ =	sdelay $0x1  }
0xa3: {  	s24 =	simm.s32 $0x1B8B  }
0xa4: {  	_ =	swait.ge [sflag:s24], $0x1  }
0xa5: {  	[sflag:s24] =	ssyncset.done $0x0  }
0xa6: {  	s25 =	simm.s32 $0x1B8E;
	[sflag:s24] =	ssyncadd.s32 $0xFFFFFFFF  }
0xa7: {  	s26 =	simm.s32 $execute0_lowered;
	[smem:$0x3FD2] =	sst s25  }
0xa8: {  	s6 =	sshll.u32 s26, $0x1;
	_ =	strace $0x80000046;
	[dreg:$0x1] =	wrdreg $0xFFFFFFFF  }
0xa9: {  	s28 =	simm.s32 $_size_execute0_lowered;
	s5 =	sadd.s32 s5, s6;
	[dreg:$0x0] =	wrdreg $0x0  }
0xaa: {  	s6 =	sshll.u32 s28, $0x1;
	[dreg:$0x2] =	wrdreg s5  }
0xab: {  	[dreg:$0x3] =	wrdreg s6  }
0xac: {  	[dreg:$0x4] =	wrdreg $0xC0  }
0xad: {  	_ =	task [dreg:s9], $0x5FFFF  }
0xae: {  	[dreg:$0x1] =	wrdreg $0xFFFFFFFF  }
0xaf: {  	[dreg:$0x0] =	wrdreg $0x60  }
0xb0: {  	[dreg:$0x2] =	wrdreg s2  }
0xb1: {  	[dreg:$0x3] =	wrdreg s19  }
0xb2: {  	[dreg:$0x4] =	wrdreg s4  }
0xb3: {  	[dreg:$0x5] =	wrdreg $0x0  }
0xb4: {  	[dreg:$0x6] =	wrdreg $0x9  }
0xb5: {  	_ =	task.clear_ibuf [dreg:s9], $0x7FFFF;
	_ =	strace $0x90000046  }
0xb6: {  	s29 =	simm.s32 $0x9;
	_ =	strace $0x80000048  }
0xb7: {  	_ =	swait.ge [sflag:s29], $0x1  }
0xb8: {  	[sflag:s29] =	ssyncadd.s32 $0xFFFFFFFF  }
0xb9: {  	_ =	strace $0x90000048  }
0xba: {  	_ =	sfence  }
0xbb: {  	s30 =	sld [smem:$0x0];
	_ =	sdelay $0x2  }
0xbc: {  	s31 =	sshll.u32 s1, $0xD;
	s1 =	sshrl.u32 s1, $0x2  }
0xbd: {  	s3 =	sand.u32 $0x4000, s31;
	s1 =	sadd.s32 s1, s30  }
0xbe: {  	s0 =	sor.u32 s3, s0;
	s1 =	sshll.u32 s1, $0x11  }
0xbf: {  	s0 =	sor.u32 s1, s0  }
0xc0: {  	s0 =	sadd.s32 $0x8F2B, s0  }
0xc1: {  	[sflag:s0] =	ssyncadd.remote.s32 $0x1  }
0xc2: {  	_ =	sfence.sel $0xFFFF  }
0xc3: {  	[dreg:$0x0] =	wrdreg $0xFFFFFFFF;
	(pc) =	sbr.abs _section_cstart, $3  }
0xc4: {  	[dreg:$0x1] =	wrdreg $0xFFFFFFFF  }
0xc5: {  	_ =	task.clear_ibuf [dreg:s9], $0x2FFFF;
	_ =	strace $0x9FFFFFFF  }
0xc6: {  	(tm) =	ssettm $0x7FFFFFFF  }
0xc7: {  	_ =	shalt  }
tec
execute0_lowered:
.L_overlay_start_1:
0x0: {  	(tag) =	ssettag $0x1  }
0x1: {  	s14 =	rddreg [dreg:$0x0]  }
0x2: {  	s6 =	rddreg [dreg:$0x1]  }
0x3: {  	s0 =	srdreg.scid;
	s4 =	rddreg [dreg:$0x2];
	s2 =	simm.s32 $0x0  }
0x4: {  	s0 =	sand.u32 $0x1, s0;
	[smem:$0x7FF] =	sst s2  }
0x5: {  	s10 =	sadd.s32 $0x1600, s14;
	[smem:$0x7F6] =	sst s0  }
0x6: {  	s12 =	sadd.s32 $0x2B00, s14;
	_ =	strace $0x80000047;
	[smem:$0x7BF] =	sst s10  }
0x7: {  	s17 =	sadd.s32 $0x4000, s14;
	[smem:$0x7C2] =	sst s12  }
0x8: {  	s19 =	sadd.s32 $0x1500, s4;
	[smem:$0x7C5] =	sst s17  }
0x9: {  	s1 =	stileid.u32;
	s21 =	sadd.s32 $0x5500, s14;
	[smem:$0x7C7] =	sst s19  }
0xa: {  	s1 =	sshll.u32 s1, $0x1;
	s23 =	sadd.s32 $0x2A00, s4;
	[smem:$0x7C9] =	sst s21  }
0xb: {  	s3 =	sadd.s32 $0x100, s14;
	s25 =	sadd.s32 $0x6A00, s14;
	[smem:$0x7CB] =	sst s23  }
0xc: {  	s28 =	sadd.s32 $0x3F00, s4;
	s0 =	sshll.u32 s0, $0x5;
	[smem:$0x7CD] =	sst s25  }
0xd: {  	s30 =	sadd.s32 $0x7F00, s14;
	s16 =	sor.u32 s1, s0;
	[smem:$0x7CF] =	sst s28  }
0xe: {  	s7 =	sadd.s32 $0x5400, s4;
	[smem:$0x7D1] =	sst s30;
	s5 =	sshll.u32 s16, $0x11  }
0xf: {  	[smem:$0x7D3] =	sst s7;
	s9 =	sadd.s32 s5, s3  }
0x10: {  	s11 =	sadd.s32 s5, s10;
	[dreg:$0x5] =	wrdreg s9  }
0x11: {  	s13 =	sadd.s32 s5, s12;
	[dreg:$0x6] =	wrdreg s11  }
0x12: {  	s15 =	sadd.s32 s4, s5;
	[dreg:$0x7] =	wrdreg s13  }
0x13: {  	s18 =	sadd.s32 s5, s17;
	[dreg:$0x8] =	wrdreg s15  }
0x14: {  	s20 =	sadd.s32 s5, s19;
	[dreg:$0x9] =	wrdreg s18  }
0x15: {  	s22 =	sadd.s32 s5, s21;
	[dreg:$0xa] =	wrdreg s20  }
0x16: {  	s24 =	sadd.s32 s5, s23;
	[dreg:$0xb] =	wrdreg s22  }
0x17: {  	s26 =	sadd.s32 s5, s25;
	[dreg:$0xc] =	wrdreg s24  }
0x18: {  	s29 =	sadd.s32 s5, s28;
	[dreg:$0xd] =	wrdreg s26  }
0x19: {  	s2 =	sadd.s32 s5, s30;
	[dreg:$0xe] =	wrdreg s29  }
0x1a: {  	s8 =	sadd.s32 s5, s7;
	[dreg:$0xf] =	wrdreg s2  }
0x1b: {  	s17 =	sadd.s32 $0x7E00, s4;
	[dreg:$0x10] =	wrdreg s8  }
0x1c: {  	s19 =	sadd.s32 $0xBE00, s14;
	[smem:$0x7DB] =	sst s17  }
0x1d: {  	s21 =	sadd.s32 $0x9300, s4;
	[smem:$0x7DD] =	sst s19  }
0x1e: {  	s23 =	sadd.s32 $0xD300, s14;
	[smem:$0x7DF] =	sst s21  }
0x1f: {  	s25 =	sadd.s32 $0xA800, s4;
	[smem:$0x7E1] =	sst s23  }
0x20: {  	s28 =	sadd.s32 $0xE800, s14;
	[smem:$0x7E3] =	sst s25  }
0x21: {  	s30 =	sadd.s32 $0xBD00, s4;
	[smem:$0x7E5] =	sst s28  }
0x22: {  	s7 =	sadd.s32 $0xFD00, s14;
	[smem:$0x7E7] =	sst s30  }
0x23: {  	s9 =	sadd.s32 $0x9400, s14;
	[smem:$0x7E9] =	sst s7  }
0x24: {  	s11 =	sadd.s32 $0x6900, s4;
	[smem:$0x7D5] =	sst s9  }
0x25: {  	s13 =	sadd.s32 $0xA900, s14;
	[smem:$0x7D7] =	sst s11  }
0x26: {  	s18 =	sadd.s32 s5, s17;
	[smem:$0x7D9] =	sst s13  }
0x27: {  	s20 =	sadd.s32 s5, s19;
	[dreg:$0x14] =	wrdreg s18  }
0x28: {  	s22 =	sadd.s32 s5, s21;
	[dreg:$0x15] =	wrdreg s20  }
0x29: {  	s24 =	sadd.s32 s5, s23;
	[dreg:$0x16] =	wrdreg s22  }
0x2a: {  	s26 =	sadd.s32 s5, s25;
	[dreg:$0x17] =	wrdreg s24  }
0x2b: {  	s29 =	sadd.s32 s5, s28;
	[dreg:$0x18] =	wrdreg s26  }
0x2c: {  	s2 =	sadd.s32 s5, s30;
	[dreg:$0x19] =	wrdreg s29  }
0x2d: {  	s8 =	sadd.s32 s5, s7;
	[dreg:$0x1a] =	wrdreg s2  }
0x2e: {  	s10 =	sadd.s32 s5, s9;
	[dreg:$0x1b] =	wrdreg s8  }
0x2f: {  	s12 =	sadd.s32 s5, s11;
	[dreg:$0x11] =	wrdreg s10  }
0x30: {  	s15 =	sadd.s32 s5, s13;
	[dreg:$0x12] =	wrdreg s12  }
0x31: {  	s9 =	sadd.s32 $0xD200, s4;
	[dreg:$0x13] =	wrdreg s15  }
0x32: {  	s31 =	sadd.s32 $0xE700, s4;
	s11 =	sadd.s32 $0x11200, s14;
	[smem:$0x7EB] =	sst s9  }
0x33: {  	s28 =	sadd.s32 $0x13C00, s14;
	s13 =	sadd.s32 s5, s31;
	[smem:$0x7ED] =	sst s11  }
0x34: {  	s18 =	sadd.s32 s5, s28;
	[dreg:$0x1e] =	wrdreg s13  }
0x35: {  	s30 =	sadd.s32 $0x12700, s14;
	s10 =	sadd.s32 s5, s9;
	[smem:$0x7A7] =	sst s18  }
0x36: {  	s29 =	sadd.s32 $0xFC00, s4;
	s12 =	sadd.s32 s5, s11;
	[dreg:$0x1c] =	wrdreg s10  }
0x37: {  	s20 =	sadd.s32 $0x11100, s4;
	s15 =	sadd.s32 s5, s30;
	[dreg:$0x1d] =	wrdreg s12  }
0x38: {  	s2 =	sadd.s32 $0x12600, s4;
	s17 =	sadd.s32 s5, s29;
	[dreg:$0x1f] =	wrdreg s15  }
0x39: {  	s19 =	sadd.s32 s5, s20;
	s18 =	sadd.s32 $0x15100, s14;
	[smem:$0x7A6] =	sst s17  }
0x3a: {  	s22 =	sadd.s32 s5, s2;
	s13 =	sadd.s32 $0x18F00, s4;
	[smem:$0x7A8] =	sst s19  }
0x3b: {  	s21 =	sadd.s32 s5, s18;
	s15 =	sadd.s32 $0x16600, s14;
	[smem:$0x7AA] =	sst s22  }
0x3c: {  	s22 =	sadd.s32 $0x17B00, s14;
	s11 =	sadd.s32 s5, s13;
	[smem:$0x7A9] =	sst s21  }
0x3d: {  	s19 =	sadd.s32 $0x17A00, s4;
	s23 =	sadd.s32 s5, s15;
	[smem:$0x7B4] =	sst s11  }
0x3e: {  	s17 =	sadd.s32 $0x1BA00, s14;
	s25 =	sadd.s32 s5, s22;
	[smem:$0x7AB] =	sst s23  }
0x3f: {  	s12 =	sadd.s32 $0x1CF00, s14;
	s9 =	sadd.s32 s5, s19;
	[smem:$0x7AD] =	sst s25  }
0x40: {  	s21 =	sadd.s32 $0x13B00, s4;
	s10 =	sadd.s32 s5, s17;
	[smem:$0x7B2] =	sst s9  }
0x41: {  	s24 =	sadd.s32 s5, s21;
	s23 =	sadd.s32 $0x15000, s4;
	[smem:$0x7B3] =	sst s10  }
0x42: {  	s25 =	sadd.s32 $0x16500, s4;
	[smem:$0x7AC] =	sst s24;
	s26 =	sadd.s32 s5, s23  }
0x43: {  	s24 =	sadd.s32 $0x19000, s14;
	s7 =	sadd.s32 s5, s25;
	[smem:$0x7AE] =	sst s26  }
0x44: {  	s11 =	sadd.s32 $0x1A400, s4;
	s1 =	sadd.s32 s5, s24;
	[smem:$0x7B0] =	sst s7  }
0x45: {  	s26 =	sadd.s32 $0x1A500, s14;
	s7 =	sadd.s32 s5, s11;
	[smem:$0x7AF] =	sst s1  }
0x46: {  	s10 =	sadd.s32 $0x1E400, s14;
	s8 =	sadd.s32 s5, s26;
	[smem:$0x7B6] =	sst s7  }
0x47: {  	s14 =	sadd.s32 $0x1F900, s14;
	s1 =	sadd.s32 s5, s12;
	[smem:$0x7B1] =	sst s8  }
0x48: {  	s7 =	sadd.s32 s5, s14;
	[smem:$0x7B5] =	sst s1  }
0x49: {  	s9 =	sadd.s32 $0x1B900, s4;
	s8 =	sadd.s32 s5, s10;
	[smem:$0x7B9] =	sst s7  }
0x4a: {  	s1 =	sadd.s32 s5, s9;
	[smem:$0x7B7] =	sst s8  }
0x4b: {  	s7 =	sshll.u32 s16, $0x8;
	[smem:$0x7B8] =	sst s1  }
0x4c: {  	s8 =	sadd.s32 $0x1CE00, s4;
	s0 =	sadd.s32 s6, s7;
	s6 =	sor.u32 $0x1, s16  }
0x4d: {  	s7 =	sadd.s32 $0x1E300, s4;
	s1 =	sadd.s32 s5, s8;
	[smem:$0x7BB] =	sst s0  }
0x4e: {  	s16 =	sadd.s32 s5, s7;
	s0 =	sshll.u32 s6, $0x11;
	[smem:$0x7BA] =	sst s1  }
0x4f: {  	[smem:$0x7BC] =	sst s16;
	s16 =	sadd.s32 s0, s3;
	s3 =	sadd.s32 $0x1F800, s4  }
0x50: {  	[smem:$0x7BD] =	sst s16;
	s16 =	sadd.s32 s5, s3  }
0x51: {  	[smem:$0x7BE] =	sst s16  }
0x52: {  	s1 =	sadd.s32 $0x1FF00, s4;
	s4 =	sadd.s32 s4, s0;
	s16 =	sld [smem:$0x7BF]  }
0x53: {  	s29 =	sadd.s32 s0, s29;
	[smem:$0x7C4] =	sst s4  }
0x54: {  	s2 =	sadd.s32 s0, s2;
	[smem:$0x7F1] =	sst s29  }
0x55: {  	[smem:$0x7F5] =	sst s2;
	s16 =	sadd.s32 s0, s16  }
0x56: {  	[smem:$0x7C0] =	sst s16  }
0x57: {  	s23 =	sadd.s32 s0, s23;
	s16 =	sld [smem:$0x7C2]  }
0x58: {  	s5 =	sadd.s32 s5, s1;
	[smem:$0x7FA] =	sst s23  }
0x59: {  	[smem:$0x7C1] =	sst s5  }
0x5a: {  	s5 =	sadd.s32 s0, s16;
	s16 =	sld [smem:$0x7C5]  }
0x5b: {  	[smem:$0x7C3] =	sst s5  }
0x5c: {  	s5 =	sld [smem:$0x7C7]  }
0x5d: {  	s4 =	sadd.s32 s0, s16;
	s16 =	sld [smem:$0x7C9]  }
0x5e: {  	[smem:$0x7C6] =	sst s4  }
0x5f: {  	s4 =	sadd.s32 s0, s5;
	s5 =	sld [smem:$0x7CB]  }
0x60: {  	[smem:$0x7C8] =	sst s4  }
0x61: {  	s4 =	sadd.s32 s0, s16;
	s16 =	sld [smem:$0x7CD]  }
0x62: {  	[smem:$0x7CA] =	sst s4  }
0x63: {  	s4 =	sadd.s32 s0, s5;
	s5 =	sld [smem:$0x7CF]  }
0x64: {  	[smem:$0x7CC] =	sst s4  }
0x65: {  	s4 =	sadd.s32 s0, s16;
	s16 =	sld [smem:$0x7D1]  }
0x66: {  	[smem:$0x7CE] =	sst s4  }
0x67: {  	s4 =	sadd.s32 s0, s5;
	s5 =	sld [smem:$0x7D3]  }
0x68: {  	[smem:$0x7D0] =	sst s4  }
0x69: {  	s4 =	sadd.s32 s0, s16;
	s16 =	sld [smem:$0x7D5]  }
0x6a: {  	[smem:$0x7D2] =	sst s4  }
0x6b: {  	s4 =	sadd.s32 s0, s5;
	s5 =	sld [smem:$0x7D7]  }
0x6c: {  	[smem:$0x7D4] =	sst s4  }
0x6d: {  	s4 =	sadd.s32 s0, s16;
	s16 =	sld [smem:$0x7D9]  }
0x6e: {  	[smem:$0x7D6] =	sst s4  }
0x6f: {  	s4 =	sadd.s32 s0, s5;
	s5 =	sld [smem:$0x7DB]  }
0x70: {  	[smem:$0x7D8] =	sst s4  }
0x71: {  	s4 =	sadd.s32 s0, s16;
	s16 =	sld [smem:$0x7DD]  }
0x72: {  	[smem:$0x7DA] =	sst s4  }
0x73: {  	s4 =	sadd.s32 s0, s5;
	s5 =	sld [smem:$0x7DF]  }
0x74: {  	[smem:$0x7DC] =	sst s4  }
0x75: {  	s4 =	sadd.s32 s0, s16;
	s16 =	sld [smem:$0x7E1]  }
0x76: {  	[smem:$0x7DE] =	sst s4  }
0x77: {  	s4 =	sadd.s32 s0, s5;
	s5 =	sld [smem:$0x7E3]  }
0x78: {  	[smem:$0x7E0] =	sst s4  }
0x79: {  	s4 =	sadd.s32 s0, s16;
	s16 =	sld [smem:$0x7E5]  }
0x7a: {  	[smem:$0x7E2] =	sst s4  }
0x7b: {  	s4 =	sadd.s32 s0, s5;
	s5 =	sld [smem:$0x7E7]  }
0x7c: {  	[smem:$0x7E4] =	sst s4  }
0x7d: {  	s4 =	sadd.s32 s0, s16;
	s16 =	sld [smem:$0x7E9]  }
0x7e: {  	[smem:$0x7E6] =	sst s4  }
0x7f: {  	s4 =	sadd.s32 s0, s5;
	s5 =	sld [smem:$0x7EB]  }
0x80: {  	[smem:$0x7E8] =	sst s4  }
0x81: {  	s4 =	sadd.s32 s0, s16;
	s16 =	sld [smem:$0x7ED]  }
0x82: {  	[smem:$0x7EA] =	sst s4;
	s4 =	sadd.s32 s0, s5  }
0x83: {  	s5 =	sadd.s32 s0, s31;
	[smem:$0x7EC] =	sst s4  }
0x84: {  	[smem:$0x7EF] =	sst s5;
	s5 =	sadd.s32 s0, s20  }
0x85: {  	s20 =	sadd.s32 s0, s15;
	[smem:$0x7F3] =	sst s5  }
0x86: {  	s4 =	sadd.s32 s0, s16;
	[smem:$0x7F7] =	sst s20  }
0x87: {  	s16 =	sadd.s32 s0, s30;
	[smem:$0x7EE] =	sst s4  }
0x88: {  	s30 =	sadd.s32 s0, s28;
	[smem:$0x7F0] =	sst s16  }
0x89: {  	p0 =	por $0x0, $0x0;
	[smem:$0x7F2] =	sst s30  }
0x8a: {  	s5 =	sadd.s32 s0, s25;
	s16 =	sadd.s32 s0, s18;
	s18 =	sld [smem:$0x7F6]  }
0x8b: {  	s23 =	sadd.s32 s0, s17;
	s17 =	sshll.u32 s6, $0x8;
	[smem:$0x7FC] =	sst s5  }
0x8c: {  	s6 =	simm.s32 $0x5;
	[smem:$0x7F4] =	sst s16;
	s16 =	stileid.u32  }
0x8d: {  	s5 =	sadd.s32 s0, s3;
	s30 =	smul.u32 $0x7E000, s16;
	s31 =	sshll.u32 s16, $0x6  }
0x8e: {  	s16 =	sadd.s32 s0, s26;
	s26 =	rddreg [dreg:$0x1];
	s2 =	ssub.s32 $0x2, s18  }
0x8f: {  	s18 =	sadd.s32 s0, s21;
	s21 =	sadd.s32 s0, s22;
	s22 =	rddreg [dreg:$0x3]  }
0x90: {  	s4 =	sadd.s32 s0, s1;
	s3 =	simm.s32 $0x4;
	[smem:$0x7FD] =	sst s16  }
0x91: {  	s16 =	sadd.s32 s0, s14;
	s29 =	sshrl.u32 s2, $0x1;
	[smem:$0x7F8] =	sst s18  }
0x92: {  	s20 =	sshrl.u32 s30, $0x2;
	[smem:$0x7F9] =	sst s21;
	s30 =	sadd.s32 s0, s24  }
0x93: {  	s24 =	sadd.s32 s0, s19;
	s21 =	sadd.s32 s0, s12;
	s19 =	sadd.s32 s0, s10  }
0x94: {  	s18 =	sadd.s32 s0, s9;
	s10 =	simm.s32 $0x6;
	s28 =	ssub.s32 s2, s29  }
0x95: {  	s29 =	sadd.s32 s20, s22;
	[smem:$0x7FB] =	sst s30;
	s30 =	smax.u32 s28, $0x1  }
0x96: {  	s2 =	sor.u32 $0x1C01, s31;
	s22 =	sadd.s32 s0, s13;
	p1 =	sne.s32 s30, $0x1  }
.Ltmp0:
0x97: {  	s20 =	sadd.s32 s0, s11;
	s13 =	sadd.s32 s0, s8;
	(pc) =	sbr.rel @!p1 .LBB2_5-.Ltmp0, $4  }
0x98: {  	s11 =	sadd.s32 s26, s17;
	s8 =	sadd.s32 s0, s7;
	s7 =	simm.s32 $0x1  }
0x99: {  	s17 =	simm.s32 $0x2;
	s0 =	rddreg [dreg:$0x5];
	s15 =	sadd.s32 $0xA800, s29  }
0x9a: {  	s25 =	sadd.s32 $0x15000, s29;
	s14 =	sshrl.u32 s29, $0x3;
	s12 =	sshrl.u32 s15, $0x3  }
0x9b: {  	s9 =	sshrl.u32 s25, $0x3;
	s15 =	simm.s32 $0x3;
	s1 =	sadd.s32 $0xFFFFFFFF, s30  }
0x9c: {  	[spmem:s14], [sflag:s2] =	dma.local [hbm:s0], $0x1500  }
0x9d: {  	s26 =	sor.u32 $0x1C02, s31;
	s0 =	rddreg [dreg:$0x6]  }
0x9e: {  	[spmem:s12], [sflag:s26] =	dma.local [hbm:s0], $0x1500  }
0x9f: {  	s28 =	sor.u32 $0x1C03, s31;
	s0 =	rddreg [dreg:$0x7]  }
0xa0: {  	[spmem:s9], [sflag:s28] =	dma.local [hbm:s0], $0x1500  }
0xa1: {  	_ =	swait.ge [sflag:s7], $0x1500  }
0xa2: {  	[sflag:s7] =	ssyncset.done $0x0  }
0xa3: {  	s29 =	sor.u32 $0x1C04, s31;
	s25 =	rddreg [dreg:$0x8];
	[sflag:s7] =	ssyncadd.s32 $0xFFFFEB00  }
0xa4: {  	[hbm:s25], [sflag:s29] =	dma.local [spmem:s14], $0x1500  }
0xa5: {  	_ =	swait.ge [sflag:s3], $0x1500  }
0xa6: {  	[sflag:s3] =	ssyncset.done $0x0  }
0xa7: {  	s25 =	rddreg [dreg:$0x9];
	[sflag:s3] =	ssyncadd.s32 $0xFFFFEB00  }
0xa8: {  	[spmem:s14], [sflag:s2] =	dma.local [hbm:s25], $0x1500  }
0xa9: {  	_ =	swait.ge [sflag:s17], $0x1500  }
0xaa: {  	[sflag:s17] =	ssyncset.done $0x0  }
0xab: {  	s30 =	sor.u32 $0x1C05, s31;
	s25 =	rddreg [dreg:$0xa];
	[sflag:s17] =	ssyncadd.s32 $0xFFFFEB00  }
0xac: {  	[hbm:s25], [sflag:s30] =	dma.local [spmem:s12], $0x1500  }
0xad: {  	_ =	swait.ge [sflag:s6], $0x1500  }
0xae: {  	[sflag:s6] =	ssyncset.done $0x0  }
0xaf: {  	s25 =	rddreg [dreg:$0xb];
	[sflag:s6] =	ssyncadd.s32 $0xFFFFEB00  }
0xb0: {  	[spmem:s12], [sflag:s26] =	dma.local [hbm:s25], $0x1500  }
0xb1: {  	_ =	swait.ge [sflag:s15], $0x1500  }
0xb2: {  	s25 =	smov.u32 s31;
	[sflag:s15] =	ssyncset.done $0x0  }
0xb3: {  	s31 =	sor.u32 $0x1C06, s31;
	s0 =	rddreg [dreg:$0xc];
	[sflag:s15] =	ssyncadd.s32 $0xFFFFEB00  }
0xb4: {  	[hbm:s0], [sflag:s31] =	dma.local [spmem:s9], $0x1500  }
0xb5: {  	_ =	swait.ge [sflag:s10], $0x1500  }
0xb6: {  	[sflag:s10] =	ssyncset.done $0x0  }
0xb7: {  	s0 =	rddreg [dreg:$0xd];
	[sflag:s10] =	ssyncadd.s32 $0xFFFFEB00  }
0xb8: {  	[spmem:s9], [sflag:s28] =	dma.local [hbm:s0], $0x1500  }
0xb9: {  	_ =	swait.ge [sflag:s7], $0x1500  }
0xba: {  	[sflag:s7] =	ssyncset.done $0x0  }
0xbb: {  	s0 =	rddreg [dreg:$0xe];
	[sflag:s7] =	ssyncadd.s32 $0xFFFFEB00  }
0xbc: {  	[hbm:s0], [sflag:s29] =	dma.local [spmem:s14], $0x1500  }
0xbd: {  	_ =	swait.ge [sflag:s3], $0x1500  }
0xbe: {  	[sflag:s3] =	ssyncset.done $0x0  }
0xbf: {  	s0 =	rddreg [dreg:$0xf];
	[sflag:s3] =	ssyncadd.s32 $0xFFFFEB00  }
0xc0: {  	[spmem:s14], [sflag:s2] =	dma.local [hbm:s0], $0x1500  }
0xc1: {  	_ =	swait.ge [sflag:s17], $0x1500  }
0xc2: {  	[sflag:s17] =	ssyncset.done $0x0  }
0xc3: {  	s0 =	rddreg [dreg:$0x10];
	[sflag:s17] =	ssyncadd.s32 $0xFFFFEB00  }
0xc4: {  	[hbm:s0], [sflag:s30] =	dma.local [spmem:s12], $0x1500  }
0xc5: {  	_ =	swait.ge [sflag:s6], $0x1500  }
0xc6: {  	[sflag:s6] =	ssyncset.done $0x0  }
0xc7: {  	s0 =	rddreg [dreg:$0x11];
	[sflag:s6] =	ssyncadd.s32 $0xFFFFEB00  }
0xc8: {  	[spmem:s12], [sflag:s26] =	dma.local [hbm:s0], $0x1500  }
0xc9: {  	_ =	swait.ge [sflag:s15], $0x1500  }
0xca: {  	[sflag:s15] =	ssyncset.done $0x0  }
0xcb: {  	s0 =	rddreg [dreg:$0x12];
	[sflag:s15] =	ssyncadd.s32 $0xFFFFEB00  }
0xcc: {  	[hbm:s0], [sflag:s31] =	dma.local [spmem:s9], $0x1500  }
0xcd: {  	_ =	swait.ge [sflag:s10], $0x1500  }
0xce: {  	[sflag:s10] =	ssyncset.done $0x0  }
0xcf: {  	s0 =	rddreg [dreg:$0x13];
	[sflag:s10] =	ssyncadd.s32 $0xFFFFEB00  }
0xd0: {  	[spmem:s9], [sflag:s28] =	dma.local [hbm:s0], $0x1500  }
0xd1: {  	_ =	swait.ge [sflag:s7], $0x1500  }
0xd2: {  	[sflag:s7] =	ssyncset.done $0x0  }
0xd3: {  	s0 =	rddreg [dreg:$0x14];
	[sflag:s7] =	ssyncadd.s32 $0xFFFFEB00  }
0xd4: {  	[hbm:s0], [sflag:s29] =	dma.local [spmem:s14], $0x1500  }
0xd5: {  	_ =	swait.ge [sflag:s3], $0x1500  }
0xd6: {  	[sflag:s3] =	ssyncset.done $0x0  }
0xd7: {  	s0 =	rddreg [dreg:$0x15];
	[sflag:s3] =	ssyncadd.s32 $0xFFFFEB00  }
0xd8: {  	[spmem:s14], [sflag:s2] =	dma.local [hbm:s0], $0x1500  }
0xd9: {  	_ =	swait.ge [sflag:s17], $0x1500  }
0xda: {  	[sflag:s17] =	ssyncset.done $0x0  }
0xdb: {  	s0 =	rddreg [dreg:$0x16];
	[sflag:s17] =	ssyncadd.s32 $0xFFFFEB00  }
0xdc: {  	[hbm:s0], [sflag:s30] =	dma.local [spmem:s12], $0x1500  }
0xdd: {  	_ =	swait.ge [sflag:s6], $0x1500  }
0xde: {  	[sflag:s6] =	ssyncset.done $0x0  }
0xdf: {  	s0 =	rddreg [dreg:$0x17];
	[sflag:s6] =	ssyncadd.s32 $0xFFFFEB00  }
0xe0: {  	[spmem:s12], [sflag:s26] =	dma.local [hbm:s0], $0x1500  }
0xe1: {  	_ =	swait.ge [sflag:s15], $0x1500  }
0xe2: {  	[sflag:s15] =	ssyncset.done $0x0  }
0xe3: {  	s0 =	rddreg [dreg:$0x18];
	[sflag:s15] =	ssyncadd.s32 $0xFFFFEB00  }
0xe4: {  	[hbm:s0], [sflag:s31] =	dma.local [spmem:s9], $0x1500  }
0xe5: {  	_ =	swait.ge [sflag:s10], $0x1500  }
0xe6: {  	[sflag:s10] =	ssyncset.done $0x0  }
0xe7: {  	s0 =	rddreg [dreg:$0x19];
	[sflag:s10] =	ssyncadd.s32 $0xFFFFEB00  }
0xe8: {  	[spmem:s9], [sflag:s28] =	dma.local [hbm:s0], $0x1500  }
0xe9: {  	_ =	swait.ge [sflag:s7], $0x1500  }
0xea: {  	[sflag:s7] =	ssyncset.done $0x0  }
0xeb: {  	s0 =	rddreg [dreg:$0x1a];
	[sflag:s7] =	ssyncadd.s32 $0xFFFFEB00  }
0xec: {  	[hbm:s0], [sflag:s29] =	dma.local [spmem:s14], $0x1500  }
0xed: {  	_ =	swait.ge [sflag:s3], $0x1500  }
0xee: {  	[sflag:s3] =	ssyncset.done $0x0  }
0xef: {  	s0 =	rddreg [dreg:$0x1b];
	[sflag:s3] =	ssyncadd.s32 $0xFFFFEB00  }
0xf0: {  	[spmem:s14], [sflag:s2] =	dma.local [hbm:s0], $0x1500  }
0xf1: {  	_ =	swait.ge [sflag:s17], $0x1500  }
0xf2: {  	[sflag:s17] =	ssyncset.done $0x0  }
0xf3: {  	s0 =	rddreg [dreg:$0x1c];
	[sflag:s17] =	ssyncadd.s32 $0xFFFFEB00  }
0xf4: {  	[hbm:s0], [sflag:s30] =	dma.local [spmem:s12], $0x1500  }
0xf5: {  	_ =	swait.ge [sflag:s6], $0x1500  }
0xf6: {  	[sflag:s6] =	ssyncset.done $0x0  }
0xf7: {  	s0 =	rddreg [dreg:$0x1d];
	[sflag:s6] =	ssyncadd.s32 $0xFFFFEB00  }
0xf8: {  	[spmem:s12], [sflag:s26] =	dma.local [hbm:s0], $0x1500  }
0xf9: {  	_ =	swait.ge [sflag:s15], $0x1500  }
0xfa: {  	[sflag:s15] =	ssyncset.done $0x0  }
0xfb: {  	s0 =	rddreg [dreg:$0x1e];
	[sflag:s15] =	ssyncadd.s32 $0xFFFFEB00  }
0xfc: {  	[hbm:s0], [sflag:s31] =	dma.local [spmem:s9], $0x1500  }
0xfd: {  	_ =	swait.ge [sflag:s10], $0x1500  }
0xfe: {  	[sflag:s10] =	ssyncset.done $0x0  }
0xff: {  	s0 =	rddreg [dreg:$0x1f];
	[sflag:s10] =	ssyncadd.s32 $0xFFFFEB00  }
0x100: {  	[spmem:s9], [sflag:s28] =	dma.local [hbm:s0], $0x1500  }
0x101: {  	_ =	swait.ge [sflag:s7], $0x1500  }
0x102: {  	s0 =	sld [smem:$0x7A6]  }
0x103: {  	[sflag:s7] =	ssyncset.done $0x0  }
0x104: {  	[sflag:s7] =	ssyncadd.s32 $0xFFFFEB00  }
0x105: {  	[hbm:s0], [sflag:s29] =	dma.local [spmem:s14], $0x1500  }
0x106: {  	_ =	swait.ge [sflag:s3], $0x1500  }
0x107: {  	s0 =	sld [smem:$0x7A7]  }
0x108: {  	[sflag:s3] =	ssyncset.done $0x0  }
0x109: {  	[sflag:s3] =	ssyncadd.s32 $0xFFFFEB00  }
0x10a: {  	[spmem:s14], [sflag:s2] =	dma.local [hbm:s0], $0x1500  }
0x10b: {  	_ =	swait.ge [sflag:s17], $0x1500  }
0x10c: {  	s0 =	sld [smem:$0x7A8]  }
0x10d: {  	[sflag:s17] =	ssyncset.done $0x0  }
0x10e: {  	[sflag:s17] =	ssyncadd.s32 $0xFFFFEB00  }
0x10f: {  	[hbm:s0], [sflag:s30] =	dma.local [spmem:s12], $0x1500  }
0x110: {  	_ =	swait.ge [sflag:s6], $0x1500  }
0x111: {  	s0 =	sld [smem:$0x7A9]  }
0x112: {  	[sflag:s6] =	ssyncset.done $0x0  }
0x113: {  	[sflag:s6] =	ssyncadd.s32 $0xFFFFEB00  }
0x114: {  	[spmem:s12], [sflag:s26] =	dma.local [hbm:s0], $0x1500  }
0x115: {  	_ =	swait.ge [sflag:s15], $0x1500  }
0x116: {  	s0 =	sld [smem:$0x7AA]  }
0x117: {  	[sflag:s15] =	ssyncset.done $0x0  }
0x118: {  	[sflag:s15] =	ssyncadd.s32 $0xFFFFEB00  }
0x119: {  	[hbm:s0], [sflag:s31] =	dma.local [spmem:s9], $0x1500  }
0x11a: {  	_ =	swait.ge [sflag:s10], $0x1500  }
0x11b: {  	s0 =	sld [smem:$0x7AB]  }
0x11c: {  	[sflag:s10] =	ssyncset.done $0x0  }
0x11d: {  	[sflag:s10] =	ssyncadd.s32 $0xFFFFEB00  }
0x11e: {  	[spmem:s9], [sflag:s28] =	dma.local [hbm:s0], $0x1500  }
0x11f: {  	_ =	swait.ge [sflag:s7], $0x1500  }
0x120: {  	s0 =	sld [smem:$0x7AC]  }
0x121: {  	[sflag:s7] =	ssyncset.done $0x0  }
0x122: {  	[sflag:s7] =	ssyncadd.s32 $0xFFFFEB00  }
0x123: {  	[hbm:s0], [sflag:s29] =	dma.local [spmem:s14], $0x1500  }
0x124: {  	_ =	swait.ge [sflag:s3], $0x1500  }
0x125: {  	s0 =	sld [smem:$0x7AD]  }
0x126: {  	[sflag:s3] =	ssyncset.done $0x0  }
0x127: {  	[sflag:s3] =	ssyncadd.s32 $0xFFFFEB00  }
0x128: {  	[spmem:s14], [sflag:s2] =	dma.local [hbm:s0], $0x1500  }
0x129: {  	_ =	swait.ge [sflag:s17], $0x1500  }
0x12a: {  	s0 =	sld [smem:$0x7AE]  }
0x12b: {  	[sflag:s17] =	ssyncset.done $0x0  }
0x12c: {  	[sflag:s17] =	ssyncadd.s32 $0xFFFFEB00  }
0x12d: {  	[hbm:s0], [sflag:s30] =	dma.local [spmem:s12], $0x1500  }
0x12e: {  	_ =	swait.ge [sflag:s6], $0x1500  }
0x12f: {  	s0 =	sld [smem:$0x7AF]  }
0x130: {  	[sflag:s6] =	ssyncset.done $0x0  }
0x131: {  	[sflag:s6] =	ssyncadd.s32 $0xFFFFEB00  }
0x132: {  	[spmem:s12], [sflag:s26] =	dma.local [hbm:s0], $0x1500  }
0x133: {  	_ =	swait.ge [sflag:s15], $0x1500  }
0x134: {  	s0 =	sld [smem:$0x7B0]  }
0x135: {  	[sflag:s15] =	ssyncset.done $0x0  }
0x136: {  	[sflag:s15] =	ssyncadd.s32 $0xFFFFEB00  }
0x137: {  	[hbm:s0], [sflag:s31] =	dma.local [spmem:s9], $0x1500  }
0x138: {  	_ =	swait.ge [sflag:s10], $0x1500  }
0x139: {  	s0 =	sld [smem:$0x7B1]  }
0x13a: {  	[sflag:s10] =	ssyncset.done $0x0  }
0x13b: {  	[sflag:s10] =	ssyncadd.s32 $0xFFFFEB00  }
0x13c: {  	[spmem:s9], [sflag:s28] =	dma.local [hbm:s0], $0x1500  }
0x13d: {  	_ =	swait.ge [sflag:s7], $0x1500  }
0x13e: {  	s0 =	sld [smem:$0x7B2]  }
0x13f: {  	[sflag:s7] =	ssyncset.done $0x0  }
0x140: {  	[sflag:s7] =	ssyncadd.s32 $0xFFFFEB00  }
0x141: {  	[hbm:s0], [sflag:s29] =	dma.local [spmem:s14], $0x1500  }
0x142: {  	_ =	swait.ge [sflag:s3], $0x1500  }
0x143: {  	s0 =	sld [smem:$0x7B3]  }
0x144: {  	[sflag:s3] =	ssyncset.done $0x0  }
0x145: {  	[sflag:s3] =	ssyncadd.s32 $0xFFFFEB00  }
0x146: {  	[spmem:s14], [sflag:s2] =	dma.local [hbm:s0], $0x1500  }
0x147: {  	_ =	swait.ge [sflag:s17], $0x1500  }
0x148: {  	s0 =	sld [smem:$0x7B4]  }
0x149: {  	[sflag:s17] =	ssyncset.done $0x0  }
0x14a: {  	[sflag:s17] =	ssyncadd.s32 $0xFFFFEB00  }
0x14b: {  	[hbm:s0], [sflag:s30] =	dma.local [spmem:s12], $0x1500  }
0x14c: {  	_ =	swait.ge [sflag:s6], $0x1500  }
0x14d: {  	s0 =	sld [smem:$0x7B5]  }
0x14e: {  	[sflag:s6] =	ssyncset.done $0x0  }
0x14f: {  	[sflag:s6] =	ssyncadd.s32 $0xFFFFEB00  }
0x150: {  	[spmem:s12], [sflag:s26] =	dma.local [hbm:s0], $0x1500  }
0x151: {  	_ =	swait.ge [sflag:s15], $0x1500  }
0x152: {  	s0 =	sld [smem:$0x7B6]  }
0x153: {  	[sflag:s15] =	ssyncset.done $0x0  }
0x154: {  	[sflag:s15] =	ssyncadd.s32 $0xFFFFEB00  }
0x155: {  	[hbm:s0], [sflag:s31] =	dma.local [spmem:s9], $0x1500  }
0x156: {  	_ =	swait.ge [sflag:s10], $0x1500  }
0x157: {  	s0 =	sld [smem:$0x7B7]  }
0x158: {  	[sflag:s10] =	ssyncset.done $0x0  }
0x159: {  	[sflag:s10] =	ssyncadd.s32 $0xFFFFEB00  }
0x15a: {  	[spmem:s9], [sflag:s28] =	dma.local [hbm:s0], $0x1500  }
0x15b: {  	_ =	swait.ge [sflag:s7], $0x1500  }
0x15c: {  	s0 =	sld [smem:$0x7B8]  }
0x15d: {  	[sflag:s7] =	ssyncset.done $0x0  }
0x15e: {  	[sflag:s7] =	ssyncadd.s32 $0xFFFFEB00  }
0x15f: {  	[hbm:s0], [sflag:s29] =	dma.local [spmem:s14], $0x1500  }
0x160: {  	_ =	swait.ge [sflag:s3], $0x1500  }
0x161: {  	s0 =	sld [smem:$0x7B9]  }
0x162: {  	[sflag:s3] =	ssyncset.done $0x0  }
0x163: {  	[sflag:s3] =	ssyncadd.s32 $0xFFFFEB00  }
0x164: {  	[spmem:s14], [sflag:s2] =	dma.local [hbm:s0], $0x700  }
0x165: {  	_ =	swait.ge [sflag:s17], $0x1500  }
0x166: {  	s0 =	sld [smem:$0x7BA]  }
0x167: {  	[sflag:s17] =	ssyncset.done $0x0  }
0x168: {  	[sflag:s17] =	ssyncadd.s32 $0xFFFFEB00  }
0x169: {  	[hbm:s0], [sflag:s30] =	dma.local [spmem:s12], $0x1500  }
0x16a: {  	_ =	swait.ge [sflag:s6], $0x1500  }
0x16b: {  	s0 =	sld [smem:$0x7BB]  }
0x16c: {  	[sflag:s6] =	ssyncset.done $0x0  }
0x16d: {  	[sflag:s6] =	ssyncadd.s32 $0xFFFFEB00  }
0x16e: {  	[spmem:s12], [sflag:s26] =	dma.local [hbm:s0], $0x100  }
0x16f: {  	_ =	swait.ge [sflag:s15], $0x1500  }
0x170: {  	s0 =	sld [smem:$0x7BC]  }
0x171: {  	[sflag:s15] =	ssyncset.done $0x0  }
0x172: {  	[sflag:s15] =	ssyncadd.s32 $0xFFFFEB00  }
0x173: {  	[hbm:s0], [sflag:s31] =	dma.local [spmem:s9], $0x1500  }
0x174: {  	_ =	swait.ge [sflag:s10], $0x1500  }
0x175: {  	s0 =	sld [smem:$0x7BD]  }
0x176: {  	[sflag:s10] =	ssyncset.done $0x0  }
0x177: {  	[sflag:s10] =	ssyncadd.s32 $0xFFFFEB00  }
0x178: {  	[spmem:s9], [sflag:s28] =	dma.local [hbm:s0], $0x1500  }
0x179: {  	_ =	swait.ge [sflag:s7], $0x700  }
0x17a: {  	s0 =	sld [smem:$0x7BE]  }
0x17b: {  	[sflag:s7] =	ssyncset.done $0x0  }
0x17c: {  	[sflag:s7] =	ssyncadd.s32 $0xFFFFF900  }
0x17d: {  	[hbm:s0], [sflag:s29] =	dma.local [spmem:s14], $0x700  }
0x17e: {  	_ =	swait.ge [sflag:s3], $0x700  }
0x17f: {  	s0 =	sld [smem:$0x7C0]  }
0x180: {  	[sflag:s3] =	ssyncset.done $0x0  }
0x181: {  	[sflag:s3] =	ssyncadd.s32 $0xFFFFF900  }
0x182: {  	[spmem:s14], [sflag:s2] =	dma.local [hbm:s0], $0x1500  }
0x183: {  	_ =	swait.ge [sflag:s17], $0x100  }
0x184: {  	s0 =	sld [smem:$0x7C1]  }
0x185: {  	[sflag:s17] =	ssyncset.done $0x0  }
0x186: {  	[sflag:s17] =	ssyncadd.s32 $0xFFFFFF00  }
0x187: {  	[hbm:s0], [sflag:s30] =	dma.local [spmem:s12], $0x100  }
0x188: {  	_ =	swait.ge [sflag:s6], $0x100  }
0x189: {  	s0 =	sld [smem:$0x7C3]  }
0x18a: {  	[sflag:s6] =	ssyncset.done $0x0  }
0x18b: {  	[sflag:s6] =	ssyncadd.s32 $0xFFFFFF00  }
0x18c: {  	[spmem:s12], [sflag:s26] =	dma.local [hbm:s0], $0x1500  }
0x18d: {  	_ =	swait.ge [sflag:s15], $0x1500  }
0x18e: {  	s0 =	sld [smem:$0x7C4]  }
0x18f: {  	[sflag:s15] =	ssyncset.done $0x0  }
0x190: {  	[sflag:s15] =	ssyncadd.s32 $0xFFFFEB00  }
0x191: {  	[hbm:s0], [sflag:s31] =	dma.local [spmem:s9], $0x1500  }
0x192: {  	_ =	swait.ge [sflag:s10], $0x1500  }
0x193: {  	s0 =	sld [smem:$0x7C6]  }
0x194: {  	[sflag:s10] =	ssyncset.done $0x0  }
0x195: {  	[sflag:s10] =	ssyncadd.s32 $0xFFFFEB00  }
0x196: {  	[spmem:s9], [sflag:s28] =	dma.local [hbm:s0], $0x1500  }
0x197: {  	_ =	swait.ge [sflag:s7], $0x1500  }
0x198: {  	s0 =	sld [smem:$0x7C8]  }
0x199: {  	[sflag:s7] =	ssyncset.done $0x0  }
0x19a: {  	[sflag:s7] =	ssyncadd.s32 $0xFFFFEB00  }
0x19b: {  	[hbm:s0], [sflag:s29] =	dma.local [spmem:s14], $0x1500  }
0x19c: {  	_ =	swait.ge [sflag:s3], $0x1500  }
0x19d: {  	s0 =	sld [smem:$0x7CA]  }
0x19e: {  	[sflag:s3] =	ssyncset.done $0x0  }
0x19f: {  	[sflag:s3] =	ssyncadd.s32 $0xFFFFEB00  }
0x1a0: {  	[spmem:s14], [sflag:s2] =	dma.local [hbm:s0], $0x1500  }
0x1a1: {  	_ =	swait.ge [sflag:s17], $0x1500  }
0x1a2: {  	s0 =	sld [smem:$0x7CC]  }
0x1a3: {  	[sflag:s17] =	ssyncset.done $0x0  }
0x1a4: {  	[sflag:s17] =	ssyncadd.s32 $0xFFFFEB00  }
0x1a5: {  	[hbm:s0], [sflag:s30] =	dma.local [spmem:s12], $0x1500  }
0x1a6: {  	_ =	swait.ge [sflag:s6], $0x1500  }
0x1a7: {  	s0 =	sld [smem:$0x7CE]  }
0x1a8: {  	[sflag:s6] =	ssyncset.done $0x0  }
0x1a9: {  	[sflag:s6] =	ssyncadd.s32 $0xFFFFEB00  }
0x1aa: {  	[spmem:s12], [sflag:s26] =	dma.local [hbm:s0], $0x1500  }
0x1ab: {  	_ =	swait.ge [sflag:s15], $0x1500  }
0x1ac: {  	s0 =	sld [smem:$0x7D0]  }
0x1ad: {  	[sflag:s15] =	ssyncset.done $0x0  }
0x1ae: {  	[sflag:s15] =	ssyncadd.s32 $0xFFFFEB00  }
0x1af: {  	[hbm:s0], [sflag:s31] =	dma.local [spmem:s9], $0x1500  }
0x1b0: {  	_ =	swait.ge [sflag:s10], $0x1500  }
0x1b1: {  	s0 =	sld [smem:$0x7D2]  }
0x1b2: {  	[sflag:s10] =	ssyncset.done $0x0  }
0x1b3: {  	[sflag:s10] =	ssyncadd.s32 $0xFFFFEB00  }
0x1b4: {  	[spmem:s9], [sflag:s28] =	dma.local [hbm:s0], $0x1500  }
0x1b5: {  	_ =	swait.ge [sflag:s7], $0x1500  }
0x1b6: {  	s0 =	sld [smem:$0x7D4]  }
0x1b7: {  	[sflag:s7] =	ssyncset.done $0x0  }
0x1b8: {  	[sflag:s7] =	ssyncadd.s32 $0xFFFFEB00  }
0x1b9: {  	[hbm:s0], [sflag:s29] =	dma.local [spmem:s14], $0x1500  }
0x1ba: {  	_ =	swait.ge [sflag:s3], $0x1500  }
0x1bb: {  	s0 =	sld [smem:$0x7D6]  }
0x1bc: {  	[sflag:s3] =	ssyncset.done $0x0  }
0x1bd: {  	[sflag:s3] =	ssyncadd.s32 $0xFFFFEB00  }
0x1be: {  	[spmem:s14], [sflag:s2] =	dma.local [hbm:s0], $0x1500  }
0x1bf: {  	_ =	swait.ge [sflag:s17], $0x1500  }
0x1c0: {  	s0 =	sld [smem:$0x7D8]  }
0x1c1: {  	[sflag:s17] =	ssyncset.done $0x0  }
0x1c2: {  	[sflag:s17] =	ssyncadd.s32 $0xFFFFEB00  }
0x1c3: {  	[hbm:s0], [sflag:s30] =	dma.local [spmem:s12], $0x1500  }
0x1c4: {  	_ =	swait.ge [sflag:s6], $0x1500  }
0x1c5: {  	s0 =	sld [smem:$0x7DA]  }
0x1c6: {  	[sflag:s6] =	ssyncset.done $0x0  }
0x1c7: {  	[sflag:s6] =	ssyncadd.s32 $0xFFFFEB00  }
0x1c8: {  	[spmem:s12], [sflag:s26] =	dma.local [hbm:s0], $0x1500  }
0x1c9: {  	_ =	swait.ge [sflag:s15], $0x1500  }
0x1ca: {  	s0 =	sld [smem:$0x7DC]  }
0x1cb: {  	[sflag:s15] =	ssyncset.done $0x0  }
0x1cc: {  	[sflag:s15] =	ssyncadd.s32 $0xFFFFEB00  }
0x1cd: {  	[hbm:s0], [sflag:s31] =	dma.local [spmem:s9], $0x1500  }
0x1ce: {  	_ =	swait.ge [sflag:s10], $0x1500  }
0x1cf: {  	s0 =	sld [smem:$0x7DE]  }
0x1d0: {  	[sflag:s10] =	ssyncset.done $0x0  }
0x1d1: {  	[sflag:s10] =	ssyncadd.s32 $0xFFFFEB00  }
0x1d2: {  	[spmem:s9], [sflag:s28] =	dma.local [hbm:s0], $0x1500  }
0x1d3: {  	_ =	swait.ge [sflag:s7], $0x1500  }
0x1d4: {  	s0 =	sld [smem:$0x7E0]  }
0x1d5: {  	[sflag:s7] =	ssyncset.done $0x0  }
0x1d6: {  	[sflag:s7] =	ssyncadd.s32 $0xFFFFEB00  }
0x1d7: {  	[hbm:s0], [sflag:s29] =	dma.local [spmem:s14], $0x1500  }
0x1d8: {  	_ =	swait.ge [sflag:s3], $0x1500  }
0x1d9: {  	s0 =	sld [smem:$0x7E2]  }
0x1da: {  	[sflag:s3] =	ssyncset.done $0x0  }
0x1db: {  	[sflag:s3] =	ssyncadd.s32 $0xFFFFEB00  }
0x1dc: {  	[spmem:s14], [sflag:s2] =	dma.local [hbm:s0], $0x1500  }
0x1dd: {  	_ =	swait.ge [sflag:s17], $0x1500  }
0x1de: {  	s0 =	sld [smem:$0x7E4]  }
0x1df: {  	[sflag:s17] =	ssyncset.done $0x0  }
0x1e0: {  	[sflag:s17] =	ssyncadd.s32 $0xFFFFEB00  }
0x1e1: {  	[hbm:s0], [sflag:s30] =	dma.local [spmem:s12], $0x1500  }
0x1e2: {  	_ =	swait.ge [sflag:s6], $0x1500  }
0x1e3: {  	s0 =	sld [smem:$0x7E6]  }
0x1e4: {  	[sflag:s6] =	ssyncset.done $0x0  }
0x1e5: {  	[sflag:s6] =	ssyncadd.s32 $0xFFFFEB00  }
0x1e6: {  	[spmem:s12], [sflag:s26] =	dma.local [hbm:s0], $0x1500  }
0x1e7: {  	_ =	swait.ge [sflag:s15], $0x1500  }
0x1e8: {  	s0 =	sld [smem:$0x7E8]  }
0x1e9: {  	[sflag:s15] =	ssyncset.done $0x0  }
0x1ea: {  	[sflag:s15] =	ssyncadd.s32 $0xFFFFEB00  }
0x1eb: {  	[hbm:s0], [sflag:s31] =	dma.local [spmem:s9], $0x1500  }
0x1ec: {  	_ =	swait.ge [sflag:s10], $0x1500  }
0x1ed: {  	s0 =	sld [smem:$0x7EA]  }
0x1ee: {  	[sflag:s10] =	ssyncset.done $0x0  }
0x1ef: {  	[sflag:s10] =	ssyncadd.s32 $0xFFFFEB00  }
0x1f0: {  	[spmem:s9], [sflag:s28] =	dma.local [hbm:s0], $0x1500  }
0x1f1: {  	_ =	swait.ge [sflag:s7], $0x1500  }
0x1f2: {  	s0 =	sld [smem:$0x7EC]  }
0x1f3: {  	[sflag:s7] =	ssyncset.done $0x0  }
0x1f4: {  	[sflag:s7] =	ssyncadd.s32 $0xFFFFEB00  }
0x1f5: {  	[hbm:s0], [sflag:s29] =	dma.local [spmem:s14], $0x1500  }
0x1f6: {  	_ =	swait.ge [sflag:s3], $0x1500  }
0x1f7: {  	s0 =	sld [smem:$0x7EE]  }
0x1f8: {  	[sflag:s3] =	ssyncset.done $0x0  }
0x1f9: {  	[sflag:s3] =	ssyncadd.s32 $0xFFFFEB00  }
0x1fa: {  	[spmem:s14], [sflag:s2] =	dma.local [hbm:s0], $0x1500  }
0x1fb: {  	_ =	swait.ge [sflag:s17], $0x1500  }
0x1fc: {  	s0 =	sld [smem:$0x7EF]  }
0x1fd: {  	[sflag:s17] =	ssyncset.done $0x0  }
0x1fe: {  	[sflag:s17] =	ssyncadd.s32 $0xFFFFEB00  }
0x1ff: {  	[hbm:s0], [sflag:s30] =	dma.local [spmem:s12], $0x1500  }
0x200: {  	_ =	swait.ge [sflag:s6], $0x1500  }
0x201: {  	s0 =	sld [smem:$0x7F0]  }
0x202: {  	[sflag:s6] =	ssyncset.done $0x0  }
0x203: {  	[sflag:s6] =	ssyncadd.s32 $0xFFFFEB00  }
0x204: {  	[spmem:s12], [sflag:s26] =	dma.local [hbm:s0], $0x1500  }
0x205: {  	_ =	swait.ge [sflag:s15], $0x1500  }
0x206: {  	s0 =	sld [smem:$0x7F1]  }
0x207: {  	[sflag:s15] =	ssyncset.done $0x0  }
0x208: {  	[sflag:s15] =	ssyncadd.s32 $0xFFFFEB00  }
0x209: {  	[hbm:s0], [sflag:s31] =	dma.local [spmem:s9], $0x1500  }
0x20a: {  	_ =	swait.ge [sflag:s10], $0x1500  }
0x20b: {  	s0 =	sld [smem:$0x7F2]  }
0x20c: {  	[sflag:s10] =	ssyncset.done $0x0  }
0x20d: {  	[sflag:s10] =	ssyncadd.s32 $0xFFFFEB00  }
0x20e: {  	[spmem:s9], [sflag:s28] =	dma.local [hbm:s0], $0x1500  }
0x20f: {  	_ =	swait.ge [sflag:s7], $0x1500  }
0x210: {  	s0 =	sld [smem:$0x7F3]  }
0x211: {  	[sflag:s7] =	ssyncset.done $0x0  }
0x212: {  	[sflag:s7] =	ssyncadd.s32 $0xFFFFEB00  }
0x213: {  	[hbm:s0], [sflag:s29] =	dma.local [spmem:s14], $0x1500  }
0x214: {  	_ =	swait.ge [sflag:s3], $0x1500  }
0x215: {  	s0 =	sld [smem:$0x7F4]  }
0x216: {  	[sflag:s3] =	ssyncset.done $0x0  }
0x217: {  	[sflag:s3] =	ssyncadd.s32 $0xFFFFEB00  }
0x218: {  	[spmem:s14], [sflag:s2] =	dma.local [hbm:s0], $0x1500  }
0x219: {  	_ =	swait.ge [sflag:s17], $0x1500  }
0x21a: {  	s0 =	sld [smem:$0x7F5]  }
0x21b: {  	[sflag:s17] =	ssyncset.done $0x0  }
0x21c: {  	[sflag:s17] =	ssyncadd.s32 $0xFFFFEB00  }
0x21d: {  	[hbm:s0], [sflag:s30] =	dma.local [spmem:s12], $0x1500  }
0x21e: {  	_ =	swait.ge [sflag:s6], $0x1500  }
0x21f: {  	s0 =	sld [smem:$0x7F7]  }
0x220: {  	[sflag:s6] =	ssyncset.done $0x0  }
0x221: {  	[sflag:s6] =	ssyncadd.s32 $0xFFFFEB00  }
0x222: {  	[spmem:s12], [sflag:s26] =	dma.local [hbm:s0], $0x1500  }
0x223: {  	_ =	swait.ge [sflag:s15], $0x1500  }
0x224: {  	s0 =	sld [smem:$0x7F8]  }
0x225: {  	[sflag:s15] =	ssyncset.done $0x0  }
0x226: {  	[sflag:s15] =	ssyncadd.s32 $0xFFFFEB00  }
0x227: {  	[hbm:s0], [sflag:s31] =	dma.local [spmem:s9], $0x1500  }
0x228: {  	_ =	swait.ge [sflag:s10], $0x1500  }
0x229: {  	s0 =	sld [smem:$0x7F9]  }
0x22a: {  	[sflag:s10] =	ssyncset.done $0x0  }
0x22b: {  	[sflag:s10] =	ssyncadd.s32 $0xFFFFEB00  }
0x22c: {  	[spmem:s9], [sflag:s28] =	dma.local [hbm:s0], $0x1500  }
0x22d: {  	_ =	swait.ge [sflag:s7], $0x1500  }
0x22e: {  	s0 =	sld [smem:$0x7FA]  }
0x22f: {  	[sflag:s7] =	ssyncset.done $0x0  }
0x230: {  	[sflag:s7] =	ssyncadd.s32 $0xFFFFEB00  }
0x231: {  	[hbm:s0], [sflag:s29] =	dma.local [spmem:s14], $0x1500  }
0x232: {  	_ =	swait.ge [sflag:s3], $0x1500  }
0x233: {  	s0 =	sld [smem:$0x7FB]  }
0x234: {  	[sflag:s3] =	ssyncset.done $0x0  }
0x235: {  	[sflag:s3] =	ssyncadd.s32 $0xFFFFEB00  }
0x236: {  	[spmem:s14], [sflag:s2] =	dma.local [hbm:s0], $0x1500  }
0x237: {  	_ =	swait.ge [sflag:s17], $0x1500  }
0x238: {  	s0 =	sld [smem:$0x7FC]  }
0x239: {  	[sflag:s17] =	ssyncset.done $0x0  }
0x23a: {  	[sflag:s17] =	ssyncadd.s32 $0xFFFFEB00  }
0x23b: {  	[hbm:s0], [sflag:s30] =	dma.local [spmem:s12], $0x1500  }
0x23c: {  	_ =	swait.ge [sflag:s6], $0x1500  }
0x23d: {  	s0 =	sld [smem:$0x7FD]  }
0x23e: {  	[sflag:s6] =	ssyncset.done $0x0  }
0x23f: {  	[sflag:s6] =	ssyncadd.s32 $0xFFFFEB00  }
0x240: {  	[spmem:s12], [sflag:s26] =	dma.local [hbm:s0], $0x1500  }
0x241: {  	_ =	swait.ge [sflag:s15], $0x1500  }
0x242: {  	[sflag:s15] =	ssyncset.done $0x0  }
0x243: {  	[sflag:s15] =	ssyncadd.s32 $0xFFFFEB00  }
0x244: {  	[hbm:s24], [sflag:s31] =	dma.local [spmem:s9], $0x1500  }
0x245: {  	_ =	swait.ge [sflag:s10], $0x1500  }
0x246: {  	[sflag:s10] =	ssyncset.done $0x0  }
0x247: {  	[sflag:s10] =	ssyncadd.s32 $0xFFFFEB00  }
0x248: {  	[spmem:s9], [sflag:s28] =	dma.local [hbm:s23], $0x1500  }
0x249: {  	_ =	swait.ge [sflag:s7], $0x1500  }
0x24a: {  	[sflag:s7] =	ssyncset.done $0x0  }
0x24b: {  	[sflag:s7] =	ssyncadd.s32 $0xFFFFEB00  }
0x24c: {  	[hbm:s22], [sflag:s29] =	dma.local [spmem:s14], $0x1500  }
0x24d: {  	_ =	swait.ge [sflag:s3], $0x1500  }
0x24e: {  	[sflag:s3] =	ssyncset.done $0x0  }
0x24f: {  	[sflag:s3] =	ssyncadd.s32 $0xFFFFEB00  }
0x250: {  	[spmem:s14], [sflag:s2] =	dma.local [hbm:s21], $0x1500  }
0x251: {  	_ =	swait.ge [sflag:s17], $0x1500  }
0x252: {  	[sflag:s17] =	ssyncset.done $0x0  }
0x253: {  	[sflag:s17] =	ssyncadd.s32 $0xFFFFEB00  }
0x254: {  	[hbm:s20], [sflag:s30] =	dma.local [spmem:s12], $0x1500  }
0x255: {  	_ =	swait.ge [sflag:s6], $0x1500  }
0x256: {  	[sflag:s6] =	ssyncset.done $0x0  }
0x257: {  	[sflag:s6] =	ssyncadd.s32 $0xFFFFEB00  }
0x258: {  	[spmem:s12], [sflag:s26] =	dma.local [hbm:s19], $0x1500  }
0x259: {  	_ =	swait.ge [sflag:s15], $0x1500  }
0x25a: {  	[sflag:s15] =	ssyncset.done $0x0  }
0x25b: {  	[sflag:s15] =	ssyncadd.s32 $0xFFFFEB00  }
0x25c: {  	[hbm:s18], [sflag:s31] =	dma.local [spmem:s9], $0x1500  }
0x25d: {  	_ =	swait.ge [sflag:s10], $0x1500  }
0x25e: {  	[sflag:s10] =	ssyncset.done $0x0  }
0x25f: {  	[sflag:s10] =	ssyncadd.s32 $0xFFFFEB00  }
0x260: {  	[spmem:s9], [sflag:s28] =	dma.local [hbm:s16], $0x700  }
0x261: {  	_ =	swait.ge [sflag:s7], $0x1500  }
0x262: {  	[sflag:s7] =	ssyncset.done $0x0  }
0x263: {  	[sflag:s7] =	ssyncadd.s32 $0xFFFFEB00  }
0x264: {  	[hbm:s13], [sflag:s29] =	dma.local [spmem:s14], $0x1500  }
0x265: {  	_ =	swait.ge [sflag:s3], $0x1500  }
0x266: {  	[sflag:s3] =	ssyncset.done $0x0  }
0x267: {  	[sflag:s3] =	ssyncadd.s32 $0xFFFFEB00  }
0x268: {  	[spmem:s14], [sflag:s2] =	dma.local [hbm:s11], $0x100  }
0x269: {  	_ =	swait.ge [sflag:s17], $0x1500  }
0x26a: {  	[sflag:s17] =	ssyncset.done $0x0  }
0x26b: {  	[sflag:s17] =	ssyncadd.s32 $0xFFFFEB00  }
0x26c: {  	[hbm:s8], [sflag:s30] =	dma.local [spmem:s12], $0x1500  }
0x26d: {  	_ =	swait.ge [sflag:s15], $0x700  }
0x26e: {  	[sflag:s15] =	ssyncset.done $0x0  }
0x26f: {  	[sflag:s15] =	ssyncadd.s32 $0xFFFFF900  }
0x270: {  	[hbm:s5], [sflag:s31] =	dma.local [spmem:s9], $0x700  }
0x271: {  	_ =	swait.ge [sflag:s7], $0x100  }
0x272: {  	[sflag:s7] =	ssyncset.done $0x0  }
0x273: {  	[sflag:s7] =	ssyncadd.s32 $0xFFFFFF00  }
0x274: {  	[hbm:s4], [sflag:s29] =	dma.local [spmem:s14], $0x100  }
0x275: {  	_ =	swait.ge [sflag:s6], $0x1500  }
0x276: {  	[sflag:s6] =	ssyncset.done $0x0  }
0x277: {  	p1 =	sne.s32 s1, $0x1;
	[sflag:s6] =	ssyncadd.s32 $0xFFFFEB00  }
.Ltmp1:
0x278: {  	_ =	swait.ge [sflag:s10], $0x700;
	(pc) =	sbr.rel @!p1 .LBB2_2-.Ltmp1, $4  }
0x279: {  	[sflag:s10] =	ssyncset.done $0x0  }
0x27a: {  	[sflag:s10] =	ssyncadd.s32 $0xFFFFF900  }
0x27b: {  	s1 =	sadd.s32 $0xFFFFFFFF, s1;
	_ =	swait.ge [sflag:s3], $0x100  }
0x27c: {  	p0 =	por $0x1, $0x1;
	s0 =	rddreg [dreg:$0x5];
	[sflag:s3] =	ssyncset.done $0x0  }
.LBB2_3:
0x27d: {  	[sflag:s3] =	ssyncadd.s32 $0xFFFFFF00  }
0x27e: {  	[spmem:s14], [sflag:s2] =	dma.local [hbm:s0], $0x1500  }
0x27f: {  	s0 =	rddreg [dreg:$0x6]  }
0x280: {  	[spmem:s12], [sflag:s26] =	dma.local [hbm:s0], $0x1500  }
0x281: {  	s0 =	rddreg [dreg:$0x7]  }
0x282: {  	[spmem:s9], [sflag:s28] =	dma.local [hbm:s0], $0x1500  }
0x283: {  	_ =	swait.ge [sflag:s7], $0x1500  }
0x284: {  	[sflag:s7] =	ssyncset.done $0x0  }
0x285: {  	s0 =	rddreg [dreg:$0x8];
	[sflag:s7] =	ssyncadd.s32 $0xFFFFEB00  }
0x286: {  	[hbm:s0], [sflag:s29] =	dma.local [spmem:s14], $0x1500  }
0x287: {  	_ =	swait.ge [sflag:s3], $0x1500  }
0x288: {  	[sflag:s3] =	ssyncset.done $0x0  }
0x289: {  	s0 =	rddreg [dreg:$0x9];
	[sflag:s3] =	ssyncadd.s32 $0xFFFFEB00  }
0x28a: {  	[spmem:s14], [sflag:s2] =	dma.local [hbm:s0], $0x1500  }
0x28b: {  	_ =	swait.ge [sflag:s17], $0x1500  }
0x28c: {  	[sflag:s17] =	ssyncset.done $0x0  }
0x28d: {  	s0 =	rddreg [dreg:$0xa];
	[sflag:s17] =	ssyncadd.s32 $0xFFFFEB00  }
0x28e: {  	[hbm:s0], [sflag:s30] =	dma.local [spmem:s12], $0x1500  }
0x28f: {  	_ =	swait.ge [sflag:s6], $0x1500  }
0x290: {  	[sflag:s6] =	ssyncset.done $0x0  }
0x291: {  	s0 =	rddreg [dreg:$0xb];
	[sflag:s6] =	ssyncadd.s32 $0xFFFFEB00  }
0x292: {  	[spmem:s12], [sflag:s26] =	dma.local [hbm:s0], $0x1500  }
0x293: {  	_ =	swait.ge [sflag:s15], $0x1500  }
0x294: {  	[sflag:s15] =	ssyncset.done $0x0  }
0x295: {  	s0 =	rddreg [dreg:$0xc];
	[sflag:s15] =	ssyncadd.s32 $0xFFFFEB00  }
0x296: {  	[hbm:s0], [sflag:s31] =	dma.local [spmem:s9], $0x1500  }
0x297: {  	_ =	swait.ge [sflag:s10], $0x1500  }
0x298: {  	[sflag:s10] =	ssyncset.done $0x0  }
0x299: {  	s0 =	rddreg [dreg:$0xd];
	[sflag:s10] =	ssyncadd.s32 $0xFFFFEB00  }
0x29a: {  	[spmem:s9], [sflag:s28] =	dma.local [hbm:s0], $0x1500  }
0x29b: {  	_ =	swait.ge [sflag:s7], $0x1500  }
0x29c: {  	[sflag:s7] =	ssyncset.done $0x0  }
0x29d: {  	s0 =	rddreg [dreg:$0xe];
	[sflag:s7] =	ssyncadd.s32 $0xFFFFEB00  }
0x29e: {  	[hbm:s0], [sflag:s29] =	dma.local [spmem:s14], $0x1500  }
0x29f: {  	_ =	swait.ge [sflag:s3], $0x1500  }
0x2a0: {  	[sflag:s3] =	ssyncset.done $0x0  }
0x2a1: {  	s0 =	rddreg [dreg:$0xf];
	[sflag:s3] =	ssyncadd.s32 $0xFFFFEB00  }
0x2a2: {  	[spmem:s14], [sflag:s2] =	dma.local [hbm:s0], $0x1500  }
0x2a3: {  	_ =	swait.ge [sflag:s17], $0x1500  }
0x2a4: {  	[sflag:s17] =	ssyncset.done $0x0  }
0x2a5: {  	s0 =	rddreg [dreg:$0x10];
	[sflag:s17] =	ssyncadd.s32 $0xFFFFEB00  }
0x2a6: {  	[hbm:s0], [sflag:s30] =	dma.local [spmem:s12], $0x1500  }
0x2a7: {  	_ =	swait.ge [sflag:s6], $0x1500  }
0x2a8: {  	[sflag:s6] =	ssyncset.done $0x0  }
0x2a9: {  	s0 =	rddreg [dreg:$0x11];
	[sflag:s6] =	ssyncadd.s32 $0xFFFFEB00  }
0x2aa: {  	[spmem:s12], [sflag:s26] =	dma.local [hbm:s0], $0x1500  }
0x2ab: {  	_ =	swait.ge [sflag:s15], $0x1500  }
0x2ac: {  	[sflag:s15] =	ssyncset.done $0x0  }
0x2ad: {  	s0 =	rddreg [dreg:$0x12];
	[sflag:s15] =	ssyncadd.s32 $0xFFFFEB00  }
0x2ae: {  	[hbm:s0], [sflag:s31] =	dma.local [spmem:s9], $0x1500  }
0x2af: {  	_ =	swait.ge [sflag:s10], $0x1500  }
0x2b0: {  	[sflag:s10] =	ssyncset.done $0x0  }
0x2b1: {  	s0 =	rddreg [dreg:$0x13];
	[sflag:s10] =	ssyncadd.s32 $0xFFFFEB00  }
0x2b2: {  	[spmem:s9], [sflag:s28] =	dma.local [hbm:s0], $0x1500  }
0x2b3: {  	_ =	swait.ge [sflag:s7], $0x1500  }
0x2b4: {  	[sflag:s7] =	ssyncset.done $0x0  }
0x2b5: {  	s0 =	rddreg [dreg:$0x14];
	[sflag:s7] =	ssyncadd.s32 $0xFFFFEB00  }
0x2b6: {  	[hbm:s0], [sflag:s29] =	dma.local [spmem:s14], $0x1500  }
0x2b7: {  	_ =	swait.ge [sflag:s3], $0x1500  }
0x2b8: {  	[sflag:s3] =	ssyncset.done $0x0  }
0x2b9: {  	s0 =	rddreg [dreg:$0x15];
	[sflag:s3] =	ssyncadd.s32 $0xFFFFEB00  }
0x2ba: {  	[spmem:s14], [sflag:s2] =	dma.local [hbm:s0], $0x1500  }
0x2bb: {  	_ =	swait.ge [sflag:s17], $0x1500  }
0x2bc: {  	[sflag:s17] =	ssyncset.done $0x0  }
0x2bd: {  	s0 =	rddreg [dreg:$0x16];
	[sflag:s17] =	ssyncadd.s32 $0xFFFFEB00  }
0x2be: {  	[hbm:s0], [sflag:s30] =	dma.local [spmem:s12], $0x1500  }
0x2bf: {  	_ =	swait.ge [sflag:s6], $0x1500  }
0x2c0: {  	[sflag:s6] =	ssyncset.done $0x0  }
0x2c1: {  	s0 =	rddreg [dreg:$0x17];
	[sflag:s6] =	ssyncadd.s32 $0xFFFFEB00  }
0x2c2: {  	[spmem:s12], [sflag:s26] =	dma.local [hbm:s0], $0x1500  }
0x2c3: {  	_ =	swait.ge [sflag:s15], $0x1500  }
0x2c4: {  	[sflag:s15] =	ssyncset.done $0x0  }
0x2c5: {  	s0 =	rddreg [dreg:$0x18];
	[sflag:s15] =	ssyncadd.s32 $0xFFFFEB00  }
0x2c6: {  	[hbm:s0], [sflag:s31] =	dma.local [spmem:s9], $0x1500  }
0x2c7: {  	_ =	swait.ge [sflag:s10], $0x1500  }
0x2c8: {  	[sflag:s10] =	ssyncset.done $0x0  }
0x2c9: {  	s0 =	rddreg [dreg:$0x19];
	[sflag:s10] =	ssyncadd.s32 $0xFFFFEB00  }
0x2ca: {  	[spmem:s9], [sflag:s28] =	dma.local [hbm:s0], $0x1500  }
0x2cb: {  	_ =	swait.ge [sflag:s7], $0x1500  }
0x2cc: {  	[sflag:s7] =	ssyncset.done $0x0  }
0x2cd: {  	s0 =	rddreg [dreg:$0x1a];
	[sflag:s7] =	ssyncadd.s32 $0xFFFFEB00  }
0x2ce: {  	[hbm:s0], [sflag:s29] =	dma.local [spmem:s14], $0x1500  }
0x2cf: {  	_ =	swait.ge [sflag:s3], $0x1500  }
0x2d0: {  	[sflag:s3] =	ssyncset.done $0x0  }
0x2d1: {  	s0 =	rddreg [dreg:$0x1b];
	[sflag:s3] =	ssyncadd.s32 $0xFFFFEB00  }
0x2d2: {  	[spmem:s14], [sflag:s2] =	dma.local [hbm:s0], $0x1500  }
0x2d3: {  	_ =	swait.ge [sflag:s17], $0x1500  }
0x2d4: {  	[sflag:s17] =	ssyncset.done $0x0  }
0x2d5: {  	s0 =	rddreg [dreg:$0x1c];
	[sflag:s17] =	ssyncadd.s32 $0xFFFFEB00  }
0x2d6: {  	[hbm:s0], [sflag:s30] =	dma.local [spmem:s12], $0x1500  }
0x2d7: {  	_ =	swait.ge [sflag:s6], $0x1500  }
0x2d8: {  	[sflag:s6] =	ssyncset.done $0x0  }
0x2d9: {  	s0 =	rddreg [dreg:$0x1d];
	[sflag:s6] =	ssyncadd.s32 $0xFFFFEB00  }
0x2da: {  	[spmem:s12], [sflag:s26] =	dma.local [hbm:s0], $0x1500  }
0x2db: {  	_ =	swait.ge [sflag:s15], $0x1500  }
0x2dc: {  	[sflag:s15] =	ssyncset.done $0x0  }
0x2dd: {  	s0 =	rddreg [dreg:$0x1e];
	[sflag:s15] =	ssyncadd.s32 $0xFFFFEB00  }
0x2de: {  	[hbm:s0], [sflag:s31] =	dma.local [spmem:s9], $0x1500  }
0x2df: {  	_ =	swait.ge [sflag:s10], $0x1500  }
0x2e0: {  	[sflag:s10] =	ssyncset.done $0x0  }
0x2e1: {  	s0 =	rddreg [dreg:$0x1f];
	[sflag:s10] =	ssyncadd.s32 $0xFFFFEB00  }
0x2e2: {  	[spmem:s9], [sflag:s28] =	dma.local [hbm:s0], $0x1500  }
0x2e3: {  	_ =	swait.ge [sflag:s7], $0x1500  }
0x2e4: {  	s0 =	sld [smem:$0x7A6]  }
0x2e5: {  	[sflag:s7] =	ssyncset.done $0x0  }
0x2e6: {  	[sflag:s7] =	ssyncadd.s32 $0xFFFFEB00  }
0x2e7: {  	[hbm:s0], [sflag:s29] =	dma.local [spmem:s14], $0x1500  }
0x2e8: {  	_ =	swait.ge [sflag:s3], $0x1500  }
0x2e9: {  	s0 =	sld [smem:$0x7A7]  }
0x2ea: {  	[sflag:s3] =	ssyncset.done $0x0  }
0x2eb: {  	[sflag:s3] =	ssyncadd.s32 $0xFFFFEB00  }
0x2ec: {  	[spmem:s14], [sflag:s2] =	dma.local [hbm:s0], $0x1500  }
0x2ed: {  	_ =	swait.ge [sflag:s17], $0x1500  }
0x2ee: {  	s0 =	sld [smem:$0x7A8]  }
0x2ef: {  	[sflag:s17] =	ssyncset.done $0x0  }
0x2f0: {  	[sflag:s17] =	ssyncadd.s32 $0xFFFFEB00  }
0x2f1: {  	[hbm:s0], [sflag:s30] =	dma.local [spmem:s12], $0x1500  }
0x2f2: {  	_ =	swait.ge [sflag:s6], $0x1500  }
0x2f3: {  	s0 =	sld [smem:$0x7A9]  }
0x2f4: {  	[sflag:s6] =	ssyncset.done $0x0  }
0x2f5: {  	[sflag:s6] =	ssyncadd.s32 $0xFFFFEB00  }
0x2f6: {  	[spmem:s12], [sflag:s26] =	dma.local [hbm:s0], $0x1500  }
0x2f7: {  	_ =	swait.ge [sflag:s15], $0x1500  }
0x2f8: {  	s0 =	sld [smem:$0x7AA]  }
0x2f9: {  	[sflag:s15] =	ssyncset.done $0x0  }
0x2fa: {  	[sflag:s15] =	ssyncadd.s32 $0xFFFFEB00  }
0x2fb: {  	[hbm:s0], [sflag:s31] =	dma.local [spmem:s9], $0x1500  }
0x2fc: {  	_ =	swait.ge [sflag:s10], $0x1500  }
0x2fd: {  	s0 =	sld [smem:$0x7AB]  }
0x2fe: {  	[sflag:s10] =	ssyncset.done $0x0  }
0x2ff: {  	[sflag:s10] =	ssyncadd.s32 $0xFFFFEB00  }
0x300: {  	[spmem:s9], [sflag:s28] =	dma.local [hbm:s0], $0x1500  }
0x301: {  	_ =	swait.ge [sflag:s7], $0x1500  }
0x302: {  	s0 =	sld [smem:$0x7AC]  }
0x303: {  	[sflag:s7] =	ssyncset.done $0x0  }
0x304: {  	[sflag:s7] =	ssyncadd.s32 $0xFFFFEB00  }
0x305: {  	[hbm:s0], [sflag:s29] =	dma.local [spmem:s14], $0x1500  }
0x306: {  	_ =	swait.ge [sflag:s3], $0x1500  }
0x307: {  	s0 =	sld [smem:$0x7AD]  }
0x308: {  	[sflag:s3] =	ssyncset.done $0x0  }
0x309: {  	[sflag:s3] =	ssyncadd.s32 $0xFFFFEB00  }
0x30a: {  	[spmem:s14], [sflag:s2] =	dma.local [hbm:s0], $0x1500  }
0x30b: {  	_ =	swait.ge [sflag:s17], $0x1500  }
0x30c: {  	s0 =	sld [smem:$0x7AE]  }
0x30d: {  	[sflag:s17] =	ssyncset.done $0x0  }
0x30e: {  	[sflag:s17] =	ssyncadd.s32 $0xFFFFEB00  }
0x30f: {  	[hbm:s0], [sflag:s30] =	dma.local [spmem:s12], $0x1500  }
0x310: {  	_ =	swait.ge [sflag:s6], $0x1500  }
0x311: {  	s0 =	sld [smem:$0x7AF]  }
0x312: {  	[sflag:s6] =	ssyncset.done $0x0  }
0x313: {  	[sflag:s6] =	ssyncadd.s32 $0xFFFFEB00  }
0x314: {  	[spmem:s12], [sflag:s26] =	dma.local [hbm:s0], $0x1500  }
0x315: {  	_ =	swait.ge [sflag:s15], $0x1500  }
0x316: {  	s0 =	sld [smem:$0x7B0]  }
0x317: {  	[sflag:s15] =	ssyncset.done $0x0  }
0x318: {  	[sflag:s15] =	ssyncadd.s32 $0xFFFFEB00  }
0x319: {  	[hbm:s0], [sflag:s31] =	dma.local [spmem:s9], $0x1500  }
0x31a: {  	_ =	swait.ge [sflag:s10], $0x1500  }
0x31b: {  	s0 =	sld [smem:$0x7B1]  }
0x31c: {  	[sflag:s10] =	ssyncset.done $0x0  }
0x31d: {  	[sflag:s10] =	ssyncadd.s32 $0xFFFFEB00  }
0x31e: {  	[spmem:s9], [sflag:s28] =	dma.local [hbm:s0], $0x1500  }
0x31f: {  	_ =	swait.ge [sflag:s7], $0x1500  }
0x320: {  	s0 =	sld [smem:$0x7B2]  }
0x321: {  	[sflag:s7] =	ssyncset.done $0x0  }
0x322: {  	[sflag:s7] =	ssyncadd.s32 $0xFFFFEB00  }
0x323: {  	[hbm:s0], [sflag:s29] =	dma.local [spmem:s14], $0x1500  }
0x324: {  	_ =	swait.ge [sflag:s3], $0x1500  }
0x325: {  	s0 =	sld [smem:$0x7B3]  }
0x326: {  	[sflag:s3] =	ssyncset.done $0x0  }
0x327: {  	[sflag:s3] =	ssyncadd.s32 $0xFFFFEB00  }
0x328: {  	[spmem:s14], [sflag:s2] =	dma.local [hbm:s0], $0x1500  }
0x329: {  	_ =	swait.ge [sflag:s17], $0x1500  }
0x32a: {  	s0 =	sld [smem:$0x7B4]  }
0x32b: {  	[sflag:s17] =	ssyncset.done $0x0  }
0x32c: {  	[sflag:s17] =	ssyncadd.s32 $0xFFFFEB00  }
0x32d: {  	[hbm:s0], [sflag:s30] =	dma.local [spmem:s12], $0x1500  }
0x32e: {  	_ =	swait.ge [sflag:s6], $0x1500  }
0x32f: {  	s0 =	sld [smem:$0x7B5]  }
0x330: {  	[sflag:s6] =	ssyncset.done $0x0  }
0x331: {  	[sflag:s6] =	ssyncadd.s32 $0xFFFFEB00  }
0x332: {  	[spmem:s12], [sflag:s26] =	dma.local [hbm:s0], $0x1500  }
0x333: {  	_ =	swait.ge [sflag:s15], $0x1500  }
0x334: {  	s0 =	sld [smem:$0x7B6]  }
0x335: {  	[sflag:s15] =	ssyncset.done $0x0  }
0x336: {  	[sflag:s15] =	ssyncadd.s32 $0xFFFFEB00  }
0x337: {  	[hbm:s0], [sflag:s31] =	dma.local [spmem:s9], $0x1500  }
0x338: {  	_ =	swait.ge [sflag:s10], $0x1500  }
0x339: {  	s0 =	sld [smem:$0x7B7]  }
0x33a: {  	[sflag:s10] =	ssyncset.done $0x0  }
0x33b: {  	[sflag:s10] =	ssyncadd.s32 $0xFFFFEB00  }
0x33c: {  	[spmem:s9], [sflag:s28] =	dma.local [hbm:s0], $0x1500  }
0x33d: {  	_ =	swait.ge [sflag:s7], $0x1500  }
0x33e: {  	s0 =	sld [smem:$0x7B8]  }
0x33f: {  	[sflag:s7] =	ssyncset.done $0x0  }
0x340: {  	[sflag:s7] =	ssyncadd.s32 $0xFFFFEB00  }
0x341: {  	[hbm:s0], [sflag:s29] =	dma.local [spmem:s14], $0x1500  }
0x342: {  	_ =	swait.ge [sflag:s3], $0x1500  }
0x343: {  	s0 =	sld [smem:$0x7B9]  }
0x344: {  	[sflag:s3] =	ssyncset.done $0x0  }
0x345: {  	[sflag:s3] =	ssyncadd.s32 $0xFFFFEB00  }
0x346: {  	[spmem:s14], [sflag:s2] =	dma.local [hbm:s0], $0x700  }
0x347: {  	_ =	swait.ge [sflag:s17], $0x1500  }
0x348: {  	s0 =	sld [smem:$0x7BA]  }
0x349: {  	[sflag:s17] =	ssyncset.done $0x0  }
0x34a: {  	[sflag:s17] =	ssyncadd.s32 $0xFFFFEB00  }
0x34b: {  	[hbm:s0], [sflag:s30] =	dma.local [spmem:s12], $0x1500  }
0x34c: {  	_ =	swait.ge [sflag:s6], $0x1500  }
0x34d: {  	s0 =	sld [smem:$0x7BB]  }
0x34e: {  	[sflag:s6] =	ssyncset.done $0x0  }
0x34f: {  	[sflag:s6] =	ssyncadd.s32 $0xFFFFEB00  }
0x350: {  	[spmem:s12], [sflag:s26] =	dma.local [hbm:s0], $0x100  }
0x351: {  	_ =	swait.ge [sflag:s15], $0x1500  }
0x352: {  	s0 =	sld [smem:$0x7BC]  }
0x353: {  	[sflag:s15] =	ssyncset.done $0x0  }
0x354: {  	[sflag:s15] =	ssyncadd.s32 $0xFFFFEB00  }
0x355: {  	[hbm:s0], [sflag:s31] =	dma.local [spmem:s9], $0x1500  }
0x356: {  	_ =	swait.ge [sflag:s10], $0x1500  }
0x357: {  	s0 =	sld [smem:$0x7BD]  }
0x358: {  	[sflag:s10] =	ssyncset.done $0x0  }
0x359: {  	[sflag:s10] =	ssyncadd.s32 $0xFFFFEB00  }
0x35a: {  	[spmem:s9], [sflag:s28] =	dma.local [hbm:s0], $0x1500  }
0x35b: {  	_ =	swait.ge [sflag:s7], $0x700  }
0x35c: {  	s0 =	sld [smem:$0x7BE]  }
0x35d: {  	[sflag:s7] =	ssyncset.done $0x0  }
0x35e: {  	[sflag:s7] =	ssyncadd.s32 $0xFFFFF900  }
0x35f: {  	[hbm:s0], [sflag:s29] =	dma.local [spmem:s14], $0x700  }
0x360: {  	_ =	swait.ge [sflag:s3], $0x700  }
0x361: {  	s0 =	sld [smem:$0x7C0]  }
0x362: {  	[sflag:s3] =	ssyncset.done $0x0  }
0x363: {  	[sflag:s3] =	ssyncadd.s32 $0xFFFFF900  }
0x364: {  	[spmem:s14], [sflag:s2] =	dma.local [hbm:s0], $0x1500  }
0x365: {  	_ =	swait.ge [sflag:s17], $0x100  }
0x366: {  	s0 =	sld [smem:$0x7C1]  }
0x367: {  	[sflag:s17] =	ssyncset.done $0x0  }
0x368: {  	[sflag:s17] =	ssyncadd.s32 $0xFFFFFF00  }
0x369: {  	[hbm:s0], [sflag:s30] =	dma.local [spmem:s12], $0x100  }
0x36a: {  	_ =	swait.ge [sflag:s6], $0x100  }
0x36b: {  	s0 =	sld [smem:$0x7C3]  }
0x36c: {  	[sflag:s6] =	ssyncset.done $0x0  }
0x36d: {  	[sflag:s6] =	ssyncadd.s32 $0xFFFFFF00  }
0x36e: {  	[spmem:s12], [sflag:s26] =	dma.local [hbm:s0], $0x1500  }
0x36f: {  	_ =	swait.ge [sflag:s15], $0x1500  }
0x370: {  	s0 =	sld [smem:$0x7C4]  }
0x371: {  	[sflag:s15] =	ssyncset.done $0x0  }
0x372: {  	[sflag:s15] =	ssyncadd.s32 $0xFFFFEB00  }
0x373: {  	[hbm:s0], [sflag:s31] =	dma.local [spmem:s9], $0x1500  }
0x374: {  	_ =	swait.ge [sflag:s10], $0x1500  }
0x375: {  	s0 =	sld [smem:$0x7C6]  }
0x376: {  	[sflag:s10] =	ssyncset.done $0x0  }
0x377: {  	[sflag:s10] =	ssyncadd.s32 $0xFFFFEB00  }
0x378: {  	[spmem:s9], [sflag:s28] =	dma.local [hbm:s0], $0x1500  }
0x379: {  	_ =	swait.ge [sflag:s7], $0x1500  }
0x37a: {  	s0 =	sld [smem:$0x7C8]  }
0x37b: {  	[sflag:s7] =	ssyncset.done $0x0  }
0x37c: {  	[sflag:s7] =	ssyncadd.s32 $0xFFFFEB00  }
0x37d: {  	[hbm:s0], [sflag:s29] =	dma.local [spmem:s14], $0x1500  }
0x37e: {  	_ =	swait.ge [sflag:s3], $0x1500  }
0x37f: {  	s0 =	sld [smem:$0x7CA]  }
0x380: {  	[sflag:s3] =	ssyncset.done $0x0  }
0x381: {  	[sflag:s3] =	ssyncadd.s32 $0xFFFFEB00  }
0x382: {  	[spmem:s14], [sflag:s2] =	dma.local [hbm:s0], $0x1500  }
0x383: {  	_ =	swait.ge [sflag:s17], $0x1500  }
0x384: {  	s0 =	sld [smem:$0x7CC]  }
0x385: {  	[sflag:s17] =	ssyncset.done $0x0  }
0x386: {  	[sflag:s17] =	ssyncadd.s32 $0xFFFFEB00  }
0x387: {  	[hbm:s0], [sflag:s30] =	dma.local [spmem:s12], $0x1500  }
0x388: {  	_ =	swait.ge [sflag:s6], $0x1500  }
0x389: {  	s0 =	sld [smem:$0x7CE]  }
0x38a: {  	[sflag:s6] =	ssyncset.done $0x0  }
0x38b: {  	[sflag:s6] =	ssyncadd.s32 $0xFFFFEB00  }
0x38c: {  	[spmem:s12], [sflag:s26] =	dma.local [hbm:s0], $0x1500  }
0x38d: {  	_ =	swait.ge [sflag:s15], $0x1500  }
0x38e: {  	s0 =	sld [smem:$0x7D0]  }
0x38f: {  	[sflag:s15] =	ssyncset.done $0x0  }
0x390: {  	[sflag:s15] =	ssyncadd.s32 $0xFFFFEB00  }
0x391: {  	[hbm:s0], [sflag:s31] =	dma.local [spmem:s9], $0x1500  }
0x392: {  	_ =	swait.ge [sflag:s10], $0x1500  }
0x393: {  	s0 =	sld [smem:$0x7D2]  }
0x394: {  	[sflag:s10] =	ssyncset.done $0x0  }
0x395: {  	[sflag:s10] =	ssyncadd.s32 $0xFFFFEB00  }
0x396: {  	[spmem:s9], [sflag:s28] =	dma.local [hbm:s0], $0x1500  }
0x397: {  	_ =	swait.ge [sflag:s7], $0x1500  }
0x398: {  	s0 =	sld [smem:$0x7D4]  }
0x399: {  	[sflag:s7] =	ssyncset.done $0x0  }
0x39a: {  	[sflag:s7] =	ssyncadd.s32 $0xFFFFEB00  }
0x39b: {  	[hbm:s0], [sflag:s29] =	dma.local [spmem:s14], $0x1500  }
0x39c: {  	_ =	swait.ge [sflag:s3], $0x1500  }
0x39d: {  	s0 =	sld [smem:$0x7D6]  }
0x39e: {  	[sflag:s3] =	ssyncset.done $0x0  }
0x39f: {  	[sflag:s3] =	ssyncadd.s32 $0xFFFFEB00  }
0x3a0: {  	[spmem:s14], [sflag:s2] =	dma.local [hbm:s0], $0x1500  }
0x3a1: {  	_ =	swait.ge [sflag:s17], $0x1500  }
0x3a2: {  	s0 =	sld [smem:$0x7D8]  }
0x3a3: {  	[sflag:s17] =	ssyncset.done $0x0  }
0x3a4: {  	[sflag:s17] =	ssyncadd.s32 $0xFFFFEB00  }
0x3a5: {  	[hbm:s0], [sflag:s30] =	dma.local [spmem:s12], $0x1500  }
0x3a6: {  	_ =	swait.ge [sflag:s6], $0x1500  }
0x3a7: {  	s0 =	sld [smem:$0x7DA]  }
0x3a8: {  	[sflag:s6] =	ssyncset.done $0x0  }
0x3a9: {  	[sflag:s6] =	ssyncadd.s32 $0xFFFFEB00  }
0x3aa: {  	[spmem:s12], [sflag:s26] =	dma.local [hbm:s0], $0x1500  }
0x3ab: {  	_ =	swait.ge [sflag:s15], $0x1500  }
0x3ac: {  	s0 =	sld [smem:$0x7DC]  }
0x3ad: {  	[sflag:s15] =	ssyncset.done $0x0  }
0x3ae: {  	[sflag:s15] =	ssyncadd.s32 $0xFFFFEB00  }
0x3af: {  	[hbm:s0], [sflag:s31] =	dma.local [spmem:s9], $0x1500  }
0x3b0: {  	_ =	swait.ge [sflag:s10], $0x1500  }
0x3b1: {  	s0 =	sld [smem:$0x7DE]  }
0x3b2: {  	[sflag:s10] =	ssyncset.done $0x0  }
0x3b3: {  	[sflag:s10] =	ssyncadd.s32 $0xFFFFEB00  }
0x3b4: {  	[spmem:s9], [sflag:s28] =	dma.local [hbm:s0], $0x1500  }
0x3b5: {  	_ =	swait.ge [sflag:s7], $0x1500  }
0x3b6: {  	s0 =	sld [smem:$0x7E0]  }
0x3b7: {  	[sflag:s7] =	ssyncset.done $0x0  }
0x3b8: {  	[sflag:s7] =	ssyncadd.s32 $0xFFFFEB00  }
0x3b9: {  	[hbm:s0], [sflag:s29] =	dma.local [spmem:s14], $0x1500  }
0x3ba: {  	_ =	swait.ge [sflag:s3], $0x1500  }
0x3bb: {  	s0 =	sld [smem:$0x7E2]  }
0x3bc: {  	[sflag:s3] =	ssyncset.done $0x0  }
0x3bd: {  	[sflag:s3] =	ssyncadd.s32 $0xFFFFEB00  }
0x3be: {  	[spmem:s14], [sflag:s2] =	dma.local [hbm:s0], $0x1500  }
0x3bf: {  	_ =	swait.ge [sflag:s17], $0x1500  }
0x3c0: {  	s0 =	sld [smem:$0x7E4]  }
0x3c1: {  	[sflag:s17] =	ssyncset.done $0x0  }
0x3c2: {  	[sflag:s17] =	ssyncadd.s32 $0xFFFFEB00  }
0x3c3: {  	[hbm:s0], [sflag:s30] =	dma.local [spmem:s12], $0x1500  }
0x3c4: {  	_ =	swait.ge [sflag:s6], $0x1500  }
0x3c5: {  	s0 =	sld [smem:$0x7E6]  }
0x3c6: {  	[sflag:s6] =	ssyncset.done $0x0  }
0x3c7: {  	[sflag:s6] =	ssyncadd.s32 $0xFFFFEB00  }
0x3c8: {  	[spmem:s12], [sflag:s26] =	dma.local [hbm:s0], $0x1500  }
0x3c9: {  	_ =	swait.ge [sflag:s15], $0x1500  }
0x3ca: {  	s0 =	sld [smem:$0x7E8]  }
0x3cb: {  	[sflag:s15] =	ssyncset.done $0x0  }
0x3cc: {  	[sflag:s15] =	ssyncadd.s32 $0xFFFFEB00  }
0x3cd: {  	[hbm:s0], [sflag:s31] =	dma.local [spmem:s9], $0x1500  }
0x3ce: {  	_ =	swait.ge [sflag:s10], $0x1500  }
0x3cf: {  	s0 =	sld [smem:$0x7EA]  }
0x3d0: {  	[sflag:s10] =	ssyncset.done $0x0  }
0x3d1: {  	[sflag:s10] =	ssyncadd.s32 $0xFFFFEB00  }
0x3d2: {  	[spmem:s9], [sflag:s28] =	dma.local [hbm:s0], $0x1500  }
0x3d3: {  	_ =	swait.ge [sflag:s7], $0x1500  }
0x3d4: {  	s0 =	sld [smem:$0x7EC]  }
0x3d5: {  	[sflag:s7] =	ssyncset.done $0x0  }
0x3d6: {  	[sflag:s7] =	ssyncadd.s32 $0xFFFFEB00  }
0x3d7: {  	[hbm:s0], [sflag:s29] =	dma.local [spmem:s14], $0x1500  }
0x3d8: {  	_ =	swait.ge [sflag:s3], $0x1500  }
0x3d9: {  	s0 =	sld [smem:$0x7EE]  }
0x3da: {  	[sflag:s3] =	ssyncset.done $0x0  }
0x3db: {  	[sflag:s3] =	ssyncadd.s32 $0xFFFFEB00  }
0x3dc: {  	[spmem:s14], [sflag:s2] =	dma.local [hbm:s0], $0x1500  }
0x3dd: {  	_ =	swait.ge [sflag:s17], $0x1500  }
0x3de: {  	s0 =	sld [smem:$0x7EF]  }
0x3df: {  	[sflag:s17] =	ssyncset.done $0x0  }
0x3e0: {  	[sflag:s17] =	ssyncadd.s32 $0xFFFFEB00  }
0x3e1: {  	[hbm:s0], [sflag:s30] =	dma.local [spmem:s12], $0x1500  }
0x3e2: {  	_ =	swait.ge [sflag:s6], $0x1500  }
0x3e3: {  	s0 =	sld [smem:$0x7F0]  }
0x3e4: {  	[sflag:s6] =	ssyncset.done $0x0  }
0x3e5: {  	[sflag:s6] =	ssyncadd.s32 $0xFFFFEB00  }
0x3e6: {  	[spmem:s12], [sflag:s26] =	dma.local [hbm:s0], $0x1500  }
0x3e7: {  	_ =	swait.ge [sflag:s15], $0x1500  }
0x3e8: {  	s0 =	sld [smem:$0x7F1]  }
0x3e9: {  	[sflag:s15] =	ssyncset.done $0x0  }
0x3ea: {  	[sflag:s15] =	ssyncadd.s32 $0xFFFFEB00  }
0x3eb: {  	[hbm:s0], [sflag:s31] =	dma.local [spmem:s9], $0x1500  }
0x3ec: {  	_ =	swait.ge [sflag:s10], $0x1500  }
0x3ed: {  	s0 =	sld [smem:$0x7F2]  }
0x3ee: {  	[sflag:s10] =	ssyncset.done $0x0  }
0x3ef: {  	[sflag:s10] =	ssyncadd.s32 $0xFFFFEB00  }
0x3f0: {  	[spmem:s9], [sflag:s28] =	dma.local [hbm:s0], $0x1500  }
0x3f1: {  	_ =	swait.ge [sflag:s7], $0x1500  }
0x3f2: {  	s0 =	sld [smem:$0x7F3]  }
0x3f3: {  	[sflag:s7] =	ssyncset.done $0x0  }
0x3f4: {  	[sflag:s7] =	ssyncadd.s32 $0xFFFFEB00  }
0x3f5: {  	[hbm:s0], [sflag:s29] =	dma.local [spmem:s14], $0x1500  }
0x3f6: {  	_ =	swait.ge [sflag:s3], $0x1500  }
0x3f7: {  	s0 =	sld [smem:$0x7F4]  }
0x3f8: {  	[sflag:s3] =	ssyncset.done $0x0  }
0x3f9: {  	[sflag:s3] =	ssyncadd.s32 $0xFFFFEB00  }
0x3fa: {  	[spmem:s14], [sflag:s2] =	dma.local [hbm:s0], $0x1500  }
0x3fb: {  	_ =	swait.ge [sflag:s17], $0x1500  }
0x3fc: {  	s0 =	sld [smem:$0x7F5]  }
0x3fd: {  	[sflag:s17] =	ssyncset.done $0x0  }
0x3fe: {  	[sflag:s17] =	ssyncadd.s32 $0xFFFFEB00  }
0x3ff: {  	[hbm:s0], [sflag:s30] =	dma.local [spmem:s12], $0x1500  }
0x400: {  	_ =	swait.ge [sflag:s6], $0x1500  }
0x401: {  	s0 =	sld [smem:$0x7F7]  }
0x402: {  	[sflag:s6] =	ssyncset.done $0x0  }
0x403: {  	[sflag:s6] =	ssyncadd.s32 $0xFFFFEB00  }
0x404: {  	[spmem:s12], [sflag:s26] =	dma.local [hbm:s0], $0x1500  }
0x405: {  	_ =	swait.ge [sflag:s15], $0x1500  }
0x406: {  	s0 =	sld [smem:$0x7F8]  }
0x407: {  	[sflag:s15] =	ssyncset.done $0x0  }
0x408: {  	[sflag:s15] =	ssyncadd.s32 $0xFFFFEB00  }
0x409: {  	[hbm:s0], [sflag:s31] =	dma.local [spmem:s9], $0x1500  }
0x40a: {  	_ =	swait.ge [sflag:s10], $0x1500  }
0x40b: {  	s0 =	sld [smem:$0x7F9]  }
0x40c: {  	[sflag:s10] =	ssyncset.done $0x0  }
0x40d: {  	[sflag:s10] =	ssyncadd.s32 $0xFFFFEB00  }
0x40e: {  	[spmem:s9], [sflag:s28] =	dma.local [hbm:s0], $0x1500  }
0x40f: {  	_ =	swait.ge [sflag:s7], $0x1500  }
0x410: {  	s0 =	sld [smem:$0x7FA]  }
0x411: {  	[sflag:s7] =	ssyncset.done $0x0  }
0x412: {  	[sflag:s7] =	ssyncadd.s32 $0xFFFFEB00  }
0x413: {  	[hbm:s0], [sflag:s29] =	dma.local [spmem:s14], $0x1500  }
0x414: {  	_ =	swait.ge [sflag:s3], $0x1500  }
0x415: {  	s0 =	sld [smem:$0x7FB]  }
0x416: {  	[sflag:s3] =	ssyncset.done $0x0  }
0x417: {  	[sflag:s3] =	ssyncadd.s32 $0xFFFFEB00  }
0x418: {  	[spmem:s14], [sflag:s2] =	dma.local [hbm:s0], $0x1500  }
0x419: {  	_ =	swait.ge [sflag:s17], $0x1500  }
0x41a: {  	s0 =	sld [smem:$0x7FC]  }
0x41b: {  	[sflag:s17] =	ssyncset.done $0x0  }
0x41c: {  	[sflag:s17] =	ssyncadd.s32 $0xFFFFEB00  }
0x41d: {  	[hbm:s0], [sflag:s30] =	dma.local [spmem:s12], $0x1500  }
0x41e: {  	_ =	swait.ge [sflag:s6], $0x1500  }
0x41f: {  	s0 =	sld [smem:$0x7FD]  }
0x420: {  	[sflag:s6] =	ssyncset.done $0x0  }
0x421: {  	[sflag:s6] =	ssyncadd.s32 $0xFFFFEB00  }
0x422: {  	[spmem:s12], [sflag:s26] =	dma.local [hbm:s0], $0x1500  }
0x423: {  	_ =	swait.ge [sflag:s15], $0x1500  }
0x424: {  	[sflag:s15] =	ssyncset.done $0x0  }
0x425: {  	[sflag:s15] =	ssyncadd.s32 $0xFFFFEB00  }
0x426: {  	[hbm:s24], [sflag:s31] =	dma.local [spmem:s9], $0x1500  }
0x427: {  	_ =	swait.ge [sflag:s10], $0x1500  }
0x428: {  	[sflag:s10] =	ssyncset.done $0x0  }
0x429: {  	[sflag:s10] =	ssyncadd.s32 $0xFFFFEB00  }
0x42a: {  	[spmem:s9], [sflag:s28] =	dma.local [hbm:s23], $0x1500  }
0x42b: {  	_ =	swait.ge [sflag:s7], $0x1500  }
0x42c: {  	[sflag:s7] =	ssyncset.done $0x0  }
0x42d: {  	[sflag:s7] =	ssyncadd.s32 $0xFFFFEB00  }
0x42e: {  	[hbm:s22], [sflag:s29] =	dma.local [spmem:s14], $0x1500  }
0x42f: {  	_ =	swait.ge [sflag:s3], $0x1500  }
0x430: {  	[sflag:s3] =	ssyncset.done $0x0  }
0x431: {  	[sflag:s3] =	ssyncadd.s32 $0xFFFFEB00  }
0x432: {  	[spmem:s14], [sflag:s2] =	dma.local [hbm:s21], $0x1500  }
0x433: {  	_ =	swait.ge [sflag:s17], $0x1500  }
0x434: {  	[sflag:s17] =	ssyncset.done $0x0  }
0x435: {  	[sflag:s17] =	ssyncadd.s32 $0xFFFFEB00  }
0x436: {  	[hbm:s20], [sflag:s30] =	dma.local [spmem:s12], $0x1500  }
0x437: {  	_ =	swait.ge [sflag:s6], $0x1500  }
0x438: {  	[sflag:s6] =	ssyncset.done $0x0  }
0x439: {  	[sflag:s6] =	ssyncadd.s32 $0xFFFFEB00  }
0x43a: {  	[spmem:s12], [sflag:s26] =	dma.local [hbm:s19], $0x1500  }
0x43b: {  	_ =	swait.ge [sflag:s15], $0x1500  }
0x43c: {  	[sflag:s15] =	ssyncset.done $0x0  }
0x43d: {  	[sflag:s15] =	ssyncadd.s32 $0xFFFFEB00  }
0x43e: {  	[hbm:s18], [sflag:s31] =	dma.local [spmem:s9], $0x1500  }
0x43f: {  	_ =	swait.ge [sflag:s10], $0x1500  }
0x440: {  	[sflag:s10] =	ssyncset.done $0x0  }
0x441: {  	[sflag:s10] =	ssyncadd.s32 $0xFFFFEB00  }
0x442: {  	[spmem:s9], [sflag:s28] =	dma.local [hbm:s16], $0x700  }
0x443: {  	_ =	swait.ge [sflag:s7], $0x1500  }
0x444: {  	[sflag:s7] =	ssyncset.done $0x0  }
0x445: {  	[sflag:s7] =	ssyncadd.s32 $0xFFFFEB00  }
0x446: {  	[hbm:s13], [sflag:s29] =	dma.local [spmem:s14], $0x1500  }
0x447: {  	_ =	swait.ge [sflag:s3], $0x1500  }
0x448: {  	[sflag:s3] =	ssyncset.done $0x0  }
0x449: {  	[sflag:s3] =	ssyncadd.s32 $0xFFFFEB00  }
0x44a: {  	[spmem:s14], [sflag:s2] =	dma.local [hbm:s11], $0x100  }
0x44b: {  	_ =	swait.ge [sflag:s17], $0x1500  }
0x44c: {  	[sflag:s17] =	ssyncset.done $0x0  }
0x44d: {  	[sflag:s17] =	ssyncadd.s32 $0xFFFFEB00  }
0x44e: {  	[hbm:s8], [sflag:s30] =	dma.local [spmem:s12], $0x1500  }
0x44f: {  	_ =	swait.ge [sflag:s15], $0x700  }
0x450: {  	[sflag:s15] =	ssyncset.done $0x0  }
0x451: {  	[sflag:s15] =	ssyncadd.s32 $0xFFFFF900  }
0x452: {  	[hbm:s5], [sflag:s31] =	dma.local [spmem:s9], $0x700  }
0x453: {  	_ =	swait.ge [sflag:s7], $0x100  }
0x454: {  	[sflag:s7] =	ssyncset.done $0x0  }
0x455: {  	[sflag:s7] =	ssyncadd.s32 $0xFFFFFF00  }
0x456: {  	[hbm:s4], [sflag:s29] =	dma.local [spmem:s14], $0x100  }
0x457: {  	_ =	swait.ge [sflag:s6], $0x1500  }
0x458: {  	[sflag:s6] =	ssyncset.done $0x0  }
0x459: {  	p1 =	sne.s32 s1, $0x1;
	[sflag:s6] =	ssyncadd.s32 $0xFFFFEB00  }
.Ltmp2:
0x45a: {  	_ =	swait.ge [sflag:s10], $0x700;
	(pc) =	sbr.rel @p1 .LBB2_3-.Ltmp2, $4  }
0x45b: {  	[sflag:s10] =	ssyncset.done $0x0  }
0x45c: {  	[sflag:s10] =	ssyncadd.s32 $0xFFFFF900  }
0x45d: {  	_ =	swait.ge [sflag:s3], $0x100  }
0x45e: {  	s1 =	sadd.s32 $0xFFFFFFFF, s1;
	s0 =	rddreg [dreg:$0x5];
	[sflag:s3] =	ssyncset.done $0x0  }
0x45f: {  	s31 =	smov.u32 s25  }
.LBB2_5:
0x460: {  	[sflag:s3] =	ssyncadd.s32 @p0 $0xFFFFFF00  }
0x461: {  	[spmem:s14], [sflag:s2] =	dma.local [hbm:s0], $0x1500  }
0x462: {  	s28 =	sor.u32 $0x1C02, s31;
	s0 =	rddreg [dreg:$0x6]  }
0x463: {  	[spmem:s12], [sflag:s28] =	dma.local [hbm:s0], $0x1500  }
0x464: {  	s26 =	sor.u32 $0x1C03, s31;
	s0 =	rddreg [dreg:$0x7]  }
0x465: {  	[spmem:s9], [sflag:s26] =	dma.local [hbm:s0], $0x1500  }
0x466: {  	_ =	swait.ge [sflag:s7], $0x1500  }
0x467: {  	[sflag:s7] =	ssyncset.done $0x0  }
0x468: {  	s1 =	sor.u32 $0x1C04, s31;
	s25 =	rddreg [dreg:$0x8];
	[sflag:s7] =	ssyncadd.s32 $0xFFFFEB00  }
0x469: {  	[hbm:s25], [sflag:s1] =	dma.local [spmem:s14], $0x1500  }
0x46a: {  	_ =	swait.ge [sflag:s3], $0x1500  }
0x46b: {  	[sflag:s3] =	ssyncset.done $0x0  }
0x46c: {  	s29 =	rddreg [dreg:$0x9];
	[sflag:s3] =	ssyncadd.s32 $0xFFFFEB00  }
0x46d: {  	[spmem:s14], [sflag:s2] =	dma.local [hbm:s29], $0x1500  }
0x46e: {  	_ =	swait.ge [sflag:s17], $0x1500  }
0x46f: {  	[sflag:s17] =	ssyncset.done $0x0  }
0x470: {  	s29 =	sor.u32 $0x1C05, s31;
	s30 =	rddreg [dreg:$0xa];
	[sflag:s17] =	ssyncadd.s32 $0xFFFFEB00  }
0x471: {  	[hbm:s30], [sflag:s29] =	dma.local [spmem:s12], $0x1500  }
0x472: {  	_ =	swait.ge [sflag:s6], $0x1500  }
0x473: {  	[sflag:s6] =	ssyncset.done $0x0  }
0x474: {  	s25 =	rddreg [dreg:$0xb];
	[sflag:s6] =	ssyncadd.s32 $0xFFFFEB00  }
0x475: {  	[spmem:s12], [sflag:s28] =	dma.local [hbm:s25], $0x1500  }
0x476: {  	_ =	swait.ge [sflag:s15], $0x1500  }
0x477: {  	[sflag:s15] =	ssyncset.done $0x0  }
0x478: {  	s25 =	sor.u32 $0x1C06, s31;
	s30 =	rddreg [dreg:$0xc];
	[sflag:s15] =	ssyncadd.s32 $0xFFFFEB00  }
0x479: {  	[hbm:s30], [sflag:s25] =	dma.local [spmem:s9], $0x1500  }
0x47a: {  	_ =	swait.ge [sflag:s10], $0x1500  }
0x47b: {  	[sflag:s10] =	ssyncset.done $0x0  }
0x47c: {  	s30 =	rddreg [dreg:$0xd];
	[sflag:s10] =	ssyncadd.s32 $0xFFFFEB00  }
0x47d: {  	[spmem:s9], [sflag:s26] =	dma.local [hbm:s30], $0x1500  }
0x47e: {  	_ =	swait.ge [sflag:s7], $0x1500  }
0x47f: {  	[sflag:s7] =	ssyncset.done $0x0  }
0x480: {  	s31 =	rddreg [dreg:$0xe];
	[sflag:s7] =	ssyncadd.s32 $0xFFFFEB00  }
0x481: {  	[hbm:s31], [sflag:s1] =	dma.local [spmem:s14], $0x1500  }
0x482: {  	_ =	swait.ge [sflag:s3], $0x1500  }
0x483: {  	[sflag:s3] =	ssyncset.done $0x0  }
0x484: {  	s30 =	rddreg [dreg:$0xf];
	[sflag:s3] =	ssyncadd.s32 $0xFFFFEB00  }
0x485: {  	[spmem:s14], [sflag:s2] =	dma.local [hbm:s30], $0x1500  }
0x486: {  	_ =	swait.ge [sflag:s17], $0x1500  }
0x487: {  	[sflag:s17] =	ssyncset.done $0x0  }
0x488: {  	s31 =	rddreg [dreg:$0x10];
	[sflag:s17] =	ssyncadd.s32 $0xFFFFEB00  }
0x489: {  	[hbm:s31], [sflag:s29] =	dma.local [spmem:s12], $0x1500  }
0x48a: {  	_ =	swait.ge [sflag:s6], $0x1500  }
0x48b: {  	[sflag:s6] =	ssyncset.done $0x0  }
0x48c: {  	s30 =	rddreg [dreg:$0x11];
	[sflag:s6] =	ssyncadd.s32 $0xFFFFEB00  }
0x48d: {  	[spmem:s12], [sflag:s28] =	dma.local [hbm:s30], $0x1500  }
0x48e: {  	_ =	swait.ge [sflag:s15], $0x1500  }
0x48f: {  	[sflag:s15] =	ssyncset.done $0x0  }
0x490: {  	s31 =	rddreg [dreg:$0x12];
	[sflag:s15] =	ssyncadd.s32 $0xFFFFEB00  }
0x491: {  	[hbm:s31], [sflag:s25] =	dma.local [spmem:s9], $0x1500  }
0x492: {  	_ =	swait.ge [sflag:s10], $0x1500  }
0x493: {  	[sflag:s10] =	ssyncset.done $0x0  }
0x494: {  	s30 =	rddreg [dreg:$0x13];
	[sflag:s10] =	ssyncadd.s32 $0xFFFFEB00  }
0x495: {  	[spmem:s9], [sflag:s26] =	dma.local [hbm:s30], $0x1500  }
0x496: {  	_ =	swait.ge [sflag:s7], $0x1500  }
0x497: {  	[sflag:s7] =	ssyncset.done $0x0  }
0x498: {  	s31 =	rddreg [dreg:$0x14];
	[sflag:s7] =	ssyncadd.s32 $0xFFFFEB00  }
0x499: {  	[hbm:s31], [sflag:s1] =	dma.local [spmem:s14], $0x1500  }
0x49a: {  	_ =	swait.ge [sflag:s3], $0x1500  }
0x49b: {  	[sflag:s3] =	ssyncset.done $0x0  }
0x49c: {  	s30 =	rddreg [dreg:$0x15];
	[sflag:s3] =	ssyncadd.s32 $0xFFFFEB00  }
0x49d: {  	[spmem:s14], [sflag:s2] =	dma.local [hbm:s30], $0x1500  }
0x49e: {  	_ =	swait.ge [sflag:s17], $0x1500  }
0x49f: {  	[sflag:s17] =	ssyncset.done $0x0  }
0x4a0: {  	s31 =	rddreg [dreg:$0x16];
	[sflag:s17] =	ssyncadd.s32 $0xFFFFEB00  }
0x4a1: {  	[hbm:s31], [sflag:s29] =	dma.local [spmem:s12], $0x1500  }
0x4a2: {  	_ =	swait.ge [sflag:s6], $0x1500  }
0x4a3: {  	[sflag:s6] =	ssyncset.done $0x0  }
0x4a4: {  	s30 =	rddreg [dreg:$0x17];
	[sflag:s6] =	ssyncadd.s32 $0xFFFFEB00  }
0x4a5: {  	[spmem:s12], [sflag:s28] =	dma.local [hbm:s30], $0x1500  }
0x4a6: {  	_ =	swait.ge [sflag:s15], $0x1500  }
0x4a7: {  	[sflag:s15] =	ssyncset.done $0x0  }
0x4a8: {  	s31 =	rddreg [dreg:$0x18];
	[sflag:s15] =	ssyncadd.s32 $0xFFFFEB00  }
0x4a9: {  	[hbm:s31], [sflag:s25] =	dma.local [spmem:s9], $0x1500  }
0x4aa: {  	_ =	swait.ge [sflag:s10], $0x1500  }
0x4ab: {  	[sflag:s10] =	ssyncset.done $0x0  }
0x4ac: {  	s30 =	rddreg [dreg:$0x19];
	[sflag:s10] =	ssyncadd.s32 $0xFFFFEB00  }
0x4ad: {  	[spmem:s9], [sflag:s26] =	dma.local [hbm:s30], $0x1500  }
0x4ae: {  	_ =	swait.ge [sflag:s7], $0x1500  }
0x4af: {  	[sflag:s7] =	ssyncset.done $0x0  }
0x4b0: {  	s31 =	rddreg [dreg:$0x1a];
	[sflag:s7] =	ssyncadd.s32 $0xFFFFEB00  }
0x4b1: {  	[hbm:s31], [sflag:s1] =	dma.local [spmem:s14], $0x1500  }
0x4b2: {  	_ =	swait.ge [sflag:s3], $0x1500  }
0x4b3: {  	[sflag:s3] =	ssyncset.done $0x0  }
0x4b4: {  	s30 =	rddreg [dreg:$0x1b];
	[sflag:s3] =	ssyncadd.s32 $0xFFFFEB00  }
0x4b5: {  	[spmem:s14], [sflag:s2] =	dma.local [hbm:s30], $0x1500  }
0x4b6: {  	_ =	swait.ge [sflag:s17], $0x1500  }
0x4b7: {  	[sflag:s17] =	ssyncset.done $0x0  }
0x4b8: {  	s31 =	rddreg [dreg:$0x1c];
	[sflag:s17] =	ssyncadd.s32 $0xFFFFEB00  }
0x4b9: {  	[hbm:s31], [sflag:s29] =	dma.local [spmem:s12], $0x1500  }
0x4ba: {  	_ =	swait.ge [sflag:s6], $0x1500  }
0x4bb: {  	[sflag:s6] =	ssyncset.done $0x0  }
0x4bc: {  	s30 =	rddreg [dreg:$0x1d];
	[sflag:s6] =	ssyncadd.s32 $0xFFFFEB00  }
0x4bd: {  	[spmem:s12], [sflag:s28] =	dma.local [hbm:s30], $0x1500  }
0x4be: {  	_ =	swait.ge [sflag:s15], $0x1500  }
0x4bf: {  	[sflag:s15] =	ssyncset.done $0x0  }
0x4c0: {  	s31 =	rddreg [dreg:$0x1e];
	[sflag:s15] =	ssyncadd.s32 $0xFFFFEB00  }
0x4c1: {  	[hbm:s31], [sflag:s25] =	dma.local [spmem:s9], $0x1500  }
0x4c2: {  	_ =	swait.ge [sflag:s10], $0x1500  }
0x4c3: {  	[sflag:s10] =	ssyncset.done $0x0  }
0x4c4: {  	s30 =	rddreg [dreg:$0x1f];
	[sflag:s10] =	ssyncadd.s32 $0xFFFFEB00  }
0x4c5: {  	[spmem:s9], [sflag:s26] =	dma.local [hbm:s30], $0x1500  }
0x4c6: {  	_ =	swait.ge [sflag:s7], $0x1500  }
0x4c7: {  	s31 =	sld [smem:$0x7A6]  }
0x4c8: {  	[sflag:s7] =	ssyncset.done $0x0  }
0x4c9: {  	[sflag:s7] =	ssyncadd.s32 $0xFFFFEB00  }
0x4ca: {  	[hbm:s31], [sflag:s1] =	dma.local [spmem:s14], $0x1500  }
0x4cb: {  	_ =	swait.ge [sflag:s3], $0x1500  }
0x4cc: {  	s30 =	sld [smem:$0x7A7]  }
0x4cd: {  	[sflag:s3] =	ssyncset.done $0x0  }
0x4ce: {  	[sflag:s3] =	ssyncadd.s32 $0xFFFFEB00  }
0x4cf: {  	[spmem:s14], [sflag:s2] =	dma.local [hbm:s30], $0x1500  }
0x4d0: {  	_ =	swait.ge [sflag:s17], $0x1500  }
0x4d1: {  	s31 =	sld [smem:$0x7A8]  }
0x4d2: {  	[sflag:s17] =	ssyncset.done $0x0  }
0x4d3: {  	[sflag:s17] =	ssyncadd.s32 $0xFFFFEB00  }
0x4d4: {  	[hbm:s31], [sflag:s29] =	dma.local [spmem:s12], $0x1500  }
0x4d5: {  	_ =	swait.ge [sflag:s6], $0x1500  }
0x4d6: {  	s30 =	sld [smem:$0x7A9]  }
0x4d7: {  	[sflag:s6] =	ssyncset.done $0x0  }
0x4d8: {  	[sflag:s6] =	ssyncadd.s32 $0xFFFFEB00  }
0x4d9: {  	[spmem:s12], [sflag:s28] =	dma.local [hbm:s30], $0x1500  }
0x4da: {  	_ =	swait.ge [sflag:s15], $0x1500  }
0x4db: {  	s31 =	sld [smem:$0x7AA]  }
0x4dc: {  	[sflag:s15] =	ssyncset.done $0x0  }
0x4dd: {  	[sflag:s15] =	ssyncadd.s32 $0xFFFFEB00  }
0x4de: {  	[hbm:s31], [sflag:s25] =	dma.local [spmem:s9], $0x1500  }
0x4df: {  	_ =	swait.ge [sflag:s10], $0x1500  }
0x4e0: {  	s30 =	sld [smem:$0x7AB]  }
0x4e1: {  	[sflag:s10] =	ssyncset.done $0x0  }
0x4e2: {  	[sflag:s10] =	ssyncadd.s32 $0xFFFFEB00  }
0x4e3: {  	[spmem:s9], [sflag:s26] =	dma.local [hbm:s30], $0x1500  }
0x4e4: {  	_ =	swait.ge [sflag:s7], $0x1500  }
0x4e5: {  	s31 =	sld [smem:$0x7AC]  }
0x4e6: {  	[sflag:s7] =	ssyncset.done $0x0  }
0x4e7: {  	[sflag:s7] =	ssyncadd.s32 $0xFFFFEB00  }
0x4e8: {  	[hbm:s31], [sflag:s1] =	dma.local [spmem:s14], $0x1500  }
0x4e9: {  	_ =	swait.ge [sflag:s3], $0x1500  }
0x4ea: {  	s30 =	sld [smem:$0x7AD]  }
0x4eb: {  	[sflag:s3] =	ssyncset.done $0x0  }
0x4ec: {  	[sflag:s3] =	ssyncadd.s32 $0xFFFFEB00  }
0x4ed: {  	[spmem:s14], [sflag:s2] =	dma.local [hbm:s30], $0x1500  }
0x4ee: {  	_ =	swait.ge [sflag:s17], $0x1500  }
0x4ef: {  	s31 =	sld [smem:$0x7AE]  }
0x4f0: {  	[sflag:s17] =	ssyncset.done $0x0  }
0x4f1: {  	[sflag:s17] =	ssyncadd.s32 $0xFFFFEB00  }
0x4f2: {  	[hbm:s31], [sflag:s29] =	dma.local [spmem:s12], $0x1500  }
0x4f3: {  	_ =	swait.ge [sflag:s6], $0x1500  }
0x4f4: {  	s30 =	sld [smem:$0x7AF]  }
0x4f5: {  	[sflag:s6] =	ssyncset.done $0x0  }
0x4f6: {  	[sflag:s6] =	ssyncadd.s32 $0xFFFFEB00  }
0x4f7: {  	[spmem:s12], [sflag:s28] =	dma.local [hbm:s30], $0x1500  }
0x4f8: {  	_ =	swait.ge [sflag:s15], $0x1500  }
0x4f9: {  	s31 =	sld [smem:$0x7B0]  }
0x4fa: {  	[sflag:s15] =	ssyncset.done $0x0  }
0x4fb: {  	[sflag:s15] =	ssyncadd.s32 $0xFFFFEB00  }
0x4fc: {  	[hbm:s31], [sflag:s25] =	dma.local [spmem:s9], $0x1500  }
0x4fd: {  	_ =	swait.ge [sflag:s10], $0x1500  }
0x4fe: {  	s30 =	sld [smem:$0x7B1]  }
0x4ff: {  	[sflag:s10] =	ssyncset.done $0x0  }
0x500: {  	[sflag:s10] =	ssyncadd.s32 $0xFFFFEB00  }
0x501: {  	[spmem:s9], [sflag:s26] =	dma.local [hbm:s30], $0x1500  }
0x502: {  	_ =	swait.ge [sflag:s7], $0x1500  }
0x503: {  	s31 =	sld [smem:$0x7B2]  }
0x504: {  	[sflag:s7] =	ssyncset.done $0x0  }
0x505: {  	[sflag:s7] =	ssyncadd.s32 $0xFFFFEB00  }
0x506: {  	[hbm:s31], [sflag:s1] =	dma.local [spmem:s14], $0x1500  }
0x507: {  	_ =	swait.ge [sflag:s3], $0x1500  }
0x508: {  	s30 =	sld [smem:$0x7B3]  }
0x509: {  	[sflag:s3] =	ssyncset.done $0x0  }
0x50a: {  	[sflag:s3] =	ssyncadd.s32 $0xFFFFEB00  }
0x50b: {  	[spmem:s14], [sflag:s2] =	dma.local [hbm:s30], $0x1500  }
0x50c: {  	_ =	swait.ge [sflag:s17], $0x1500  }
0x50d: {  	s31 =	sld [smem:$0x7B4]  }
0x50e: {  	[sflag:s17] =	ssyncset.done $0x0  }
0x50f: {  	[sflag:s17] =	ssyncadd.s32 $0xFFFFEB00  }
0x510: {  	[hbm:s31], [sflag:s29] =	dma.local [spmem:s12], $0x1500  }
0x511: {  	_ =	swait.ge [sflag:s6], $0x1500  }
0x512: {  	s30 =	sld [smem:$0x7B5]  }
0x513: {  	[sflag:s6] =	ssyncset.done $0x0  }
0x514: {  	[sflag:s6] =	ssyncadd.s32 $0xFFFFEB00  }
0x515: {  	[spmem:s12], [sflag:s28] =	dma.local [hbm:s30], $0x1500  }
0x516: {  	_ =	swait.ge [sflag:s15], $0x1500  }
0x517: {  	s31 =	sld [smem:$0x7B6]  }
0x518: {  	[sflag:s15] =	ssyncset.done $0x0  }
0x519: {  	[sflag:s15] =	ssyncadd.s32 $0xFFFFEB00  }
0x51a: {  	[hbm:s31], [sflag:s25] =	dma.local [spmem:s9], $0x1500  }
0x51b: {  	_ =	swait.ge [sflag:s10], $0x1500  }
0x51c: {  	s30 =	sld [smem:$0x7B7]  }
0x51d: {  	[sflag:s10] =	ssyncset.done $0x0  }
0x51e: {  	[sflag:s10] =	ssyncadd.s32 $0xFFFFEB00  }
0x51f: {  	[spmem:s9], [sflag:s26] =	dma.local [hbm:s30], $0x1500  }
0x520: {  	_ =	swait.ge [sflag:s7], $0x1500  }
0x521: {  	s31 =	sld [smem:$0x7B8]  }
0x522: {  	[sflag:s7] =	ssyncset.done $0x0  }
0x523: {  	[sflag:s7] =	ssyncadd.s32 $0xFFFFEB00  }
0x524: {  	[hbm:s31], [sflag:s1] =	dma.local [spmem:s14], $0x1500  }
0x525: {  	_ =	swait.ge [sflag:s3], $0x1500  }
0x526: {  	s30 =	sld [smem:$0x7B9]  }
0x527: {  	[sflag:s3] =	ssyncset.done $0x0  }
0x528: {  	[sflag:s3] =	ssyncadd.s32 $0xFFFFEB00  }
0x529: {  	[spmem:s14], [sflag:s2] =	dma.local [hbm:s30], $0x700  }
0x52a: {  	_ =	swait.ge [sflag:s17], $0x1500  }
0x52b: {  	s31 =	sld [smem:$0x7BA]  }
0x52c: {  	[sflag:s17] =	ssyncset.done $0x0  }
0x52d: {  	[sflag:s17] =	ssyncadd.s32 $0xFFFFEB00  }
0x52e: {  	[hbm:s31], [sflag:s29] =	dma.local [spmem:s12], $0x1500  }
0x52f: {  	_ =	swait.ge [sflag:s6], $0x1500  }
0x530: {  	s30 =	sld [smem:$0x7BB]  }
0x531: {  	[sflag:s6] =	ssyncset.done $0x0  }
0x532: {  	[sflag:s6] =	ssyncadd.s32 $0xFFFFEB00  }
0x533: {  	[spmem:s12], [sflag:s28] =	dma.local [hbm:s30], $0x100  }
0x534: {  	_ =	swait.ge [sflag:s15], $0x1500  }
0x535: {  	s31 =	sld [smem:$0x7BC]  }
0x536: {  	[sflag:s15] =	ssyncset.done $0x0  }
0x537: {  	[sflag:s15] =	ssyncadd.s32 $0xFFFFEB00  }
0x538: {  	[hbm:s31], [sflag:s25] =	dma.local [spmem:s9], $0x1500  }
0x539: {  	_ =	swait.ge [sflag:s10], $0x1500  }
0x53a: {  	s30 =	sld [smem:$0x7BD]  }
0x53b: {  	[sflag:s10] =	ssyncset.done $0x0  }
0x53c: {  	[sflag:s10] =	ssyncadd.s32 $0xFFFFEB00  }
0x53d: {  	[spmem:s9], [sflag:s26] =	dma.local [hbm:s30], $0x1500  }
0x53e: {  	_ =	swait.ge [sflag:s7], $0x700  }
0x53f: {  	s31 =	sld [smem:$0x7BE]  }
0x540: {  	[sflag:s7] =	ssyncset.done $0x0  }
0x541: {  	[sflag:s7] =	ssyncadd.s32 $0xFFFFF900  }
0x542: {  	[hbm:s31], [sflag:s1] =	dma.local [spmem:s14], $0x700  }
0x543: {  	_ =	swait.ge [sflag:s3], $0x700  }
0x544: {  	s30 =	sld [smem:$0x7C0]  }
0x545: {  	[sflag:s3] =	ssyncset.done $0x0  }
0x546: {  	[sflag:s3] =	ssyncadd.s32 $0xFFFFF900  }
0x547: {  	[spmem:s14], [sflag:s2] =	dma.local [hbm:s30], $0x1500  }
0x548: {  	_ =	swait.ge [sflag:s17], $0x100  }
0x549: {  	s31 =	sld [smem:$0x7C1]  }
0x54a: {  	[sflag:s17] =	ssyncset.done $0x0  }
0x54b: {  	[sflag:s17] =	ssyncadd.s32 $0xFFFFFF00  }
0x54c: {  	[hbm:s31], [sflag:s29] =	dma.local [spmem:s12], $0x100  }
0x54d: {  	_ =	swait.ge [sflag:s6], $0x100  }
0x54e: {  	s30 =	sld [smem:$0x7C3]  }
0x54f: {  	[sflag:s6] =	ssyncset.done $0x0  }
0x550: {  	[sflag:s6] =	ssyncadd.s32 $0xFFFFFF00  }
0x551: {  	[spmem:s12], [sflag:s28] =	dma.local [hbm:s30], $0x1500  }
0x552: {  	_ =	swait.ge [sflag:s15], $0x1500  }
0x553: {  	s31 =	sld [smem:$0x7C4]  }
0x554: {  	[sflag:s15] =	ssyncset.done $0x0  }
0x555: {  	[sflag:s15] =	ssyncadd.s32 $0xFFFFEB00  }
0x556: {  	[hbm:s31], [sflag:s25] =	dma.local [spmem:s9], $0x1500  }
0x557: {  	_ =	swait.ge [sflag:s10], $0x1500  }
0x558: {  	s30 =	sld [smem:$0x7C6]  }
0x559: {  	[sflag:s10] =	ssyncset.done $0x0  }
0x55a: {  	[sflag:s10] =	ssyncadd.s32 $0xFFFFEB00  }
0x55b: {  	[spmem:s9], [sflag:s26] =	dma.local [hbm:s30], $0x1500  }
0x55c: {  	_ =	swait.ge [sflag:s7], $0x1500  }
0x55d: {  	s31 =	sld [smem:$0x7C8]  }
0x55e: {  	[sflag:s7] =	ssyncset.done $0x0  }
0x55f: {  	[sflag:s7] =	ssyncadd.s32 $0xFFFFEB00  }
0x560: {  	[hbm:s31], [sflag:s1] =	dma.local [spmem:s14], $0x1500  }
0x561: {  	_ =	swait.ge [sflag:s3], $0x1500  }
0x562: {  	s30 =	sld [smem:$0x7CA]  }
0x563: {  	[sflag:s3] =	ssyncset.done $0x0  }
0x564: {  	[sflag:s3] =	ssyncadd.s32 $0xFFFFEB00  }
0x565: {  	[spmem:s14], [sflag:s2] =	dma.local [hbm:s30], $0x1500  }
0x566: {  	_ =	swait.ge [sflag:s17], $0x1500  }
0x567: {  	s31 =	sld [smem:$0x7CC]  }
0x568: {  	[sflag:s17] =	ssyncset.done $0x0  }
0x569: {  	[sflag:s17] =	ssyncadd.s32 $0xFFFFEB00  }
0x56a: {  	[hbm:s31], [sflag:s29] =	dma.local [spmem:s12], $0x1500  }
0x56b: {  	_ =	swait.ge [sflag:s6], $0x1500  }
0x56c: {  	s30 =	sld [smem:$0x7CE]  }
0x56d: {  	[sflag:s6] =	ssyncset.done $0x0  }
0x56e: {  	[sflag:s6] =	ssyncadd.s32 $0xFFFFEB00  }
0x56f: {  	[spmem:s12], [sflag:s28] =	dma.local [hbm:s30], $0x1500  }
0x570: {  	_ =	swait.ge [sflag:s15], $0x1500  }
0x571: {  	s31 =	sld [smem:$0x7D0]  }
0x572: {  	[sflag:s15] =	ssyncset.done $0x0  }
0x573: {  	[sflag:s15] =	ssyncadd.s32 $0xFFFFEB00  }
0x574: {  	[hbm:s31], [sflag:s25] =	dma.local [spmem:s9], $0x1500  }
0x575: {  	_ =	swait.ge [sflag:s10], $0x1500  }
0x576: {  	s30 =	sld [smem:$0x7D2]  }
0x577: {  	[sflag:s10] =	ssyncset.done $0x0  }
0x578: {  	[sflag:s10] =	ssyncadd.s32 $0xFFFFEB00  }
0x579: {  	[spmem:s9], [sflag:s26] =	dma.local [hbm:s30], $0x1500  }
0x57a: {  	_ =	swait.ge [sflag:s7], $0x1500  }
0x57b: {  	s31 =	sld [smem:$0x7D4]  }
0x57c: {  	[sflag:s7] =	ssyncset.done $0x0  }
0x57d: {  	[sflag:s7] =	ssyncadd.s32 $0xFFFFEB00  }
0x57e: {  	[hbm:s31], [sflag:s1] =	dma.local [spmem:s14], $0x1500  }
0x57f: {  	_ =	swait.ge [sflag:s3], $0x1500  }
0x580: {  	s30 =	sld [smem:$0x7D6]  }
0x581: {  	[sflag:s3] =	ssyncset.done $0x0  }
0x582: {  	[sflag:s3] =	ssyncadd.s32 $0xFFFFEB00  }
0x583: {  	[spmem:s14], [sflag:s2] =	dma.local [hbm:s30], $0x1500  }
0x584: {  	_ =	swait.ge [sflag:s17], $0x1500  }
0x585: {  	s31 =	sld [smem:$0x7D8]  }
0x586: {  	[sflag:s17] =	ssyncset.done $0x0  }
0x587: {  	[sflag:s17] =	ssyncadd.s32 $0xFFFFEB00  }
0x588: {  	[hbm:s31], [sflag:s29] =	dma.local [spmem:s12], $0x1500  }
0x589: {  	_ =	swait.ge [sflag:s6], $0x1500  }
0x58a: {  	s30 =	sld [smem:$0x7DA]  }
0x58b: {  	[sflag:s6] =	ssyncset.done $0x0  }
0x58c: {  	[sflag:s6] =	ssyncadd.s32 $0xFFFFEB00  }
0x58d: {  	[spmem:s12], [sflag:s28] =	dma.local [hbm:s30], $0x1500  }
0x58e: {  	_ =	swait.ge [sflag:s15], $0x1500  }
0x58f: {  	s31 =	sld [smem:$0x7DC]  }
0x590: {  	[sflag:s15] =	ssyncset.done $0x0  }
0x591: {  	[sflag:s15] =	ssyncadd.s32 $0xFFFFEB00  }
0x592: {  	[hbm:s31], [sflag:s25] =	dma.local [spmem:s9], $0x1500  }
0x593: {  	_ =	swait.ge [sflag:s10], $0x1500  }
0x594: {  	s30 =	sld [smem:$0x7DE]  }
0x595: {  	[sflag:s10] =	ssyncset.done $0x0  }
0x596: {  	[sflag:s10] =	ssyncadd.s32 $0xFFFFEB00  }
0x597: {  	[spmem:s9], [sflag:s26] =	dma.local [hbm:s30], $0x1500  }
0x598: {  	_ =	swait.ge [sflag:s7], $0x1500  }
0x599: {  	s31 =	sld [smem:$0x7E0]  }
0x59a: {  	[sflag:s7] =	ssyncset.done $0x0  }
0x59b: {  	[sflag:s7] =	ssyncadd.s32 $0xFFFFEB00  }
0x59c: {  	[hbm:s31], [sflag:s1] =	dma.local [spmem:s14], $0x1500  }
0x59d: {  	_ =	swait.ge [sflag:s3], $0x1500  }
0x59e: {  	s30 =	sld [smem:$0x7E2]  }
0x59f: {  	[sflag:s3] =	ssyncset.done $0x0  }
0x5a0: {  	[sflag:s3] =	ssyncadd.s32 $0xFFFFEB00  }
0x5a1: {  	[spmem:s14], [sflag:s2] =	dma.local [hbm:s30], $0x1500  }
0x5a2: {  	_ =	swait.ge [sflag:s17], $0x1500  }
0x5a3: {  	s31 =	sld [smem:$0x7E4]  }
0x5a4: {  	[sflag:s17] =	ssyncset.done $0x0  }
0x5a5: {  	[sflag:s17] =	ssyncadd.s32 $0xFFFFEB00  }
0x5a6: {  	[hbm:s31], [sflag:s29] =	dma.local [spmem:s12], $0x1500  }
0x5a7: {  	_ =	swait.ge [sflag:s6], $0x1500  }
0x5a8: {  	s30 =	sld [smem:$0x7E6]  }
0x5a9: {  	[sflag:s6] =	ssyncset.done $0x0  }
0x5aa: {  	[sflag:s6] =	ssyncadd.s32 $0xFFFFEB00  }
0x5ab: {  	[spmem:s12], [sflag:s28] =	dma.local [hbm:s30], $0x1500  }
0x5ac: {  	_ =	swait.ge [sflag:s15], $0x1500  }
0x5ad: {  	s31 =	sld [smem:$0x7E8]  }
0x5ae: {  	[sflag:s15] =	ssyncset.done $0x0  }
0x5af: {  	[sflag:s15] =	ssyncadd.s32 $0xFFFFEB00  }
0x5b0: {  	[hbm:s31], [sflag:s25] =	dma.local [spmem:s9], $0x1500  }
0x5b1: {  	_ =	swait.ge [sflag:s10], $0x1500  }
0x5b2: {  	s30 =	sld [smem:$0x7EA]  }
0x5b3: {  	[sflag:s10] =	ssyncset.done $0x0  }
0x5b4: {  	[sflag:s10] =	ssyncadd.s32 $0xFFFFEB00  }
0x5b5: {  	[spmem:s9], [sflag:s26] =	dma.local [hbm:s30], $0x1500  }
0x5b6: {  	_ =	swait.ge [sflag:s7], $0x1500  }
0x5b7: {  	s31 =	sld [smem:$0x7EC]  }
0x5b8: {  	[sflag:s7] =	ssyncset.done $0x0  }
0x5b9: {  	[sflag:s7] =	ssyncadd.s32 $0xFFFFEB00  }
0x5ba: {  	[hbm:s31], [sflag:s1] =	dma.local [spmem:s14], $0x1500  }
0x5bb: {  	_ =	swait.ge [sflag:s3], $0x1500  }
0x5bc: {  	s30 =	sld [smem:$0x7EE]  }
0x5bd: {  	[sflag:s3] =	ssyncset.done $0x0  }
0x5be: {  	[sflag:s3] =	ssyncadd.s32 $0xFFFFEB00  }
0x5bf: {  	[spmem:s14], [sflag:s2] =	dma.local [hbm:s30], $0x1500  }
0x5c0: {  	_ =	swait.ge [sflag:s17], $0x1500  }
0x5c1: {  	s31 =	sld [smem:$0x7EF]  }
0x5c2: {  	[sflag:s17] =	ssyncset.done $0x0  }
0x5c3: {  	[sflag:s17] =	ssyncadd.s32 $0xFFFFEB00  }
0x5c4: {  	[hbm:s31], [sflag:s29] =	dma.local [spmem:s12], $0x1500  }
0x5c5: {  	_ =	swait.ge [sflag:s6], $0x1500  }
0x5c6: {  	s30 =	sld [smem:$0x7F0]  }
0x5c7: {  	[sflag:s6] =	ssyncset.done $0x0  }
0x5c8: {  	[sflag:s6] =	ssyncadd.s32 $0xFFFFEB00  }
0x5c9: {  	[spmem:s12], [sflag:s28] =	dma.local [hbm:s30], $0x1500  }
0x5ca: {  	_ =	swait.ge [sflag:s15], $0x1500  }
0x5cb: {  	s31 =	sld [smem:$0x7F1]  }
0x5cc: {  	[sflag:s15] =	ssyncset.done $0x0  }
0x5cd: {  	[sflag:s15] =	ssyncadd.s32 $0xFFFFEB00  }
0x5ce: {  	[hbm:s31], [sflag:s25] =	dma.local [spmem:s9], $0x1500  }
0x5cf: {  	_ =	swait.ge [sflag:s10], $0x1500  }
0x5d0: {  	s30 =	sld [smem:$0x7F2]  }
0x5d1: {  	[sflag:s10] =	ssyncset.done $0x0  }
0x5d2: {  	[sflag:s10] =	ssyncadd.s32 $0xFFFFEB00  }
0x5d3: {  	[spmem:s9], [sflag:s26] =	dma.local [hbm:s30], $0x1500  }
0x5d4: {  	_ =	swait.ge [sflag:s7], $0x1500  }
0x5d5: {  	s31 =	sld [smem:$0x7F3]  }
0x5d6: {  	[sflag:s7] =	ssyncset.done $0x0  }
0x5d7: {  	[sflag:s7] =	ssyncadd.s32 $0xFFFFEB00  }
0x5d8: {  	[hbm:s31], [sflag:s1] =	dma.local [spmem:s14], $0x1500  }
0x5d9: {  	_ =	swait.ge [sflag:s3], $0x1500  }
0x5da: {  	s30 =	sld [smem:$0x7F4]  }
0x5db: {  	[sflag:s3] =	ssyncset.done $0x0  }
0x5dc: {  	[sflag:s3] =	ssyncadd.s32 $0xFFFFEB00  }
0x5dd: {  	[spmem:s14], [sflag:s2] =	dma.local [hbm:s30], $0x1500  }
0x5de: {  	_ =	swait.ge [sflag:s17], $0x1500  }
0x5df: {  	s31 =	sld [smem:$0x7F5]  }
0x5e0: {  	[sflag:s17] =	ssyncset.done $0x0  }
0x5e1: {  	[sflag:s17] =	ssyncadd.s32 $0xFFFFEB00  }
0x5e2: {  	[hbm:s31], [sflag:s29] =	dma.local [spmem:s12], $0x1500  }
0x5e3: {  	_ =	swait.ge [sflag:s6], $0x1500  }
0x5e4: {  	s30 =	sld [smem:$0x7F7]  }
0x5e5: {  	[sflag:s6] =	ssyncset.done $0x0  }
0x5e6: {  	[sflag:s6] =	ssyncadd.s32 $0xFFFFEB00  }
0x5e7: {  	[spmem:s12], [sflag:s28] =	dma.local [hbm:s30], $0x1500  }
0x5e8: {  	_ =	swait.ge [sflag:s15], $0x1500  }
0x5e9: {  	s31 =	sld [smem:$0x7F8]  }
0x5ea: {  	[sflag:s15] =	ssyncset.done $0x0  }
0x5eb: {  	[sflag:s15] =	ssyncadd.s32 $0xFFFFEB00  }
0x5ec: {  	[hbm:s31], [sflag:s25] =	dma.local [spmem:s9], $0x1500  }
0x5ed: {  	_ =	swait.ge [sflag:s10], $0x1500  }
0x5ee: {  	s30 =	sld [smem:$0x7F9]  }
0x5ef: {  	[sflag:s10] =	ssyncset.done $0x0  }
0x5f0: {  	[sflag:s10] =	ssyncadd.s32 $0xFFFFEB00  }
0x5f1: {  	[spmem:s9], [sflag:s26] =	dma.local [hbm:s30], $0x1500  }
0x5f2: {  	_ =	swait.ge [sflag:s7], $0x1500  }
0x5f3: {  	s31 =	sld [smem:$0x7FA]  }
0x5f4: {  	[sflag:s7] =	ssyncset.done $0x0  }
0x5f5: {  	[sflag:s7] =	ssyncadd.s32 $0xFFFFEB00  }
0x5f6: {  	[hbm:s31], [sflag:s1] =	dma.local [spmem:s14], $0x1500  }
0x5f7: {  	_ =	swait.ge [sflag:s3], $0x1500  }
0x5f8: {  	s30 =	sld [smem:$0x7FB]  }
0x5f9: {  	[sflag:s3] =	ssyncset.done $0x0  }
0x5fa: {  	[sflag:s3] =	ssyncadd.s32 $0xFFFFEB00  }
0x5fb: {  	[spmem:s14], [sflag:s2] =	dma.local [hbm:s30], $0x1500  }
0x5fc: {  	_ =	swait.ge [sflag:s17], $0x1500  }
0x5fd: {  	s31 =	sld [smem:$0x7FC]  }
0x5fe: {  	[sflag:s17] =	ssyncset.done $0x0  }
0x5ff: {  	[sflag:s17] =	ssyncadd.s32 $0xFFFFEB00  }
0x600: {  	[hbm:s31], [sflag:s29] =	dma.local [spmem:s12], $0x1500  }
0x601: {  	_ =	swait.ge [sflag:s6], $0x1500  }
0x602: {  	s30 =	sld [smem:$0x7FD]  }
0x603: {  	[sflag:s6] =	ssyncset.done $0x0  }
0x604: {  	[sflag:s6] =	ssyncadd.s32 $0xFFFFEB00  }
0x605: {  	[spmem:s12], [sflag:s28] =	dma.local [hbm:s30], $0x1500  }
0x606: {  	_ =	swait.ge [sflag:s15], $0x1500  }
0x607: {  	[sflag:s15] =	ssyncset.done $0x0  }
0x608: {  	[sflag:s15] =	ssyncadd.s32 $0xFFFFEB00  }
0x609: {  	[hbm:s24], [sflag:s25] =	dma.local [spmem:s9], $0x1500  }
0x60a: {  	_ =	swait.ge [sflag:s10], $0x1500  }
0x60b: {  	[sflag:s10] =	ssyncset.done $0x0  }
0x60c: {  	[sflag:s10] =	ssyncadd.s32 $0xFFFFEB00  }
0x60d: {  	[spmem:s9], [sflag:s26] =	dma.local [hbm:s23], $0x1500  }
0x60e: {  	_ =	swait.ge [sflag:s7], $0x1500  }
0x60f: {  	[sflag:s7] =	ssyncset.done $0x0  }
0x610: {  	[sflag:s7] =	ssyncadd.s32 $0xFFFFEB00  }
0x611: {  	[hbm:s22], [sflag:s1] =	dma.local [spmem:s14], $0x1500  }
0x612: {  	_ =	swait.ge [sflag:s3], $0x1500  }
0x613: {  	[sflag:s3] =	ssyncset.done $0x0  }
0x614: {  	[sflag:s3] =	ssyncadd.s32 $0xFFFFEB00  }
0x615: {  	[spmem:s14], [sflag:s2] =	dma.local [hbm:s21], $0x1500  }
0x616: {  	_ =	swait.ge [sflag:s17], $0x1500  }
0x617: {  	[sflag:s17] =	ssyncset.done $0x0  }
0x618: {  	[sflag:s17] =	ssyncadd.s32 $0xFFFFEB00  }
0x619: {  	[hbm:s20], [sflag:s29] =	dma.local [spmem:s12], $0x1500  }
0x61a: {  	_ =	swait.ge [sflag:s6], $0x1500  }
0x61b: {  	[sflag:s6] =	ssyncset.done $0x0  }
0x61c: {  	[sflag:s6] =	ssyncadd.s32 $0xFFFFEB00  }
0x61d: {  	[spmem:s12], [sflag:s28] =	dma.local [hbm:s19], $0x1500  }
0x61e: {  	_ =	swait.ge [sflag:s15], $0x1500  }
0x61f: {  	[sflag:s15] =	ssyncset.done $0x0  }
0x620: {  	[sflag:s15] =	ssyncadd.s32 $0xFFFFEB00  }
0x621: {  	[hbm:s18], [sflag:s25] =	dma.local [spmem:s9], $0x1500  }
0x622: {  	_ =	swait.ge [sflag:s10], $0x1500  }
0x623: {  	[sflag:s10] =	ssyncset.done $0x0  }
0x624: {  	[sflag:s10] =	ssyncadd.s32 $0xFFFFEB00  }
0x625: {  	[spmem:s9], [sflag:s26] =	dma.local [hbm:s16], $0x700  }
0x626: {  	_ =	swait.ge [sflag:s7], $0x1500  }
0x627: {  	[sflag:s7] =	ssyncset.done $0x0  }
0x628: {  	[sflag:s7] =	ssyncadd.s32 $0xFFFFEB00  }
0x629: {  	[hbm:s13], [sflag:s1] =	dma.local [spmem:s14], $0x1500  }
0x62a: {  	_ =	swait.ge [sflag:s3], $0x1500  }
0x62b: {  	[sflag:s3] =	ssyncset.done $0x0  }
0x62c: {  	[sflag:s3] =	ssyncadd.s32 $0xFFFFEB00  }
0x62d: {  	[spmem:s14], [sflag:s2] =	dma.local [hbm:s11], $0x100  }
0x62e: {  	_ =	swait.ge [sflag:s17], $0x1500  }
0x62f: {  	[sflag:s17] =	ssyncset.done $0x0  }
0x630: {  	[sflag:s17] =	ssyncadd.s32 $0xFFFFEB00  }
0x631: {  	[hbm:s8], [sflag:s29] =	dma.local [spmem:s12], $0x1500  }
0x632: {  	_ =	swait.ge [sflag:s15], $0x700  }
0x633: {  	[sflag:s15] =	ssyncset.done $0x0  }
0x634: {  	[sflag:s15] =	ssyncadd.s32 $0xFFFFF900  }
0x635: {  	[hbm:s5], [sflag:s25] =	dma.local [spmem:s9], $0x700  }
0x636: {  	_ =	swait.ge [sflag:s7], $0x100  }
0x637: {  	[sflag:s7] =	ssyncset.done $0x0  }
0x638: {  	[sflag:s7] =	ssyncadd.s32 $0xFFFFFF00  }
0x639: {  	[hbm:s4], [sflag:s1] =	dma.local [spmem:s14], $0x100  }
0x63a: {  	_ =	swait.ge [sflag:s6], $0x1500  }
0x63b: {  	[sflag:s6] =	ssyncset.done $0x0  }
0x63c: {  	[sflag:s6] =	ssyncadd.s32 $0xFFFFEB00  }
0x63d: {  	_ =	swait.ge [sflag:s10], $0x700  }
0x63e: {  	[sflag:s10] =	ssyncset.done $0x0  }
0x63f: {  	[sflag:s10] =	ssyncadd.s32 $0xFFFFF900  }
0x640: {  	_ =	swait.ge [sflag:s3], $0x100  }
0x641: {  	[sflag:s3] =	ssyncset.done $0x0  }
0x642: {  	[sflag:s3] =	ssyncadd.s32 $0xFFFFFF00  }
0x643: {  	_ =	sfence.sel $0x180000  }
0x644: {  	[bflag:$0x0] =	sbarrier.arrive $0xFFFF  }
0x645: {  	_ =	strace $0x90000047  }
0x646: {  	s31 =	stileid.u32;
	[bflag:$0x2] =	sbarrier.arrive $0xFFFF  }
0x647: {  	p0 =	sne.s32 s31, $0x0;
	s0 =	rddreg [dreg:$0x4]  }
0x648: {  	s0 =	sadd.s32 @!p0 $0x100000, s0  }
0x649: {  	[sflag:s0] =	ssyncadd.tile.s32 @!p0 $0x1;
	_ =	shalt  }
.LBB2_2:
.Ltmp3:
0x64a: {  	(pc) =	sbr.rel .LBB2_5-.Ltmp3, $2  }
0x64b: {  	_ =	sdelay $0x2  }
0x64c: {  	s31 =	smov.u32 s25  }
.Lfunc_end2:
_tile_overlayer_lowered:
.L_overlay_start_2:
0x64d: {  	(tag) =	ssettag $0x2  }
0x64e: {  	s0 =	rddreg [dreg:$0x0];
	s2 =	stileid.u32  }
0x64f: {  	s1 =	rddreg [dreg:$0x1];
	p0 =	sne.s32 s2, $0x0  }
0x650: {  	s3 =	rddreg [dreg:$0x2];
	[bflag:$0x3] =	sbarrier.arrive $0xFFFF;
	s2 =	simm.s32 @!p0 $0x1C07  }
0x651: {  	[timem:s3], [sflag:s2] =	dma.local @!p0 [hbm:s0], s1  }
0x652: {  	s0 =	simm.s32 @!p0 $0x7  }
0x653: {  	_ =	swait.ge @!p0 [sflag:s0], s1  }
0x654: {  	s1 =	ssub.s32 @!p0 $0x0, s1;
	[sflag:s0] =	ssyncset.done @!p0 $0x0  }
0x655: {  	[sflag:s0] =	ssyncadd.s32 @!p0 s1  }
0x656: {  	[bflag:$0x3] =	sbarrier.arrive $0xFFFF  }
0x657: {  	_ =	shalt  }

</sc_bundles>
